<compile_context>
chip_gen: v7x
topology: tpu7x:2x2x1
jax: 0.10.2.dev20260603
libtpu: 0.0.44.dev20260713+nightly
codegen_flags: <defaults>
</compile_context>

<pallas_src>
import functools

import jax
import jax.numpy as jnp
from jax import lax
from jax.experimental import pallas as pl
from jax.experimental.pallas import tpu as pltpu
from jax.experimental.pallas import tpu_sc as plsc

SEQ = 200
BATCH = 1024
DIM = 64
B = SEQ * BATCH
NC = 2
NS = 16
NW = NC * NS
BPW = B // NW
HPW = BPW // 2
CHUNK = 128
NCHUNK = HPW // CHUNK
NBUF = 3


@functools.partial(
    pl.kernel,
    mesh=plsc.VectorSubcoreMesh(core_axis_name="c", subcore_axis_name="s"),
    out_type=jax.ShapeDtypeStruct((B // 2, 2 * DIM), jnp.float32),
    scratch_types=[
        pltpu.VMEM((NCHUNK, CHUNK), jnp.int32),
        pltpu.VMEM((NCHUNK, CHUNK), jnp.int32),
        pltpu.VMEM((NBUF, CHUNK, DIM), jnp.float32),
        pltpu.VMEM((NBUF, CHUNK, DIM), jnp.float32),
        [pltpu.SemaphoreType.DMA] * NBUF,
        [pltpu.SemaphoreType.DMA] * NBUF,
        [pltpu.SemaphoreType.DMA] * NBUF,
        [pltpu.SemaphoreType.DMA] * NBUF,
    ],
    compiler_params=pltpu.CompilerParams(use_tc_tiling_on_sc=False),
)
def _gather_kernel(table_hbm, idxe_hbm, idxo_hbm, out_hbm,
                   idxe_v, idxo_v, bufe, bufo, gesems, gosems, sesems, sosems):
    wid = lax.axis_index("s") * NC + lax.axis_index("c")
    base2 = wid * HPW
    pltpu.sync_copy(idxe_hbm.at[pl.ds(wid * NCHUNK, NCHUNK)], idxe_v)
    pltpu.sync_copy(idxo_hbm.at[pl.ds(wid * NCHUNK, NCHUNK)], idxo_v)

    def start_gathers(c):
        b = c % NBUF
        return (
            pltpu.async_copy(table_hbm.at[idxe_v.at[c]], bufe.at[b],
                             gesems[b]),
            pltpu.async_copy(table_hbm.at[idxo_v.at[c]], bufo.at[b],
                             gosems[b]),
        )

    def start_scatters(c):
        b = c % NBUF
        rows = pl.ds(base2 + c * CHUNK, CHUNK)
        return (
            pltpu.async_copy(bufe.at[b], out_hbm.at[rows, pl.ds(0, DIM)],
                             sesems[b]),
            pltpu.async_copy(bufo.at[b], out_hbm.at[rows, pl.ds(DIM, DIM)],
                             sosems[b]),
        )

    gathers = [start_gathers(c) for c in range(NBUF)]
    for c in range(NCHUNK):
        b = c % NBUF
        ge, go = gathers[b]
        ge.wait()
        go.wait()
        se, so = start_scatters(c)
        nxt = c + NBUF
        se.wait()
        so.wait()
        if nxt < NCHUNK:
            gathers[b] = start_gathers(nxt)


def kernel(source, table):
    idx = source.reshape(B)
    idxe = idx[0::2].reshape((B // 2) // CHUNK, CHUNK)
    idxo = idx[1::2].reshape((B // 2) // CHUNK, CHUNK)
    out = _gather_kernel(table, idxe, idxo)
    return out.reshape(SEQ, BATCH, DIM)

# --- scband reference (transcript-rebuilt; emitter-appended) ---
"""Pipeline reference for scband-embeddings-16252156248519 (READ-ONLY COPY).

The authoritative reference and input builder live on the scoring server;
editing this copy changes nothing except your own understanding.
"""

import jax, jax.numpy as jnp
import numpy as np

VOCAB = 1000000
DIM = 64
SEQ = 200
BATCH = 1024
PAD_IDX = 0


def setup_inputs(seed: int = 0) -> dict:
    key = jax.random.key(seed)
    k1, k2 = jax.random.split(key)
    # source: [len, batch, nfeat=1] integer indices into the word vocab
    source = jax.random.randint(k1, (SEQ, BATCH, 1), 0, VOCAB, dtype=jnp.int32)
    # word embedding table (nn.Embedding weight); padding_idx row is zeros
    table = jax.random.normal(k2, (VOCAB, DIM), dtype=jnp.float32)
    table = table.at[PAD_IDX].set(0.0)
    return {"source": source, "table": table}


def reference(source, table):
    # Embeddings.forward with feat_merge='concat' and no extra features:
    # Elementwise splits the last (nfeat) dim, looks each feature up in its
    # own table, and concatenates. With a single word feature this is just
    # a plain embedding lookup producing [len, batch, embedding_size].
    idx = source[:, :, 0]
    emb = jnp.take(table, idx, axis=0)
    return emb

if __name__ == "__main__":
    import jax
    _d = setup_inputs()
    print(jax.jit(kernel)(*tuple(_d.values())))

</pallas_src>

<mosaic_0001>
#map = affine_map<(d0, d1) -> (0, 0)>
module attributes {stable_mosaic.version = 14 : i64} {
  func.func @_gather_kernel(%arg0: i32, %arg1: i32, %arg2: memref<1000000x64xf32, #tpu.memory_space<hbm>>, %arg3: memref<800x128xi32, #tpu.memory_space<hbm>>, %arg4: memref<800x128xi32, #tpu.memory_space<hbm>>, %arg5: memref<102400x128xf32, #tpu.memory_space<hbm>>, %arg6: memref<25x128xi32, #tpu.memory_space<vmem>>, %arg7: memref<25x128xi32, #tpu.memory_space<vmem>>, %arg8: memref<3x128x64xf32, #tpu.memory_space<vmem>>, %arg9: memref<3x128x64xf32, #tpu.memory_space<vmem>>, %arg10: memref<!tpu.dma_semaphore, #tpu.memory_space<semaphore_mem>>, %arg11: memref<!tpu.dma_semaphore, #tpu.memory_space<semaphore_mem>>, %arg12: memref<!tpu.dma_semaphore, #tpu.memory_space<semaphore_mem>>, %arg13: memref<!tpu.dma_semaphore, #tpu.memory_space<semaphore_mem>>, %arg14: memref<!tpu.dma_semaphore, #tpu.memory_space<semaphore_mem>>, %arg15: memref<!tpu.dma_semaphore, #tpu.memory_space<semaphore_mem>>, %arg16: memref<!tpu.dma_semaphore, #tpu.memory_space<semaphore_mem>>, %arg17: memref<!tpu.dma_semaphore, #tpu.memory_space<semaphore_mem>>, %arg18: memref<!tpu.dma_semaphore, #tpu.memory_space<semaphore_mem>>, %arg19: memref<!tpu.dma_semaphore, #tpu.memory_space<semaphore_mem>>, %arg20: memref<!tpu.dma_semaphore, #tpu.memory_space<semaphore_mem>>, %arg21: memref<!tpu.dma_semaphore, #tpu.memory_space<semaphore_mem>>) attributes {dimension_semantics = [#tpu.dimension_semantics<core_parallel>, #tpu.dimension_semantics<subcore_parallel>], iteration_bounds = array<i64: 2, 16>, scalar_prefetch = 0 : i64, scratch_operands = 16 : i64, tpu.core_type = #tpu.core_type<sc_vector_subcore>, window_params = [{transform_indices = #map}, {transform_indices = #map}, {transform_indices = #map}, {transform_indices = #map}]} {
    %mul3A = arith.constant 2 : i32
    %mul3A_0 = arith.muli %arg1, %mul3A : i32
    %add3A = arith.addi %mul3A_0, %arg0 : i32
    %mul3A_1 = arith.constant 3200 : i32
    %mul3A_2 = arith.muli %add3A, %mul3A_1 : i32
    %mul3A_3 = arith.constant 25 : i32
    %mul3A_4 = arith.muli %add3A, %mul3A_3 : i32
    "tpu.region"() ({
      %run_scoped3A = tpu.sem_alloc : memref<!tpu.dma_semaphore, #tpu.memory_space<semaphore_mem>>
      %dma_start3A_2555 = arith.constant 0 : i32
      %dma_start3A_2556 = tpu.memref_slice %arg3[%mul3A_4, %dma_start3A_2555] : memref<800x128xi32, #tpu.memory_space<hbm>> -> memref<25x128xi32, #tpu.memory_space<hbm>>
      %dma_start3A_2557 = arith.constant 0 : i32
      %dma_start3A_2558 = tpu.memref_slice %arg3[%mul3A_4, %dma_start3A_2557] : memref<800x128xi32, #tpu.memory_space<hbm>> -> memref<25x128xi32, #tpu.memory_space<hbm>>
      tpu.enqueue_dma source(%dma_start3A_2558 : memref<25x128xi32, #tpu.memory_space<hbm>>) target(%arg6 : memref<25x128xi32, #tpu.memory_space<vmem>>) target_semaphore(%run_scoped3A : memref<!tpu.dma_semaphore, #tpu.memory_space<semaphore_mem>>)
      %dma_wait3A_2559 = arith.constant 0 : i32
      %dma_wait3A_2560 = tpu.memref_slice %arg3[%mul3A_4, %dma_wait3A_2559] : memref<800x128xi32, #tpu.memory_space<hbm>> -> memref<25x128xi32, #tpu.memory_space<hbm>>
      %dma_wait3A_2561 = arith.constant 0 : i32
      %dma_wait3A_2562 = tpu.memref_slice %arg3[%mul3A_4, %dma_wait3A_2561] : memref<800x128xi32, #tpu.memory_space<hbm>> -> memref<25x128xi32, #tpu.memory_space<hbm>>
      tpu.wait_dma2 semaphore(%run_scoped3A : memref<!tpu.dma_semaphore, #tpu.memory_space<semaphore_mem>>) src(%dma_wait3A_2562 : memref<25x128xi32, #tpu.memory_space<hbm>>) dst(%arg6 : memref<25x128xi32, #tpu.memory_space<vmem>>)
      tpu.yield
    }) : () -> ()
    %mul3A_5 = arith.constant 25 : i32
    %mul3A_6 = arith.muli %add3A, %mul3A_5 : i32
    "tpu.region"() ({
      %run_scoped3A = tpu.sem_alloc : memref<!tpu.dma_semaphore, #tpu.memory_space<semaphore_mem>>
      %dma_start3A_2555 = arith.constant 0 : i32
      %dma_start3A_2556 = tpu.memref_slice %arg4[%mul3A_6, %dma_start3A_2555] : memref<800x128xi32, #tpu.memory_space<hbm>> -> memref<25x128xi32, #tpu.memory_space<hbm>>
      %dma_start3A_2557 = arith.constant 0 : i32
      %dma_start3A_2558 = tpu.memref_slice %arg4[%mul3A_6, %dma_start3A_2557] : memref<800x128xi32, #tpu.memory_space<hbm>> -> memref<25x128xi32, #tpu.memory_space<hbm>>
      tpu.enqueue_dma source(%dma_start3A_2558 : memref<25x128xi32, #tpu.memory_space<hbm>>) target(%arg7 : memref<25x128xi32, #tpu.memory_space<vmem>>) target_semaphore(%run_scoped3A : memref<!tpu.dma_semaphore, #tpu.memory_space<semaphore_mem>>)
      %dma_wait3A_2559 = arith.constant 0 : i32
      %dma_wait3A_2560 = tpu.memref_slice %arg4[%mul3A_6, %dma_wait3A_2559] : memref<800x128xi32, #tpu.memory_space<hbm>> -> memref<25x128xi32, #tpu.memory_space<hbm>>
      %dma_wait3A_2561 = arith.constant 0 : i32
      %dma_wait3A_2562 = tpu.memref_slice %arg4[%mul3A_6, %dma_wait3A_2561] : memref<800x128xi32, #tpu.memory_space<hbm>> -> memref<25x128xi32, #tpu.memory_space<hbm>>
      tpu.wait_dma2 semaphore(%run_scoped3A : memref<!tpu.dma_semaphore, #tpu.memory_space<semaphore_mem>>) src(%dma_wait3A_2562 : memref<25x128xi32, #tpu.memory_space<hbm>>) dst(%arg7 : memref<25x128xi32, #tpu.memory_space<vmem>>)
      tpu.yield
    }) : () -> ()
    %dma_start3A = arith.constant 0 : i32
    %dma_start3A_7 = arith.constant 0 : i32
    %dma_start3A_8 = arith.constant 0 : i32
    %dma_start3A_9 = arith.constant 0 : i32
    %dma_start3A_10 = tpu.memref_slice %arg8[%dma_start3A_7, %dma_start3A_8, %dma_start3A_9] : memref<3x128x64xf32, #tpu.memory_space<vmem>> -> memref<1x128x64xf32, #tpu.memory_space<vmem>>
    %dma_start3A_11 = tpu.memref_squeeze %dma_start3A_10 : memref<1x128x64xf32, #tpu.memory_space<vmem>> -> memref<128x64xf32, #tpu.memory_space<vmem>>
    %dma_start3A_12 = arith.constant 0 : i32
    %dma_start3A_13 = tpu.memref_slice %arg6[%dma_start3A, %dma_start3A_12] : memref<25x128xi32, #tpu.memory_space<vmem>> -> memref<1x128xi32, #tpu.memory_space<vmem>>
    %dma_start3A_14 = tpu.memref_squeeze %dma_start3A_13 : memref<1x128xi32, #tpu.memory_space<vmem>> -> memref<128xi32, #tpu.memory_space<vmem>>
    %dma_start3A_15 = arith.constant 0 : i32
    %dma_start3A_16 = arith.constant 0 : i32
    %dma_start3A_17 = tpu.memref_slice %arg2[%dma_start3A_15, %dma_start3A_16] : memref<1000000x64xf32, #tpu.memory_space<hbm>> -> memref<1000000x64xf32, #tpu.memory_space<hbm>>
    tpu.enqueue_indirect_dma source(%dma_start3A_17 : memref<1000000x64xf32, #tpu.memory_space<hbm>>) target(%dma_start3A_11 : memref<128x64xf32, #tpu.memory_space<vmem>>) offsets(%dma_start3A_14 : memref<128xi32, #tpu.memory_space<vmem>>) semaphore(%arg10 : memref<!tpu.dma_semaphore, #tpu.memory_space<semaphore_mem>>)
    %dma_start3A_18 = arith.constant 0 : i32
    %dma_start3A_19 = arith.constant 0 : i32
    %dma_start3A_20 = arith.constant 0 : i32
    %dma_start3A_21 = arith.constant 0 : i32
    %dma_start3A_22 = tpu.memref_slice %arg9[%dma_start3A_19, %dma_start3A_20, %dma_start3A_21] : memref<3x128x64xf32, #tpu.memory_space<vmem>> -> memref<1x128x64xf32, #tpu.memory_space<vmem>>
    %dma_start3A_23 = tpu.memref_squeeze %dma_start3A_22 : memref<1x128x64xf32, #tpu.memory_space<vmem>> -> memref<128x64xf32, #tpu.memory_space<vmem>>
    %dma_start3A_24 = arith.constant 0 : i32
    %dma_start3A_25 = tpu.memref_slice %arg7[%dma_start3A_18, %dma_start3A_24] : memref<25x128xi32, #tpu.memory_space<vmem>> -> memref<1x128xi32, #tpu.memory_space<vmem>>
    %dma_start3A_26 = tpu.memref_squeeze %dma_start3A_25 : memref<1x128xi32, #tpu.memory_space<vmem>> -> memref<128xi32, #tpu.memory_space<vmem>>
    %dma_start3A_27 = arith.constant 0 : i32
    %dma_start3A_28 = arith.constant 0 : i32
    %dma_start3A_29 = tpu.memref_slice %arg2[%dma_start3A_27, %dma_start3A_28] : memref<1000000x64xf32, #tpu.memory_space<hbm>> -> memref<1000000x64xf32, #tpu.memory_space<hbm>>
    tpu.enqueue_indirect_dma source(%dma_start3A_29 : memref<1000000x64xf32, #tpu.memory_space<hbm>>) target(%dma_start3A_23 : memref<128x64xf32, #tpu.memory_space<vmem>>) offsets(%dma_start3A_26 : memref<128xi32, #tpu.memory_space<vmem>>) semaphore(%arg13 : memref<!tpu.dma_semaphore, #tpu.memory_space<semaphore_mem>>)
    %dma_start3A_30 = arith.constant 1 : i32
    %dma_start3A_31 = arith.constant 1 : i32
    %dma_start3A_32 = arith.constant 0 : i32
    %dma_start3A_33 = arith.constant 0 : i32
    %dma_start3A_34 = tpu.memref_slice %arg8[%dma_start3A_31, %dma_start3A_32, %dma_start3A_33] : memref<3x128x64xf32, #tpu.memory_space<vmem>> -> memref<1x128x64xf32, #tpu.memory_space<vmem>>
    %dma_start3A_35 = tpu.memref_squeeze %dma_start3A_34 : memref<1x128x64xf32, #tpu.memory_space<vmem>> -> memref<128x64xf32, #tpu.memory_space<vmem>>
    %dma_start3A_36 = arith.constant 0 : i32
    %dma_start3A_37 = tpu.memref_slice %arg6[%dma_start3A_30, %dma_start3A_36] : memref<25x128xi32, #tpu.memory_space<vmem>> -> memref<1x128xi32, #tpu.memory_space<vmem>>
    %dma_start3A_38 = tpu.memref_squeeze %dma_start3A_37 : memref<1x128xi32, #tpu.memory_space<vmem>> -> memref<128xi32, #tpu.memory_space<vmem>>
    %dma_start3A_39 = arith.constant 0 : i32
    %dma_start3A_40 = arith.constant 0 : i32
    %dma_start3A_41 = tpu.memref_slice %arg2[%dma_start3A_39, %dma_start3A_40] : memref<1000000x64xf32, #tpu.memory_space<hbm>> -> memref<1000000x64xf32, #tpu.memory_space<hbm>>
    tpu.enqueue_indirect_dma source(%dma_start3A_41 : memref<1000000x64xf32, #tpu.memory_space<hbm>>) target(%dma_start3A_35 : memref<128x64xf32, #tpu.memory_space<vmem>>) offsets(%dma_start3A_38 : memref<128xi32, #tpu.memory_space<vmem>>) semaphore(%arg11 : memref<!tpu.dma_semaphore, #tpu.memory_space<semaphore_mem>>)
    %dma_start3A_42 = arith.constant 1 : i32
    %dma_start3A_43 = arith.constant 1 : i32
    %dma_start3A_44 = arith.constant 0 : i32
    %dma_start3A_45 = arith.constant 0 : i32
    %dma_start3A_46 = tpu.memref_slice %arg9[%dma_start3A_43, %dma_start3A_44, %dma_start3A_45] : memref<3x128x64xf32, #tpu.memory_space<vmem>> -> memref<1x128x64xf32, #tpu.memory_space<vmem>>
    %dma_start3A_47 = tpu.memref_squeeze %dma_start3A_46 : memref<1x128x64xf32, #tpu.memory_space<vmem>> -> memref<128x64xf32, #tpu.memory_space<vmem>>
    %dma_start3A_48 = arith.constant 0 : i32
    %dma_start3A_49 = tpu.memref_slice %arg7[%dma_start3A_42, %dma_start3A_48] : memref<25x128xi32, #tpu.memory_space<vmem>> -> memref<1x128xi32, #tpu.memory_space<vmem>>
    %dma_start3A_50 = tpu.memref_squeeze %dma_start3A_49 : memref<1x128xi32, #tpu.memory_space<vmem>> -> memref<128xi32, #tpu.memory_space<vmem>>
    %dma_start3A_51 = arith.constant 0 : i32
    %dma_start3A_52 = arith.constant 0 : i32
    %dma_start3A_53 = tpu.memref_slice %arg2[%dma_start3A_51, %dma_start3A_52] : memref<1000000x64xf32, #tpu.memory_space<hbm>> -> memref<1000000x64xf32, #tpu.memory_space<hbm>>
    tpu.enqueue_indirect_dma source(%dma_start3A_53 : memref<1000000x64xf32, #tpu.memory_space<hbm>>) target(%dma_start3A_47 : memref<128x64xf32, #tpu.memory_space<vmem>>) offsets(%dma_start3A_50 : memref<128xi32, #tpu.memory_space<vmem>>) semaphore(%arg14 : memref<!tpu.dma_semaphore, #tpu.memory_space<semaphore_mem>>)
    %dma_start3A_54 = arith.constant 2 : i32
    %dma_start3A_55 = arith.constant 2 : i32
    %dma_start3A_56 = arith.constant 0 : i32
    %dma_start3A_57 = arith.constant 0 : i32
    %dma_start3A_58 = tpu.memref_slice %arg8[%dma_start3A_55, %dma_start3A_56, %dma_start3A_57] : memref<3x128x64xf32, #tpu.memory_space<vmem>> -> memref<1x128x64xf32, #tpu.memory_space<vmem>>
    %dma_start3A_59 = tpu.memref_squeeze %dma_start3A_58 : memref<1x128x64xf32, #tpu.memory_space<vmem>> -> memref<128x64xf32, #tpu.memory_space<vmem>>
    %dma_start3A_60 = arith.constant 0 : i32
    %dma_start3A_61 = tpu.memref_slice %arg6[%dma_start3A_54, %dma_start3A_60] : memref<25x128xi32, #tpu.memory_space<vmem>> -> memref<1x128xi32, #tpu.memory_space<vmem>>
    %dma_start3A_62 = tpu.memref_squeeze %dma_start3A_61 : memref<1x128xi32, #tpu.memory_space<vmem>> -> memref<128xi32, #tpu.memory_space<vmem>>
    %dma_start3A_63 = arith.constant 0 : i32
    %dma_start3A_64 = arith.constant 0 : i32
    %dma_start3A_65 = tpu.memref_slice %arg2[%dma_start3A_63, %dma_start3A_64] : memref<1000000x64xf32, #tpu.memory_space<hbm>> -> memref<1000000x64xf32, #tpu.memory_space<hbm>>
    tpu.enqueue_indirect_dma source(%dma_start3A_65 : memref<1000000x64xf32, #tpu.memory_space<hbm>>) target(%dma_start3A_59 : memref<128x64xf32, #tpu.memory_space<vmem>>) offsets(%dma_start3A_62 : memref<128xi32, #tpu.memory_space<vmem>>) semaphore(%arg12 : memref<!tpu.dma_semaphore, #tpu.memory_space<semaphore_mem>>)
    %dma_start3A_66 = arith.constant 2 : i32
    %dma_start3A_67 = arith.constant 2 : i32
    %dma_start3A_68 = arith.constant 0 : i32
    %dma_start3A_69 = arith.constant 0 : i32
    %dma_start3A_70 = tpu.memref_slice %arg9[%dma_start3A_67, %dma_start3A_68, %dma_start3A_69] : memref<3x128x64xf32, #tpu.memory_space<vmem>> -> memref<1x128x64xf32, #tpu.memory_space<vmem>>
    %dma_start3A_71 = tpu.memref_squeeze %dma_start3A_70 : memref<1x128x64xf32, #tpu.memory_space<vmem>> -> memref<128x64xf32, #tpu.memory_space<vmem>>
    %dma_start3A_72 = arith.constant 0 : i32
    %dma_start3A_73 = tpu.memref_slice %arg7[%dma_start3A_66, %dma_start3A_72] : memref<25x128xi32, #tpu.memory_space<vmem>> -> memref<1x128xi32, #tpu.memory_space<vmem>>
    %dma_start3A_74 = tpu.memref_squeeze %dma_start3A_73 : memref<1x128xi32, #tpu.memory_space<vmem>> -> memref<128xi32, #tpu.memory_space<vmem>>
    %dma_start3A_75 = arith.constant 0 : i32
    %dma_start3A_76 = arith.constant 0 : i32
    %dma_start3A_77 = tpu.memref_slice %arg2[%dma_start3A_75, %dma_start3A_76] : memref<1000000x64xf32, #tpu.memory_space<hbm>> -> memref<1000000x64xf32, #tpu.memory_space<hbm>>
    tpu.enqueue_indirect_dma source(%dma_start3A_77 : memref<1000000x64xf32, #tpu.memory_space<hbm>>) target(%dma_start3A_71 : memref<128x64xf32, #tpu.memory_space<vmem>>) offsets(%dma_start3A_74 : memref<128xi32, #tpu.memory_space<vmem>>) semaphore(%arg15 : memref<!tpu.dma_semaphore, #tpu.memory_space<semaphore_mem>>)
    %dma_wait3A = arith.constant 0 : i32
    %dma_wait3A_78 = arith.constant 0 : i32
    %dma_wait3A_79 = arith.constant 0 : i32
    %dma_wait3A_80 = arith.constant 0 : i32
    %dma_wait3A_81 = tpu.memref_slice %arg8[%dma_wait3A_78, %dma_wait3A_79, %dma_wait3A_80] : memref<3x128x64xf32, #tpu.memory_space<vmem>> -> memref<1x128x64xf32, #tpu.memory_space<vmem>>
    %dma_wait3A_82 = tpu.memref_squeeze %dma_wait3A_81 : memref<1x128x64xf32, #tpu.memory_space<vmem>> -> memref<128x64xf32, #tpu.memory_space<vmem>>
    %dma_wait3A_83 = arith.constant 0 : i32
    %dma_wait3A_84 = tpu.memref_slice %arg6[%dma_wait3A, %dma_wait3A_83] : memref<25x128xi32, #tpu.memory_space<vmem>> -> memref<1x128xi32, #tpu.memory_space<vmem>>
    %dma_wait3A_85 = tpu.memref_squeeze %dma_wait3A_84 : memref<1x128xi32, #tpu.memory_space<vmem>> -> memref<128xi32, #tpu.memory_space<vmem>>
    %dma_wait3A_86 = arith.constant 0 : i32
    %dma_wait3A_87 = arith.constant 0 : i32
    %dma_wait3A_88 = tpu.memref_slice %arg2[%dma_wait3A_86, %dma_wait3A_87] : memref<1000000x64xf32, #tpu.memory_space<hbm>> -> memref<1000000x64xf32, #tpu.memory_space<hbm>>
    tpu.wait_indirect_dma semaphore(%arg10 : memref<!tpu.dma_semaphore, #tpu.memory_space<semaphore_mem>>) src(%dma_wait3A_88 : memref<1000000x64xf32, #tpu.memory_space<hbm>>) dst(%dma_wait3A_82 : memref<128x64xf32, #tpu.memory_space<vmem>>)
    %dma_wait3A_89 = arith.constant 0 : i32
    %dma_wait3A_90 = arith.constant 0 : i32
    %dma_wait3A_91 = arith.constant 0 : i32
    %dma_wait3A_92 = arith.constant 0 : i32
    %dma_wait3A_93 = tpu.memref_slice %arg9[%dma_wait3A_90, %dma_wait3A_91, %dma_wait3A_92] : memref<3x128x64xf32, #tpu.memory_space<vmem>> -> memref<1x128x64xf32, #tpu.memory_space<vmem>>
    %dma_wait3A_94 = tpu.memref_squeeze %dma_wait3A_93 : memref<1x128x64xf32, #tpu.memory_space<vmem>> -> memref<128x64xf32, #tpu.memory_space<vmem>>
    %dma_wait3A_95 = arith.constant 0 : i32
    %dma_wait3A_96 = tpu.memref_slice %arg7[%dma_wait3A_89, %dma_wait3A_95] : memref<25x128xi32, #tpu.memory_space<vmem>> -> memref<1x128xi32, #tpu.memory_space<vmem>>
    %dma_wait3A_97 = tpu.memref_squeeze %dma_wait3A_96 : memref<1x128xi32, #tpu.memory_space<vmem>> -> memref<128xi32, #tpu.memory_space<vmem>>
    %dma_wait3A_98 = arith.constant 0 : i32
    %dma_wait3A_99 = arith.constant 0 : i32
    %dma_wait3A_100 = tpu.memref_slice %arg2[%dma_wait3A_98, %dma_wait3A_99] : memref<1000000x64xf32, #tpu.memory_space<hbm>> -> memref<1000000x64xf32, #tpu.memory_space<hbm>>
    tpu.wait_indirect_dma semaphore(%arg13 : memref<!tpu.dma_semaphore, #tpu.memory_space<semaphore_mem>>) src(%dma_wait3A_100 : memref<1000000x64xf32, #tpu.memory_space<hbm>>) dst(%dma_wait3A_94 : memref<128x64xf32, #tpu.memory_space<vmem>>)
    %add3A_101 = arith.constant 0 : i32
    %add3A_102 = arith.addi %mul3A_2, %add3A_101 : i32
    %dma_start3A_103 = arith.constant 0 : i32
    %dma_start3A_104 = arith.constant 0 : i32
    %dma_start3A_105 = arith.constant 0 : i32
    %dma_start3A_106 = tpu.memref_slice %arg8[%dma_start3A_103, %dma_start3A_104, %dma_start3A_105] : memref<3x128x64xf32, #tpu.memory_space<vmem>> -> memref<1x128x64xf32, #tpu.memory_space<vmem>>
    %dma_start3A_107 = tpu.memref_squeeze %dma_start3A_106 : memref<1x128x64xf32, #tpu.memory_space<vmem>> -> memref<128x64xf32, #tpu.memory_space<vmem>>
    %dma_start3A_108 = arith.constant 0 : i32
    %dma_start3A_109 = tpu.memref_slice %arg5[%add3A_102, %dma_start3A_108] : memref<102400x128xf32, #tpu.memory_space<hbm>> -> memref<128x64xf32, #tpu.memory_space<hbm>>
    %dma_start3A_110 = arith.constant 0 : i32
    %dma_start3A_111 = tpu.memref_slice %arg5[%add3A_102, %dma_start3A_110] : memref<102400x128xf32, #tpu.memory_space<hbm>> -> memref<128x64xf32, #tpu.memory_space<hbm>>
    %dma_start3A_112 = arith.constant 0 : i32
    %dma_start3A_113 = arith.constant 0 : i32
    %dma_start3A_114 = tpu.memref_slice %arg8[%dma_start3A_103, %dma_start3A_112, %dma_start3A_113] : memref<3x128x64xf32, #tpu.memory_space<vmem>> -> memref<1x128x64xf32, #tpu.memory_space<vmem>>
    %dma_start3A_115 = tpu.memref_squeeze %dma_start3A_114 : memref<1x128x64xf32, #tpu.memory_space<vmem>> -> memref<128x64xf32, #tpu.memory_space<vmem>>
    tpu.enqueue_dma source(%dma_start3A_115 : memref<128x64xf32, #tpu.memory_space<vmem>>) target(%dma_start3A_111 : memref<128x64xf32, #tpu.memory_space<hbm>>) target_semaphore(%arg16 : memref<!tpu.dma_semaphore, #tpu.memory_space<semaphore_mem>>)
    %dma_start3A_116 = arith.constant 0 : i32
    %dma_start3A_117 = arith.constant 0 : i32
    %dma_start3A_118 = arith.constant 0 : i32
    %dma_start3A_119 = tpu.memref_slice %arg9[%dma_start3A_116, %dma_start3A_117, %dma_start3A_118] : memref<3x128x64xf32, #tpu.memory_space<vmem>> -> memref<1x128x64xf32, #tpu.memory_space<vmem>>
    %dma_start3A_120 = tpu.memref_squeeze %dma_start3A_119 : memref<1x128x64xf32, #tpu.memory_space<vmem>> -> memref<128x64xf32, #tpu.memory_space<vmem>>
    %dma_start3A_121 = arith.constant 64 : i32
    %dma_start3A_122 = tpu.memref_slice %arg5[%add3A_102, %dma_start3A_121] : memref<102400x128xf32, #tpu.memory_space<hbm>> -> memref<128x64xf32, #tpu.memory_space<hbm>>
    %dma_start3A_123 = arith.constant 64 : i32
    %dma_start3A_124 = tpu.memref_slice %arg5[%add3A_102, %dma_start3A_123] : memref<102400x128xf32, #tpu.memory_space<hbm>> -> memref<128x64xf32, #tpu.memory_space<hbm>>
    %dma_start3A_125 = arith.constant 0 : i32
    %dma_start3A_126 = arith.constant 0 : i32
    %dma_start3A_127 = tpu.memref_slice %arg9[%dma_start3A_116, %dma_start3A_125, %dma_start3A_126] : memref<3x128x64xf32, #tpu.memory_space<vmem>> -> memref<1x128x64xf32, #tpu.memory_space<vmem>>
    %dma_start3A_128 = tpu.memref_squeeze %dma_start3A_127 : memref<1x128x64xf32, #tpu.memory_space<vmem>> -> memref<128x64xf32, #tpu.memory_space<vmem>>
    tpu.enqueue_dma source(%dma_start3A_128 : memref<128x64xf32, #tpu.memory_space<vmem>>) target(%dma_start3A_124 : memref<128x64xf32, #tpu.memory_space<hbm>>) target_semaphore(%arg19 : memref<!tpu.dma_semaphore, #tpu.memory_space<semaphore_mem>>)
    %dma_wait3A_129 = arith.constant 0 : i32
    %dma_wait3A_130 = arith.constant 0 : i32
    %dma_wait3A_131 = arith.constant 0 : i32
    %dma_wait3A_132 = tpu.memref_slice %arg8[%dma_wait3A_129, %dma_wait3A_130, %dma_wait3A_131] : memref<3x128x64xf32, #tpu.memory_space<vmem>> -> memref<1x128x64xf32, #tpu.memory_space<vmem>>
    %dma_wait3A_133 = tpu.memref_squeeze %dma_wait3A_132 : memref<1x128x64xf32, #tpu.memory_space<vmem>> -> memref<128x64xf32, #tpu.memory_space<vmem>>
    %dma_wait3A_134 = arith.constant 0 : i32
    %dma_wait3A_135 = tpu.memref_slice %arg5[%add3A_102, %dma_wait3A_134] : memref<102400x128xf32, #tpu.memory_space<hbm>> -> memref<128x64xf32, #tpu.memory_space<hbm>>
    %dma_wait3A_136 = arith.constant 0 : i32
    %dma_wait3A_137 = tpu.memref_slice %arg5[%add3A_102, %dma_wait3A_136] : memref<102400x128xf32, #tpu.memory_space<hbm>> -> memref<128x64xf32, #tpu.memory_space<hbm>>
    %dma_wait3A_138 = arith.constant 0 : i32
    %dma_wait3A_139 = arith.constant 0 : i32
    %dma_wait3A_140 = tpu.memref_slice %arg8[%dma_wait3A_129, %dma_wait3A_138, %dma_wait3A_139] : memref<3x128x64xf32, #tpu.memory_space<vmem>> -> memref<1x128x64xf32, #tpu.memory_space<vmem>>
    %dma_wait3A_141 = tpu.memref_squeeze %dma_wait3A_140 : memref<1x128x64xf32, #tpu.memory_space<vmem>> -> memref<128x64xf32, #tpu.memory_space<vmem>>
    tpu.wait_dma2 semaphore(%arg16 : memref<!tpu.dma_semaphore, #tpu.memory_space<semaphore_mem>>) src(%dma_wait3A_141 : memref<128x64xf32, #tpu.memory_space<vmem>>) dst(%dma_wait3A_137 : memref<128x64xf32, #tpu.memory_space<hbm>>)
    %dma_wait3A_142 = arith.constant 0 : i32
    %dma_wait3A_143 = arith.constant 0 : i32
    %dma_wait3A_144 = arith.constant 0 : i32
    %dma_wait3A_145 = tpu.memref_slice %arg9[%dma_wait3A_142, %dma_wait3A_143, %dma_wait3A_144] : memref<3x128x64xf32, #tpu.memory_space<vmem>> -> memref<1x128x64xf32, #tpu.memory_space<vmem>>
    %dma_wait3A_146 = tpu.memref_squeeze %dma_wait3A_145 : memref<1x128x64xf32, #tpu.memory_space<vmem>> -> memref<128x64xf32, #tpu.memory_space<vmem>>
    %dma_wait3A_147 = arith.constant 64 : i32
    %dma_wait3A_148 = tpu.memref_slice %arg5[%add3A_102, %dma_wait3A_147] : memref<102400x128xf32, #tpu.memory_space<hbm>> -> memref<128x64xf32, #tpu.memory_space<hbm>>
    %dma_wait3A_149 = arith.constant 64 : i32
    %dma_wait3A_150 = tpu.memref_slice %arg5[%add3A_102, %dma_wait3A_149] : memref<102400x128xf32, #tpu.memory_space<hbm>> -> memref<128x64xf32, #tpu.memory_space<hbm>>
    %dma_wait3A_151 = arith.constant 0 : i32
    %dma_wait3A_152 = arith.constant 0 : i32
    %dma_wait3A_153 = tpu.memref_slice %arg9[%dma_wait3A_142, %dma_wait3A_151, %dma_wait3A_152] : memref<3x128x64xf32, #tpu.memory_space<vmem>> -> memref<1x128x64xf32, #tpu.memory_space<vmem>>
    %dma_wait3A_154 = tpu.memref_squeeze %dma_wait3A_153 : memref<1x128x64xf32, #tpu.memory_space<vmem>> -> memref<128x64xf32, #tpu.memory_space<vmem>>
    tpu.wait_dma2 semaphore(%arg19 : memref<!tpu.dma_semaphore, #tpu.memory_space<semaphore_mem>>) src(%dma_wait3A_154 : memref<128x64xf32, #tpu.memory_space<vmem>>) dst(%dma_wait3A_150 : memref<128x64xf32, #tpu.memory_space<hbm>>)
    %dma_start3A_155 = arith.constant 3 : i32
    %dma_start3A_156 = arith.constant 0 : i32
    %dma_start3A_157 = arith.constant 0 : i32
    %dma_start3A_158 = arith.constant 0 : i32
    %dma_start3A_159 = tpu.memref_slice %arg8[%dma_start3A_156, %dma_start3A_157, %dma_start3A_158] : memref<3x128x64xf32, #tpu.memory_space<vmem>> -> memref<1x128x64xf32, #tpu.memory_space<vmem>>
    %dma_start3A_160 = tpu.memref_squeeze %dma_start3A_159 : memref<1x128x64xf32, #tpu.memory_space<vmem>> -> memref<128x64xf32, #tpu.memory_space<vmem>>
    %dma_start3A_161 = arith.constant 0 : i32
    %dma_start3A_162 = tpu.memref_slice %arg6[%dma_start3A_155, %dma_start3A_161] : memref<25x128xi32, #tpu.memory_space<vmem>> -> memref<1x128xi32, #tpu.memory_space<vmem>>
    %dma_start3A_163 = tpu.memref_squeeze %dma_start3A_162 : memref<1x128xi32, #tpu.memory_space<vmem>> -> memref<128xi32, #tpu.memory_space<vmem>>
    %dma_start3A_164 = arith.constant 0 : i32
    %dma_start3A_165 = arith.constant 0 : i32
    %dma_start3A_166 = tpu.memref_slice %arg2[%dma_start3A_164, %dma_start3A_165] : memref<1000000x64xf32, #tpu.memory_space<hbm>> -> memref<1000000x64xf32, #tpu.memory_space<hbm>>
    tpu.enqueue_indirect_dma source(%dma_start3A_166 : memref<1000000x64xf32, #tpu.memory_space<hbm>>) target(%dma_start3A_160 : memref<128x64xf32, #tpu.memory_space<vmem>>) offsets(%dma_start3A_163 : memref<128xi32, #tpu.memory_space<vmem>>) semaphore(%arg10 : memref<!tpu.dma_semaphore, #tpu.memory_space<semaphore_mem>>)
    %dma_start3A_167 = arith.constant 3 : i32
    %dma_start3A_168 = arith.constant 0 : i32
    %dma_start3A_169 = arith.constant 0 : i32
    %dma_start3A_170 = arith.constant 0 : i32
    %dma_start3A_171 = tpu.memref_slice %arg9[%dma_start3A_168, %dma_start3A_169, %dma_start3A_170] : memref<3x128x64xf32, #tpu.memory_space<vmem>> -> memref<1x128x64xf32, #tpu.memory_space<vmem>>
    %dma_start3A_172 = tpu.memref_squeeze %dma_start3A_171 : memref<1x128x64xf32, #tpu.memory_space<vmem>> -> memref<128x64xf32, #tpu.memory_space<vmem>>
    %dma_start3A_173 = arith.constant 0 : i32
    %dma_start3A_174 = tpu.memref_slice %arg7[%dma_start3A_167, %dma_start3A_173] : memref<25x128xi32, #tpu.memory_space<vmem>> -> memref<1x128xi32, #tpu.memory_space<vmem>>
    %dma_start3A_175 = tpu.memref_squeeze %dma_start3A_174 : memref<1x128xi32, #tpu.memory_space<vmem>> -> memref<128xi32, #tpu.memory_space<vmem>>
    %dma_start3A_176 = arith.constant 0 : i32
    %dma_start3A_177 = arith.constant 0 : i32
    %dma_start3A_178 = tpu.memref_slice %arg2[%dma_start3A_176, %dma_start3A_177] : memref<1000000x64xf32, #tpu.memory_space<hbm>> -> memref<1000000x64xf32, #tpu.memory_space<hbm>>
    tpu.enqueue_indirect_dma source(%dma_start3A_178 : memref<1000000x64xf32, #tpu.memory_space<hbm>>) target(%dma_start3A_172 : memref<128x64xf32, #tpu.memory_space<vmem>>) offsets(%dma_start3A_175 : memref<128xi32, #tpu.memory_space<vmem>>) semaphore(%arg13 : memref<!tpu.dma_semaphore, #tpu.memory_space<semaphore_mem>>)
    %dma_wait3A_179 = arith.constant 1 : i32
    %dma_wait3A_180 = arith.constant 1 : i32
    %dma_wait3A_181 = arith.constant 0 : i32
    %dma_wait3A_182 = arith.constant 0 : i32
    %dma_wait3A_183 = tpu.memref_slice %arg8[%dma_wait3A_180, %dma_wait3A_181, %dma_wait3A_182] : memref<3x128x64xf32, #tpu.memory_space<vmem>> -> memref<1x128x64xf32, #tpu.memory_space<vmem>>
    %dma_wait3A_184 = tpu.memref_squeeze %dma_wait3A_183 : memref<1x128x64xf32, #tpu.memory_space<vmem>> -> memref<128x64xf32, #tpu.memory_space<vmem>>
    %dma_wait3A_185 = arith.constant 0 : i32
    %dma_wait3A_186 = tpu.memref_slice %arg6[%dma_wait3A_179, %dma_wait3A_185] : memref<25x128xi32, #tpu.memory_space<vmem>> -> memref<1x128xi32, #tpu.memory_space<vmem>>
    %dma_wait3A_187 = tpu.memref_squeeze %dma_wait3A_186 : memref<1x128xi32, #tpu.memory_space<vmem>> -> memref<128xi32, #tpu.memory_space<vmem>>
    %dma_wait3A_188 = arith.constant 0 : i32
    %dma_wait3A_189 = arith.constant 0 : i32
    %dma_wait3A_190 = tpu.memref_slice %arg2[%dma_wait3A_188, %dma_wait3A_189] : memref<1000000x64xf32, #tpu.memory_space<hbm>> -> memref<1000000x64xf32, #tpu.memory_space<hbm>>
    tpu.wait_indirect_dma semaphore(%arg11 : memref<!tpu.dma_semaphore, #tpu.memory_space<semaphore_mem>>) src(%dma_wait3A_190 : memref<1000000x64xf32, #tpu.memory_space<hbm>>) dst(%dma_wait3A_184 : memref<128x64xf32, #tpu.memory_space<vmem>>)
    %dma_wait3A_191 = arith.constant 1 : i32
    %dma_wait3A_192 = arith.constant 1 : i32
    %dma_wait3A_193 = arith.constant 0 : i32
    %dma_wait3A_194 = arith.constant 0 : i32
    %dma_wait3A_195 = tpu.memref_slice %arg9[%dma_wait3A_192, %dma_wait3A_193, %dma_wait3A_194] : memref<3x128x64xf32, #tpu.memory_space<vmem>> -> memref<1x128x64xf32, #tpu.memory_space<vmem>>
    %dma_wait3A_196 = tpu.memref_squeeze %dma_wait3A_195 : memref<1x128x64xf32, #tpu.memory_space<vmem>> -> memref<128x64xf32, #tpu.memory_space<vmem>>
    %dma_wait3A_197 = arith.constant 0 : i32
    %dma_wait3A_198 = tpu.memref_slice %arg7[%dma_wait3A_191, %dma_wait3A_197] : memref<25x128xi32, #tpu.memory_space<vmem>> -> memref<1x128xi32, #tpu.memory_space<vmem>>
    %dma_wait3A_199 = tpu.memref_squeeze %dma_wait3A_198 : memref<1x128xi32, #tpu.memory_space<vmem>> -> memref<128xi32, #tpu.memory_space<vmem>>
    %dma_wait3A_200 = arith.constant 0 : i32
    %dma_wait3A_201 = arith.constant 0 : i32
    %dma_wait3A_202 = tpu.memref_slice %arg2[%dma_wait3A_200, %dma_wait3A_201] : memref<1000000x64xf32, #tpu.memory_space<hbm>> -> memref<1000000x64xf32, #tpu.memory_space<hbm>>
    tpu.wait_indirect_dma semaphore(%arg14 : memref<!tpu.dma_semaphore, #tpu.memory_space<semaphore_mem>>) src(%dma_wait3A_202 : memref<1000000x64xf32, #tpu.memory_space<hbm>>) dst(%dma_wait3A_196 : memref<128x64xf32, #tpu.memory_space<vmem>>)
    %add3A_203 = arith.constant 128 : i32
    %add3A_204 = arith.addi %mul3A_2, %add3A_203 : i32
    %dma_start3A_205 = arith.constant 1 : i32
    %dma_start3A_206 = arith.constant 0 : i32
    %dma_start3A_207 = arith.constant 0 : i32
    %dma_start3A_208 = tpu.memref_slice %arg8[%dma_start3A_205, %dma_start3A_206, %dma_start3A_207] : memref<3x128x64xf32, #tpu.memory_space<vmem>> -> memref<1x128x64xf32, #tpu.memory_space<vmem>>
    %dma_start3A_209 = tpu.memref_squeeze %dma_start3A_208 : memref<1x128x64xf32, #tpu.memory_space<vmem>> -> memref<128x64xf32, #tpu.memory_space<vmem>>
    %dma_start3A_210 = arith.constant 0 : i32
    %dma_start3A_211 = tpu.memref_slice %arg5[%add3A_204, %dma_start3A_210] : memref<102400x128xf32, #tpu.memory_space<hbm>> -> memref<128x64xf32, #tpu.memory_space<hbm>>
    %dma_start3A_212 = arith.constant 0 : i32
    %dma_start3A_213 = tpu.memref_slice %arg5[%add3A_204, %dma_start3A_212] : memref<102400x128xf32, #tpu.memory_space<hbm>> -> memref<128x64xf32, #tpu.memory_space<hbm>>
    %dma_start3A_214 = arith.constant 0 : i32
    %dma_start3A_215 = arith.constant 0 : i32
    %dma_start3A_216 = tpu.memref_slice %arg8[%dma_start3A_205, %dma_start3A_214, %dma_start3A_215] : memref<3x128x64xf32, #tpu.memory_space<vmem>> -> memref<1x128x64xf32, #tpu.memory_space<vmem>>
    %dma_start3A_217 = tpu.memref_squeeze %dma_start3A_216 : memref<1x128x64xf32, #tpu.memory_space<vmem>> -> memref<128x64xf32, #tpu.memory_space<vmem>>
    tpu.enqueue_dma source(%dma_start3A_217 : memref<128x64xf32, #tpu.memory_space<vmem>>) target(%dma_start3A_213 : memref<128x64xf32, #tpu.memory_space<hbm>>) target_semaphore(%arg17 : memref<!tpu.dma_semaphore, #tpu.memory_space<semaphore_mem>>)
    %dma_start3A_218 = arith.constant 1 : i32
    %dma_start3A_219 = arith.constant 0 : i32
    %dma_start3A_220 = arith.constant 0 : i32
    %dma_start3A_221 = tpu.memref_slice %arg9[%dma_start3A_218, %dma_start3A_219, %dma_start3A_220] : memref<3x128x64xf32, #tpu.memory_space<vmem>> -> memref<1x128x64xf32, #tpu.memory_space<vmem>>
    %dma_start3A_222 = tpu.memref_squeeze %dma_start3A_221 : memref<1x128x64xf32, #tpu.memory_space<vmem>> -> memref<128x64xf32, #tpu.memory_space<vmem>>
    %dma_start3A_223 = arith.constant 64 : i32
    %dma_start3A_224 = tpu.memref_slice %arg5[%add3A_204, %dma_start3A_223] : memref<102400x128xf32, #tpu.memory_space<hbm>> -> memref<128x64xf32, #tpu.memory_space<hbm>>
    %dma_start3A_225 = arith.constant 64 : i32
    %dma_start3A_226 = tpu.memref_slice %arg5[%add3A_204, %dma_start3A_225] : memref<102400x128xf32, #tpu.memory_space<hbm>> -> memref<128x64xf32, #tpu.memory_space<hbm>>
    %dma_start3A_227 = arith.constant 0 : i32
    %dma_start3A_228 = arith.constant 0 : i32
    %dma_start3A_229 = tpu.memref_slice %arg9[%dma_start3A_218, %dma_start3A_227, %dma_start3A_228] : memref<3x128x64xf32, #tpu.memory_space<vmem>> -> memref<1x128x64xf32, #tpu.memory_space<vmem>>
    %dma_start3A_230 = tpu.memref_squeeze %dma_start3A_229 : memref<1x128x64xf32, #tpu.memory_space<vmem>> -> memref<128x64xf32, #tpu.memory_space<vmem>>
    tpu.enqueue_dma source(%dma_start3A_230 : memref<128x64xf32, #tpu.memory_space<vmem>>) target(%dma_start3A_226 : memref<128x64xf32, #tpu.memory_space<hbm>>) target_semaphore(%arg20 : memref<!tpu.dma_semaphore, #tpu.memory_space<semaphore_mem>>)
    %dma_wait3A_231 = arith.constant 1 : i32
    %dma_wait3A_232 = arith.constant 0 : i32
    %dma_wait3A_233 = arith.constant 0 : i32
    %dma_wait3A_234 = tpu.memref_slice %arg8[%dma_wait3A_231, %dma_wait3A_232, %dma_wait3A_233] : memref<3x128x64xf32, #tpu.memory_space<vmem>> -> memref<1x128x64xf32, #tpu.memory_space<vmem>>
    %dma_wait3A_235 = tpu.memref_squeeze %dma_wait3A_234 : memref<1x128x64xf32, #tpu.memory_space<vmem>> -> memref<128x64xf32, #tpu.memory_space<vmem>>
    %dma_wait3A_236 = arith.constant 0 : i32
    %dma_wait3A_237 = tpu.memref_slice %arg5[%add3A_204, %dma_wait3A_236] : memref<102400x128xf32, #tpu.memory_space<hbm>> -> memref<128x64xf32, #tpu.memory_space<hbm>>
    %dma_wait3A_238 = arith.constant 0 : i32
    %dma_wait3A_239 = tpu.memref_slice %arg5[%add3A_204, %dma_wait3A_238] : memref<102400x128xf32, #tpu.memory_space<hbm>> -> memref<128x64xf32, #tpu.memory_space<hbm>>
    %dma_wait3A_240 = arith.constant 0 : i32
    %dma_wait3A_241 = arith.constant 0 : i32
    %dma_wait3A_242 = tpu.memref_slice %arg8[%dma_wait3A_231, %dma_wait3A_240, %dma_wait3A_241] : memref<3x128x64xf32, #tpu.memory_space<vmem>> -> memref<1x128x64xf32, #tpu.memory_space<vmem>>
    %dma_wait3A_243 = tpu.memref_squeeze %dma_wait3A_242 : memref<1x128x64xf32, #tpu.memory_space<vmem>> -> memref<128x64xf32, #tpu.memory_space<vmem>>
    tpu.wait_dma2 semaphore(%arg17 : memref<!tpu.dma_semaphore, #tpu.memory_space<semaphore_mem>>) src(%dma_wait3A_243 : memref<128x64xf32, #tpu.memory_space<vmem>>) dst(%dma_wait3A_239 : memref<128x64xf32, #tpu.memory_space<hbm>>)
    %dma_wait3A_244 = arith.constant 1 : i32
    %dma_wait3A_245 = arith.constant 0 : i32
    %dma_wait3A_246 = arith.constant 0 : i32
    %dma_wait3A_247 = tpu.memref_slice %arg9[%dma_wait3A_244, %dma_wait3A_245, %dma_wait3A_246] : memref<3x128x64xf32, #tpu.memory_space<vmem>> -> memref<1x128x64xf32, #tpu.memory_space<vmem>>
    %dma_wait3A_248 = tpu.memref_squeeze %dma_wait3A_247 : memref<1x128x64xf32, #tpu.memory_space<vmem>> -> memref<128x64xf32, #tpu.memory_space<vmem>>
    %dma_wait3A_249 = arith.constant 64 : i32
    %dma_wait3A_250 = tpu.memref_slice %arg5[%add3A_204, %dma_wait3A_249] : memref<102400x128xf32, #tpu.memory_space<hbm>> -> memref<128x64xf32, #tpu.memory_space<hbm>>
    %dma_wait3A_251 = arith.constant 64 : i32
    %dma_wait3A_252 = tpu.memref_slice %arg5[%add3A_204, %dma_wait3A_251] : memref<102400x128xf32, #tpu.memory_space<hbm>> -> memref<128x64xf32, #tpu.memory_space<hbm>>
    %dma_wait3A_253 = arith.constant 0 : i32
    %dma_wait3A_254 = arith.constant 0 : i32
    %dma_wait3A_255 = tpu.memref_slice %arg9[%dma_wait3A_244, %dma_wait3A_253, %dma_wait3A_254] : memref<3x128x64xf32, #tpu.memory_space<vmem>> -> memref<1x128x64xf32, #tpu.memory_space<vmem>>
    %dma_wait3A_256 = tpu.memref_squeeze %dma_wait3A_255 : memref<1x128x64xf32, #tpu.memory_space<vmem>> -> memref<128x64xf32, #tpu.memory_space<vmem>>
    tpu.wait_dma2 semaphore(%arg20 : memref<!tpu.dma_semaphore, #tpu.memory_space<semaphore_mem>>) src(%dma_wait3A_256 : memref<128x64xf32, #tpu.memory_space<vmem>>) dst(%dma_wait3A_252 : memref<128x64xf32, #tpu.memory_space<hbm>>)
    %dma_start3A_257 = arith.constant 4 : i32
    %dma_start3A_258 = arith.constant 1 : i32
    %dma_start3A_259 = arith.constant 0 : i32
    %dma_start3A_260 = arith.constant 0 : i32
    %dma_start3A_261 = tpu.memref_slice %arg8[%dma_start3A_258, %dma_start3A_259, %dma_start3A_260] : memref<3x128x64xf32, #tpu.memory_space<vmem>> -> memref<1x128x64xf32, #tpu.memory_space<vmem>>
    %dma_start3A_262 = tpu.memref_squeeze %dma_start3A_261 : memref<1x128x64xf32, #tpu.memory_space<vmem>> -> memref<128x64xf32, #tpu.memory_space<vmem>>
    %dma_start3A_263 = arith.constant 0 : i32
    %dma_start3A_264 = tpu.memref_slice %arg6[%dma_start3A_257, %dma_start3A_263] : memref<25x128xi32, #tpu.memory_space<vmem>> -> memref<1x128xi32, #tpu.memory_space<vmem>>
    %dma_start3A_265 = tpu.memref_squeeze %dma_start3A_264 : memref<1x128xi32, #tpu.memory_space<vmem>> -> memref<128xi32, #tpu.memory_space<vmem>>
    %dma_start3A_266 = arith.constant 0 : i32
    %dma_start3A_267 = arith.constant 0 : i32
    %dma_start3A_268 = tpu.memref_slice %arg2[%dma_start3A_266, %dma_start3A_267] : memref<1000000x64xf32, #tpu.memory_space<hbm>> -> memref<1000000x64xf32, #tpu.memory_space<hbm>>
    tpu.enqueue_indirect_dma source(%dma_start3A_268 : memref<1000000x64xf32, #tpu.memory_space<hbm>>) target(%dma_start3A_262 : memref<128x64xf32, #tpu.memory_space<vmem>>) offsets(%dma_start3A_265 : memref<128xi32, #tpu.memory_space<vmem>>) semaphore(%arg11 : memref<!tpu.dma_semaphore, #tpu.memory_space<semaphore_mem>>)
    %dma_start3A_269 = arith.constant 4 : i32
    %dma_start3A_270 = arith.constant 1 : i32
    %dma_start3A_271 = arith.constant 0 : i32
    %dma_start3A_272 = arith.constant 0 : i32
    %dma_start3A_273 = tpu.memref_slice %arg9[%dma_start3A_270, %dma_start3A_271, %dma_start3A_272] : memref<3x128x64xf32, #tpu.memory_space<vmem>> -> memref<1x128x64xf32, #tpu.memory_space<vmem>>
    %dma_start3A_274 = tpu.memref_squeeze %dma_start3A_273 : memref<1x128x64xf32, #tpu.memory_space<vmem>> -> memref<128x64xf32, #tpu.memory_space<vmem>>
    %dma_start3A_275 = arith.constant 0 : i32
    %dma_start3A_276 = tpu.memref_slice %arg7[%dma_start3A_269, %dma_start3A_275] : memref<25x128xi32, #tpu.memory_space<vmem>> -> memref<1x128xi32, #tpu.memory_space<vmem>>
    %dma_start3A_277 = tpu.memref_squeeze %dma_start3A_276 : memref<1x128xi32, #tpu.memory_space<vmem>> -> memref<128xi32, #tpu.memory_space<vmem>>
    %dma_start3A_278 = arith.constant 0 : i32
    %dma_start3A_279 = arith.constant 0 : i32
    %dma_start3A_280 = tpu.memref_slice %arg2[%dma_start3A_278, %dma_start3A_279] : memref<1000000x64xf32, #tpu.memory_space<hbm>> -> memref<1000000x64xf32, #tpu.memory_space<hbm>>
    tpu.enqueue_indirect_dma source(%dma_start3A_280 : memref<1000000x64xf32, #tpu.memory_space<hbm>>) target(%dma_start3A_274 : memref<128x64xf32, #tpu.memory_space<vmem>>) offsets(%dma_start3A_277 : memref<128xi32, #tpu.memory_space<vmem>>) semaphore(%arg14 : memref<!tpu.dma_semaphore, #tpu.memory_space<semaphore_mem>>)
    %dma_wait3A_281 = arith.constant 2 : i32
    %dma_wait3A_282 = arith.constant 2 : i32
    %dma_wait3A_283 = arith.constant 0 : i32
    %dma_wait3A_284 = arith.constant 0 : i32
    %dma_wait3A_285 = tpu.memref_slice %arg8[%dma_wait3A_282, %dma_wait3A_283, %dma_wait3A_284] : memref<3x128x64xf32, #tpu.memory_space<vmem>> -> memref<1x128x64xf32, #tpu.memory_space<vmem>>
    %dma_wait3A_286 = tpu.memref_squeeze %dma_wait3A_285 : memref<1x128x64xf32, #tpu.memory_space<vmem>> -> memref<128x64xf32, #tpu.memory_space<vmem>>
    %dma_wait3A_287 = arith.constant 0 : i32
    %dma_wait3A_288 = tpu.memref_slice %arg6[%dma_wait3A_281, %dma_wait3A_287] : memref<25x128xi32, #tpu.memory_space<vmem>> -> memref<1x128xi32, #tpu.memory_space<vmem>>
    %dma_wait3A_289 = tpu.memref_squeeze %dma_wait3A_288 : memref<1x128xi32, #tpu.memory_space<vmem>> -> memref<128xi32, #tpu.memory_space<vmem>>
    %dma_wait3A_290 = arith.constant 0 : i32
    %dma_wait3A_291 = arith.constant 0 : i32
    %dma_wait3A_292 = tpu.memref_slice %arg2[%dma_wait3A_290, %dma_wait3A_291] : memref<1000000x64xf32, #tpu.memory_space<hbm>> -> memref<1000000x64xf32, #tpu.memory_space<hbm>>
    tpu.wait_indirect_dma semaphore(%arg12 : memref<!tpu.dma_semaphore, #tpu.memory_space<semaphore_mem>>) src(%dma_wait3A_292 : memref<1000000x64xf32, #tpu.memory_space<hbm>>) dst(%dma_wait3A_286 : memref<128x64xf32, #tpu.memory_space<vmem>>)
    %dma_wait3A_293 = arith.constant 2 : i32
    %dma_wait3A_294 = arith.constant 2 : i32
    %dma_wait3A_295 = arith.constant 0 : i32
    %dma_wait3A_296 = arith.constant 0 : i32
    %dma_wait3A_297 = tpu.memref_slice %arg9[%dma_wait3A_294, %dma_wait3A_295, %dma_wait3A_296] : memref<3x128x64xf32, #tpu.memory_space<vmem>> -> memref<1x128x64xf32, #tpu.memory_space<vmem>>
    %dma_wait3A_298 = tpu.memref_squeeze %dma_wait3A_297 : memref<1x128x64xf32, #tpu.memory_space<vmem>> -> memref<128x64xf32, #tpu.memory_space<vmem>>
    %dma_wait3A_299 = arith.constant 0 : i32
    %dma_wait3A_300 = tpu.memref_slice %arg7[%dma_wait3A_293, %dma_wait3A_299] : memref<25x128xi32, #tpu.memory_space<vmem>> -> memref<1x128xi32, #tpu.memory_space<vmem>>
    %dma_wait3A_301 = tpu.memref_squeeze %dma_wait3A_300 : memref<1x128xi32, #tpu.memory_space<vmem>> -> memref<128xi32, #tpu.memory_space<vmem>>
    %dma_wait3A_302 = arith.constant 0 : i32
    %dma_wait3A_303 = arith.constant 0 : i32
    %dma_wait3A_304 = tpu.memref_slice %arg2[%dma_wait3A_302, %dma_wait3A_303] : memref<1000000x64xf32, #tpu.memory_space<hbm>> -> memref<1000000x64xf32, #tpu.memory_space<hbm>>
    tpu.wait_indirect_dma semaphore(%arg15 : memref<!tpu.dma_semaphore, #tpu.memory_space<semaphore_mem>>) src(%dma_wait3A_304 : memref<1000000x64xf32, #tpu.memory_space<hbm>>) dst(%dma_wait3A_298 : memref<128x64xf32, #tpu.memory_space<vmem>>)
    %add3A_305 = arith.constant 256 : i32
    %add3A_306 = arith.addi %mul3A_2, %add3A_305 : i32
    %dma_start3A_307 = arith.constant 2 : i32
    %dma_start3A_308 = arith.constant 0 : i32
    %dma_start3A_309 = arith.constant 0 : i32
    %dma_start3A_310 = tpu.memref_slice %arg8[%dma_start3A_307, %dma_start3A_308, %dma_start3A_309] : memref<3x128x64xf32, #tpu.memory_space<vmem>> -> memref<1x128x64xf32, #tpu.memory_space<vmem>>
    %dma_start3A_311 = tpu.memref_squeeze %dma_start3A_310 : memref<1x128x64xf32, #tpu.memory_space<vmem>> -> memref<128x64xf32, #tpu.memory_space<vmem>>
    %dma_start3A_312 = arith.constant 0 : i32
    %dma_start3A_313 = tpu.memref_slice %arg5[%add3A_306, %dma_start3A_312] : memref<102400x128xf32, #tpu.memory_space<hbm>> -> memref<128x64xf32, #tpu.memory_space<hbm>>
    %dma_start3A_314 = arith.constant 0 : i32
    %dma_start3A_315 = tpu.memref_slice %arg5[%add3A_306, %dma_start3A_314] : memref<102400x128xf32, #tpu.memory_space<hbm>> -> memref<128x64xf32, #tpu.memory_space<hbm>>
    %dma_start3A_316 = arith.constant 0 : i32
    %dma_start3A_317 = arith.constant 0 : i32
    %dma_start3A_318 = tpu.memref_slice %arg8[%dma_start3A_307, %dma_start3A_316, %dma_start3A_317] : memref<3x128x64xf32, #tpu.memory_space<vmem>> -> memref<1x128x64xf32, #tpu.memory_space<vmem>>
    %dma_start3A_319 = tpu.memref_squeeze %dma_start3A_318 : memref<1x128x64xf32, #tpu.memory_space<vmem>> -> memref<128x64xf32, #tpu.memory_space<vmem>>
    tpu.enqueue_dma source(%dma_start3A_319 : memref<128x64xf32, #tpu.memory_space<vmem>>) target(%dma_start3A_315 : memref<128x64xf32, #tpu.memory_space<hbm>>) target_semaphore(%arg18 : memref<!tpu.dma_semaphore, #tpu.memory_space<semaphore_mem>>)
    %dma_start3A_320 = arith.constant 2 : i32
    %dma_start3A_321 = arith.constant 0 : i32
    %dma_start3A_322 = arith.constant 0 : i32
    %dma_start3A_323 = tpu.memref_slice %arg9[%dma_start3A_320, %dma_start3A_321, %dma_start3A_322] : memref<3x128x64xf32, #tpu.memory_space<vmem>> -> memref<1x128x64xf32, #tpu.memory_space<vmem>>
    %dma_start3A_324 = tpu.memref_squeeze %dma_start3A_323 : memref<1x128x64xf32, #tpu.memory_space<vmem>> -> memref<128x64xf32, #tpu.memory_space<vmem>>
    %dma_start3A_325 = arith.constant 64 : i32
    %dma_start3A_326 = tpu.memref_slice %arg5[%add3A_306, %dma_start3A_325] : memref<102400x128xf32, #tpu.memory_space<hbm>> -> memref<128x64xf32, #tpu.memory_space<hbm>>
    %dma_start3A_327 = arith.constant 64 : i32
    %dma_start3A_328 = tpu.memref_slice %arg5[%add3A_306, %dma_start3A_327] : memref<102400x128xf32, #tpu.memory_space<hbm>> -> memref<128x64xf32, #tpu.memory_space<hbm>>
    %dma_start3A_329 = arith.constant 0 : i32
    %dma_start3A_330 = arith.constant 0 : i32
    %dma_start3A_331 = tpu.memref_slice %arg9[%dma_start3A_320, %dma_start3A_329, %dma_start3A_330] : memref<3x128x64xf32, #tpu.memory_space<vmem>> -> memref<1x128x64xf32, #tpu.memory_space<vmem>>
    %dma_start3A_332 = tpu.memref_squeeze %dma_start3A_331 : memref<1x128x64xf32, #tpu.memory_space<vmem>> -> memref<128x64xf32, #tpu.memory_space<vmem>>
    tpu.enqueue_dma source(%dma_start3A_332 : memref<128x64xf32, #tpu.memory_space<vmem>>) target(%dma_start3A_328 : memref<128x64xf32, #tpu.memory_space<hbm>>) target_semaphore(%arg21 : memref<!tpu.dma_semaphore, #tpu.memory_space<semaphore_mem>>)
    %dma_wait3A_333 = arith.constant 2 : i32
    %dma_wait3A_334 = arith.constant 0 : i32
    %dma_wait3A_335 = arith.constant 0 : i32
    %dma_wait3A_336 = tpu.memref_slice %arg8[%dma_wait3A_333, %dma_wait3A_334, %dma_wait3A_335] : memref<3x128x64xf32, #tpu.memory_space<vmem>> -> memref<1x128x64xf32, #tpu.memory_space<vmem>>
    %dma_wait3A_337 = tpu.memref_squeeze %dma_wait3A_336 : memref<1x128x64xf32, #tpu.memory_space<vmem>> -> memref<128x64xf32, #tpu.memory_space<vmem>>
    %dma_wait3A_338 = arith.constant 0 : i32
    %dma_wait3A_339 = tpu.memref_slice %arg5[%add3A_306, %dma_wait3A_338] : memref<102400x128xf32, #tpu.memory_space<hbm>> -> memref<128x64xf32, #tpu.memory_space<hbm>>
    %dma_wait3A_340 = arith.constant 0 : i32
    %dma_wait3A_341 = tpu.memref_slice %arg5[%add3A_306, %dma_wait3A_340] : memref<102400x128xf32, #tpu.memory_space<hbm>> -> memref<128x64xf32, #tpu.memory_space<hbm>>
    %dma_wait3A_342 = arith.constant 0 : i32
    %dma_wait3A_343 = arith.constant 0 : i32
    %dma_wait3A_344 = tpu.memref_slice %arg8[%dma_wait3A_333, %dma_wait3A_342, %dma_wait3A_343] : memref<3x128x64xf32, #tpu.memory_space<vmem>> -> memref<1x128x64xf32, #tpu.memory_space<vmem>>
    %dma_wait3A_345 = tpu.memref_squeeze %dma_wait3A_344 : memref<1x128x64xf32, #tpu.memory_space<vmem>> -> memref<128x64xf32, #tpu.memory_space<vmem>>
    tpu.wait_dma2 semaphore(%arg18 : memref<!tpu.dma_semaphore, #tpu.memory_space<semaphore_mem>>) src(%dma_wait3A_345 : memref<128x64xf32, #tpu.memory_space<vmem>>) dst(%dma_wait3A_341 : memref<128x64xf32, #tpu.memory_space<hbm>>)
    %dma_wait3A_346 = arith.constant 2 : i32
    %dma_wait3A_347 = arith.constant 0 : i32
    %dma_wait3A_348 = arith.constant 0 : i32
    %dma_wait3A_349 = tpu.memref_slice %arg9[%dma_wait3A_346, %dma_wait3A_347, %dma_wait3A_348] : memref<3x128x64xf32, #tpu.memory_space<vmem>> -> memref<1x128x64xf32, #tpu.memory_space<vmem>>
    %dma_wait3A_350 = tpu.memref_squeeze %dma_wait3A_349 : memref<1x128x64xf32, #tpu.memory_space<vmem>> -> memref<128x64xf32, #tpu.memory_space<vmem>>
    %dma_wait3A_351 = arith.constant 64 : i32
    %dma_wait3A_352 = tpu.memref_slice %arg5[%add3A_306, %dma_wait3A_351] : memref<102400x128xf32, #tpu.memory_space<hbm>> -> memref<128x64xf32, #tpu.memory_space<hbm>>
    %dma_wait3A_353 = arith.constant 64 : i32
    %dma_wait3A_354 = tpu.memref_slice %arg5[%add3A_306, %dma_wait3A_353] : memref<102400x128xf32, #tpu.memory_space<hbm>> -> memref<128x64xf32, #tpu.memory_space<hbm>>
    %dma_wait3A_355 = arith.constant 0 : i32
    %dma_wait3A_356 = arith.constant 0 : i32
    %dma_wait3A_357 = tpu.memref_slice %arg9[%dma_wait3A_346, %dma_wait3A_355, %dma_wait3A_356] : memref<3x128x64xf32, #tpu.memory_space<vmem>> -> memref<1x128x64xf32, #tpu.memory_space<vmem>>
    %dma_wait3A_358 = tpu.memref_squeeze %dma_wait3A_357 : memref<1x128x64xf32, #tpu.memory_space<vmem>> -> memref<128x64xf32, #tpu.memory_space<vmem>>
    tpu.wait_dma2 semaphore(%arg21 : memref<!tpu.dma_semaphore, #tpu.memory_space<semaphore_mem>>) src(%dma_wait3A_358 : memref<128x64xf32, #tpu.memory_space<vmem>>) dst(%dma_wait3A_354 : memref<128x64xf32, #tpu.memory_space<hbm>>)
    %dma_start3A_359 = arith.constant 5 : i32
    %dma_start3A_360 = arith.constant 2 : i32
    %dma_start3A_361 = arith.constant 0 : i32
    %dma_start3A_362 = arith.constant 0 : i32
    %dma_start3A_363 = tpu.memref_slice %arg8[%dma_start3A_360, %dma_start3A_361, %dma_start3A_362] : memref<3x128x64xf32, #tpu.memory_space<vmem>> -> memref<1x128x64xf32, #tpu.memory_space<vmem>>
    %dma_start3A_364 = tpu.memref_squeeze %dma_start3A_363 : memref<1x128x64xf32, #tpu.memory_space<vmem>> -> memref<128x64xf32, #tpu.memory_space<vmem>>
    %dma_start3A_365 = arith.constant 0 : i32
    %dma_start3A_366 = tpu.memref_slice %arg6[%dma_start3A_359, %dma_start3A_365] : memref<25x128xi32, #tpu.memory_space<vmem>> -> memref<1x128xi32, #tpu.memory_space<vmem>>
    %dma_start3A_367 = tpu.memref_squeeze %dma_start3A_366 : memref<1x128xi32, #tpu.memory_space<vmem>> -> memref<128xi32, #tpu.memory_space<vmem>>
    %dma_start3A_368 = arith.constant 0 : i32
    %dma_start3A_369 = arith.constant 0 : i32
    %dma_start3A_370 = tpu.memref_slice %arg2[%dma_start3A_368, %dma_start3A_369] : memref<1000000x64xf32, #tpu.memory_space<hbm>> -> memref<1000000x64xf32, #tpu.memory_space<hbm>>
    tpu.enqueue_indirect_dma source(%dma_start3A_370 : memref<1000000x64xf32, #tpu.memory_space<hbm>>) target(%dma_start3A_364 : memref<128x64xf32, #tpu.memory_space<vmem>>) offsets(%dma_start3A_367 : memref<128xi32, #tpu.memory_space<vmem>>) semaphore(%arg12 : memref<!tpu.dma_semaphore, #tpu.memory_space<semaphore_mem>>)
    %dma_start3A_371 = arith.constant 5 : i32
    %dma_start3A_372 = arith.constant 2 : i32
    %dma_start3A_373 = arith.constant 0 : i32
    %dma_start3A_374 = arith.constant 0 : i32
    %dma_start3A_375 = tpu.memref_slice %arg9[%dma_start3A_372, %dma_start3A_373, %dma_start3A_374] : memref<3x128x64xf32, #tpu.memory_space<vmem>> -> memref<1x128x64xf32, #tpu.memory_space<vmem>>
    %dma_start3A_376 = tpu.memref_squeeze %dma_start3A_375 : memref<1x128x64xf32, #tpu.memory_space<vmem>> -> memref<128x64xf32, #tpu.memory_space<vmem>>
    %dma_start3A_377 = arith.constant 0 : i32
    %dma_start3A_378 = tpu.memref_slice %arg7[%dma_start3A_371, %dma_start3A_377] : memref<25x128xi32, #tpu.memory_space<vmem>> -> memref<1x128xi32, #tpu.memory_space<vmem>>
    %dma_start3A_379 = tpu.memref_squeeze %dma_start3A_378 : memref<1x128xi32, #tpu.memory_space<vmem>> -> memref<128xi32, #tpu.memory_space<vmem>>
    %dma_start3A_380 = arith.constant 0 : i32
    %dma_start3A_381 = arith.constant 0 : i32
    %dma_start3A_382 = tpu.memref_slice %arg2[%dma_start3A_380, %dma_start3A_381] : memref<1000000x64xf32, #tpu.memory_space<hbm>> -> memref<1000000x64xf32, #tpu.memory_space<hbm>>
    tpu.enqueue_indirect_dma source(%dma_start3A_382 : memref<1000000x64xf32, #tpu.memory_space<hbm>>) target(%dma_start3A_376 : memref<128x64xf32, #tpu.memory_space<vmem>>) offsets(%dma_start3A_379 : memref<128xi32, #tpu.memory_space<vmem>>) semaphore(%arg15 : memref<!tpu.dma_semaphore, #tpu.memory_space<semaphore_mem>>)
    %dma_wait3A_383 = arith.constant 3 : i32
    %dma_wait3A_384 = arith.constant 0 : i32
    %dma_wait3A_385 = arith.constant 0 : i32
    %dma_wait3A_386 = arith.constant 0 : i32
    %dma_wait3A_387 = tpu.memref_slice %arg8[%dma_wait3A_384, %dma_wait3A_385, %dma_wait3A_386] : memref<3x128x64xf32, #tpu.memory_space<vmem>> -> memref<1x128x64xf32, #tpu.memory_space<vmem>>
    %dma_wait3A_388 = tpu.memref_squeeze %dma_wait3A_387 : memref<1x128x64xf32, #tpu.memory_space<vmem>> -> memref<128x64xf32, #tpu.memory_space<vmem>>
    %dma_wait3A_389 = arith.constant 0 : i32
    %dma_wait3A_390 = tpu.memref_slice %arg6[%dma_wait3A_383, %dma_wait3A_389] : memref<25x128xi32, #tpu.memory_space<vmem>> -> memref<1x128xi32, #tpu.memory_space<vmem>>
    %dma_wait3A_391 = tpu.memref_squeeze %dma_wait3A_390 : memref<1x128xi32, #tpu.memory_space<vmem>> -> memref<128xi32, #tpu.memory_space<vmem>>
    %dma_wait3A_392 = arith.constant 0 : i32
    %dma_wait3A_393 = arith.constant 0 : i32
    %dma_wait3A_394 = tpu.memref_slice %arg2[%dma_wait3A_392, %dma_wait3A_393] : memref<1000000x64xf32, #tpu.memory_space<hbm>> -> memref<1000000x64xf32, #tpu.memory_space<hbm>>
    tpu.wait_indirect_dma semaphore(%arg10 : memref<!tpu.dma_semaphore, #tpu.memory_space<semaphore_mem>>) src(%dma_wait3A_394 : memref<1000000x64xf32, #tpu.memory_space<hbm>>) dst(%dma_wait3A_388 : memref<128x64xf32, #tpu.memory_space<vmem>>)
    %dma_wait3A_395 = arith.constant 3 : i32
    %dma_wait3A_396 = arith.constant 0 : i32
    %dma_wait3A_397 = arith.constant 0 : i32
    %dma_wait3A_398 = arith.constant 0 : i32
    %dma_wait3A_399 = tpu.memref_slice %arg9[%dma_wait3A_396, %dma_wait3A_397, %dma_wait3A_398] : memref<3x128x64xf32, #tpu.memory_space<vmem>> -> memref<1x128x64xf32, #tpu.memory_space<vmem>>
    %dma_wait3A_400 = tpu.memref_squeeze %dma_wait3A_399 : memref<1x128x64xf32, #tpu.memory_space<vmem>> -> memref<128x64xf32, #tpu.memory_space<vmem>>
    %dma_wait3A_401 = arith.constant 0 : i32
    %dma_wait3A_402 = tpu.memref_slice %arg7[%dma_wait3A_395, %dma_wait3A_401] : memref<25x128xi32, #tpu.memory_space<vmem>> -> memref<1x128xi32, #tpu.memory_space<vmem>>
    %dma_wait3A_403 = tpu.memref_squeeze %dma_wait3A_402 : memref<1x128xi32, #tpu.memory_space<vmem>> -> memref<128xi32, #tpu.memory_space<vmem>>
    %dma_wait3A_404 = arith.constant 0 : i32
    %dma_wait3A_405 = arith.constant 0 : i32
    %dma_wait3A_406 = tpu.memref_slice %arg2[%dma_wait3A_404, %dma_wait3A_405] : memref<1000000x64xf32, #tpu.memory_space<hbm>> -> memref<1000000x64xf32, #tpu.memory_space<hbm>>
    tpu.wait_indirect_dma semaphore(%arg13 : memref<!tpu.dma_semaphore, #tpu.memory_space<semaphore_mem>>) src(%dma_wait3A_406 : memref<1000000x64xf32, #tpu.memory_space<hbm>>) dst(%dma_wait3A_400 : memref<128x64xf32, #tpu.memory_space<vmem>>)
    %add3A_407 = arith.constant 384 : i32
    %add3A_408 = arith.addi %mul3A_2, %add3A_407 : i32
    %dma_start3A_409 = arith.constant 0 : i32
    %dma_start3A_410 = arith.constant 0 : i32
    %dma_start3A_411 = arith.constant 0 : i32
    %dma_start3A_412 = tpu.memref_slice %arg8[%dma_start3A_409, %dma_start3A_410, %dma_start3A_411] : memref<3x128x64xf32, #tpu.memory_space<vmem>> -> memref<1x128x64xf32, #tpu.memory_space<vmem>>
    %dma_start3A_413 = tpu.memref_squeeze %dma_start3A_412 : memref<1x128x64xf32, #tpu.memory_space<vmem>> -> memref<128x64xf32, #tpu.memory_space<vmem>>
    %dma_start3A_414 = arith.constant 0 : i32
    %dma_start3A_415 = tpu.memref_slice %arg5[%add3A_408, %dma_start3A_414] : memref<102400x128xf32, #tpu.memory_space<hbm>> -> memref<128x64xf32, #tpu.memory_space<hbm>>
    %dma_start3A_416 = arith.constant 0 : i32
    %dma_start3A_417 = tpu.memref_slice %arg5[%add3A_408, %dma_start3A_416] : memref<102400x128xf32, #tpu.memory_space<hbm>> -> memref<128x64xf32, #tpu.memory_space<hbm>>
    %dma_start3A_418 = arith.constant 0 : i32
    %dma_start3A_419 = arith.constant 0 : i32
    %dma_start3A_420 = tpu.memref_slice %arg8[%dma_start3A_409, %dma_start3A_418, %dma_start3A_419] : memref<3x128x64xf32, #tpu.memory_space<vmem>> -> memref<1x128x64xf32, #tpu.memory_space<vmem>>
    %dma_start3A_421 = tpu.memref_squeeze %dma_start3A_420 : memref<1x128x64xf32, #tpu.memory_space<vmem>> -> memref<128x64xf32, #tpu.memory_space<vmem>>
    tpu.enqueue_dma source(%dma_start3A_421 : memref<128x64xf32, #tpu.memory_space<vmem>>) target(%dma_start3A_417 : memref<128x64xf32, #tpu.memory_space<hbm>>) target_semaphore(%arg16 : memref<!tpu.dma_semaphore, #tpu.memory_space<semaphore_mem>>)
    %dma_start3A_422 = arith.constant 0 : i32
    %dma_start3A_423 = arith.constant 0 : i32
    %dma_start3A_424 = arith.constant 0 : i32
    %dma_start3A_425 = tpu.memref_slice %arg9[%dma_start3A_422, %dma_start3A_423, %dma_start3A_424] : memref<3x128x64xf32, #tpu.memory_space<vmem>> -> memref<1x128x64xf32, #tpu.memory_space<vmem>>
    %dma_start3A_426 = tpu.memref_squeeze %dma_start3A_425 : memref<1x128x64xf32, #tpu.memory_space<vmem>> -> memref<128x64xf32, #tpu.memory_space<vmem>>
    %dma_start3A_427 = arith.constant 64 : i32
    %dma_start3A_428 = tpu.memref_slice %arg5[%add3A_408, %dma_start3A_427] : memref<102400x128xf32, #tpu.memory_space<hbm>> -> memref<128x64xf32, #tpu.memory_space<hbm>>
    %dma_start3A_429 = arith.constant 64 : i32
    %dma_start3A_430 = tpu.memref_slice %arg5[%add3A_408, %dma_start3A_429] : memref<102400x128xf32, #tpu.memory_space<hbm>> -> memref<128x64xf32, #tpu.memory_space<hbm>>
    %dma_start3A_431 = arith.constant 0 : i32
    %dma_start3A_432 = arith.constant 0 : i32
    %dma_start3A_433 = tpu.memref_slice %arg9[%dma_start3A_422, %dma_start3A_431, %dma_start3A_432] : memref<3x128x64xf32, #tpu.memory_space<vmem>> -> memref<1x128x64xf32, #tpu.memory_space<vmem>>
    %dma_start3A_434 = tpu.memref_squeeze %dma_start3A_433 : memref<1x128x64xf32, #tpu.memory_space<vmem>> -> memref<128x64xf32, #tpu.memory_space<vmem>>
    tpu.enqueue_dma source(%dma_start3A_434 : memref<128x64xf32, #tpu.memory_space<vmem>>) target(%dma_start3A_430 : memref<128x64xf32, #tpu.memory_space<hbm>>) target_semaphore(%arg19 : memref<!tpu.dma_semaphore, #tpu.memory_space<semaphore_mem>>)
    %dma_wait3A_435 = arith.constant 0 : i32
    %dma_wait3A_436 = arith.constant 0 : i32
    %dma_wait3A_437 = arith.constant 0 : i32
    %dma_wait3A_438 = tpu.memref_slice %arg8[%dma_wait3A_435, %dma_wait3A_436, %dma_wait3A_437] : memref<3x128x64xf32, #tpu.memory_space<vmem>> -> memref<1x128x64xf32, #tpu.memory_space<vmem>>
    %dma_wait3A_439 = tpu.memref_squeeze %dma_wait3A_438 : memref<1x128x64xf32, #tpu.memory_space<vmem>> -> memref<128x64xf32, #tpu.memory_space<vmem>>
    %dma_wait3A_440 = arith.constant 0 : i32
    %dma_wait3A_441 = tpu.memref_slice %arg5[%add3A_408, %dma_wait3A_440] : memref<102400x128xf32, #tpu.memory_space<hbm>> -> memref<128x64xf32, #tpu.memory_space<hbm>>
    %dma_wait3A_442 = arith.constant 0 : i32
    %dma_wait3A_443 = tpu.memref_slice %arg5[%add3A_408, %dma_wait3A_442] : memref<102400x128xf32, #tpu.memory_space<hbm>> -> memref<128x64xf32, #tpu.memory_space<hbm>>
    %dma_wait3A_444 = arith.constant 0 : i32
    %dma_wait3A_445 = arith.constant 0 : i32
    %dma_wait3A_446 = tpu.memref_slice %arg8[%dma_wait3A_435, %dma_wait3A_444, %dma_wait3A_445] : memref<3x128x64xf32, #tpu.memory_space<vmem>> -> memref<1x128x64xf32, #tpu.memory_space<vmem>>
    %dma_wait3A_447 = tpu.memref_squeeze %dma_wait3A_446 : memref<1x128x64xf32, #tpu.memory_space<vmem>> -> memref<128x64xf32, #tpu.memory_space<vmem>>
    tpu.wait_dma2 semaphore(%arg16 : memref<!tpu.dma_semaphore, #tpu.memory_space<semaphore_mem>>) src(%dma_wait3A_447 : memref<128x64xf32, #tpu.memory_space<vmem>>) dst(%dma_wait3A_443 : memref<128x64xf32, #tpu.memory_space<hbm>>)
    %dma_wait3A_448 = arith.constant 0 : i32
    %dma_wait3A_449 = arith.constant 0 : i32
    %dma_wait3A_450 = arith.constant 0 : i32
    %dma_wait3A_451 = tpu.memref_slice %arg9[%dma_wait3A_448, %dma_wait3A_449, %dma_wait3A_450] : memref<3x128x64xf32, #tpu.memory_space<vmem>> -> memref<1x128x64xf32, #tpu.memory_space<vmem>>
    %dma_wait3A_452 = tpu.memref_squeeze %dma_wait3A_451 : memref<1x128x64xf32, #tpu.memory_space<vmem>> -> memref<128x64xf32, #tpu.memory_space<vmem>>
    %dma_wait3A_453 = arith.constant 64 : i32
    %dma_wait3A_454 = tpu.memref_slice %arg5[%add3A_408, %dma_wait3A_453] : memref<102400x128xf32, #tpu.memory_space<hbm>> -> memref<128x64xf32, #tpu.memory_space<hbm>>
    %dma_wait3A_455 = arith.constant 64 : i32
    %dma_wait3A_456 = tpu.memref_slice %arg5[%add3A_408, %dma_wait3A_455] : memref<102400x128xf32, #tpu.memory_space<hbm>> -> memref<128x64xf32, #tpu.memory_space<hbm>>
    %dma_wait3A_457 = arith.constant 0 : i32
    %dma_wait3A_458 = arith.constant 0 : i32
    %dma_wait3A_459 = tpu.memref_slice %arg9[%dma_wait3A_448, %dma_wait3A_457, %dma_wait3A_458] : memref<3x128x64xf32, #tpu.memory_space<vmem>> -> memref<1x128x64xf32, #tpu.memory_space<vmem>>
    %dma_wait3A_460 = tpu.memref_squeeze %dma_wait3A_459 : memref<1x128x64xf32, #tpu.memory_space<vmem>> -> memref<128x64xf32, #tpu.memory_space<vmem>>
    tpu.wait_dma2 semaphore(%arg19 : memref<!tpu.dma_semaphore, #tpu.memory_space<semaphore_mem>>) src(%dma_wait3A_460 : memref<128x64xf32, #tpu.memory_space<vmem>>) dst(%dma_wait3A_456 : memref<128x64xf32, #tpu.memory_space<hbm>>)
    %dma_start3A_461 = arith.constant 6 : i32
    %dma_start3A_462 = arith.constant 0 : i32
    %dma_start3A_463 = arith.constant 0 : i32
    %dma_start3A_464 = arith.constant 0 : i32
    %dma_start3A_465 = tpu.memref_slice %arg8[%dma_start3A_462, %dma_start3A_463, %dma_start3A_464] : memref<3x128x64xf32, #tpu.memory_space<vmem>> -> memref<1x128x64xf32, #tpu.memory_space<vmem>>
    %dma_start3A_466 = tpu.memref_squeeze %dma_start3A_465 : memref<1x128x64xf32, #tpu.memory_space<vmem>> -> memref<128x64xf32, #tpu.memory_space<vmem>>
    %dma_start3A_467 = arith.constant 0 : i32
    %dma_start3A_468 = tpu.memref_slice %arg6[%dma_start3A_461, %dma_start3A_467] : memref<25x128xi32, #tpu.memory_space<vmem>> -> memref<1x128xi32, #tpu.memory_space<vmem>>
    %dma_start3A_469 = tpu.memref_squeeze %dma_start3A_468 : memref<1x128xi32, #tpu.memory_space<vmem>> -> memref<128xi32, #tpu.memory_space<vmem>>
    %dma_start3A_470 = arith.constant 0 : i32
    %dma_start3A_471 = arith.constant 0 : i32
    %dma_start3A_472 = tpu.memref_slice %arg2[%dma_start3A_470, %dma_start3A_471] : memref<1000000x64xf32, #tpu.memory_space<hbm>> -> memref<1000000x64xf32, #tpu.memory_space<hbm>>
    tpu.enqueue_indirect_dma source(%dma_start3A_472 : memref<1000000x64xf32, #tpu.memory_space<hbm>>) target(%dma_start3A_466 : memref<128x64xf32, #tpu.memory_space<vmem>>) offsets(%dma_start3A_469 : memref<128xi32, #tpu.memory_space<vmem>>) semaphore(%arg10 : memref<!tpu.dma_semaphore, #tpu.memory_space<semaphore_mem>>)
    %dma_start3A_473 = arith.constant 6 : i32
    %dma_start3A_474 = arith.constant 0 : i32
    %dma_start3A_475 = arith.constant 0 : i32
    %dma_start3A_476 = arith.constant 0 : i32
    %dma_start3A_477 = tpu.memref_slice %arg9[%dma_start3A_474, %dma_start3A_475, %dma_start3A_476] : memref<3x128x64xf32, #tpu.memory_space<vmem>> -> memref<1x128x64xf32, #tpu.memory_space<vmem>>
    %dma_start3A_478 = tpu.memref_squeeze %dma_start3A_477 : memref<1x128x64xf32, #tpu.memory_space<vmem>> -> memref<128x64xf32, #tpu.memory_space<vmem>>
    %dma_start3A_479 = arith.constant 0 : i32
    %dma_start3A_480 = tpu.memref_slice %arg7[%dma_start3A_473, %dma_start3A_479] : memref<25x128xi32, #tpu.memory_space<vmem>> -> memref<1x128xi32, #tpu.memory_space<vmem>>
    %dma_start3A_481 = tpu.memref_squeeze %dma_start3A_480 : memref<1x128xi32, #tpu.memory_space<vmem>> -> memref<128xi32, #tpu.memory_space<vmem>>
    %dma_start3A_482 = arith.constant 0 : i32
    %dma_start3A_483 = arith.constant 0 : i32
    %dma_start3A_484 = tpu.memref_slice %arg2[%dma_start3A_482, %dma_start3A_483] : memref<1000000x64xf32, #tpu.memory_space<hbm>> -> memref<1000000x64xf32, #tpu.memory_space<hbm>>
    tpu.enqueue_indirect_dma source(%dma_start3A_484 : memref<1000000x64xf32, #tpu.memory_space<hbm>>) target(%dma_start3A_478 : memref<128x64xf32, #tpu.memory_space<vmem>>) offsets(%dma_start3A_481 : memref<128xi32, #tpu.memory_space<vmem>>) semaphore(%arg13 : memref<!tpu.dma_semaphore, #tpu.memory_space<semaphore_mem>>)
    %dma_wait3A_485 = arith.constant 4 : i32
    %dma_wait3A_486 = arith.constant 1 : i32
    %dma_wait3A_487 = arith.constant 0 : i32
    %dma_wait3A_488 = arith.constant 0 : i32
    %dma_wait3A_489 = tpu.memref_slice %arg8[%dma_wait3A_486, %dma_wait3A_487, %dma_wait3A_488] : memref<3x128x64xf32, #tpu.memory_space<vmem>> -> memref<1x128x64xf32, #tpu.memory_space<vmem>>
    %dma_wait3A_490 = tpu.memref_squeeze %dma_wait3A_489 : memref<1x128x64xf32, #tpu.memory_space<vmem>> -> memref<128x64xf32, #tpu.memory_space<vmem>>
    %dma_wait3A_491 = arith.constant 0 : i32
    %dma_wait3A_492 = tpu.memref_slice %arg6[%dma_wait3A_485, %dma_wait3A_491] : memref<25x128xi32, #tpu.memory_space<vmem>> -> memref<1x128xi32, #tpu.memory_space<vmem>>
    %dma_wait3A_493 = tpu.memref_squeeze %dma_wait3A_492 : memref<1x128xi32, #tpu.memory_space<vmem>> -> memref<128xi32, #tpu.memory_space<vmem>>
    %dma_wait3A_494 = arith.constant 0 : i32
    %dma_wait3A_495 = arith.constant 0 : i32
    %dma_wait3A_496 = tpu.memref_slice %arg2[%dma_wait3A_494, %dma_wait3A_495] : memref<1000000x64xf32, #tpu.memory_space<hbm>> -> memref<1000000x64xf32, #tpu.memory_space<hbm>>
    tpu.wait_indirect_dma semaphore(%arg11 : memref<!tpu.dma_semaphore, #tpu.memory_space<semaphore_mem>>) src(%dma_wait3A_496 : memref<1000000x64xf32, #tpu.memory_space<hbm>>) dst(%dma_wait3A_490 : memref<128x64xf32, #tpu.memory_space<vmem>>)
    %dma_wait3A_497 = arith.constant 4 : i32
    %dma_wait3A_498 = arith.constant 1 : i32
    %dma_wait3A_499 = arith.constant 0 : i32
    %dma_wait3A_500 = arith.constant 0 : i32
    %dma_wait3A_501 = tpu.memref_slice %arg9[%dma_wait3A_498, %dma_wait3A_499, %dma_wait3A_500] : memref<3x128x64xf32, #tpu.memory_space<vmem>> -> memref<1x128x64xf32, #tpu.memory_space<vmem>>
    %dma_wait3A_502 = tpu.memref_squeeze %dma_wait3A_501 : memref<1x128x64xf32, #tpu.memory_space<vmem>> -> memref<128x64xf32, #tpu.memory_space<vmem>>
    %dma_wait3A_503 = arith.constant 0 : i32
    %dma_wait3A_504 = tpu.memref_slice %arg7[%dma_wait3A_497, %dma_wait3A_503] : memref<25x128xi32, #tpu.memory_space<vmem>> -> memref<1x128xi32, #tpu.memory_space<vmem>>
    %dma_wait3A_505 = tpu.memref_squeeze %dma_wait3A_504 : memref<1x128xi32, #tpu.memory_space<vmem>> -> memref<128xi32, #tpu.memory_space<vmem>>
    %dma_wait3A_506 = arith.constant 0 : i32
    %dma_wait3A_507 = arith.constant 0 : i32
    %dma_wait3A_508 = tpu.memref_slice %arg2[%dma_wait3A_506, %dma_wait3A_507] : memref<1000000x64xf32, #tpu.memory_space<hbm>> -> memref<1000000x64xf32, #tpu.memory_space<hbm>>
    tpu.wait_indirect_dma semaphore(%arg14 : memref<!tpu.dma_semaphore, #tpu.memory_space<semaphore_mem>>) src(%dma_wait3A_508 : memref<1000000x64xf32, #tpu.memory_space<hbm>>) dst(%dma_wait3A_502 : memref<128x64xf32, #tpu.memory_space<vmem>>)
    %add3A_509 = arith.constant 512 : i32
    %add3A_510 = arith.addi %mul3A_2, %add3A_509 : i32
    %dma_start3A_511 = arith.constant 1 : i32
    %dma_start3A_512 = arith.constant 0 : i32
    %dma_start3A_513 = arith.constant 0 : i32
    %dma_start3A_514 = tpu.memref_slice %arg8[%dma_start3A_511, %dma_start3A_512, %dma_start3A_513] : memref<3x128x64xf32, #tpu.memory_space<vmem>> -> memref<1x128x64xf32, #tpu.memory_space<vmem>>
    %dma_start3A_515 = tpu.memref_squeeze %dma_start3A_514 : memref<1x128x64xf32, #tpu.memory_space<vmem>> -> memref<128x64xf32, #tpu.memory_space<vmem>>
    %dma_start3A_516 = arith.constant 0 : i32
    %dma_start3A_517 = tpu.memref_slice %arg5[%add3A_510, %dma_start3A_516] : memref<102400x128xf32, #tpu.memory_space<hbm>> -> memref<128x64xf32, #tpu.memory_space<hbm>>
    %dma_start3A_518 = arith.constant 0 : i32
    %dma_start3A_519 = tpu.memref_slice %arg5[%add3A_510, %dma_start3A_518] : memref<102400x128xf32, #tpu.memory_space<hbm>> -> memref<128x64xf32, #tpu.memory_space<hbm>>
    %dma_start3A_520 = arith.constant 0 : i32
    %dma_start3A_521 = arith.constant 0 : i32
    %dma_start3A_522 = tpu.memref_slice %arg8[%dma_start3A_511, %dma_start3A_520, %dma_start3A_521] : memref<3x128x64xf32, #tpu.memory_space<vmem>> -> memref<1x128x64xf32, #tpu.memory_space<vmem>>
    %dma_start3A_523 = tpu.memref_squeeze %dma_start3A_522 : memref<1x128x64xf32, #tpu.memory_space<vmem>> -> memref<128x64xf32, #tpu.memory_space<vmem>>
    tpu.enqueue_dma source(%dma_start3A_523 : memref<128x64xf32, #tpu.memory_space<vmem>>) target(%dma_start3A_519 : memref<128x64xf32, #tpu.memory_space<hbm>>) target_semaphore(%arg17 : memref<!tpu.dma_semaphore, #tpu.memory_space<semaphore_mem>>)
    %dma_start3A_524 = arith.constant 1 : i32
    %dma_start3A_525 = arith.constant 0 : i32
    %dma_start3A_526 = arith.constant 0 : i32
    %dma_start3A_527 = tpu.memref_slice %arg9[%dma_start3A_524, %dma_start3A_525, %dma_start3A_526] : memref<3x128x64xf32, #tpu.memory_space<vmem>> -> memref<1x128x64xf32, #tpu.memory_space<vmem>>
    %dma_start3A_528 = tpu.memref_squeeze %dma_start3A_527 : memref<1x128x64xf32, #tpu.memory_space<vmem>> -> memref<128x64xf32, #tpu.memory_space<vmem>>
    %dma_start3A_529 = arith.constant 64 : i32
    %dma_start3A_530 = tpu.memref_slice %arg5[%add3A_510, %dma_start3A_529] : memref<102400x128xf32, #tpu.memory_space<hbm>> -> memref<128x64xf32, #tpu.memory_space<hbm>>
    %dma_start3A_531 = arith.constant 64 : i32
    %dma_start3A_532 = tpu.memref_slice %arg5[%add3A_510, %dma_start3A_531] : memref<102400x128xf32, #tpu.memory_space<hbm>> -> memref<128x64xf32, #tpu.memory_space<hbm>>
    %dma_start3A_533 = arith.constant 0 : i32
    %dma_start3A_534 = arith.constant 0 : i32
    %dma_start3A_535 = tpu.memref_slice %arg9[%dma_start3A_524, %dma_start3A_533, %dma_start3A_534] : memref<3x128x64xf32, #tpu.memory_space<vmem>> -> memref<1x128x64xf32, #tpu.memory_space<vmem>>
    %dma_start3A_536 = tpu.memref_squeeze %dma_start3A_535 : memref<1x128x64xf32, #tpu.memory_space<vmem>> -> memref<128x64xf32, #tpu.memory_space<vmem>>
    tpu.enqueue_dma source(%dma_start3A_536 : memref<128x64xf32, #tpu.memory_space<vmem>>) target(%dma_start3A_532 : memref<128x64xf32, #tpu.memory_space<hbm>>) target_semaphore(%arg20 : memref<!tpu.dma_semaphore, #tpu.memory_space<semaphore_mem>>)
    %dma_wait3A_537 = arith.constant 1 : i32
    %dma_wait3A_538 = arith.constant 0 : i32
    %dma_wait3A_539 = arith.constant 0 : i32
    %dma_wait3A_540 = tpu.memref_slice %arg8[%dma_wait3A_537, %dma_wait3A_538, %dma_wait3A_539] : memref<3x128x64xf32, #tpu.memory_space<vmem>> -> memref<1x128x64xf32, #tpu.memory_space<vmem>>
    %dma_wait3A_541 = tpu.memref_squeeze %dma_wait3A_540 : memref<1x128x64xf32, #tpu.memory_space<vmem>> -> memref<128x64xf32, #tpu.memory_space<vmem>>
    %dma_wait3A_542 = arith.constant 0 : i32
    %dma_wait3A_543 = tpu.memref_slice %arg5[%add3A_510, %dma_wait3A_542] : memref<102400x128xf32, #tpu.memory_space<hbm>> -> memref<128x64xf32, #tpu.memory_space<hbm>>
    %dma_wait3A_544 = arith.constant 0 : i32
    %dma_wait3A_545 = tpu.memref_slice %arg5[%add3A_510, %dma_wait3A_544] : memref<102400x128xf32, #tpu.memory_space<hbm>> -> memref<128x64xf32, #tpu.memory_space<hbm>>
    %dma_wait3A_546 = arith.constant 0 : i32
    %dma_wait3A_547 = arith.constant 0 : i32
    %dma_wait3A_548 = tpu.memref_slice %arg8[%dma_wait3A_537, %dma_wait3A_546, %dma_wait3A_547] : memref<3x128x64xf32, #tpu.memory_space<vmem>> -> memref<1x128x64xf32, #tpu.memory_space<vmem>>
    %dma_wait3A_549 = tpu.memref_squeeze %dma_wait3A_548 : memref<1x128x64xf32, #tpu.memory_space<vmem>> -> memref<128x64xf32, #tpu.memory_space<vmem>>
    tpu.wait_dma2 semaphore(%arg17 : memref<!tpu.dma_semaphore, #tpu.memory_space<semaphore_mem>>) src(%dma_wait3A_549 : memref<128x64xf32, #tpu.memory_space<vmem>>) dst(%dma_wait3A_545 : memref<128x64xf32, #tpu.memory_space<hbm>>)
    %dma_wait3A_550 = arith.constant 1 : i32
    %dma_wait3A_551 = arith.constant 0 : i32
    %dma_wait3A_552 = arith.constant 0 : i32
    %dma_wait3A_553 = tpu.memref_slice %arg9[%dma_wait3A_550, %dma_wait3A_551, %dma_wait3A_552] : memref<3x128x64xf32, #tpu.memory_space<vmem>> -> memref<1x128x64xf32, #tpu.memory_space<vmem>>
    %dma_wait3A_554 = tpu.memref_squeeze %dma_wait3A_553 : memref<1x128x64xf32, #tpu.memory_space<vmem>> -> memref<128x64xf32, #tpu.memory_space<vmem>>
    %dma_wait3A_555 = arith.constant 64 : i32
    %dma_wait3A_556 = tpu.memref_slice %arg5[%add3A_510, %dma_wait3A_555] : memref<102400x128xf32, #tpu.memory_space<hbm>> -> memref<128x64xf32, #tpu.memory_space<hbm>>
    %dma_wait3A_557 = arith.constant 64 : i32
    %dma_wait3A_558 = tpu.memref_slice %arg5[%add3A_510, %dma_wait3A_557] : memref<102400x128xf32, #tpu.memory_space<hbm>> -> memref<128x64xf32, #tpu.memory_space<hbm>>
    %dma_wait3A_559 = arith.constant 0 : i32
    %dma_wait3A_560 = arith.constant 0 : i32
    %dma_wait3A_561 = tpu.memref_slice %arg9[%dma_wait3A_550, %dma_wait3A_559, %dma_wait3A_560] : memref<3x128x64xf32, #tpu.memory_space<vmem>> -> memref<1x128x64xf32, #tpu.memory_space<vmem>>
    %dma_wait3A_562 = tpu.memref_squeeze %dma_wait3A_561 : memref<1x128x64xf32, #tpu.memory_space<vmem>> -> memref<128x64xf32, #tpu.memory_space<vmem>>
    tpu.wait_dma2 semaphore(%arg20 : memref<!tpu.dma_semaphore, #tpu.memory_space<semaphore_mem>>) src(%dma_wait3A_562 : memref<128x64xf32, #tpu.memory_space<vmem>>) dst(%dma_wait3A_558 : memref<128x64xf32, #tpu.memory_space<hbm>>)
    %dma_start3A_563 = arith.constant 7 : i32
    %dma_start3A_564 = arith.constant 1 : i32
    %dma_start3A_565 = arith.constant 0 : i32
    %dma_start3A_566 = arith.constant 0 : i32
    %dma_start3A_567 = tpu.memref_slice %arg8[%dma_start3A_564, %dma_start3A_565, %dma_start3A_566] : memref<3x128x64xf32, #tpu.memory_space<vmem>> -> memref<1x128x64xf32, #tpu.memory_space<vmem>>
    %dma_start3A_568 = tpu.memref_squeeze %dma_start3A_567 : memref<1x128x64xf32, #tpu.memory_space<vmem>> -> memref<128x64xf32, #tpu.memory_space<vmem>>
    %dma_start3A_569 = arith.constant 0 : i32
    %dma_start3A_570 = tpu.memref_slice %arg6[%dma_start3A_563, %dma_start3A_569] : memref<25x128xi32, #tpu.memory_space<vmem>> -> memref<1x128xi32, #tpu.memory_space<vmem>>
    %dma_start3A_571 = tpu.memref_squeeze %dma_start3A_570 : memref<1x128xi32, #tpu.memory_space<vmem>> -> memref<128xi32, #tpu.memory_space<vmem>>
    %dma_start3A_572 = arith.constant 0 : i32
    %dma_start3A_573 = arith.constant 0 : i32
    %dma_start3A_574 = tpu.memref_slice %arg2[%dma_start3A_572, %dma_start3A_573] : memref<1000000x64xf32, #tpu.memory_space<hbm>> -> memref<1000000x64xf32, #tpu.memory_space<hbm>>
    tpu.enqueue_indirect_dma source(%dma_start3A_574 : memref<1000000x64xf32, #tpu.memory_space<hbm>>) target(%dma_start3A_568 : memref<128x64xf32, #tpu.memory_space<vmem>>) offsets(%dma_start3A_571 : memref<128xi32, #tpu.memory_space<vmem>>) semaphore(%arg11 : memref<!tpu.dma_semaphore, #tpu.memory_space<semaphore_mem>>)
    %dma_start3A_575 = arith.constant 7 : i32
    %dma_start3A_576 = arith.constant 1 : i32
    %dma_start3A_577 = arith.constant 0 : i32
    %dma_start3A_578 = arith.constant 0 : i32
    %dma_start3A_579 = tpu.memref_slice %arg9[%dma_start3A_576, %dma_start3A_577, %dma_start3A_578] : memref<3x128x64xf32, #tpu.memory_space<vmem>> -> memref<1x128x64xf32, #tpu.memory_space<vmem>>
    %dma_start3A_580 = tpu.memref_squeeze %dma_start3A_579 : memref<1x128x64xf32, #tpu.memory_space<vmem>> -> memref<128x64xf32, #tpu.memory_space<vmem>>
    %dma_start3A_581 = arith.constant 0 : i32
    %dma_start3A_582 = tpu.memref_slice %arg7[%dma_start3A_575, %dma_start3A_581] : memref<25x128xi32, #tpu.memory_space<vmem>> -> memref<1x128xi32, #tpu.memory_space<vmem>>
    %dma_start3A_583 = tpu.memref_squeeze %dma_start3A_582 : memref<1x128xi32, #tpu.memory_space<vmem>> -> memref<128xi32, #tpu.memory_space<vmem>>
    %dma_start3A_584 = arith.constant 0 : i32
    %dma_start3A_585 = arith.constant 0 : i32
    %dma_start3A_586 = tpu.memref_slice %arg2[%dma_start3A_584, %dma_start3A_585] : memref<1000000x64xf32, #tpu.memory_space<hbm>> -> memref<1000000x64xf32, #tpu.memory_space<hbm>>
    tpu.enqueue_indirect_dma source(%dma_start3A_586 : memref<1000000x64xf32, #tpu.memory_space<hbm>>) target(%dma_start3A_580 : memref<128x64xf32, #tpu.memory_space<vmem>>) offsets(%dma_start3A_583 : memref<128xi32, #tpu.memory_space<vmem>>) semaphore(%arg14 : memref<!tpu.dma_semaphore, #tpu.memory_space<semaphore_mem>>)
    %dma_wait3A_587 = arith.constant 5 : i32
    %dma_wait3A_588 = arith.constant 2 : i32
    %dma_wait3A_589 = arith.constant 0 : i32
    %dma_wait3A_590 = arith.constant 0 : i32
    %dma_wait3A_591 = tpu.memref_slice %arg8[%dma_wait3A_588, %dma_wait3A_589, %dma_wait3A_590] : memref<3x128x64xf32, #tpu.memory_space<vmem>> -> memref<1x128x64xf32, #tpu.memory_space<vmem>>
    %dma_wait3A_592 = tpu.memref_squeeze %dma_wait3A_591 : memref<1x128x64xf32, #tpu.memory_space<vmem>> -> memref<128x64xf32, #tpu.memory_space<vmem>>
    %dma_wait3A_593 = arith.constant 0 : i32
    %dma_wait3A_594 = tpu.memref_slice %arg6[%dma_wait3A_587, %dma_wait3A_593] : memref<25x128xi32, #tpu.memory_space<vmem>> -> memref<1x128xi32, #tpu.memory_space<vmem>>
    %dma_wait3A_595 = tpu.memref_squeeze %dma_wait3A_594 : memref<1x128xi32, #tpu.memory_space<vmem>> -> memref<128xi32, #tpu.memory_space<vmem>>
    %dma_wait3A_596 = arith.constant 0 : i32
    %dma_wait3A_597 = arith.constant 0 : i32
    %dma_wait3A_598 = tpu.memref_slice %arg2[%dma_wait3A_596, %dma_wait3A_597] : memref<1000000x64xf32, #tpu.memory_space<hbm>> -> memref<1000000x64xf32, #tpu.memory_space<hbm>>
    tpu.wait_indirect_dma semaphore(%arg12 : memref<!tpu.dma_semaphore, #tpu.memory_space<semaphore_mem>>) src(%dma_wait3A_598 : memref<1000000x64xf32, #tpu.memory_space<hbm>>) dst(%dma_wait3A_592 : memref<128x64xf32, #tpu.memory_space<vmem>>)
    %dma_wait3A_599 = arith.constant 5 : i32
    %dma_wait3A_600 = arith.constant 2 : i32
    %dma_wait3A_601 = arith.constant 0 : i32
    %dma_wait3A_602 = arith.constant 0 : i32
    %dma_wait3A_603 = tpu.memref_slice %arg9[%dma_wait3A_600, %dma_wait3A_601, %dma_wait3A_602] : memref<3x128x64xf32, #tpu.memory_space<vmem>> -> memref<1x128x64xf32, #tpu.memory_space<vmem>>
    %dma_wait3A_604 = tpu.memref_squeeze %dma_wait3A_603 : memref<1x128x64xf32, #tpu.memory_space<vmem>> -> memref<128x64xf32, #tpu.memory_space<vmem>>
    %dma_wait3A_605 = arith.constant 0 : i32
    %dma_wait3A_606 = tpu.memref_slice %arg7[%dma_wait3A_599, %dma_wait3A_605] : memref<25x128xi32, #tpu.memory_space<vmem>> -> memref<1x128xi32, #tpu.memory_space<vmem>>
    %dma_wait3A_607 = tpu.memref_squeeze %dma_wait3A_606 : memref<1x128xi32, #tpu.memory_space<vmem>> -> memref<128xi32, #tpu.memory_space<vmem>>
    %dma_wait3A_608 = arith.constant 0 : i32
    %dma_wait3A_609 = arith.constant 0 : i32
    %dma_wait3A_610 = tpu.memref_slice %arg2[%dma_wait3A_608, %dma_wait3A_609] : memref<1000000x64xf32, #tpu.memory_space<hbm>> -> memref<1000000x64xf32, #tpu.memory_space<hbm>>
    tpu.wait_indirect_dma semaphore(%arg15 : memref<!tpu.dma_semaphore, #tpu.memory_space<semaphore_mem>>) src(%dma_wait3A_610 : memref<1000000x64xf32, #tpu.memory_space<hbm>>) dst(%dma_wait3A_604 : memref<128x64xf32, #tpu.memory_space<vmem>>)
    %add3A_611 = arith.constant 640 : i32
    %add3A_612 = arith.addi %mul3A_2, %add3A_611 : i32
    %dma_start3A_613 = arith.constant 2 : i32
    %dma_start3A_614 = arith.constant 0 : i32
    %dma_start3A_615 = arith.constant 0 : i32
    %dma_start3A_616 = tpu.memref_slice %arg8[%dma_start3A_613, %dma_start3A_614, %dma_start3A_615] : memref<3x128x64xf32, #tpu.memory_space<vmem>> -> memref<1x128x64xf32, #tpu.memory_space<vmem>>
    %dma_start3A_617 = tpu.memref_squeeze %dma_start3A_616 : memref<1x128x64xf32, #tpu.memory_space<vmem>> -> memref<128x64xf32, #tpu.memory_space<vmem>>
    %dma_start3A_618 = arith.constant 0 : i32
    %dma_start3A_619 = tpu.memref_slice %arg5[%add3A_612, %dma_start3A_618] : memref<102400x128xf32, #tpu.memory_space<hbm>> -> memref<128x64xf32, #tpu.memory_space<hbm>>
    %dma_start3A_620 = arith.constant 0 : i32
    %dma_start3A_621 = tpu.memref_slice %arg5[%add3A_612, %dma_start3A_620] : memref<102400x128xf32, #tpu.memory_space<hbm>> -> memref<128x64xf32, #tpu.memory_space<hbm>>
    %dma_start3A_622 = arith.constant 0 : i32
    %dma_start3A_623 = arith.constant 0 : i32
    %dma_start3A_624 = tpu.memref_slice %arg8[%dma_start3A_613, %dma_start3A_622, %dma_start3A_623] : memref<3x128x64xf32, #tpu.memory_space<vmem>> -> memref<1x128x64xf32, #tpu.memory_space<vmem>>
    %dma_start3A_625 = tpu.memref_squeeze %dma_start3A_624 : memref<1x128x64xf32, #tpu.memory_space<vmem>> -> memref<128x64xf32, #tpu.memory_space<vmem>>
    tpu.enqueue_dma source(%dma_start3A_625 : memref<128x64xf32, #tpu.memory_space<vmem>>) target(%dma_start3A_621 : memref<128x64xf32, #tpu.memory_space<hbm>>) target_semaphore(%arg18 : memref<!tpu.dma_semaphore, #tpu.memory_space<semaphore_mem>>)
    %dma_start3A_626 = arith.constant 2 : i32
    %dma_start3A_627 = arith.constant 0 : i32
    %dma_start3A_628 = arith.constant 0 : i32
    %dma_start3A_629 = tpu.memref_slice %arg9[%dma_start3A_626, %dma_start3A_627, %dma_start3A_628] : memref<3x128x64xf32, #tpu.memory_space<vmem>> -> memref<1x128x64xf32, #tpu.memory_space<vmem>>
    %dma_start3A_630 = tpu.memref_squeeze %dma_start3A_629 : memref<1x128x64xf32, #tpu.memory_space<vmem>> -> memref<128x64xf32, #tpu.memory_space<vmem>>
    %dma_start3A_631 = arith.constant 64 : i32
    %dma_start3A_632 = tpu.memref_slice %arg5[%add3A_612, %dma_start3A_631] : memref<102400x128xf32, #tpu.memory_space<hbm>> -> memref<128x64xf32, #tpu.memory_space<hbm>>
    %dma_start3A_633 = arith.constant 64 : i32
    %dma_start3A_634 = tpu.memref_slice %arg5[%add3A_612, %dma_start3A_633] : memref<102400x128xf32, #tpu.memory_space<hbm>> -> memref<128x64xf32, #tpu.memory_space<hbm>>
    %dma_start3A_635 = arith.constant 0 : i32
    %dma_start3A_636 = arith.constant 0 : i32
    %dma_start3A_637 = tpu.memref_slice %arg9[%dma_start3A_626, %dma_start3A_635, %dma_start3A_636] : memref<3x128x64xf32, #tpu.memory_space<vmem>> -> memref<1x128x64xf32, #tpu.memory_space<vmem>>
    %dma_start3A_638 = tpu.memref_squeeze %dma_start3A_637 : memref<1x128x64xf32, #tpu.memory_space<vmem>> -> memref<128x64xf32, #tpu.memory_space<vmem>>
    tpu.enqueue_dma source(%dma_start3A_638 : memref<128x64xf32, #tpu.memory_space<vmem>>) target(%dma_start3A_634 : memref<128x64xf32, #tpu.memory_space<hbm>>) target_semaphore(%arg21 : memref<!tpu.dma_semaphore, #tpu.memory_space<semaphore_mem>>)
    %dma_wait3A_639 = arith.constant 2 : i32
    %dma_wait3A_640 = arith.constant 0 : i32
    %dma_wait3A_641 = arith.constant 0 : i32
    %dma_wait3A_642 = tpu.memref_slice %arg8[%dma_wait3A_639, %dma_wait3A_640, %dma_wait3A_641] : memref<3x128x64xf32, #tpu.memory_space<vmem>> -> memref<1x128x64xf32, #tpu.memory_space<vmem>>
    %dma_wait3A_643 = tpu.memref_squeeze %dma_wait3A_642 : memref<1x128x64xf32, #tpu.memory_space<vmem>> -> memref<128x64xf32, #tpu.memory_space<vmem>>
    %dma_wait3A_644 = arith.constant 0 : i32
    %dma_wait3A_645 = tpu.memref_slice %arg5[%add3A_612, %dma_wait3A_644] : memref<102400x128xf32, #tpu.memory_space<hbm>> -> memref<128x64xf32, #tpu.memory_space<hbm>>
    %dma_wait3A_646 = arith.constant 0 : i32
    %dma_wait3A_647 = tpu.memref_slice %arg5[%add3A_612, %dma_wait3A_646] : memref<102400x128xf32, #tpu.memory_space<hbm>> -> memref<128x64xf32, #tpu.memory_space<hbm>>
    %dma_wait3A_648 = arith.constant 0 : i32
    %dma_wait3A_649 = arith.constant 0 : i32
    %dma_wait3A_650 = tpu.memref_slice %arg8[%dma_wait3A_639, %dma_wait3A_648, %dma_wait3A_649] : memref<3x128x64xf32, #tpu.memory_space<vmem>> -> memref<1x128x64xf32, #tpu.memory_space<vmem>>
    %dma_wait3A_651 = tpu.memref_squeeze %dma_wait3A_650 : memref<1x128x64xf32, #tpu.memory_space<vmem>> -> memref<128x64xf32, #tpu.memory_space<vmem>>
    tpu.wait_dma2 semaphore(%arg18 : memref<!tpu.dma_semaphore, #tpu.memory_space<semaphore_mem>>) src(%dma_wait3A_651 : memref<128x64xf32, #tpu.memory_space<vmem>>) dst(%dma_wait3A_647 : memref<128x64xf32, #tpu.memory_space<hbm>>)
    %dma_wait3A_652 = arith.constant 2 : i32
    %dma_wait3A_653 = arith.constant 0 : i32
    %dma_wait3A_654 = arith.constant 0 : i32
    %dma_wait3A_655 = tpu.memref_slice %arg9[%dma_wait3A_652, %dma_wait3A_653, %dma_wait3A_654] : memref<3x128x64xf32, #tpu.memory_space<vmem>> -> memref<1x128x64xf32, #tpu.memory_space<vmem>>
    %dma_wait3A_656 = tpu.memref_squeeze %dma_wait3A_655 : memref<1x128x64xf32, #tpu.memory_space<vmem>> -> memref<128x64xf32, #tpu.memory_space<vmem>>
    %dma_wait3A_657 = arith.constant 64 : i32
    %dma_wait3A_658 = tpu.memref_slice %arg5[%add3A_612, %dma_wait3A_657] : memref<102400x128xf32, #tpu.memory_space<hbm>> -> memref<128x64xf32, #tpu.memory_space<hbm>>
    %dma_wait3A_659 = arith.constant 64 : i32
    %dma_wait3A_660 = tpu.memref_slice %arg5[%add3A_612, %dma_wait3A_659] : memref<102400x128xf32, #tpu.memory_space<hbm>> -> memref<128x64xf32, #tpu.memory_space<hbm>>
    %dma_wait3A_661 = arith.constant 0 : i32
    %dma_wait3A_662 = arith.constant 0 : i32
    %dma_wait3A_663 = tpu.memref_slice %arg9[%dma_wait3A_652, %dma_wait3A_661, %dma_wait3A_662] : memref<3x128x64xf32, #tpu.memory_space<vmem>> -> memref<1x128x64xf32, #tpu.memory_space<vmem>>
    %dma_wait3A_664 = tpu.memref_squeeze %dma_wait3A_663 : memref<1x128x64xf32, #tpu.memory_space<vmem>> -> memref<128x64xf32, #tpu.memory_space<vmem>>
    tpu.wait_dma2 semaphore(%arg21 : memref<!tpu.dma_semaphore, #tpu.memory_space<semaphore_mem>>) src(%dma_wait3A_664 : memref<128x64xf32, #tpu.memory_space<vmem>>) dst(%dma_wait3A_660 : memref<128x64xf32, #tpu.memory_space<hbm>>)
    %dma_start3A_665 = arith.constant 8 : i32
    %dma_start3A_666 = arith.constant 2 : i32
    %dma_start3A_667 = arith.constant 0 : i32
    %dma_start3A_668 = arith.constant 0 : i32
    %dma_start3A_669 = tpu.memref_slice %arg8[%dma_start3A_666, %dma_start3A_667, %dma_start3A_668] : memref<3x128x64xf32, #tpu.memory_space<vmem>> -> memref<1x128x64xf32, #tpu.memory_space<vmem>>
    %dma_start3A_670 = tpu.memref_squeeze %dma_start3A_669 : memref<1x128x64xf32, #tpu.memory_space<vmem>> -> memref<128x64xf32, #tpu.memory_space<vmem>>
    %dma_start3A_671 = arith.constant 0 : i32
    %dma_start3A_672 = tpu.memref_slice %arg6[%dma_start3A_665, %dma_start3A_671] : memref<25x128xi32, #tpu.memory_space<vmem>> -> memref<1x128xi32, #tpu.memory_space<vmem>>
    %dma_start3A_673 = tpu.memref_squeeze %dma_start3A_672 : memref<1x128xi32, #tpu.memory_space<vmem>> -> memref<128xi32, #tpu.memory_space<vmem>>
    %dma_start3A_674 = arith.constant 0 : i32
    %dma_start3A_675 = arith.constant 0 : i32
    %dma_start3A_676 = tpu.memref_slice %arg2[%dma_start3A_674, %dma_start3A_675] : memref<1000000x64xf32, #tpu.memory_space<hbm>> -> memref<1000000x64xf32, #tpu.memory_space<hbm>>
    tpu.enqueue_indirect_dma source(%dma_start3A_676 : memref<1000000x64xf32, #tpu.memory_space<hbm>>) target(%dma_start3A_670 : memref<128x64xf32, #tpu.memory_space<vmem>>) offsets(%dma_start3A_673 : memref<128xi32, #tpu.memory_space<vmem>>) semaphore(%arg12 : memref<!tpu.dma_semaphore, #tpu.memory_space<semaphore_mem>>)
    %dma_start3A_677 = arith.constant 8 : i32
    %dma_start3A_678 = arith.constant 2 : i32
    %dma_start3A_679 = arith.constant 0 : i32
    %dma_start3A_680 = arith.constant 0 : i32
    %dma_start3A_681 = tpu.memref_slice %arg9[%dma_start3A_678, %dma_start3A_679, %dma_start3A_680] : memref<3x128x64xf32, #tpu.memory_space<vmem>> -> memref<1x128x64xf32, #tpu.memory_space<vmem>>
    %dma_start3A_682 = tpu.memref_squeeze %dma_start3A_681 : memref<1x128x64xf32, #tpu.memory_space<vmem>> -> memref<128x64xf32, #tpu.memory_space<vmem>>
    %dma_start3A_683 = arith.constant 0 : i32
    %dma_start3A_684 = tpu.memref_slice %arg7[%dma_start3A_677, %dma_start3A_683] : memref<25x128xi32, #tpu.memory_space<vmem>> -> memref<1x128xi32, #tpu.memory_space<vmem>>
    %dma_start3A_685 = tpu.memref_squeeze %dma_start3A_684 : memref<1x128xi32, #tpu.memory_space<vmem>> -> memref<128xi32, #tpu.memory_space<vmem>>
    %dma_start3A_686 = arith.constant 0 : i32
    %dma_start3A_687 = arith.constant 0 : i32
    %dma_start3A_688 = tpu.memref_slice %arg2[%dma_start3A_686, %dma_start3A_687] : memref<1000000x64xf32, #tpu.memory_space<hbm>> -> memref<1000000x64xf32, #tpu.memory_space<hbm>>
    tpu.enqueue_indirect_dma source(%dma_start3A_688 : memref<1000000x64xf32, #tpu.memory_space<hbm>>) target(%dma_start3A_682 : memref<128x64xf32, #tpu.memory_space<vmem>>) offsets(%dma_start3A_685 : memref<128xi32, #tpu.memory_space<vmem>>) semaphore(%arg15 : memref<!tpu.dma_semaphore, #tpu.memory_space<semaphore_mem>>)
    %dma_wait3A_689 = arith.constant 6 : i32
    %dma_wait3A_690 = arith.constant 0 : i32
    %dma_wait3A_691 = arith.constant 0 : i32
    %dma_wait3A_692 = arith.constant 0 : i32
    %dma_wait3A_693 = tpu.memref_slice %arg8[%dma_wait3A_690, %dma_wait3A_691, %dma_wait3A_692] : memref<3x128x64xf32, #tpu.memory_space<vmem>> -> memref<1x128x64xf32, #tpu.memory_space<vmem>>
    %dma_wait3A_694 = tpu.memref_squeeze %dma_wait3A_693 : memref<1x128x64xf32, #tpu.memory_space<vmem>> -> memref<128x64xf32, #tpu.memory_space<vmem>>
    %dma_wait3A_695 = arith.constant 0 : i32
    %dma_wait3A_696 = tpu.memref_slice %arg6[%dma_wait3A_689, %dma_wait3A_695] : memref<25x128xi32, #tpu.memory_space<vmem>> -> memref<1x128xi32, #tpu.memory_space<vmem>>
    %dma_wait3A_697 = tpu.memref_squeeze %dma_wait3A_696 : memref<1x128xi32, #tpu.memory_space<vmem>> -> memref<128xi32, #tpu.memory_space<vmem>>
    %dma_wait3A_698 = arith.constant 0 : i32
    %dma_wait3A_699 = arith.constant 0 : i32
    %dma_wait3A_700 = tpu.memref_slice %arg2[%dma_wait3A_698, %dma_wait3A_699] : memref<1000000x64xf32, #tpu.memory_space<hbm>> -> memref<1000000x64xf32, #tpu.memory_space<hbm>>
    tpu.wait_indirect_dma semaphore(%arg10 : memref<!tpu.dma_semaphore, #tpu.memory_space<semaphore_mem>>) src(%dma_wait3A_700 : memref<1000000x64xf32, #tpu.memory_space<hbm>>) dst(%dma_wait3A_694 : memref<128x64xf32, #tpu.memory_space<vmem>>)
    %dma_wait3A_701 = arith.constant 6 : i32
    %dma_wait3A_702 = arith.constant 0 : i32
    %dma_wait3A_703 = arith.constant 0 : i32
    %dma_wait3A_704 = arith.constant 0 : i32
    %dma_wait3A_705 = tpu.memref_slice %arg9[%dma_wait3A_702, %dma_wait3A_703, %dma_wait3A_704] : memref<3x128x64xf32, #tpu.memory_space<vmem>> -> memref<1x128x64xf32, #tpu.memory_space<vmem>>
    %dma_wait3A_706 = tpu.memref_squeeze %dma_wait3A_705 : memref<1x128x64xf32, #tpu.memory_space<vmem>> -> memref<128x64xf32, #tpu.memory_space<vmem>>
    %dma_wait3A_707 = arith.constant 0 : i32
    %dma_wait3A_708 = tpu.memref_slice %arg7[%dma_wait3A_701, %dma_wait3A_707] : memref<25x128xi32, #tpu.memory_space<vmem>> -> memref<1x128xi32, #tpu.memory_space<vmem>>
    %dma_wait3A_709 = tpu.memref_squeeze %dma_wait3A_708 : memref<1x128xi32, #tpu.memory_space<vmem>> -> memref<128xi32, #tpu.memory_space<vmem>>
    %dma_wait3A_710 = arith.constant 0 : i32
    %dma_wait3A_711 = arith.constant 0 : i32
    %dma_wait3A_712 = tpu.memref_slice %arg2[%dma_wait3A_710, %dma_wait3A_711] : memref<1000000x64xf32, #tpu.memory_space<hbm>> -> memref<1000000x64xf32, #tpu.memory_space<hbm>>
    tpu.wait_indirect_dma semaphore(%arg13 : memref<!tpu.dma_semaphore, #tpu.memory_space<semaphore_mem>>) src(%dma_wait3A_712 : memref<1000000x64xf32, #tpu.memory_space<hbm>>) dst(%dma_wait3A_706 : memref<128x64xf32, #tpu.memory_space<vmem>>)
    %add3A_713 = arith.constant 768 : i32
    %add3A_714 = arith.addi %mul3A_2, %add3A_713 : i32
    %dma_start3A_715 = arith.constant 0 : i32
    %dma_start3A_716 = arith.constant 0 : i32
    %dma_start3A_717 = arith.constant 0 : i32
    %dma_start3A_718 = tpu.memref_slice %arg8[%dma_start3A_715, %dma_start3A_716, %dma_start3A_717] : memref<3x128x64xf32, #tpu.memory_space<vmem>> -> memref<1x128x64xf32, #tpu.memory_space<vmem>>
    %dma_start3A_719 = tpu.memref_squeeze %dma_start3A_718 : memref<1x128x64xf32, #tpu.memory_space<vmem>> -> memref<128x64xf32, #tpu.memory_space<vmem>>
    %dma_start3A_720 = arith.constant 0 : i32
    %dma_start3A_721 = tpu.memref_slice %arg5[%add3A_714, %dma_start3A_720] : memref<102400x128xf32, #tpu.memory_space<hbm>> -> memref<128x64xf32, #tpu.memory_space<hbm>>
    %dma_start3A_722 = arith.constant 0 : i32
    %dma_start3A_723 = tpu.memref_slice %arg5[%add3A_714, %dma_start3A_722] : memref<102400x128xf32, #tpu.memory_space<hbm>> -> memref<128x64xf32, #tpu.memory_space<hbm>>
    %dma_start3A_724 = arith.constant 0 : i32
    %dma_start3A_725 = arith.constant 0 : i32
    %dma_start3A_726 = tpu.memref_slice %arg8[%dma_start3A_715, %dma_start3A_724, %dma_start3A_725] : memref<3x128x64xf32, #tpu.memory_space<vmem>> -> memref<1x128x64xf32, #tpu.memory_space<vmem>>
    %dma_start3A_727 = tpu.memref_squeeze %dma_start3A_726 : memref<1x128x64xf32, #tpu.memory_space<vmem>> -> memref<128x64xf32, #tpu.memory_space<vmem>>
    tpu.enqueue_dma source(%dma_start3A_727 : memref<128x64xf32, #tpu.memory_space<vmem>>) target(%dma_start3A_723 : memref<128x64xf32, #tpu.memory_space<hbm>>) target_semaphore(%arg16 : memref<!tpu.dma_semaphore, #tpu.memory_space<semaphore_mem>>)
    %dma_start3A_728 = arith.constant 0 : i32
    %dma_start3A_729 = arith.constant 0 : i32
    %dma_start3A_730 = arith.constant 0 : i32
    %dma_start3A_731 = tpu.memref_slice %arg9[%dma_start3A_728, %dma_start3A_729, %dma_start3A_730] : memref<3x128x64xf32, #tpu.memory_space<vmem>> -> memref<1x128x64xf32, #tpu.memory_space<vmem>>
    %dma_start3A_732 = tpu.memref_squeeze %dma_start3A_731 : memref<1x128x64xf32, #tpu.memory_space<vmem>> -> memref<128x64xf32, #tpu.memory_space<vmem>>
    %dma_start3A_733 = arith.constant 64 : i32
    %dma_start3A_734 = tpu.memref_slice %arg5[%add3A_714, %dma_start3A_733] : memref<102400x128xf32, #tpu.memory_space<hbm>> -> memref<128x64xf32, #tpu.memory_space<hbm>>
    %dma_start3A_735 = arith.constant 64 : i32
    %dma_start3A_736 = tpu.memref_slice %arg5[%add3A_714, %dma_start3A_735] : memref<102400x128xf32, #tpu.memory_space<hbm>> -> memref<128x64xf32, #tpu.memory_space<hbm>>
    %dma_start3A_737 = arith.constant 0 : i32
    %dma_start3A_738 = arith.constant 0 : i32
    %dma_start3A_739 = tpu.memref_slice %arg9[%dma_start3A_728, %dma_start3A_737, %dma_start3A_738] : memref<3x128x64xf32, #tpu.memory_space<vmem>> -> memref<1x128x64xf32, #tpu.memory_space<vmem>>
    %dma_start3A_740 = tpu.memref_squeeze %dma_start3A_739 : memref<1x128x64xf32, #tpu.memory_space<vmem>> -> memref<128x64xf32, #tpu.memory_space<vmem>>
    tpu.enqueue_dma source(%dma_start3A_740 : memref<128x64xf32, #tpu.memory_space<vmem>>) target(%dma_start3A_736 : memref<128x64xf32, #tpu.memory_space<hbm>>) target_semaphore(%arg19 : memref<!tpu.dma_semaphore, #tpu.memory_space<semaphore_mem>>)
    %dma_wait3A_741 = arith.constant 0 : i32
    %dma_wait3A_742 = arith.constant 0 : i32
    %dma_wait3A_743 = arith.constant 0 : i32
    %dma_wait3A_744 = tpu.memref_slice %arg8[%dma_wait3A_741, %dma_wait3A_742, %dma_wait3A_743] : memref<3x128x64xf32, #tpu.memory_space<vmem>> -> memref<1x128x64xf32, #tpu.memory_space<vmem>>
    %dma_wait3A_745 = tpu.memref_squeeze %dma_wait3A_744 : memref<1x128x64xf32, #tpu.memory_space<vmem>> -> memref<128x64xf32, #tpu.memory_space<vmem>>
    %dma_wait3A_746 = arith.constant 0 : i32
    %dma_wait3A_747 = tpu.memref_slice %arg5[%add3A_714, %dma_wait3A_746] : memref<102400x128xf32, #tpu.memory_space<hbm>> -> memref<128x64xf32, #tpu.memory_space<hbm>>
    %dma_wait3A_748 = arith.constant 0 : i32
    %dma_wait3A_749 = tpu.memref_slice %arg5[%add3A_714, %dma_wait3A_748] : memref<102400x128xf32, #tpu.memory_space<hbm>> -> memref<128x64xf32, #tpu.memory_space<hbm>>
    %dma_wait3A_750 = arith.constant 0 : i32
    %dma_wait3A_751 = arith.constant 0 : i32
    %dma_wait3A_752 = tpu.memref_slice %arg8[%dma_wait3A_741, %dma_wait3A_750, %dma_wait3A_751] : memref<3x128x64xf32, #tpu.memory_space<vmem>> -> memref<1x128x64xf32, #tpu.memory_space<vmem>>
    %dma_wait3A_753 = tpu.memref_squeeze %dma_wait3A_752 : memref<1x128x64xf32, #tpu.memory_space<vmem>> -> memref<128x64xf32, #tpu.memory_space<vmem>>
    tpu.wait_dma2 semaphore(%arg16 : memref<!tpu.dma_semaphore, #tpu.memory_space<semaphore_mem>>) src(%dma_wait3A_753 : memref<128x64xf32, #tpu.memory_space<vmem>>) dst(%dma_wait3A_749 : memref<128x64xf32, #tpu.memory_space<hbm>>)
    %dma_wait3A_754 = arith.constant 0 : i32
    %dma_wait3A_755 = arith.constant 0 : i32
    %dma_wait3A_756 = arith.constant 0 : i32
    %dma_wait3A_757 = tpu.memref_slice %arg9[%dma_wait3A_754, %dma_wait3A_755, %dma_wait3A_756] : memref<3x128x64xf32, #tpu.memory_space<vmem>> -> memref<1x128x64xf32, #tpu.memory_space<vmem>>
    %dma_wait3A_758 = tpu.memref_squeeze %dma_wait3A_757 : memref<1x128x64xf32, #tpu.memory_space<vmem>> -> memref<128x64xf32, #tpu.memory_space<vmem>>
    %dma_wait3A_759 = arith.constant 64 : i32
    %dma_wait3A_760 = tpu.memref_slice %arg5[%add3A_714, %dma_wait3A_759] : memref<102400x128xf32, #tpu.memory_space<hbm>> -> memref<128x64xf32, #tpu.memory_space<hbm>>
    %dma_wait3A_761 = arith.constant 64 : i32
    %dma_wait3A_762 = tpu.memref_slice %arg5[%add3A_714, %dma_wait3A_761] : memref<102400x128xf32, #tpu.memory_space<hbm>> -> memref<128x64xf32, #tpu.memory_space<hbm>>
    %dma_wait3A_763 = arith.constant 0 : i32
    %dma_wait3A_764 = arith.constant 0 : i32
    %dma_wait3A_765 = tpu.memref_slice %arg9[%dma_wait3A_754, %dma_wait3A_763, %dma_wait3A_764] : memref<3x128x64xf32, #tpu.memory_space<vmem>> -> memref<1x128x64xf32, #tpu.memory_space<vmem>>
    %dma_wait3A_766 = tpu.memref_squeeze %dma_wait3A_765 : memref<1x128x64xf32, #tpu.memory_space<vmem>> -> memref<128x64xf32, #tpu.memory_space<vmem>>
    tpu.wait_dma2 semaphore(%arg19 : memref<!tpu.dma_semaphore, #tpu.memory_space<semaphore_mem>>) src(%dma_wait3A_766 : memref<128x64xf32, #tpu.memory_space<vmem>>) dst(%dma_wait3A_762 : memref<128x64xf32, #tpu.memory_space<hbm>>)
    %dma_start3A_767 = arith.constant 9 : i32
    %dma_start3A_768 = arith.constant 0 : i32
    %dma_start3A_769 = arith.constant 0 : i32
    %dma_start3A_770 = arith.constant 0 : i32
    %dma_start3A_771 = tpu.memref_slice %arg8[%dma_start3A_768, %dma_start3A_769, %dma_start3A_770] : memref<3x128x64xf32, #tpu.memory_space<vmem>> -> memref<1x128x64xf32, #tpu.memory_space<vmem>>
    %dma_start3A_772 = tpu.memref_squeeze %dma_start3A_771 : memref<1x128x64xf32, #tpu.memory_space<vmem>> -> memref<128x64xf32, #tpu.memory_space<vmem>>
    %dma_start3A_773 = arith.constant 0 : i32
    %dma_start3A_774 = tpu.memref_slice %arg6[%dma_start3A_767, %dma_start3A_773] : memref<25x128xi32, #tpu.memory_space<vmem>> -> memref<1x128xi32, #tpu.memory_space<vmem>>
    %dma_start3A_775 = tpu.memref_squeeze %dma_start3A_774 : memref<1x128xi32, #tpu.memory_space<vmem>> -> memref<128xi32, #tpu.memory_space<vmem>>
    %dma_start3A_776 = arith.constant 0 : i32
    %dma_start3A_777 = arith.constant 0 : i32
    %dma_start3A_778 = tpu.memref_slice %arg2[%dma_start3A_776, %dma_start3A_777] : memref<1000000x64xf32, #tpu.memory_space<hbm>> -> memref<1000000x64xf32, #tpu.memory_space<hbm>>
    tpu.enqueue_indirect_dma source(%dma_start3A_778 : memref<1000000x64xf32, #tpu.memory_space<hbm>>) target(%dma_start3A_772 : memref<128x64xf32, #tpu.memory_space<vmem>>) offsets(%dma_start3A_775 : memref<128xi32, #tpu.memory_space<vmem>>) semaphore(%arg10 : memref<!tpu.dma_semaphore, #tpu.memory_space<semaphore_mem>>)
    %dma_start3A_779 = arith.constant 9 : i32
    %dma_start3A_780 = arith.constant 0 : i32
    %dma_start3A_781 = arith.constant 0 : i32
    %dma_start3A_782 = arith.constant 0 : i32
    %dma_start3A_783 = tpu.memref_slice %arg9[%dma_start3A_780, %dma_start3A_781, %dma_start3A_782] : memref<3x128x64xf32, #tpu.memory_space<vmem>> -> memref<1x128x64xf32, #tpu.memory_space<vmem>>
    %dma_start3A_784 = tpu.memref_squeeze %dma_start3A_783 : memref<1x128x64xf32, #tpu.memory_space<vmem>> -> memref<128x64xf32, #tpu.memory_space<vmem>>
    %dma_start3A_785 = arith.constant 0 : i32
    %dma_start3A_786 = tpu.memref_slice %arg7[%dma_start3A_779, %dma_start3A_785] : memref<25x128xi32, #tpu.memory_space<vmem>> -> memref<1x128xi32, #tpu.memory_space<vmem>>
    %dma_start3A_787 = tpu.memref_squeeze %dma_start3A_786 : memref<1x128xi32, #tpu.memory_space<vmem>> -> memref<128xi32, #tpu.memory_space<vmem>>
    %dma_start3A_788 = arith.constant 0 : i32
    %dma_start3A_789 = arith.constant 0 : i32
    %dma_start3A_790 = tpu.memref_slice %arg2[%dma_start3A_788, %dma_start3A_789] : memref<1000000x64xf32, #tpu.memory_space<hbm>> -> memref<1000000x64xf32, #tpu.memory_space<hbm>>
    tpu.enqueue_indirect_dma source(%dma_start3A_790 : memref<1000000x64xf32, #tpu.memory_space<hbm>>) target(%dma_start3A_784 : memref<128x64xf32, #tpu.memory_space<vmem>>) offsets(%dma_start3A_787 : memref<128xi32, #tpu.memory_space<vmem>>) semaphore(%arg13 : memref<!tpu.dma_semaphore, #tpu.memory_space<semaphore_mem>>)
    %dma_wait3A_791 = arith.constant 7 : i32
    %dma_wait3A_792 = arith.constant 1 : i32
    %dma_wait3A_793 = arith.constant 0 : i32
    %dma_wait3A_794 = arith.constant 0 : i32
    %dma_wait3A_795 = tpu.memref_slice %arg8[%dma_wait3A_792, %dma_wait3A_793, %dma_wait3A_794] : memref<3x128x64xf32, #tpu.memory_space<vmem>> -> memref<1x128x64xf32, #tpu.memory_space<vmem>>
    %dma_wait3A_796 = tpu.memref_squeeze %dma_wait3A_795 : memref<1x128x64xf32, #tpu.memory_space<vmem>> -> memref<128x64xf32, #tpu.memory_space<vmem>>
    %dma_wait3A_797 = arith.constant 0 : i32
    %dma_wait3A_798 = tpu.memref_slice %arg6[%dma_wait3A_791, %dma_wait3A_797] : memref<25x128xi32, #tpu.memory_space<vmem>> -> memref<1x128xi32, #tpu.memory_space<vmem>>
    %dma_wait3A_799 = tpu.memref_squeeze %dma_wait3A_798 : memref<1x128xi32, #tpu.memory_space<vmem>> -> memref<128xi32, #tpu.memory_space<vmem>>
    %dma_wait3A_800 = arith.constant 0 : i32
    %dma_wait3A_801 = arith.constant 0 : i32
    %dma_wait3A_802 = tpu.memref_slice %arg2[%dma_wait3A_800, %dma_wait3A_801] : memref<1000000x64xf32, #tpu.memory_space<hbm>> -> memref<1000000x64xf32, #tpu.memory_space<hbm>>
    tpu.wait_indirect_dma semaphore(%arg11 : memref<!tpu.dma_semaphore, #tpu.memory_space<semaphore_mem>>) src(%dma_wait3A_802 : memref<1000000x64xf32, #tpu.memory_space<hbm>>) dst(%dma_wait3A_796 : memref<128x64xf32, #tpu.memory_space<vmem>>)
    %dma_wait3A_803 = arith.constant 7 : i32
    %dma_wait3A_804 = arith.constant 1 : i32
    %dma_wait3A_805 = arith.constant 0 : i32
    %dma_wait3A_806 = arith.constant 0 : i32
    %dma_wait3A_807 = tpu.memref_slice %arg9[%dma_wait3A_804, %dma_wait3A_805, %dma_wait3A_806] : memref<3x128x64xf32, #tpu.memory_space<vmem>> -> memref<1x128x64xf32, #tpu.memory_space<vmem>>
    %dma_wait3A_808 = tpu.memref_squeeze %dma_wait3A_807 : memref<1x128x64xf32, #tpu.memory_space<vmem>> -> memref<128x64xf32, #tpu.memory_space<vmem>>
    %dma_wait3A_809 = arith.constant 0 : i32
    %dma_wait3A_810 = tpu.memref_slice %arg7[%dma_wait3A_803, %dma_wait3A_809] : memref<25x128xi32, #tpu.memory_space<vmem>> -> memref<1x128xi32, #tpu.memory_space<vmem>>
    %dma_wait3A_811 = tpu.memref_squeeze %dma_wait3A_810 : memref<1x128xi32, #tpu.memory_space<vmem>> -> memref<128xi32, #tpu.memory_space<vmem>>
    %dma_wait3A_812 = arith.constant 0 : i32
    %dma_wait3A_813 = arith.constant 0 : i32
    %dma_wait3A_814 = tpu.memref_slice %arg2[%dma_wait3A_812, %dma_wait3A_813] : memref<1000000x64xf32, #tpu.memory_space<hbm>> -> memref<1000000x64xf32, #tpu.memory_space<hbm>>
    tpu.wait_indirect_dma semaphore(%arg14 : memref<!tpu.dma_semaphore, #tpu.memory_space<semaphore_mem>>) src(%dma_wait3A_814 : memref<1000000x64xf32, #tpu.memory_space<hbm>>) dst(%dma_wait3A_808 : memref<128x64xf32, #tpu.memory_space<vmem>>)
    %add3A_815 = arith.constant 896 : i32
    %add3A_816 = arith.addi %mul3A_2, %add3A_815 : i32
    %dma_start3A_817 = arith.constant 1 : i32
    %dma_start3A_818 = arith.constant 0 : i32
    %dma_start3A_819 = arith.constant 0 : i32
    %dma_start3A_820 = tpu.memref_slice %arg8[%dma_start3A_817, %dma_start3A_818, %dma_start3A_819] : memref<3x128x64xf32, #tpu.memory_space<vmem>> -> memref<1x128x64xf32, #tpu.memory_space<vmem>>
    %dma_start3A_821 = tpu.memref_squeeze %dma_start3A_820 : memref<1x128x64xf32, #tpu.memory_space<vmem>> -> memref<128x64xf32, #tpu.memory_space<vmem>>
    %dma_start3A_822 = arith.constant 0 : i32
    %dma_start3A_823 = tpu.memref_slice %arg5[%add3A_816, %dma_start3A_822] : memref<102400x128xf32, #tpu.memory_space<hbm>> -> memref<128x64xf32, #tpu.memory_space<hbm>>
    %dma_start3A_824 = arith.constant 0 : i32
    %dma_start3A_825 = tpu.memref_slice %arg5[%add3A_816, %dma_start3A_824] : memref<102400x128xf32, #tpu.memory_space<hbm>> -> memref<128x64xf32, #tpu.memory_space<hbm>>
    %dma_start3A_826 = arith.constant 0 : i32
    %dma_start3A_827 = arith.constant 0 : i32
    %dma_start3A_828 = tpu.memref_slice %arg8[%dma_start3A_817, %dma_start3A_826, %dma_start3A_827] : memref<3x128x64xf32, #tpu.memory_space<vmem>> -> memref<1x128x64xf32, #tpu.memory_space<vmem>>
    %dma_start3A_829 = tpu.memref_squeeze %dma_start3A_828 : memref<1x128x64xf32, #tpu.memory_space<vmem>> -> memref<128x64xf32, #tpu.memory_space<vmem>>
    tpu.enqueue_dma source(%dma_start3A_829 : memref<128x64xf32, #tpu.memory_space<vmem>>) target(%dma_start3A_825 : memref<128x64xf32, #tpu.memory_space<hbm>>) target_semaphore(%arg17 : memref<!tpu.dma_semaphore, #tpu.memory_space<semaphore_mem>>)
    %dma_start3A_830 = arith.constant 1 : i32
    %dma_start3A_831 = arith.constant 0 : i32
    %dma_start3A_832 = arith.constant 0 : i32
    %dma_start3A_833 = tpu.memref_slice %arg9[%dma_start3A_830, %dma_start3A_831, %dma_start3A_832] : memref<3x128x64xf32, #tpu.memory_space<vmem>> -> memref<1x128x64xf32, #tpu.memory_space<vmem>>
    %dma_start3A_834 = tpu.memref_squeeze %dma_start3A_833 : memref<1x128x64xf32, #tpu.memory_space<vmem>> -> memref<128x64xf32, #tpu.memory_space<vmem>>
    %dma_start3A_835 = arith.constant 64 : i32
    %dma_start3A_836 = tpu.memref_slice %arg5[%add3A_816, %dma_start3A_835] : memref<102400x128xf32, #tpu.memory_space<hbm>> -> memref<128x64xf32, #tpu.memory_space<hbm>>
    %dma_start3A_837 = arith.constant 64 : i32
    %dma_start3A_838 = tpu.memref_slice %arg5[%add3A_816, %dma_start3A_837] : memref<102400x128xf32, #tpu.memory_space<hbm>> -> memref<128x64xf32, #tpu.memory_space<hbm>>
    %dma_start3A_839 = arith.constant 0 : i32
    %dma_start3A_840 = arith.constant 0 : i32
    %dma_start3A_841 = tpu.memref_slice %arg9[%dma_start3A_830, %dma_start3A_839, %dma_start3A_840] : memref<3x128x64xf32, #tpu.memory_space<vmem>> -> memref<1x128x64xf32, #tpu.memory_space<vmem>>
    %dma_start3A_842 = tpu.memref_squeeze %dma_start3A_841 : memref<1x128x64xf32, #tpu.memory_space<vmem>> -> memref<128x64xf32, #tpu.memory_space<vmem>>
    tpu.enqueue_dma source(%dma_start3A_842 : memref<128x64xf32, #tpu.memory_space<vmem>>) target(%dma_start3A_838 : memref<128x64xf32, #tpu.memory_space<hbm>>) target_semaphore(%arg20 : memref<!tpu.dma_semaphore, #tpu.memory_space<semaphore_mem>>)
    %dma_wait3A_843 = arith.constant 1 : i32
    %dma_wait3A_844 = arith.constant 0 : i32
    %dma_wait3A_845 = arith.constant 0 : i32
    %dma_wait3A_846 = tpu.memref_slice %arg8[%dma_wait3A_843, %dma_wait3A_844, %dma_wait3A_845] : memref<3x128x64xf32, #tpu.memory_space<vmem>> -> memref<1x128x64xf32, #tpu.memory_space<vmem>>
    %dma_wait3A_847 = tpu.memref_squeeze %dma_wait3A_846 : memref<1x128x64xf32, #tpu.memory_space<vmem>> -> memref<128x64xf32, #tpu.memory_space<vmem>>
    %dma_wait3A_848 = arith.constant 0 : i32
    %dma_wait3A_849 = tpu.memref_slice %arg5[%add3A_816, %dma_wait3A_848] : memref<102400x128xf32, #tpu.memory_space<hbm>> -> memref<128x64xf32, #tpu.memory_space<hbm>>
    %dma_wait3A_850 = arith.constant 0 : i32
    %dma_wait3A_851 = tpu.memref_slice %arg5[%add3A_816, %dma_wait3A_850] : memref<102400x128xf32, #tpu.memory_space<hbm>> -> memref<128x64xf32, #tpu.memory_space<hbm>>
    %dma_wait3A_852 = arith.constant 0 : i32
    %dma_wait3A_853 = arith.constant 0 : i32
    %dma_wait3A_854 = tpu.memref_slice %arg8[%dma_wait3A_843, %dma_wait3A_852, %dma_wait3A_853] : memref<3x128x64xf32, #tpu.memory_space<vmem>> -> memref<1x128x64xf32, #tpu.memory_space<vmem>>
    %dma_wait3A_855 = tpu.memref_squeeze %dma_wait3A_854 : memref<1x128x64xf32, #tpu.memory_space<vmem>> -> memref<128x64xf32, #tpu.memory_space<vmem>>
    tpu.wait_dma2 semaphore(%arg17 : memref<!tpu.dma_semaphore, #tpu.memory_space<semaphore_mem>>) src(%dma_wait3A_855 : memref<128x64xf32, #tpu.memory_space<vmem>>) dst(%dma_wait3A_851 : memref<128x64xf32, #tpu.memory_space<hbm>>)
    %dma_wait3A_856 = arith.constant 1 : i32
    %dma_wait3A_857 = arith.constant 0 : i32
    %dma_wait3A_858 = arith.constant 0 : i32
    %dma_wait3A_859 = tpu.memref_slice %arg9[%dma_wait3A_856, %dma_wait3A_857, %dma_wait3A_858] : memref<3x128x64xf32, #tpu.memory_space<vmem>> -> memref<1x128x64xf32, #tpu.memory_space<vmem>>
    %dma_wait3A_860 = tpu.memref_squeeze %dma_wait3A_859 : memref<1x128x64xf32, #tpu.memory_space<vmem>> -> memref<128x64xf32, #tpu.memory_space<vmem>>
    %dma_wait3A_861 = arith.constant 64 : i32
    %dma_wait3A_862 = tpu.memref_slice %arg5[%add3A_816, %dma_wait3A_861] : memref<102400x128xf32, #tpu.memory_space<hbm>> -> memref<128x64xf32, #tpu.memory_space<hbm>>
    %dma_wait3A_863 = arith.constant 64 : i32
    %dma_wait3A_864 = tpu.memref_slice %arg5[%add3A_816, %dma_wait3A_863] : memref<102400x128xf32, #tpu.memory_space<hbm>> -> memref<128x64xf32, #tpu.memory_space<hbm>>
    %dma_wait3A_865 = arith.constant 0 : i32
    %dma_wait3A_866 = arith.constant 0 : i32
    %dma_wait3A_867 = tpu.memref_slice %arg9[%dma_wait3A_856, %dma_wait3A_865, %dma_wait3A_866] : memref<3x128x64xf32, #tpu.memory_space<vmem>> -> memref<1x128x64xf32, #tpu.memory_space<vmem>>
    %dma_wait3A_868 = tpu.memref_squeeze %dma_wait3A_867 : memref<1x128x64xf32, #tpu.memory_space<vmem>> -> memref<128x64xf32, #tpu.memory_space<vmem>>
    tpu.wait_dma2 semaphore(%arg20 : memref<!tpu.dma_semaphore, #tpu.memory_space<semaphore_mem>>) src(%dma_wait3A_868 : memref<128x64xf32, #tpu.memory_space<vmem>>) dst(%dma_wait3A_864 : memref<128x64xf32, #tpu.memory_space<hbm>>)
    %dma_start3A_869 = arith.constant 10 : i32
    %dma_start3A_870 = arith.constant 1 : i32
    %dma_start3A_871 = arith.constant 0 : i32
    %dma_start3A_872 = arith.constant 0 : i32
    %dma_start3A_873 = tpu.memref_slice %arg8[%dma_start3A_870, %dma_start3A_871, %dma_start3A_872] : memref<3x128x64xf32, #tpu.memory_space<vmem>> -> memref<1x128x64xf32, #tpu.memory_space<vmem>>
    %dma_start3A_874 = tpu.memref_squeeze %dma_start3A_873 : memref<1x128x64xf32, #tpu.memory_space<vmem>> -> memref<128x64xf32, #tpu.memory_space<vmem>>
    %dma_start3A_875 = arith.constant 0 : i32
    %dma_start3A_876 = tpu.memref_slice %arg6[%dma_start3A_869, %dma_start3A_875] : memref<25x128xi32, #tpu.memory_space<vmem>> -> memref<1x128xi32, #tpu.memory_space<vmem>>
    %dma_start3A_877 = tpu.memref_squeeze %dma_start3A_876 : memref<1x128xi32, #tpu.memory_space<vmem>> -> memref<128xi32, #tpu.memory_space<vmem>>
    %dma_start3A_878 = arith.constant 0 : i32
    %dma_start3A_879 = arith.constant 0 : i32
    %dma_start3A_880 = tpu.memref_slice %arg2[%dma_start3A_878, %dma_start3A_879] : memref<1000000x64xf32, #tpu.memory_space<hbm>> -> memref<1000000x64xf32, #tpu.memory_space<hbm>>
    tpu.enqueue_indirect_dma source(%dma_start3A_880 : memref<1000000x64xf32, #tpu.memory_space<hbm>>) target(%dma_start3A_874 : memref<128x64xf32, #tpu.memory_space<vmem>>) offsets(%dma_start3A_877 : memref<128xi32, #tpu.memory_space<vmem>>) semaphore(%arg11 : memref<!tpu.dma_semaphore, #tpu.memory_space<semaphore_mem>>)
    %dma_start3A_881 = arith.constant 10 : i32
    %dma_start3A_882 = arith.constant 1 : i32
    %dma_start3A_883 = arith.constant 0 : i32
    %dma_start3A_884 = arith.constant 0 : i32
    %dma_start3A_885 = tpu.memref_slice %arg9[%dma_start3A_882, %dma_start3A_883, %dma_start3A_884] : memref<3x128x64xf32, #tpu.memory_space<vmem>> -> memref<1x128x64xf32, #tpu.memory_space<vmem>>
    %dma_start3A_886 = tpu.memref_squeeze %dma_start3A_885 : memref<1x128x64xf32, #tpu.memory_space<vmem>> -> memref<128x64xf32, #tpu.memory_space<vmem>>
    %dma_start3A_887 = arith.constant 0 : i32
    %dma_start3A_888 = tpu.memref_slice %arg7[%dma_start3A_881, %dma_start3A_887] : memref<25x128xi32, #tpu.memory_space<vmem>> -> memref<1x128xi32, #tpu.memory_space<vmem>>
    %dma_start3A_889 = tpu.memref_squeeze %dma_start3A_888 : memref<1x128xi32, #tpu.memory_space<vmem>> -> memref<128xi32, #tpu.memory_space<vmem>>
    %dma_start3A_890 = arith.constant 0 : i32
    %dma_start3A_891 = arith.constant 0 : i32
    %dma_start3A_892 = tpu.memref_slice %arg2[%dma_start3A_890, %dma_start3A_891] : memref<1000000x64xf32, #tpu.memory_space<hbm>> -> memref<1000000x64xf32, #tpu.memory_space<hbm>>
    tpu.enqueue_indirect_dma source(%dma_start3A_892 : memref<1000000x64xf32, #tpu.memory_space<hbm>>) target(%dma_start3A_886 : memref<128x64xf32, #tpu.memory_space<vmem>>) offsets(%dma_start3A_889 : memref<128xi32, #tpu.memory_space<vmem>>) semaphore(%arg14 : memref<!tpu.dma_semaphore, #tpu.memory_space<semaphore_mem>>)
    %dma_wait3A_893 = arith.constant 8 : i32
    %dma_wait3A_894 = arith.constant 2 : i32
    %dma_wait3A_895 = arith.constant 0 : i32
    %dma_wait3A_896 = arith.constant 0 : i32
    %dma_wait3A_897 = tpu.memref_slice %arg8[%dma_wait3A_894, %dma_wait3A_895, %dma_wait3A_896] : memref<3x128x64xf32, #tpu.memory_space<vmem>> -> memref<1x128x64xf32, #tpu.memory_space<vmem>>
    %dma_wait3A_898 = tpu.memref_squeeze %dma_wait3A_897 : memref<1x128x64xf32, #tpu.memory_space<vmem>> -> memref<128x64xf32, #tpu.memory_space<vmem>>
    %dma_wait3A_899 = arith.constant 0 : i32
    %dma_wait3A_900 = tpu.memref_slice %arg6[%dma_wait3A_893, %dma_wait3A_899] : memref<25x128xi32, #tpu.memory_space<vmem>> -> memref<1x128xi32, #tpu.memory_space<vmem>>
    %dma_wait3A_901 = tpu.memref_squeeze %dma_wait3A_900 : memref<1x128xi32, #tpu.memory_space<vmem>> -> memref<128xi32, #tpu.memory_space<vmem>>
    %dma_wait3A_902 = arith.constant 0 : i32
    %dma_wait3A_903 = arith.constant 0 : i32
    %dma_wait3A_904 = tpu.memref_slice %arg2[%dma_wait3A_902, %dma_wait3A_903] : memref<1000000x64xf32, #tpu.memory_space<hbm>> -> memref<1000000x64xf32, #tpu.memory_space<hbm>>
    tpu.wait_indirect_dma semaphore(%arg12 : memref<!tpu.dma_semaphore, #tpu.memory_space<semaphore_mem>>) src(%dma_wait3A_904 : memref<1000000x64xf32, #tpu.memory_space<hbm>>) dst(%dma_wait3A_898 : memref<128x64xf32, #tpu.memory_space<vmem>>)
    %dma_wait3A_905 = arith.constant 8 : i32
    %dma_wait3A_906 = arith.constant 2 : i32
    %dma_wait3A_907 = arith.constant 0 : i32
    %dma_wait3A_908 = arith.constant 0 : i32
    %dma_wait3A_909 = tpu.memref_slice %arg9[%dma_wait3A_906, %dma_wait3A_907, %dma_wait3A_908] : memref<3x128x64xf32, #tpu.memory_space<vmem>> -> memref<1x128x64xf32, #tpu.memory_space<vmem>>
    %dma_wait3A_910 = tpu.memref_squeeze %dma_wait3A_909 : memref<1x128x64xf32, #tpu.memory_space<vmem>> -> memref<128x64xf32, #tpu.memory_space<vmem>>
    %dma_wait3A_911 = arith.constant 0 : i32
    %dma_wait3A_912 = tpu.memref_slice %arg7[%dma_wait3A_905, %dma_wait3A_911] : memref<25x128xi32, #tpu.memory_space<vmem>> -> memref<1x128xi32, #tpu.memory_space<vmem>>
    %dma_wait3A_913 = tpu.memref_squeeze %dma_wait3A_912 : memref<1x128xi32, #tpu.memory_space<vmem>> -> memref<128xi32, #tpu.memory_space<vmem>>
    %dma_wait3A_914 = arith.constant 0 : i32
    %dma_wait3A_915 = arith.constant 0 : i32
    %dma_wait3A_916 = tpu.memref_slice %arg2[%dma_wait3A_914, %dma_wait3A_915] : memref<1000000x64xf32, #tpu.memory_space<hbm>> -> memref<1000000x64xf32, #tpu.memory_space<hbm>>
    tpu.wait_indirect_dma semaphore(%arg15 : memref<!tpu.dma_semaphore, #tpu.memory_space<semaphore_mem>>) src(%dma_wait3A_916 : memref<1000000x64xf32, #tpu.memory_space<hbm>>) dst(%dma_wait3A_910 : memref<128x64xf32, #tpu.memory_space<vmem>>)
    %add3A_917 = arith.constant 1024 : i32
    %add3A_918 = arith.addi %mul3A_2, %add3A_917 : i32
    %dma_start3A_919 = arith.constant 2 : i32
    %dma_start3A_920 = arith.constant 0 : i32
    %dma_start3A_921 = arith.constant 0 : i32
    %dma_start3A_922 = tpu.memref_slice %arg8[%dma_start3A_919, %dma_start3A_920, %dma_start3A_921] : memref<3x128x64xf32, #tpu.memory_space<vmem>> -> memref<1x128x64xf32, #tpu.memory_space<vmem>>
    %dma_start3A_923 = tpu.memref_squeeze %dma_start3A_922 : memref<1x128x64xf32, #tpu.memory_space<vmem>> -> memref<128x64xf32, #tpu.memory_space<vmem>>
    %dma_start3A_924 = arith.constant 0 : i32
    %dma_start3A_925 = tpu.memref_slice %arg5[%add3A_918, %dma_start3A_924] : memref<102400x128xf32, #tpu.memory_space<hbm>> -> memref<128x64xf32, #tpu.memory_space<hbm>>
    %dma_start3A_926 = arith.constant 0 : i32
    %dma_start3A_927 = tpu.memref_slice %arg5[%add3A_918, %dma_start3A_926] : memref<102400x128xf32, #tpu.memory_space<hbm>> -> memref<128x64xf32, #tpu.memory_space<hbm>>
    %dma_start3A_928 = arith.constant 0 : i32
    %dma_start3A_929 = arith.constant 0 : i32
    %dma_start3A_930 = tpu.memref_slice %arg8[%dma_start3A_919, %dma_start3A_928, %dma_start3A_929] : memref<3x128x64xf32, #tpu.memory_space<vmem>> -> memref<1x128x64xf32, #tpu.memory_space<vmem>>
    %dma_start3A_931 = tpu.memref_squeeze %dma_start3A_930 : memref<1x128x64xf32, #tpu.memory_space<vmem>> -> memref<128x64xf32, #tpu.memory_space<vmem>>
    tpu.enqueue_dma source(%dma_start3A_931 : memref<128x64xf32, #tpu.memory_space<vmem>>) target(%dma_start3A_927 : memref<128x64xf32, #tpu.memory_space<hbm>>) target_semaphore(%arg18 : memref<!tpu.dma_semaphore, #tpu.memory_space<semaphore_mem>>)
    %dma_start3A_932 = arith.constant 2 : i32
    %dma_start3A_933 = arith.constant 0 : i32
    %dma_start3A_934 = arith.constant 0 : i32
    %dma_start3A_935 = tpu.memref_slice %arg9[%dma_start3A_932, %dma_start3A_933, %dma_start3A_934] : memref<3x128x64xf32, #tpu.memory_space<vmem>> -> memref<1x128x64xf32, #tpu.memory_space<vmem>>
    %dma_start3A_936 = tpu.memref_squeeze %dma_start3A_935 : memref<1x128x64xf32, #tpu.memory_space<vmem>> -> memref<128x64xf32, #tpu.memory_space<vmem>>
    %dma_start3A_937 = arith.constant 64 : i32
    %dma_start3A_938 = tpu.memref_slice %arg5[%add3A_918, %dma_start3A_937] : memref<102400x128xf32, #tpu.memory_space<hbm>> -> memref<128x64xf32, #tpu.memory_space<hbm>>
    %dma_start3A_939 = arith.constant 64 : i32
    %dma_start3A_940 = tpu.memref_slice %arg5[%add3A_918, %dma_start3A_939] : memref<102400x128xf32, #tpu.memory_space<hbm>> -> memref<128x64xf32, #tpu.memory_space<hbm>>
    %dma_start3A_941 = arith.constant 0 : i32
    %dma_start3A_942 = arith.constant 0 : i32
    %dma_start3A_943 = tpu.memref_slice %arg9[%dma_start3A_932, %dma_start3A_941, %dma_start3A_942] : memref<3x128x64xf32, #tpu.memory_space<vmem>> -> memref<1x128x64xf32, #tpu.memory_space<vmem>>
    %dma_start3A_944 = tpu.memref_squeeze %dma_start3A_943 : memref<1x128x64xf32, #tpu.memory_space<vmem>> -> memref<128x64xf32, #tpu.memory_space<vmem>>
    tpu.enqueue_dma source(%dma_start3A_944 : memref<128x64xf32, #tpu.memory_space<vmem>>) target(%dma_start3A_940 : memref<128x64xf32, #tpu.memory_space<hbm>>) target_semaphore(%arg21 : memref<!tpu.dma_semaphore, #tpu.memory_space<semaphore_mem>>)
    %dma_wait3A_945 = arith.constant 2 : i32
    %dma_wait3A_946 = arith.constant 0 : i32
    %dma_wait3A_947 = arith.constant 0 : i32
    %dma_wait3A_948 = tpu.memref_slice %arg8[%dma_wait3A_945, %dma_wait3A_946, %dma_wait3A_947] : memref<3x128x64xf32, #tpu.memory_space<vmem>> -> memref<1x128x64xf32, #tpu.memory_space<vmem>>
    %dma_wait3A_949 = tpu.memref_squeeze %dma_wait3A_948 : memref<1x128x64xf32, #tpu.memory_space<vmem>> -> memref<128x64xf32, #tpu.memory_space<vmem>>
    %dma_wait3A_950 = arith.constant 0 : i32
    %dma_wait3A_951 = tpu.memref_slice %arg5[%add3A_918, %dma_wait3A_950] : memref<102400x128xf32, #tpu.memory_space<hbm>> -> memref<128x64xf32, #tpu.memory_space<hbm>>
    %dma_wait3A_952 = arith.constant 0 : i32
    %dma_wait3A_953 = tpu.memref_slice %arg5[%add3A_918, %dma_wait3A_952] : memref<102400x128xf32, #tpu.memory_space<hbm>> -> memref<128x64xf32, #tpu.memory_space<hbm>>
    %dma_wait3A_954 = arith.constant 0 : i32
    %dma_wait3A_955 = arith.constant 0 : i32
    %dma_wait3A_956 = tpu.memref_slice %arg8[%dma_wait3A_945, %dma_wait3A_954, %dma_wait3A_955] : memref<3x128x64xf32, #tpu.memory_space<vmem>> -> memref<1x128x64xf32, #tpu.memory_space<vmem>>
    %dma_wait3A_957 = tpu.memref_squeeze %dma_wait3A_956 : memref<1x128x64xf32, #tpu.memory_space<vmem>> -> memref<128x64xf32, #tpu.memory_space<vmem>>
    tpu.wait_dma2 semaphore(%arg18 : memref<!tpu.dma_semaphore, #tpu.memory_space<semaphore_mem>>) src(%dma_wait3A_957 : memref<128x64xf32, #tpu.memory_space<vmem>>) dst(%dma_wait3A_953 : memref<128x64xf32, #tpu.memory_space<hbm>>)
    %dma_wait3A_958 = arith.constant 2 : i32
    %dma_wait3A_959 = arith.constant 0 : i32
    %dma_wait3A_960 = arith.constant 0 : i32
    %dma_wait3A_961 = tpu.memref_slice %arg9[%dma_wait3A_958, %dma_wait3A_959, %dma_wait3A_960] : memref<3x128x64xf32, #tpu.memory_space<vmem>> -> memref<1x128x64xf32, #tpu.memory_space<vmem>>
    %dma_wait3A_962 = tpu.memref_squeeze %dma_wait3A_961 : memref<1x128x64xf32, #tpu.memory_space<vmem>> -> memref<128x64xf32, #tpu.memory_space<vmem>>
    %dma_wait3A_963 = arith.constant 64 : i32
    %dma_wait3A_964 = tpu.memref_slice %arg5[%add3A_918, %dma_wait3A_963] : memref<102400x128xf32, #tpu.memory_space<hbm>> -> memref<128x64xf32, #tpu.memory_space<hbm>>
    %dma_wait3A_965 = arith.constant 64 : i32
    %dma_wait3A_966 = tpu.memref_slice %arg5[%add3A_918, %dma_wait3A_965] : memref<102400x128xf32, #tpu.memory_space<hbm>> -> memref<128x64xf32, #tpu.memory_space<hbm>>
    %dma_wait3A_967 = arith.constant 0 : i32
    %dma_wait3A_968 = arith.constant 0 : i32
    %dma_wait3A_969 = tpu.memref_slice %arg9[%dma_wait3A_958, %dma_wait3A_967, %dma_wait3A_968] : memref<3x128x64xf32, #tpu.memory_space<vmem>> -> memref<1x128x64xf32, #tpu.memory_space<vmem>>
    %dma_wait3A_970 = tpu.memref_squeeze %dma_wait3A_969 : memref<1x128x64xf32, #tpu.memory_space<vmem>> -> memref<128x64xf32, #tpu.memory_space<vmem>>
    tpu.wait_dma2 semaphore(%arg21 : memref<!tpu.dma_semaphore, #tpu.memory_space<semaphore_mem>>) src(%dma_wait3A_970 : memref<128x64xf32, #tpu.memory_space<vmem>>) dst(%dma_wait3A_966 : memref<128x64xf32, #tpu.memory_space<hbm>>)
    %dma_start3A_971 = arith.constant 11 : i32
    %dma_start3A_972 = arith.constant 2 : i32
    %dma_start3A_973 = arith.constant 0 : i32
    %dma_start3A_974 = arith.constant 0 : i32
    %dma_start3A_975 = tpu.memref_slice %arg8[%dma_start3A_972, %dma_start3A_973, %dma_start3A_974] : memref<3x128x64xf32, #tpu.memory_space<vmem>> -> memref<1x128x64xf32, #tpu.memory_space<vmem>>
    %dma_start3A_976 = tpu.memref_squeeze %dma_start3A_975 : memref<1x128x64xf32, #tpu.memory_space<vmem>> -> memref<128x64xf32, #tpu.memory_space<vmem>>
    %dma_start3A_977 = arith.constant 0 : i32
    %dma_start3A_978 = tpu.memref_slice %arg6[%dma_start3A_971, %dma_start3A_977] : memref<25x128xi32, #tpu.memory_space<vmem>> -> memref<1x128xi32, #tpu.memory_space<vmem>>
    %dma_start3A_979 = tpu.memref_squeeze %dma_start3A_978 : memref<1x128xi32, #tpu.memory_space<vmem>> -> memref<128xi32, #tpu.memory_space<vmem>>
    %dma_start3A_980 = arith.constant 0 : i32
    %dma_start3A_981 = arith.constant 0 : i32
    %dma_start3A_982 = tpu.memref_slice %arg2[%dma_start3A_980, %dma_start3A_981] : memref<1000000x64xf32, #tpu.memory_space<hbm>> -> memref<1000000x64xf32, #tpu.memory_space<hbm>>
    tpu.enqueue_indirect_dma source(%dma_start3A_982 : memref<1000000x64xf32, #tpu.memory_space<hbm>>) target(%dma_start3A_976 : memref<128x64xf32, #tpu.memory_space<vmem>>) offsets(%dma_start3A_979 : memref<128xi32, #tpu.memory_space<vmem>>) semaphore(%arg12 : memref<!tpu.dma_semaphore, #tpu.memory_space<semaphore_mem>>)
    %dma_start3A_983 = arith.constant 11 : i32
    %dma_start3A_984 = arith.constant 2 : i32
    %dma_start3A_985 = arith.constant 0 : i32
    %dma_start3A_986 = arith.constant 0 : i32
    %dma_start3A_987 = tpu.memref_slice %arg9[%dma_start3A_984, %dma_start3A_985, %dma_start3A_986] : memref<3x128x64xf32, #tpu.memory_space<vmem>> -> memref<1x128x64xf32, #tpu.memory_space<vmem>>
    %dma_start3A_988 = tpu.memref_squeeze %dma_start3A_987 : memref<1x128x64xf32, #tpu.memory_space<vmem>> -> memref<128x64xf32, #tpu.memory_space<vmem>>
    %dma_start3A_989 = arith.constant 0 : i32
    %dma_start3A_990 = tpu.memref_slice %arg7[%dma_start3A_983, %dma_start3A_989] : memref<25x128xi32, #tpu.memory_space<vmem>> -> memref<1x128xi32, #tpu.memory_space<vmem>>
    %dma_start3A_991 = tpu.memref_squeeze %dma_start3A_990 : memref<1x128xi32, #tpu.memory_space<vmem>> -> memref<128xi32, #tpu.memory_space<vmem>>
    %dma_start3A_992 = arith.constant 0 : i32
    %dma_start3A_993 = arith.constant 0 : i32
    %dma_start3A_994 = tpu.memref_slice %arg2[%dma_start3A_992, %dma_start3A_993] : memref<1000000x64xf32, #tpu.memory_space<hbm>> -> memref<1000000x64xf32, #tpu.memory_space<hbm>>
    tpu.enqueue_indirect_dma source(%dma_start3A_994 : memref<1000000x64xf32, #tpu.memory_space<hbm>>) target(%dma_start3A_988 : memref<128x64xf32, #tpu.memory_space<vmem>>) offsets(%dma_start3A_991 : memref<128xi32, #tpu.memory_space<vmem>>) semaphore(%arg15 : memref<!tpu.dma_semaphore, #tpu.memory_space<semaphore_mem>>)
    %dma_wait3A_995 = arith.constant 9 : i32
    %dma_wait3A_996 = arith.constant 0 : i32
    %dma_wait3A_997 = arith.constant 0 : i32
    %dma_wait3A_998 = arith.constant 0 : i32
    %dma_wait3A_999 = tpu.memref_slice %arg8[%dma_wait3A_996, %dma_wait3A_997, %dma_wait3A_998] : memref<3x128x64xf32, #tpu.memory_space<vmem>> -> memref<1x128x64xf32, #tpu.memory_space<vmem>>
    %dma_wait3A_1000 = tpu.memref_squeeze %dma_wait3A_999 : memref<1x128x64xf32, #tpu.memory_space<vmem>> -> memref<128x64xf32, #tpu.memory_space<vmem>>
    %dma_wait3A_1001 = arith.constant 0 : i32
    %dma_wait3A_1002 = tpu.memref_slice %arg6[%dma_wait3A_995, %dma_wait3A_1001] : memref<25x128xi32, #tpu.memory_space<vmem>> -> memref<1x128xi32, #tpu.memory_space<vmem>>
    %dma_wait3A_1003 = tpu.memref_squeeze %dma_wait3A_1002 : memref<1x128xi32, #tpu.memory_space<vmem>> -> memref<128xi32, #tpu.memory_space<vmem>>
    %dma_wait3A_1004 = arith.constant 0 : i32
    %dma_wait3A_1005 = arith.constant 0 : i32
    %dma_wait3A_1006 = tpu.memref_slice %arg2[%dma_wait3A_1004, %dma_wait3A_1005] : memref<1000000x64xf32, #tpu.memory_space<hbm>> -> memref<1000000x64xf32, #tpu.memory_space<hbm>>
    tpu.wait_indirect_dma semaphore(%arg10 : memref<!tpu.dma_semaphore, #tpu.memory_space<semaphore_mem>>) src(%dma_wait3A_1006 : memref<1000000x64xf32, #tpu.memory_space<hbm>>) dst(%dma_wait3A_1000 : memref<128x64xf32, #tpu.memory_space<vmem>>)
    %dma_wait3A_1007 = arith.constant 9 : i32
    %dma_wait3A_1008 = arith.constant 0 : i32
    %dma_wait3A_1009 = arith.constant 0 : i32
    %dma_wait3A_1010 = arith.constant 0 : i32
    %dma_wait3A_1011 = tpu.memref_slice %arg9[%dma_wait3A_1008, %dma_wait3A_1009, %dma_wait3A_1010] : memref<3x128x64xf32, #tpu.memory_space<vmem>> -> memref<1x128x64xf32, #tpu.memory_space<vmem>>
    %dma_wait3A_1012 = tpu.memref_squeeze %dma_wait3A_1011 : memref<1x128x64xf32, #tpu.memory_space<vmem>> -> memref<128x64xf32, #tpu.memory_space<vmem>>
    %dma_wait3A_1013 = arith.constant 0 : i32
    %dma_wait3A_1014 = tpu.memref_slice %arg7[%dma_wait3A_1007, %dma_wait3A_1013] : memref<25x128xi32, #tpu.memory_space<vmem>> -> memref<1x128xi32, #tpu.memory_space<vmem>>
    %dma_wait3A_1015 = tpu.memref_squeeze %dma_wait3A_1014 : memref<1x128xi32, #tpu.memory_space<vmem>> -> memref<128xi32, #tpu.memory_space<vmem>>
    %dma_wait3A_1016 = arith.constant 0 : i32
    %dma_wait3A_1017 = arith.constant 0 : i32
    %dma_wait3A_1018 = tpu.memref_slice %arg2[%dma_wait3A_1016, %dma_wait3A_1017] : memref<1000000x64xf32, #tpu.memory_space<hbm>> -> memref<1000000x64xf32, #tpu.memory_space<hbm>>
    tpu.wait_indirect_dma semaphore(%arg13 : memref<!tpu.dma_semaphore, #tpu.memory_space<semaphore_mem>>) src(%dma_wait3A_1018 : memref<1000000x64xf32, #tpu.memory_space<hbm>>) dst(%dma_wait3A_1012 : memref<128x64xf32, #tpu.memory_space<vmem>>)
    %add3A_1019 = arith.constant 1152 : i32
    %add3A_1020 = arith.addi %mul3A_2, %add3A_1019 : i32
    %dma_start3A_1021 = arith.constant 0 : i32
    %dma_start3A_1022 = arith.constant 0 : i32
    %dma_start3A_1023 = arith.constant 0 : i32
    %dma_start3A_1024 = tpu.memref_slice %arg8[%dma_start3A_1021, %dma_start3A_1022, %dma_start3A_1023] : memref<3x128x64xf32, #tpu.memory_space<vmem>> -> memref<1x128x64xf32, #tpu.memory_space<vmem>>
    %dma_start3A_1025 = tpu.memref_squeeze %dma_start3A_1024 : memref<1x128x64xf32, #tpu.memory_space<vmem>> -> memref<128x64xf32, #tpu.memory_space<vmem>>
    %dma_start3A_1026 = arith.constant 0 : i32
    %dma_start3A_1027 = tpu.memref_slice %arg5[%add3A_1020, %dma_start3A_1026] : memref<102400x128xf32, #tpu.memory_space<hbm>> -> memref<128x64xf32, #tpu.memory_space<hbm>>
    %dma_start3A_1028 = arith.constant 0 : i32
    %dma_start3A_1029 = tpu.memref_slice %arg5[%add3A_1020, %dma_start3A_1028] : memref<102400x128xf32, #tpu.memory_space<hbm>> -> memref<128x64xf32, #tpu.memory_space<hbm>>
    %dma_start3A_1030 = arith.constant 0 : i32
    %dma_start3A_1031 = arith.constant 0 : i32
    %dma_start3A_1032 = tpu.memref_slice %arg8[%dma_start3A_1021, %dma_start3A_1030, %dma_start3A_1031] : memref<3x128x64xf32, #tpu.memory_space<vmem>> -> memref<1x128x64xf32, #tpu.memory_space<vmem>>
    %dma_start3A_1033 = tpu.memref_squeeze %dma_start3A_1032 : memref<1x128x64xf32, #tpu.memory_space<vmem>> -> memref<128x64xf32, #tpu.memory_space<vmem>>
    tpu.enqueue_dma source(%dma_start3A_1033 : memref<128x64xf32, #tpu.memory_space<vmem>>) target(%dma_start3A_1029 : memref<128x64xf32, #tpu.memory_space<hbm>>) target_semaphore(%arg16 : memref<!tpu.dma_semaphore, #tpu.memory_space<semaphore_mem>>)
    %dma_start3A_1034 = arith.constant 0 : i32
    %dma_start3A_1035 = arith.constant 0 : i32
    %dma_start3A_1036 = arith.constant 0 : i32
    %dma_start3A_1037 = tpu.memref_slice %arg9[%dma_start3A_1034, %dma_start3A_1035, %dma_start3A_1036] : memref<3x128x64xf32, #tpu.memory_space<vmem>> -> memref<1x128x64xf32, #tpu.memory_space<vmem>>
    %dma_start3A_1038 = tpu.memref_squeeze %dma_start3A_1037 : memref<1x128x64xf32, #tpu.memory_space<vmem>> -> memref<128x64xf32, #tpu.memory_space<vmem>>
    %dma_start3A_1039 = arith.constant 64 : i32
    %dma_start3A_1040 = tpu.memref_slice %arg5[%add3A_1020, %dma_start3A_1039] : memref<102400x128xf32, #tpu.memory_space<hbm>> -> memref<128x64xf32, #tpu.memory_space<hbm>>
    %dma_start3A_1041 = arith.constant 64 : i32
    %dma_start3A_1042 = tpu.memref_slice %arg5[%add3A_1020, %dma_start3A_1041] : memref<102400x128xf32, #tpu.memory_space<hbm>> -> memref<128x64xf32, #tpu.memory_space<hbm>>
    %dma_start3A_1043 = arith.constant 0 : i32
    %dma_start3A_1044 = arith.constant 0 : i32
    %dma_start3A_1045 = tpu.memref_slice %arg9[%dma_start3A_1034, %dma_start3A_1043, %dma_start3A_1044] : memref<3x128x64xf32, #tpu.memory_space<vmem>> -> memref<1x128x64xf32, #tpu.memory_space<vmem>>
    %dma_start3A_1046 = tpu.memref_squeeze %dma_start3A_1045 : memref<1x128x64xf32, #tpu.memory_space<vmem>> -> memref<128x64xf32, #tpu.memory_space<vmem>>
    tpu.enqueue_dma source(%dma_start3A_1046 : memref<128x64xf32, #tpu.memory_space<vmem>>) target(%dma_start3A_1042 : memref<128x64xf32, #tpu.memory_space<hbm>>) target_semaphore(%arg19 : memref<!tpu.dma_semaphore, #tpu.memory_space<semaphore_mem>>)
    %dma_wait3A_1047 = arith.constant 0 : i32
    %dma_wait3A_1048 = arith.constant 0 : i32
    %dma_wait3A_1049 = arith.constant 0 : i32
    %dma_wait3A_1050 = tpu.memref_slice %arg8[%dma_wait3A_1047, %dma_wait3A_1048, %dma_wait3A_1049] : memref<3x128x64xf32, #tpu.memory_space<vmem>> -> memref<1x128x64xf32, #tpu.memory_space<vmem>>
    %dma_wait3A_1051 = tpu.memref_squeeze %dma_wait3A_1050 : memref<1x128x64xf32, #tpu.memory_space<vmem>> -> memref<128x64xf32, #tpu.memory_space<vmem>>
    %dma_wait3A_1052 = arith.constant 0 : i32
    %dma_wait3A_1053 = tpu.memref_slice %arg5[%add3A_1020, %dma_wait3A_1052] : memref<102400x128xf32, #tpu.memory_space<hbm>> -> memref<128x64xf32, #tpu.memory_space<hbm>>
    %dma_wait3A_1054 = arith.constant 0 : i32
    %dma_wait3A_1055 = tpu.memref_slice %arg5[%add3A_1020, %dma_wait3A_1054] : memref<102400x128xf32, #tpu.memory_space<hbm>> -> memref<128x64xf32, #tpu.memory_space<hbm>>
    %dma_wait3A_1056 = arith.constant 0 : i32
    %dma_wait3A_1057 = arith.constant 0 : i32
    %dma_wait3A_1058 = tpu.memref_slice %arg8[%dma_wait3A_1047, %dma_wait3A_1056, %dma_wait3A_1057] : memref<3x128x64xf32, #tpu.memory_space<vmem>> -> memref<1x128x64xf32, #tpu.memory_space<vmem>>
    %dma_wait3A_1059 = tpu.memref_squeeze %dma_wait3A_1058 : memref<1x128x64xf32, #tpu.memory_space<vmem>> -> memref<128x64xf32, #tpu.memory_space<vmem>>
    tpu.wait_dma2 semaphore(%arg16 : memref<!tpu.dma_semaphore, #tpu.memory_space<semaphore_mem>>) src(%dma_wait3A_1059 : memref<128x64xf32, #tpu.memory_space<vmem>>) dst(%dma_wait3A_1055 : memref<128x64xf32, #tpu.memory_space<hbm>>)
    %dma_wait3A_1060 = arith.constant 0 : i32
    %dma_wait3A_1061 = arith.constant 0 : i32
    %dma_wait3A_1062 = arith.constant 0 : i32
    %dma_wait3A_1063 = tpu.memref_slice %arg9[%dma_wait3A_1060, %dma_wait3A_1061, %dma_wait3A_1062] : memref<3x128x64xf32, #tpu.memory_space<vmem>> -> memref<1x128x64xf32, #tpu.memory_space<vmem>>
    %dma_wait3A_1064 = tpu.memref_squeeze %dma_wait3A_1063 : memref<1x128x64xf32, #tpu.memory_space<vmem>> -> memref<128x64xf32, #tpu.memory_space<vmem>>
    %dma_wait3A_1065 = arith.constant 64 : i32
    %dma_wait3A_1066 = tpu.memref_slice %arg5[%add3A_1020, %dma_wait3A_1065] : memref<102400x128xf32, #tpu.memory_space<hbm>> -> memref<128x64xf32, #tpu.memory_space<hbm>>
    %dma_wait3A_1067 = arith.constant 64 : i32
    %dma_wait3A_1068 = tpu.memref_slice %arg5[%add3A_1020, %dma_wait3A_1067] : memref<102400x128xf32, #tpu.memory_space<hbm>> -> memref<128x64xf32, #tpu.memory_space<hbm>>
    %dma_wait3A_1069 = arith.constant 0 : i32
    %dma_wait3A_1070 = arith.constant 0 : i32
    %dma_wait3A_1071 = tpu.memref_slice %arg9[%dma_wait3A_1060, %dma_wait3A_1069, %dma_wait3A_1070] : memref<3x128x64xf32, #tpu.memory_space<vmem>> -> memref<1x128x64xf32, #tpu.memory_space<vmem>>
    %dma_wait3A_1072 = tpu.memref_squeeze %dma_wait3A_1071 : memref<1x128x64xf32, #tpu.memory_space<vmem>> -> memref<128x64xf32, #tpu.memory_space<vmem>>
    tpu.wait_dma2 semaphore(%arg19 : memref<!tpu.dma_semaphore, #tpu.memory_space<semaphore_mem>>) src(%dma_wait3A_1072 : memref<128x64xf32, #tpu.memory_space<vmem>>) dst(%dma_wait3A_1068 : memref<128x64xf32, #tpu.memory_space<hbm>>)
    %dma_start3A_1073 = arith.constant 12 : i32
    %dma_start3A_1074 = arith.constant 0 : i32
    %dma_start3A_1075 = arith.constant 0 : i32
    %dma_start3A_1076 = arith.constant 0 : i32
    %dma_start3A_1077 = tpu.memref_slice %arg8[%dma_start3A_1074, %dma_start3A_1075, %dma_start3A_1076] : memref<3x128x64xf32, #tpu.memory_space<vmem>> -> memref<1x128x64xf32, #tpu.memory_space<vmem>>
    %dma_start3A_1078 = tpu.memref_squeeze %dma_start3A_1077 : memref<1x128x64xf32, #tpu.memory_space<vmem>> -> memref<128x64xf32, #tpu.memory_space<vmem>>
    %dma_start3A_1079 = arith.constant 0 : i32
    %dma_start3A_1080 = tpu.memref_slice %arg6[%dma_start3A_1073, %dma_start3A_1079] : memref<25x128xi32, #tpu.memory_space<vmem>> -> memref<1x128xi32, #tpu.memory_space<vmem>>
    %dma_start3A_1081 = tpu.memref_squeeze %dma_start3A_1080 : memref<1x128xi32, #tpu.memory_space<vmem>> -> memref<128xi32, #tpu.memory_space<vmem>>
    %dma_start3A_1082 = arith.constant 0 : i32
    %dma_start3A_1083 = arith.constant 0 : i32
    %dma_start3A_1084 = tpu.memref_slice %arg2[%dma_start3A_1082, %dma_start3A_1083] : memref<1000000x64xf32, #tpu.memory_space<hbm>> -> memref<1000000x64xf32, #tpu.memory_space<hbm>>
    tpu.enqueue_indirect_dma source(%dma_start3A_1084 : memref<1000000x64xf32, #tpu.memory_space<hbm>>) target(%dma_start3A_1078 : memref<128x64xf32, #tpu.memory_space<vmem>>) offsets(%dma_start3A_1081 : memref<128xi32, #tpu.memory_space<vmem>>) semaphore(%arg10 : memref<!tpu.dma_semaphore, #tpu.memory_space<semaphore_mem>>)
    %dma_start3A_1085 = arith.constant 12 : i32
    %dma_start3A_1086 = arith.constant 0 : i32
    %dma_start3A_1087 = arith.constant 0 : i32
    %dma_start3A_1088 = arith.constant 0 : i32
    %dma_start3A_1089 = tpu.memref_slice %arg9[%dma_start3A_1086, %dma_start3A_1087, %dma_start3A_1088] : memref<3x128x64xf32, #tpu.memory_space<vmem>> -> memref<1x128x64xf32, #tpu.memory_space<vmem>>
    %dma_start3A_1090 = tpu.memref_squeeze %dma_start3A_1089 : memref<1x128x64xf32, #tpu.memory_space<vmem>> -> memref<128x64xf32, #tpu.memory_space<vmem>>
    %dma_start3A_1091 = arith.constant 0 : i32
    %dma_start3A_1092 = tpu.memref_slice %arg7[%dma_start3A_1085, %dma_start3A_1091] : memref<25x128xi32, #tpu.memory_space<vmem>> -> memref<1x128xi32, #tpu.memory_space<vmem>>
    %dma_start3A_1093 = tpu.memref_squeeze %dma_start3A_1092 : memref<1x128xi32, #tpu.memory_space<vmem>> -> memref<128xi32, #tpu.memory_space<vmem>>
    %dma_start3A_1094 = arith.constant 0 : i32
    %dma_start3A_1095 = arith.constant 0 : i32
    %dma_start3A_1096 = tpu.memref_slice %arg2[%dma_start3A_1094, %dma_start3A_1095] : memref<1000000x64xf32, #tpu.memory_space<hbm>> -> memref<1000000x64xf32, #tpu.memory_space<hbm>>
    tpu.enqueue_indirect_dma source(%dma_start3A_1096 : memref<1000000x64xf32, #tpu.memory_space<hbm>>) target(%dma_start3A_1090 : memref<128x64xf32, #tpu.memory_space<vmem>>) offsets(%dma_start3A_1093 : memref<128xi32, #tpu.memory_space<vmem>>) semaphore(%arg13 : memref<!tpu.dma_semaphore, #tpu.memory_space<semaphore_mem>>)
    %dma_wait3A_1097 = arith.constant 10 : i32
    %dma_wait3A_1098 = arith.constant 1 : i32
    %dma_wait3A_1099 = arith.constant 0 : i32
    %dma_wait3A_1100 = arith.constant 0 : i32
    %dma_wait3A_1101 = tpu.memref_slice %arg8[%dma_wait3A_1098, %dma_wait3A_1099, %dma_wait3A_1100] : memref<3x128x64xf32, #tpu.memory_space<vmem>> -> memref<1x128x64xf32, #tpu.memory_space<vmem>>
    %dma_wait3A_1102 = tpu.memref_squeeze %dma_wait3A_1101 : memref<1x128x64xf32, #tpu.memory_space<vmem>> -> memref<128x64xf32, #tpu.memory_space<vmem>>
    %dma_wait3A_1103 = arith.constant 0 : i32
    %dma_wait3A_1104 = tpu.memref_slice %arg6[%dma_wait3A_1097, %dma_wait3A_1103] : memref<25x128xi32, #tpu.memory_space<vmem>> -> memref<1x128xi32, #tpu.memory_space<vmem>>
    %dma_wait3A_1105 = tpu.memref_squeeze %dma_wait3A_1104 : memref<1x128xi32, #tpu.memory_space<vmem>> -> memref<128xi32, #tpu.memory_space<vmem>>
    %dma_wait3A_1106 = arith.constant 0 : i32
    %dma_wait3A_1107 = arith.constant 0 : i32
    %dma_wait3A_1108 = tpu.memref_slice %arg2[%dma_wait3A_1106, %dma_wait3A_1107] : memref<1000000x64xf32, #tpu.memory_space<hbm>> -> memref<1000000x64xf32, #tpu.memory_space<hbm>>
    tpu.wait_indirect_dma semaphore(%arg11 : memref<!tpu.dma_semaphore, #tpu.memory_space<semaphore_mem>>) src(%dma_wait3A_1108 : memref<1000000x64xf32, #tpu.memory_space<hbm>>) dst(%dma_wait3A_1102 : memref<128x64xf32, #tpu.memory_space<vmem>>)
    %dma_wait3A_1109 = arith.constant 10 : i32
    %dma_wait3A_1110 = arith.constant 1 : i32
    %dma_wait3A_1111 = arith.constant 0 : i32
    %dma_wait3A_1112 = arith.constant 0 : i32
    %dma_wait3A_1113 = tpu.memref_slice %arg9[%dma_wait3A_1110, %dma_wait3A_1111, %dma_wait3A_1112] : memref<3x128x64xf32, #tpu.memory_space<vmem>> -> memref<1x128x64xf32, #tpu.memory_space<vmem>>
    %dma_wait3A_1114 = tpu.memref_squeeze %dma_wait3A_1113 : memref<1x128x64xf32, #tpu.memory_space<vmem>> -> memref<128x64xf32, #tpu.memory_space<vmem>>
    %dma_wait3A_1115 = arith.constant 0 : i32
    %dma_wait3A_1116 = tpu.memref_slice %arg7[%dma_wait3A_1109, %dma_wait3A_1115] : memref<25x128xi32, #tpu.memory_space<vmem>> -> memref<1x128xi32, #tpu.memory_space<vmem>>
    %dma_wait3A_1117 = tpu.memref_squeeze %dma_wait3A_1116 : memref<1x128xi32, #tpu.memory_space<vmem>> -> memref<128xi32, #tpu.memory_space<vmem>>
    %dma_wait3A_1118 = arith.constant 0 : i32
    %dma_wait3A_1119 = arith.constant 0 : i32
    %dma_wait3A_1120 = tpu.memref_slice %arg2[%dma_wait3A_1118, %dma_wait3A_1119] : memref<1000000x64xf32, #tpu.memory_space<hbm>> -> memref<1000000x64xf32, #tpu.memory_space<hbm>>
    tpu.wait_indirect_dma semaphore(%arg14 : memref<!tpu.dma_semaphore, #tpu.memory_space<semaphore_mem>>) src(%dma_wait3A_1120 : memref<1000000x64xf32, #tpu.memory_space<hbm>>) dst(%dma_wait3A_1114 : memref<128x64xf32, #tpu.memory_space<vmem>>)
    %add3A_1121 = arith.constant 1280 : i32
    %add3A_1122 = arith.addi %mul3A_2, %add3A_1121 : i32
    %dma_start3A_1123 = arith.constant 1 : i32
    %dma_start3A_1124 = arith.constant 0 : i32
    %dma_start3A_1125 = arith.constant 0 : i32
    %dma_start3A_1126 = tpu.memref_slice %arg8[%dma_start3A_1123, %dma_start3A_1124, %dma_start3A_1125] : memref<3x128x64xf32, #tpu.memory_space<vmem>> -> memref<1x128x64xf32, #tpu.memory_space<vmem>>
    %dma_start3A_1127 = tpu.memref_squeeze %dma_start3A_1126 : memref<1x128x64xf32, #tpu.memory_space<vmem>> -> memref<128x64xf32, #tpu.memory_space<vmem>>
    %dma_start3A_1128 = arith.constant 0 : i32
    %dma_start3A_1129 = tpu.memref_slice %arg5[%add3A_1122, %dma_start3A_1128] : memref<102400x128xf32, #tpu.memory_space<hbm>> -> memref<128x64xf32, #tpu.memory_space<hbm>>
    %dma_start3A_1130 = arith.constant 0 : i32
    %dma_start3A_1131 = tpu.memref_slice %arg5[%add3A_1122, %dma_start3A_1130] : memref<102400x128xf32, #tpu.memory_space<hbm>> -> memref<128x64xf32, #tpu.memory_space<hbm>>
    %dma_start3A_1132 = arith.constant 0 : i32
    %dma_start3A_1133 = arith.constant 0 : i32
    %dma_start3A_1134 = tpu.memref_slice %arg8[%dma_start3A_1123, %dma_start3A_1132, %dma_start3A_1133] : memref<3x128x64xf32, #tpu.memory_space<vmem>> -> memref<1x128x64xf32, #tpu.memory_space<vmem>>
    %dma_start3A_1135 = tpu.memref_squeeze %dma_start3A_1134 : memref<1x128x64xf32, #tpu.memory_space<vmem>> -> memref<128x64xf32, #tpu.memory_space<vmem>>
    tpu.enqueue_dma source(%dma_start3A_1135 : memref<128x64xf32, #tpu.memory_space<vmem>>) target(%dma_start3A_1131 : memref<128x64xf32, #tpu.memory_space<hbm>>) target_semaphore(%arg17 : memref<!tpu.dma_semaphore, #tpu.memory_space<semaphore_mem>>)
    %dma_start3A_1136 = arith.constant 1 : i32
    %dma_start3A_1137 = arith.constant 0 : i32
    %dma_start3A_1138 = arith.constant 0 : i32
    %dma_start3A_1139 = tpu.memref_slice %arg9[%dma_start3A_1136, %dma_start3A_1137, %dma_start3A_1138] : memref<3x128x64xf32, #tpu.memory_space<vmem>> -> memref<1x128x64xf32, #tpu.memory_space<vmem>>
    %dma_start3A_1140 = tpu.memref_squeeze %dma_start3A_1139 : memref<1x128x64xf32, #tpu.memory_space<vmem>> -> memref<128x64xf32, #tpu.memory_space<vmem>>
    %dma_start3A_1141 = arith.constant 64 : i32
    %dma_start3A_1142 = tpu.memref_slice %arg5[%add3A_1122, %dma_start3A_1141] : memref<102400x128xf32, #tpu.memory_space<hbm>> -> memref<128x64xf32, #tpu.memory_space<hbm>>
    %dma_start3A_1143 = arith.constant 64 : i32
    %dma_start3A_1144 = tpu.memref_slice %arg5[%add3A_1122, %dma_start3A_1143] : memref<102400x128xf32, #tpu.memory_space<hbm>> -> memref<128x64xf32, #tpu.memory_space<hbm>>
    %dma_start3A_1145 = arith.constant 0 : i32
    %dma_start3A_1146 = arith.constant 0 : i32
    %dma_start3A_1147 = tpu.memref_slice %arg9[%dma_start3A_1136, %dma_start3A_1145, %dma_start3A_1146] : memref<3x128x64xf32, #tpu.memory_space<vmem>> -> memref<1x128x64xf32, #tpu.memory_space<vmem>>
    %dma_start3A_1148 = tpu.memref_squeeze %dma_start3A_1147 : memref<1x128x64xf32, #tpu.memory_space<vmem>> -> memref<128x64xf32, #tpu.memory_space<vmem>>
    tpu.enqueue_dma source(%dma_start3A_1148 : memref<128x64xf32, #tpu.memory_space<vmem>>) target(%dma_start3A_1144 : memref<128x64xf32, #tpu.memory_space<hbm>>) target_semaphore(%arg20 : memref<!tpu.dma_semaphore, #tpu.memory_space<semaphore_mem>>)
    %dma_wait3A_1149 = arith.constant 1 : i32
    %dma_wait3A_1150 = arith.constant 0 : i32
    %dma_wait3A_1151 = arith.constant 0 : i32
    %dma_wait3A_1152 = tpu.memref_slice %arg8[%dma_wait3A_1149, %dma_wait3A_1150, %dma_wait3A_1151] : memref<3x128x64xf32, #tpu.memory_space<vmem>> -> memref<1x128x64xf32, #tpu.memory_space<vmem>>
    %dma_wait3A_1153 = tpu.memref_squeeze %dma_wait3A_1152 : memref<1x128x64xf32, #tpu.memory_space<vmem>> -> memref<128x64xf32, #tpu.memory_space<vmem>>
    %dma_wait3A_1154 = arith.constant 0 : i32
    %dma_wait3A_1155 = tpu.memref_slice %arg5[%add3A_1122, %dma_wait3A_1154] : memref<102400x128xf32, #tpu.memory_space<hbm>> -> memref<128x64xf32, #tpu.memory_space<hbm>>
    %dma_wait3A_1156 = arith.constant 0 : i32
    %dma_wait3A_1157 = tpu.memref_slice %arg5[%add3A_1122, %dma_wait3A_1156] : memref<102400x128xf32, #tpu.memory_space<hbm>> -> memref<128x64xf32, #tpu.memory_space<hbm>>
    %dma_wait3A_1158 = arith.constant 0 : i32
    %dma_wait3A_1159 = arith.constant 0 : i32
    %dma_wait3A_1160 = tpu.memref_slice %arg8[%dma_wait3A_1149, %dma_wait3A_1158, %dma_wait3A_1159] : memref<3x128x64xf32, #tpu.memory_space<vmem>> -> memref<1x128x64xf32, #tpu.memory_space<vmem>>
    %dma_wait3A_1161 = tpu.memref_squeeze %dma_wait3A_1160 : memref<1x128x64xf32, #tpu.memory_space<vmem>> -> memref<128x64xf32, #tpu.memory_space<vmem>>
    tpu.wait_dma2 semaphore(%arg17 : memref<!tpu.dma_semaphore, #tpu.memory_space<semaphore_mem>>) src(%dma_wait3A_1161 : memref<128x64xf32, #tpu.memory_space<vmem>>) dst(%dma_wait3A_1157 : memref<128x64xf32, #tpu.memory_space<hbm>>)
    %dma_wait3A_1162 = arith.constant 1 : i32
    %dma_wait3A_1163 = arith.constant 0 : i32
    %dma_wait3A_1164 = arith.constant 0 : i32
    %dma_wait3A_1165 = tpu.memref_slice %arg9[%dma_wait3A_1162, %dma_wait3A_1163, %dma_wait3A_1164] : memref<3x128x64xf32, #tpu.memory_space<vmem>> -> memref<1x128x64xf32, #tpu.memory_space<vmem>>
    %dma_wait3A_1166 = tpu.memref_squeeze %dma_wait3A_1165 : memref<1x128x64xf32, #tpu.memory_space<vmem>> -> memref<128x64xf32, #tpu.memory_space<vmem>>
    %dma_wait3A_1167 = arith.constant 64 : i32
    %dma_wait3A_1168 = tpu.memref_slice %arg5[%add3A_1122, %dma_wait3A_1167] : memref<102400x128xf32, #tpu.memory_space<hbm>> -> memref<128x64xf32, #tpu.memory_space<hbm>>
    %dma_wait3A_1169 = arith.constant 64 : i32
    %dma_wait3A_1170 = tpu.memref_slice %arg5[%add3A_1122, %dma_wait3A_1169] : memref<102400x128xf32, #tpu.memory_space<hbm>> -> memref<128x64xf32, #tpu.memory_space<hbm>>
    %dma_wait3A_1171 = arith.constant 0 : i32
    %dma_wait3A_1172 = arith.constant 0 : i32
    %dma_wait3A_1173 = tpu.memref_slice %arg9[%dma_wait3A_1162, %dma_wait3A_1171, %dma_wait3A_1172] : memref<3x128x64xf32, #tpu.memory_space<vmem>> -> memref<1x128x64xf32, #tpu.memory_space<vmem>>
    %dma_wait3A_1174 = tpu.memref_squeeze %dma_wait3A_1173 : memref<1x128x64xf32, #tpu.memory_space<vmem>> -> memref<128x64xf32, #tpu.memory_space<vmem>>
    tpu.wait_dma2 semaphore(%arg20 : memref<!tpu.dma_semaphore, #tpu.memory_space<semaphore_mem>>) src(%dma_wait3A_1174 : memref<128x64xf32, #tpu.memory_space<vmem>>) dst(%dma_wait3A_1170 : memref<128x64xf32, #tpu.memory_space<hbm>>)
    %dma_start3A_1175 = arith.constant 13 : i32
    %dma_start3A_1176 = arith.constant 1 : i32
    %dma_start3A_1177 = arith.constant 0 : i32
    %dma_start3A_1178 = arith.constant 0 : i32
    %dma_start3A_1179 = tpu.memref_slice %arg8[%dma_start3A_1176, %dma_start3A_1177, %dma_start3A_1178] : memref<3x128x64xf32, #tpu.memory_space<vmem>> -> memref<1x128x64xf32, #tpu.memory_space<vmem>>
    %dma_start3A_1180 = tpu.memref_squeeze %dma_start3A_1179 : memref<1x128x64xf32, #tpu.memory_space<vmem>> -> memref<128x64xf32, #tpu.memory_space<vmem>>
    %dma_start3A_1181 = arith.constant 0 : i32
    %dma_start3A_1182 = tpu.memref_slice %arg6[%dma_start3A_1175, %dma_start3A_1181] : memref<25x128xi32, #tpu.memory_space<vmem>> -> memref<1x128xi32, #tpu.memory_space<vmem>>
    %dma_start3A_1183 = tpu.memref_squeeze %dma_start3A_1182 : memref<1x128xi32, #tpu.memory_space<vmem>> -> memref<128xi32, #tpu.memory_space<vmem>>
    %dma_start3A_1184 = arith.constant 0 : i32
    %dma_start3A_1185 = arith.constant 0 : i32
    %dma_start3A_1186 = tpu.memref_slice %arg2[%dma_start3A_1184, %dma_start3A_1185] : memref<1000000x64xf32, #tpu.memory_space<hbm>> -> memref<1000000x64xf32, #tpu.memory_space<hbm>>
    tpu.enqueue_indirect_dma source(%dma_start3A_1186 : memref<1000000x64xf32, #tpu.memory_space<hbm>>) target(%dma_start3A_1180 : memref<128x64xf32, #tpu.memory_space<vmem>>) offsets(%dma_start3A_1183 : memref<128xi32, #tpu.memory_space<vmem>>) semaphore(%arg11 : memref<!tpu.dma_semaphore, #tpu.memory_space<semaphore_mem>>)
    %dma_start3A_1187 = arith.constant 13 : i32
    %dma_start3A_1188 = arith.constant 1 : i32
    %dma_start3A_1189 = arith.constant 0 : i32
    %dma_start3A_1190 = arith.constant 0 : i32
    %dma_start3A_1191 = tpu.memref_slice %arg9[%dma_start3A_1188, %dma_start3A_1189, %dma_start3A_1190] : memref<3x128x64xf32, #tpu.memory_space<vmem>> -> memref<1x128x64xf32, #tpu.memory_space<vmem>>
    %dma_start3A_1192 = tpu.memref_squeeze %dma_start3A_1191 : memref<1x128x64xf32, #tpu.memory_space<vmem>> -> memref<128x64xf32, #tpu.memory_space<vmem>>
    %dma_start3A_1193 = arith.constant 0 : i32
    %dma_start3A_1194 = tpu.memref_slice %arg7[%dma_start3A_1187, %dma_start3A_1193] : memref<25x128xi32, #tpu.memory_space<vmem>> -> memref<1x128xi32, #tpu.memory_space<vmem>>
    %dma_start3A_1195 = tpu.memref_squeeze %dma_start3A_1194 : memref<1x128xi32, #tpu.memory_space<vmem>> -> memref<128xi32, #tpu.memory_space<vmem>>
    %dma_start3A_1196 = arith.constant 0 : i32
    %dma_start3A_1197 = arith.constant 0 : i32
    %dma_start3A_1198 = tpu.memref_slice %arg2[%dma_start3A_1196, %dma_start3A_1197] : memref<1000000x64xf32, #tpu.memory_space<hbm>> -> memref<1000000x64xf32, #tpu.memory_space<hbm>>
    tpu.enqueue_indirect_dma source(%dma_start3A_1198 : memref<1000000x64xf32, #tpu.memory_space<hbm>>) target(%dma_start3A_1192 : memref<128x64xf32, #tpu.memory_space<vmem>>) offsets(%dma_start3A_1195 : memref<128xi32, #tpu.memory_space<vmem>>) semaphore(%arg14 : memref<!tpu.dma_semaphore, #tpu.memory_space<semaphore_mem>>)
    %dma_wait3A_1199 = arith.constant 11 : i32
    %dma_wait3A_1200 = arith.constant 2 : i32
    %dma_wait3A_1201 = arith.constant 0 : i32
    %dma_wait3A_1202 = arith.constant 0 : i32
    %dma_wait3A_1203 = tpu.memref_slice %arg8[%dma_wait3A_1200, %dma_wait3A_1201, %dma_wait3A_1202] : memref<3x128x64xf32, #tpu.memory_space<vmem>> -> memref<1x128x64xf32, #tpu.memory_space<vmem>>
    %dma_wait3A_1204 = tpu.memref_squeeze %dma_wait3A_1203 : memref<1x128x64xf32, #tpu.memory_space<vmem>> -> memref<128x64xf32, #tpu.memory_space<vmem>>
    %dma_wait3A_1205 = arith.constant 0 : i32
    %dma_wait3A_1206 = tpu.memref_slice %arg6[%dma_wait3A_1199, %dma_wait3A_1205] : memref<25x128xi32, #tpu.memory_space<vmem>> -> memref<1x128xi32, #tpu.memory_space<vmem>>
    %dma_wait3A_1207 = tpu.memref_squeeze %dma_wait3A_1206 : memref<1x128xi32, #tpu.memory_space<vmem>> -> memref<128xi32, #tpu.memory_space<vmem>>
    %dma_wait3A_1208 = arith.constant 0 : i32
    %dma_wait3A_1209 = arith.constant 0 : i32
    %dma_wait3A_1210 = tpu.memref_slice %arg2[%dma_wait3A_1208, %dma_wait3A_1209] : memref<1000000x64xf32, #tpu.memory_space<hbm>> -> memref<1000000x64xf32, #tpu.memory_space<hbm>>
    tpu.wait_indirect_dma semaphore(%arg12 : memref<!tpu.dma_semaphore, #tpu.memory_space<semaphore_mem>>) src(%dma_wait3A_1210 : memref<1000000x64xf32, #tpu.memory_space<hbm>>) dst(%dma_wait3A_1204 : memref<128x64xf32, #tpu.memory_space<vmem>>)
    %dma_wait3A_1211 = arith.constant 11 : i32
    %dma_wait3A_1212 = arith.constant 2 : i32
    %dma_wait3A_1213 = arith.constant 0 : i32
    %dma_wait3A_1214 = arith.constant 0 : i32
    %dma_wait3A_1215 = tpu.memref_slice %arg9[%dma_wait3A_1212, %dma_wait3A_1213, %dma_wait3A_1214] : memref<3x128x64xf32, #tpu.memory_space<vmem>> -> memref<1x128x64xf32, #tpu.memory_space<vmem>>
    %dma_wait3A_1216 = tpu.memref_squeeze %dma_wait3A_1215 : memref<1x128x64xf32, #tpu.memory_space<vmem>> -> memref<128x64xf32, #tpu.memory_space<vmem>>
    %dma_wait3A_1217 = arith.constant 0 : i32
    %dma_wait3A_1218 = tpu.memref_slice %arg7[%dma_wait3A_1211, %dma_wait3A_1217] : memref<25x128xi32, #tpu.memory_space<vmem>> -> memref<1x128xi32, #tpu.memory_space<vmem>>
    %dma_wait3A_1219 = tpu.memref_squeeze %dma_wait3A_1218 : memref<1x128xi32, #tpu.memory_space<vmem>> -> memref<128xi32, #tpu.memory_space<vmem>>
    %dma_wait3A_1220 = arith.constant 0 : i32
    %dma_wait3A_1221 = arith.constant 0 : i32
    %dma_wait3A_1222 = tpu.memref_slice %arg2[%dma_wait3A_1220, %dma_wait3A_1221] : memref<1000000x64xf32, #tpu.memory_space<hbm>> -> memref<1000000x64xf32, #tpu.memory_space<hbm>>
    tpu.wait_indirect_dma semaphore(%arg15 : memref<!tpu.dma_semaphore, #tpu.memory_space<semaphore_mem>>) src(%dma_wait3A_1222 : memref<1000000x64xf32, #tpu.memory_space<hbm>>) dst(%dma_wait3A_1216 : memref<128x64xf32, #tpu.memory_space<vmem>>)
    %add3A_1223 = arith.constant 1408 : i32
    %add3A_1224 = arith.addi %mul3A_2, %add3A_1223 : i32
    %dma_start3A_1225 = arith.constant 2 : i32
    %dma_start3A_1226 = arith.constant 0 : i32
    %dma_start3A_1227 = arith.constant 0 : i32
    %dma_start3A_1228 = tpu.memref_slice %arg8[%dma_start3A_1225, %dma_start3A_1226, %dma_start3A_1227] : memref<3x128x64xf32, #tpu.memory_space<vmem>> -> memref<1x128x64xf32, #tpu.memory_space<vmem>>
    %dma_start3A_1229 = tpu.memref_squeeze %dma_start3A_1228 : memref<1x128x64xf32, #tpu.memory_space<vmem>> -> memref<128x64xf32, #tpu.memory_space<vmem>>
    %dma_start3A_1230 = arith.constant 0 : i32
    %dma_start3A_1231 = tpu.memref_slice %arg5[%add3A_1224, %dma_start3A_1230] : memref<102400x128xf32, #tpu.memory_space<hbm>> -> memref<128x64xf32, #tpu.memory_space<hbm>>
    %dma_start3A_1232 = arith.constant 0 : i32
    %dma_start3A_1233 = tpu.memref_slice %arg5[%add3A_1224, %dma_start3A_1232] : memref<102400x128xf32, #tpu.memory_space<hbm>> -> memref<128x64xf32, #tpu.memory_space<hbm>>
    %dma_start3A_1234 = arith.constant 0 : i32
    %dma_start3A_1235 = arith.constant 0 : i32
    %dma_start3A_1236 = tpu.memref_slice %arg8[%dma_start3A_1225, %dma_start3A_1234, %dma_start3A_1235] : memref<3x128x64xf32, #tpu.memory_space<vmem>> -> memref<1x128x64xf32, #tpu.memory_space<vmem>>
    %dma_start3A_1237 = tpu.memref_squeeze %dma_start3A_1236 : memref<1x128x64xf32, #tpu.memory_space<vmem>> -> memref<128x64xf32, #tpu.memory_space<vmem>>
    tpu.enqueue_dma source(%dma_start3A_1237 : memref<128x64xf32, #tpu.memory_space<vmem>>) target(%dma_start3A_1233 : memref<128x64xf32, #tpu.memory_space<hbm>>) target_semaphore(%arg18 : memref<!tpu.dma_semaphore, #tpu.memory_space<semaphore_mem>>)
    %dma_start3A_1238 = arith.constant 2 : i32
    %dma_start3A_1239 = arith.constant 0 : i32
    %dma_start3A_1240 = arith.constant 0 : i32
    %dma_start3A_1241 = tpu.memref_slice %arg9[%dma_start3A_1238, %dma_start3A_1239, %dma_start3A_1240] : memref<3x128x64xf32, #tpu.memory_space<vmem>> -> memref<1x128x64xf32, #tpu.memory_space<vmem>>
    %dma_start3A_1242 = tpu.memref_squeeze %dma_start3A_1241 : memref<1x128x64xf32, #tpu.memory_space<vmem>> -> memref<128x64xf32, #tpu.memory_space<vmem>>
    %dma_start3A_1243 = arith.constant 64 : i32
    %dma_start3A_1244 = tpu.memref_slice %arg5[%add3A_1224, %dma_start3A_1243] : memref<102400x128xf32, #tpu.memory_space<hbm>> -> memref<128x64xf32, #tpu.memory_space<hbm>>
    %dma_start3A_1245 = arith.constant 64 : i32
    %dma_start3A_1246 = tpu.memref_slice %arg5[%add3A_1224, %dma_start3A_1245] : memref<102400x128xf32, #tpu.memory_space<hbm>> -> memref<128x64xf32, #tpu.memory_space<hbm>>
    %dma_start3A_1247 = arith.constant 0 : i32
    %dma_start3A_1248 = arith.constant 0 : i32
    %dma_start3A_1249 = tpu.memref_slice %arg9[%dma_start3A_1238, %dma_start3A_1247, %dma_start3A_1248] : memref<3x128x64xf32, #tpu.memory_space<vmem>> -> memref<1x128x64xf32, #tpu.memory_space<vmem>>
    %dma_start3A_1250 = tpu.memref_squeeze %dma_start3A_1249 : memref<1x128x64xf32, #tpu.memory_space<vmem>> -> memref<128x64xf32, #tpu.memory_space<vmem>>
    tpu.enqueue_dma source(%dma_start3A_1250 : memref<128x64xf32, #tpu.memory_space<vmem>>) target(%dma_start3A_1246 : memref<128x64xf32, #tpu.memory_space<hbm>>) target_semaphore(%arg21 : memref<!tpu.dma_semaphore, #tpu.memory_space<semaphore_mem>>)
    %dma_wait3A_1251 = arith.constant 2 : i32
    %dma_wait3A_1252 = arith.constant 0 : i32
    %dma_wait3A_1253 = arith.constant 0 : i32
    %dma_wait3A_1254 = tpu.memref_slice %arg8[%dma_wait3A_1251, %dma_wait3A_1252, %dma_wait3A_1253] : memref<3x128x64xf32, #tpu.memory_space<vmem>> -> memref<1x128x64xf32, #tpu.memory_space<vmem>>
    %dma_wait3A_1255 = tpu.memref_squeeze %dma_wait3A_1254 : memref<1x128x64xf32, #tpu.memory_space<vmem>> -> memref<128x64xf32, #tpu.memory_space<vmem>>
    %dma_wait3A_1256 = arith.constant 0 : i32
    %dma_wait3A_1257 = tpu.memref_slice %arg5[%add3A_1224, %dma_wait3A_1256] : memref<102400x128xf32, #tpu.memory_space<hbm>> -> memref<128x64xf32, #tpu.memory_space<hbm>>
    %dma_wait3A_1258 = arith.constant 0 : i32
    %dma_wait3A_1259 = tpu.memref_slice %arg5[%add3A_1224, %dma_wait3A_1258] : memref<102400x128xf32, #tpu.memory_space<hbm>> -> memref<128x64xf32, #tpu.memory_space<hbm>>
    %dma_wait3A_1260 = arith.constant 0 : i32
    %dma_wait3A_1261 = arith.constant 0 : i32
    %dma_wait3A_1262 = tpu.memref_slice %arg8[%dma_wait3A_1251, %dma_wait3A_1260, %dma_wait3A_1261] : memref<3x128x64xf32, #tpu.memory_space<vmem>> -> memref<1x128x64xf32, #tpu.memory_space<vmem>>
    %dma_wait3A_1263 = tpu.memref_squeeze %dma_wait3A_1262 : memref<1x128x64xf32, #tpu.memory_space<vmem>> -> memref<128x64xf32, #tpu.memory_space<vmem>>
    tpu.wait_dma2 semaphore(%arg18 : memref<!tpu.dma_semaphore, #tpu.memory_space<semaphore_mem>>) src(%dma_wait3A_1263 : memref<128x64xf32, #tpu.memory_space<vmem>>) dst(%dma_wait3A_1259 : memref<128x64xf32, #tpu.memory_space<hbm>>)
    %dma_wait3A_1264 = arith.constant 2 : i32
    %dma_wait3A_1265 = arith.constant 0 : i32
    %dma_wait3A_1266 = arith.constant 0 : i32
    %dma_wait3A_1267 = tpu.memref_slice %arg9[%dma_wait3A_1264, %dma_wait3A_1265, %dma_wait3A_1266] : memref<3x128x64xf32, #tpu.memory_space<vmem>> -> memref<1x128x64xf32, #tpu.memory_space<vmem>>
    %dma_wait3A_1268 = tpu.memref_squeeze %dma_wait3A_1267 : memref<1x128x64xf32, #tpu.memory_space<vmem>> -> memref<128x64xf32, #tpu.memory_space<vmem>>
    %dma_wait3A_1269 = arith.constant 64 : i32
    %dma_wait3A_1270 = tpu.memref_slice %arg5[%add3A_1224, %dma_wait3A_1269] : memref<102400x128xf32, #tpu.memory_space<hbm>> -> memref<128x64xf32, #tpu.memory_space<hbm>>
    %dma_wait3A_1271 = arith.constant 64 : i32
    %dma_wait3A_1272 = tpu.memref_slice %arg5[%add3A_1224, %dma_wait3A_1271] : memref<102400x128xf32, #tpu.memory_space<hbm>> -> memref<128x64xf32, #tpu.memory_space<hbm>>
    %dma_wait3A_1273 = arith.constant 0 : i32
    %dma_wait3A_1274 = arith.constant 0 : i32
    %dma_wait3A_1275 = tpu.memref_slice %arg9[%dma_wait3A_1264, %dma_wait3A_1273, %dma_wait3A_1274] : memref<3x128x64xf32, #tpu.memory_space<vmem>> -> memref<1x128x64xf32, #tpu.memory_space<vmem>>
    %dma_wait3A_1276 = tpu.memref_squeeze %dma_wait3A_1275 : memref<1x128x64xf32, #tpu.memory_space<vmem>> -> memref<128x64xf32, #tpu.memory_space<vmem>>
    tpu.wait_dma2 semaphore(%arg21 : memref<!tpu.dma_semaphore, #tpu.memory_space<semaphore_mem>>) src(%dma_wait3A_1276 : memref<128x64xf32, #tpu.memory_space<vmem>>) dst(%dma_wait3A_1272 : memref<128x64xf32, #tpu.memory_space<hbm>>)
    %dma_start3A_1277 = arith.constant 14 : i32
    %dma_start3A_1278 = arith.constant 2 : i32
    %dma_start3A_1279 = arith.constant 0 : i32
    %dma_start3A_1280 = arith.constant 0 : i32
    %dma_start3A_1281 = tpu.memref_slice %arg8[%dma_start3A_1278, %dma_start3A_1279, %dma_start3A_1280] : memref<3x128x64xf32, #tpu.memory_space<vmem>> -> memref<1x128x64xf32, #tpu.memory_space<vmem>>
    %dma_start3A_1282 = tpu.memref_squeeze %dma_start3A_1281 : memref<1x128x64xf32, #tpu.memory_space<vmem>> -> memref<128x64xf32, #tpu.memory_space<vmem>>
    %dma_start3A_1283 = arith.constant 0 : i32
    %dma_start3A_1284 = tpu.memref_slice %arg6[%dma_start3A_1277, %dma_start3A_1283] : memref<25x128xi32, #tpu.memory_space<vmem>> -> memref<1x128xi32, #tpu.memory_space<vmem>>
    %dma_start3A_1285 = tpu.memref_squeeze %dma_start3A_1284 : memref<1x128xi32, #tpu.memory_space<vmem>> -> memref<128xi32, #tpu.memory_space<vmem>>
    %dma_start3A_1286 = arith.constant 0 : i32
    %dma_start3A_1287 = arith.constant 0 : i32
    %dma_start3A_1288 = tpu.memref_slice %arg2[%dma_start3A_1286, %dma_start3A_1287] : memref<1000000x64xf32, #tpu.memory_space<hbm>> -> memref<1000000x64xf32, #tpu.memory_space<hbm>>
    tpu.enqueue_indirect_dma source(%dma_start3A_1288 : memref<1000000x64xf32, #tpu.memory_space<hbm>>) target(%dma_start3A_1282 : memref<128x64xf32, #tpu.memory_space<vmem>>) offsets(%dma_start3A_1285 : memref<128xi32, #tpu.memory_space<vmem>>) semaphore(%arg12 : memref<!tpu.dma_semaphore, #tpu.memory_space<semaphore_mem>>)
    %dma_start3A_1289 = arith.constant 14 : i32
    %dma_start3A_1290 = arith.constant 2 : i32
    %dma_start3A_1291 = arith.constant 0 : i32
    %dma_start3A_1292 = arith.constant 0 : i32
    %dma_start3A_1293 = tpu.memref_slice %arg9[%dma_start3A_1290, %dma_start3A_1291, %dma_start3A_1292] : memref<3x128x64xf32, #tpu.memory_space<vmem>> -> memref<1x128x64xf32, #tpu.memory_space<vmem>>
    %dma_start3A_1294 = tpu.memref_squeeze %dma_start3A_1293 : memref<1x128x64xf32, #tpu.memory_space<vmem>> -> memref<128x64xf32, #tpu.memory_space<vmem>>
    %dma_start3A_1295 = arith.constant 0 : i32
    %dma_start3A_1296 = tpu.memref_slice %arg7[%dma_start3A_1289, %dma_start3A_1295] : memref<25x128xi32, #tpu.memory_space<vmem>> -> memref<1x128xi32, #tpu.memory_space<vmem>>
    %dma_start3A_1297 = tpu.memref_squeeze %dma_start3A_1296 : memref<1x128xi32, #tpu.memory_space<vmem>> -> memref<128xi32, #tpu.memory_space<vmem>>
    %dma_start3A_1298 = arith.constant 0 : i32
    %dma_start3A_1299 = arith.constant 0 : i32
    %dma_start3A_1300 = tpu.memref_slice %arg2[%dma_start3A_1298, %dma_start3A_1299] : memref<1000000x64xf32, #tpu.memory_space<hbm>> -> memref<1000000x64xf32, #tpu.memory_space<hbm>>
    tpu.enqueue_indirect_dma source(%dma_start3A_1300 : memref<1000000x64xf32, #tpu.memory_space<hbm>>) target(%dma_start3A_1294 : memref<128x64xf32, #tpu.memory_space<vmem>>) offsets(%dma_start3A_1297 : memref<128xi32, #tpu.memory_space<vmem>>) semaphore(%arg15 : memref<!tpu.dma_semaphore, #tpu.memory_space<semaphore_mem>>)
    %dma_wait3A_1301 = arith.constant 12 : i32
    %dma_wait3A_1302 = arith.constant 0 : i32
    %dma_wait3A_1303 = arith.constant 0 : i32
    %dma_wait3A_1304 = arith.constant 0 : i32
    %dma_wait3A_1305 = tpu.memref_slice %arg8[%dma_wait3A_1302, %dma_wait3A_1303, %dma_wait3A_1304] : memref<3x128x64xf32, #tpu.memory_space<vmem>> -> memref<1x128x64xf32, #tpu.memory_space<vmem>>
    %dma_wait3A_1306 = tpu.memref_squeeze %dma_wait3A_1305 : memref<1x128x64xf32, #tpu.memory_space<vmem>> -> memref<128x64xf32, #tpu.memory_space<vmem>>
    %dma_wait3A_1307 = arith.constant 0 : i32
    %dma_wait3A_1308 = tpu.memref_slice %arg6[%dma_wait3A_1301, %dma_wait3A_1307] : memref<25x128xi32, #tpu.memory_space<vmem>> -> memref<1x128xi32, #tpu.memory_space<vmem>>
    %dma_wait3A_1309 = tpu.memref_squeeze %dma_wait3A_1308 : memref<1x128xi32, #tpu.memory_space<vmem>> -> memref<128xi32, #tpu.memory_space<vmem>>
    %dma_wait3A_1310 = arith.constant 0 : i32
    %dma_wait3A_1311 = arith.constant 0 : i32
    %dma_wait3A_1312 = tpu.memref_slice %arg2[%dma_wait3A_1310, %dma_wait3A_1311] : memref<1000000x64xf32, #tpu.memory_space<hbm>> -> memref<1000000x64xf32, #tpu.memory_space<hbm>>
    tpu.wait_indirect_dma semaphore(%arg10 : memref<!tpu.dma_semaphore, #tpu.memory_space<semaphore_mem>>) src(%dma_wait3A_1312 : memref<1000000x64xf32, #tpu.memory_space<hbm>>) dst(%dma_wait3A_1306 : memref<128x64xf32, #tpu.memory_space<vmem>>)
    %dma_wait3A_1313 = arith.constant 12 : i32
    %dma_wait3A_1314 = arith.constant 0 : i32
    %dma_wait3A_1315 = arith.constant 0 : i32
    %dma_wait3A_1316 = arith.constant 0 : i32
    %dma_wait3A_1317 = tpu.memref_slice %arg9[%dma_wait3A_1314, %dma_wait3A_1315, %dma_wait3A_1316] : memref<3x128x64xf32, #tpu.memory_space<vmem>> -> memref<1x128x64xf32, #tpu.memory_space<vmem>>
    %dma_wait3A_1318 = tpu.memref_squeeze %dma_wait3A_1317 : memref<1x128x64xf32, #tpu.memory_space<vmem>> -> memref<128x64xf32, #tpu.memory_space<vmem>>
    %dma_wait3A_1319 = arith.constant 0 : i32
    %dma_wait3A_1320 = tpu.memref_slice %arg7[%dma_wait3A_1313, %dma_wait3A_1319] : memref<25x128xi32, #tpu.memory_space<vmem>> -> memref<1x128xi32, #tpu.memory_space<vmem>>
    %dma_wait3A_1321 = tpu.memref_squeeze %dma_wait3A_1320 : memref<1x128xi32, #tpu.memory_space<vmem>> -> memref<128xi32, #tpu.memory_space<vmem>>
    %dma_wait3A_1322 = arith.constant 0 : i32
    %dma_wait3A_1323 = arith.constant 0 : i32
    %dma_wait3A_1324 = tpu.memref_slice %arg2[%dma_wait3A_1322, %dma_wait3A_1323] : memref<1000000x64xf32, #tpu.memory_space<hbm>> -> memref<1000000x64xf32, #tpu.memory_space<hbm>>
    tpu.wait_indirect_dma semaphore(%arg13 : memref<!tpu.dma_semaphore, #tpu.memory_space<semaphore_mem>>) src(%dma_wait3A_1324 : memref<1000000x64xf32, #tpu.memory_space<hbm>>) dst(%dma_wait3A_1318 : memref<128x64xf32, #tpu.memory_space<vmem>>)
    %add3A_1325 = arith.constant 1536 : i32
    %add3A_1326 = arith.addi %mul3A_2, %add3A_1325 : i32
    %dma_start3A_1327 = arith.constant 0 : i32
    %dma_start3A_1328 = arith.constant 0 : i32
    %dma_start3A_1329 = arith.constant 0 : i32
    %dma_start3A_1330 = tpu.memref_slice %arg8[%dma_start3A_1327, %dma_start3A_1328, %dma_start3A_1329] : memref<3x128x64xf32, #tpu.memory_space<vmem>> -> memref<1x128x64xf32, #tpu.memory_space<vmem>>
    %dma_start3A_1331 = tpu.memref_squeeze %dma_start3A_1330 : memref<1x128x64xf32, #tpu.memory_space<vmem>> -> memref<128x64xf32, #tpu.memory_space<vmem>>
    %dma_start3A_1332 = arith.constant 0 : i32
    %dma_start3A_1333 = tpu.memref_slice %arg5[%add3A_1326, %dma_start3A_1332] : memref<102400x128xf32, #tpu.memory_space<hbm>> -> memref<128x64xf32, #tpu.memory_space<hbm>>
    %dma_start3A_1334 = arith.constant 0 : i32
    %dma_start3A_1335 = tpu.memref_slice %arg5[%add3A_1326, %dma_start3A_1334] : memref<102400x128xf32, #tpu.memory_space<hbm>> -> memref<128x64xf32, #tpu.memory_space<hbm>>
    %dma_start3A_1336 = arith.constant 0 : i32
    %dma_start3A_1337 = arith.constant 0 : i32
    %dma_start3A_1338 = tpu.memref_slice %arg8[%dma_start3A_1327, %dma_start3A_1336, %dma_start3A_1337] : memref<3x128x64xf32, #tpu.memory_space<vmem>> -> memref<1x128x64xf32, #tpu.memory_space<vmem>>
    %dma_start3A_1339 = tpu.memref_squeeze %dma_start3A_1338 : memref<1x128x64xf32, #tpu.memory_space<vmem>> -> memref<128x64xf32, #tpu.memory_space<vmem>>
    tpu.enqueue_dma source(%dma_start3A_1339 : memref<128x64xf32, #tpu.memory_space<vmem>>) target(%dma_start3A_1335 : memref<128x64xf32, #tpu.memory_space<hbm>>) target_semaphore(%arg16 : memref<!tpu.dma_semaphore, #tpu.memory_space<semaphore_mem>>)
    %dma_start3A_1340 = arith.constant 0 : i32
    %dma_start3A_1341 = arith.constant 0 : i32
    %dma_start3A_1342 = arith.constant 0 : i32
    %dma_start3A_1343 = tpu.memref_slice %arg9[%dma_start3A_1340, %dma_start3A_1341, %dma_start3A_1342] : memref<3x128x64xf32, #tpu.memory_space<vmem>> -> memref<1x128x64xf32, #tpu.memory_space<vmem>>
    %dma_start3A_1344 = tpu.memref_squeeze %dma_start3A_1343 : memref<1x128x64xf32, #tpu.memory_space<vmem>> -> memref<128x64xf32, #tpu.memory_space<vmem>>
    %dma_start3A_1345 = arith.constant 64 : i32
    %dma_start3A_1346 = tpu.memref_slice %arg5[%add3A_1326, %dma_start3A_1345] : memref<102400x128xf32, #tpu.memory_space<hbm>> -> memref<128x64xf32, #tpu.memory_space<hbm>>
    %dma_start3A_1347 = arith.constant 64 : i32
    %dma_start3A_1348 = tpu.memref_slice %arg5[%add3A_1326, %dma_start3A_1347] : memref<102400x128xf32, #tpu.memory_space<hbm>> -> memref<128x64xf32, #tpu.memory_space<hbm>>
    %dma_start3A_1349 = arith.constant 0 : i32
    %dma_start3A_1350 = arith.constant 0 : i32
    %dma_start3A_1351 = tpu.memref_slice %arg9[%dma_start3A_1340, %dma_start3A_1349, %dma_start3A_1350] : memref<3x128x64xf32, #tpu.memory_space<vmem>> -> memref<1x128x64xf32, #tpu.memory_space<vmem>>
    %dma_start3A_1352 = tpu.memref_squeeze %dma_start3A_1351 : memref<1x128x64xf32, #tpu.memory_space<vmem>> -> memref<128x64xf32, #tpu.memory_space<vmem>>
    tpu.enqueue_dma source(%dma_start3A_1352 : memref<128x64xf32, #tpu.memory_space<vmem>>) target(%dma_start3A_1348 : memref<128x64xf32, #tpu.memory_space<hbm>>) target_semaphore(%arg19 : memref<!tpu.dma_semaphore, #tpu.memory_space<semaphore_mem>>)
    %dma_wait3A_1353 = arith.constant 0 : i32
    %dma_wait3A_1354 = arith.constant 0 : i32
    %dma_wait3A_1355 = arith.constant 0 : i32
    %dma_wait3A_1356 = tpu.memref_slice %arg8[%dma_wait3A_1353, %dma_wait3A_1354, %dma_wait3A_1355] : memref<3x128x64xf32, #tpu.memory_space<vmem>> -> memref<1x128x64xf32, #tpu.memory_space<vmem>>
    %dma_wait3A_1357 = tpu.memref_squeeze %dma_wait3A_1356 : memref<1x128x64xf32, #tpu.memory_space<vmem>> -> memref<128x64xf32, #tpu.memory_space<vmem>>
    %dma_wait3A_1358 = arith.constant 0 : i32
    %dma_wait3A_1359 = tpu.memref_slice %arg5[%add3A_1326, %dma_wait3A_1358] : memref<102400x128xf32, #tpu.memory_space<hbm>> -> memref<128x64xf32, #tpu.memory_space<hbm>>
    %dma_wait3A_1360 = arith.constant 0 : i32
    %dma_wait3A_1361 = tpu.memref_slice %arg5[%add3A_1326, %dma_wait3A_1360] : memref<102400x128xf32, #tpu.memory_space<hbm>> -> memref<128x64xf32, #tpu.memory_space<hbm>>
    %dma_wait3A_1362 = arith.constant 0 : i32
    %dma_wait3A_1363 = arith.constant 0 : i32
    %dma_wait3A_1364 = tpu.memref_slice %arg8[%dma_wait3A_1353, %dma_wait3A_1362, %dma_wait3A_1363] : memref<3x128x64xf32, #tpu.memory_space<vmem>> -> memref<1x128x64xf32, #tpu.memory_space<vmem>>
    %dma_wait3A_1365 = tpu.memref_squeeze %dma_wait3A_1364 : memref<1x128x64xf32, #tpu.memory_space<vmem>> -> memref<128x64xf32, #tpu.memory_space<vmem>>
    tpu.wait_dma2 semaphore(%arg16 : memref<!tpu.dma_semaphore, #tpu.memory_space<semaphore_mem>>) src(%dma_wait3A_1365 : memref<128x64xf32, #tpu.memory_space<vmem>>) dst(%dma_wait3A_1361 : memref<128x64xf32, #tpu.memory_space<hbm>>)
    %dma_wait3A_1366 = arith.constant 0 : i32
    %dma_wait3A_1367 = arith.constant 0 : i32
    %dma_wait3A_1368 = arith.constant 0 : i32
    %dma_wait3A_1369 = tpu.memref_slice %arg9[%dma_wait3A_1366, %dma_wait3A_1367, %dma_wait3A_1368] : memref<3x128x64xf32, #tpu.memory_space<vmem>> -> memref<1x128x64xf32, #tpu.memory_space<vmem>>
    %dma_wait3A_1370 = tpu.memref_squeeze %dma_wait3A_1369 : memref<1x128x64xf32, #tpu.memory_space<vmem>> -> memref<128x64xf32, #tpu.memory_space<vmem>>
    %dma_wait3A_1371 = arith.constant 64 : i32
    %dma_wait3A_1372 = tpu.memref_slice %arg5[%add3A_1326, %dma_wait3A_1371] : memref<102400x128xf32, #tpu.memory_space<hbm>> -> memref<128x64xf32, #tpu.memory_space<hbm>>
    %dma_wait3A_1373 = arith.constant 64 : i32
    %dma_wait3A_1374 = tpu.memref_slice %arg5[%add3A_1326, %dma_wait3A_1373] : memref<102400x128xf32, #tpu.memory_space<hbm>> -> memref<128x64xf32, #tpu.memory_space<hbm>>
    %dma_wait3A_1375 = arith.constant 0 : i32
    %dma_wait3A_1376 = arith.constant 0 : i32
    %dma_wait3A_1377 = tpu.memref_slice %arg9[%dma_wait3A_1366, %dma_wait3A_1375, %dma_wait3A_1376] : memref<3x128x64xf32, #tpu.memory_space<vmem>> -> memref<1x128x64xf32, #tpu.memory_space<vmem>>
    %dma_wait3A_1378 = tpu.memref_squeeze %dma_wait3A_1377 : memref<1x128x64xf32, #tpu.memory_space<vmem>> -> memref<128x64xf32, #tpu.memory_space<vmem>>
    tpu.wait_dma2 semaphore(%arg19 : memref<!tpu.dma_semaphore, #tpu.memory_space<semaphore_mem>>) src(%dma_wait3A_1378 : memref<128x64xf32, #tpu.memory_space<vmem>>) dst(%dma_wait3A_1374 : memref<128x64xf32, #tpu.memory_space<hbm>>)
    %dma_start3A_1379 = arith.constant 15 : i32
    %dma_start3A_1380 = arith.constant 0 : i32
    %dma_start3A_1381 = arith.constant 0 : i32
    %dma_start3A_1382 = arith.constant 0 : i32
    %dma_start3A_1383 = tpu.memref_slice %arg8[%dma_start3A_1380, %dma_start3A_1381, %dma_start3A_1382] : memref<3x128x64xf32, #tpu.memory_space<vmem>> -> memref<1x128x64xf32, #tpu.memory_space<vmem>>
    %dma_start3A_1384 = tpu.memref_squeeze %dma_start3A_1383 : memref<1x128x64xf32, #tpu.memory_space<vmem>> -> memref<128x64xf32, #tpu.memory_space<vmem>>
    %dma_start3A_1385 = arith.constant 0 : i32
    %dma_start3A_1386 = tpu.memref_slice %arg6[%dma_start3A_1379, %dma_start3A_1385] : memref<25x128xi32, #tpu.memory_space<vmem>> -> memref<1x128xi32, #tpu.memory_space<vmem>>
    %dma_start3A_1387 = tpu.memref_squeeze %dma_start3A_1386 : memref<1x128xi32, #tpu.memory_space<vmem>> -> memref<128xi32, #tpu.memory_space<vmem>>
    %dma_start3A_1388 = arith.constant 0 : i32
    %dma_start3A_1389 = arith.constant 0 : i32
    %dma_start3A_1390 = tpu.memref_slice %arg2[%dma_start3A_1388, %dma_start3A_1389] : memref<1000000x64xf32, #tpu.memory_space<hbm>> -> memref<1000000x64xf32, #tpu.memory_space<hbm>>
    tpu.enqueue_indirect_dma source(%dma_start3A_1390 : memref<1000000x64xf32, #tpu.memory_space<hbm>>) target(%dma_start3A_1384 : memref<128x64xf32, #tpu.memory_space<vmem>>) offsets(%dma_start3A_1387 : memref<128xi32, #tpu.memory_space<vmem>>) semaphore(%arg10 : memref<!tpu.dma_semaphore, #tpu.memory_space<semaphore_mem>>)
    %dma_start3A_1391 = arith.constant 15 : i32
    %dma_start3A_1392 = arith.constant 0 : i32
    %dma_start3A_1393 = arith.constant 0 : i32
    %dma_start3A_1394 = arith.constant 0 : i32
    %dma_start3A_1395 = tpu.memref_slice %arg9[%dma_start3A_1392, %dma_start3A_1393, %dma_start3A_1394] : memref<3x128x64xf32, #tpu.memory_space<vmem>> -> memref<1x128x64xf32, #tpu.memory_space<vmem>>
    %dma_start3A_1396 = tpu.memref_squeeze %dma_start3A_1395 : memref<1x128x64xf32, #tpu.memory_space<vmem>> -> memref<128x64xf32, #tpu.memory_space<vmem>>
    %dma_start3A_1397 = arith.constant 0 : i32
    %dma_start3A_1398 = tpu.memref_slice %arg7[%dma_start3A_1391, %dma_start3A_1397] : memref<25x128xi32, #tpu.memory_space<vmem>> -> memref<1x128xi32, #tpu.memory_space<vmem>>
    %dma_start3A_1399 = tpu.memref_squeeze %dma_start3A_1398 : memref<1x128xi32, #tpu.memory_space<vmem>> -> memref<128xi32, #tpu.memory_space<vmem>>
    %dma_start3A_1400 = arith.constant 0 : i32
    %dma_start3A_1401 = arith.constant 0 : i32
    %dma_start3A_1402 = tpu.memref_slice %arg2[%dma_start3A_1400, %dma_start3A_1401] : memref<1000000x64xf32, #tpu.memory_space<hbm>> -> memref<1000000x64xf32, #tpu.memory_space<hbm>>
    tpu.enqueue_indirect_dma source(%dma_start3A_1402 : memref<1000000x64xf32, #tpu.memory_space<hbm>>) target(%dma_start3A_1396 : memref<128x64xf32, #tpu.memory_space<vmem>>) offsets(%dma_start3A_1399 : memref<128xi32, #tpu.memory_space<vmem>>) semaphore(%arg13 : memref<!tpu.dma_semaphore, #tpu.memory_space<semaphore_mem>>)
    %dma_wait3A_1403 = arith.constant 13 : i32
    %dma_wait3A_1404 = arith.constant 1 : i32
    %dma_wait3A_1405 = arith.constant 0 : i32
    %dma_wait3A_1406 = arith.constant 0 : i32
    %dma_wait3A_1407 = tpu.memref_slice %arg8[%dma_wait3A_1404, %dma_wait3A_1405, %dma_wait3A_1406] : memref<3x128x64xf32, #tpu.memory_space<vmem>> -> memref<1x128x64xf32, #tpu.memory_space<vmem>>
    %dma_wait3A_1408 = tpu.memref_squeeze %dma_wait3A_1407 : memref<1x128x64xf32, #tpu.memory_space<vmem>> -> memref<128x64xf32, #tpu.memory_space<vmem>>
    %dma_wait3A_1409 = arith.constant 0 : i32
    %dma_wait3A_1410 = tpu.memref_slice %arg6[%dma_wait3A_1403, %dma_wait3A_1409] : memref<25x128xi32, #tpu.memory_space<vmem>> -> memref<1x128xi32, #tpu.memory_space<vmem>>
    %dma_wait3A_1411 = tpu.memref_squeeze %dma_wait3A_1410 : memref<1x128xi32, #tpu.memory_space<vmem>> -> memref<128xi32, #tpu.memory_space<vmem>>
    %dma_wait3A_1412 = arith.constant 0 : i32
    %dma_wait3A_1413 = arith.constant 0 : i32
    %dma_wait3A_1414 = tpu.memref_slice %arg2[%dma_wait3A_1412, %dma_wait3A_1413] : memref<1000000x64xf32, #tpu.memory_space<hbm>> -> memref<1000000x64xf32, #tpu.memory_space<hbm>>
    tpu.wait_indirect_dma semaphore(%arg11 : memref<!tpu.dma_semaphore, #tpu.memory_space<semaphore_mem>>) src(%dma_wait3A_1414 : memref<1000000x64xf32, #tpu.memory_space<hbm>>) dst(%dma_wait3A_1408 : memref<128x64xf32, #tpu.memory_space<vmem>>)
    %dma_wait3A_1415 = arith.constant 13 : i32
    %dma_wait3A_1416 = arith.constant 1 : i32
    %dma_wait3A_1417 = arith.constant 0 : i32
    %dma_wait3A_1418 = arith.constant 0 : i32
    %dma_wait3A_1419 = tpu.memref_slice %arg9[%dma_wait3A_1416, %dma_wait3A_1417, %dma_wait3A_1418] : memref<3x128x64xf32, #tpu.memory_space<vmem>> -> memref<1x128x64xf32, #tpu.memory_space<vmem>>
    %dma_wait3A_1420 = tpu.memref_squeeze %dma_wait3A_1419 : memref<1x128x64xf32, #tpu.memory_space<vmem>> -> memref<128x64xf32, #tpu.memory_space<vmem>>
    %dma_wait3A_1421 = arith.constant 0 : i32
    %dma_wait3A_1422 = tpu.memref_slice %arg7[%dma_wait3A_1415, %dma_wait3A_1421] : memref<25x128xi32, #tpu.memory_space<vmem>> -> memref<1x128xi32, #tpu.memory_space<vmem>>
    %dma_wait3A_1423 = tpu.memref_squeeze %dma_wait3A_1422 : memref<1x128xi32, #tpu.memory_space<vmem>> -> memref<128xi32, #tpu.memory_space<vmem>>
    %dma_wait3A_1424 = arith.constant 0 : i32
    %dma_wait3A_1425 = arith.constant 0 : i32
    %dma_wait3A_1426 = tpu.memref_slice %arg2[%dma_wait3A_1424, %dma_wait3A_1425] : memref<1000000x64xf32, #tpu.memory_space<hbm>> -> memref<1000000x64xf32, #tpu.memory_space<hbm>>
    tpu.wait_indirect_dma semaphore(%arg14 : memref<!tpu.dma_semaphore, #tpu.memory_space<semaphore_mem>>) src(%dma_wait3A_1426 : memref<1000000x64xf32, #tpu.memory_space<hbm>>) dst(%dma_wait3A_1420 : memref<128x64xf32, #tpu.memory_space<vmem>>)
    %add3A_1427 = arith.constant 1664 : i32
    %add3A_1428 = arith.addi %mul3A_2, %add3A_1427 : i32
    %dma_start3A_1429 = arith.constant 1 : i32
    %dma_start3A_1430 = arith.constant 0 : i32
    %dma_start3A_1431 = arith.constant 0 : i32
    %dma_start3A_1432 = tpu.memref_slice %arg8[%dma_start3A_1429, %dma_start3A_1430, %dma_start3A_1431] : memref<3x128x64xf32, #tpu.memory_space<vmem>> -> memref<1x128x64xf32, #tpu.memory_space<vmem>>
    %dma_start3A_1433 = tpu.memref_squeeze %dma_start3A_1432 : memref<1x128x64xf32, #tpu.memory_space<vmem>> -> memref<128x64xf32, #tpu.memory_space<vmem>>
    %dma_start3A_1434 = arith.constant 0 : i32
    %dma_start3A_1435 = tpu.memref_slice %arg5[%add3A_1428, %dma_start3A_1434] : memref<102400x128xf32, #tpu.memory_space<hbm>> -> memref<128x64xf32, #tpu.memory_space<hbm>>
    %dma_start3A_1436 = arith.constant 0 : i32
    %dma_start3A_1437 = tpu.memref_slice %arg5[%add3A_1428, %dma_start3A_1436] : memref<102400x128xf32, #tpu.memory_space<hbm>> -> memref<128x64xf32, #tpu.memory_space<hbm>>
    %dma_start3A_1438 = arith.constant 0 : i32
    %dma_start3A_1439 = arith.constant 0 : i32
    %dma_start3A_1440 = tpu.memref_slice %arg8[%dma_start3A_1429, %dma_start3A_1438, %dma_start3A_1439] : memref<3x128x64xf32, #tpu.memory_space<vmem>> -> memref<1x128x64xf32, #tpu.memory_space<vmem>>
    %dma_start3A_1441 = tpu.memref_squeeze %dma_start3A_1440 : memref<1x128x64xf32, #tpu.memory_space<vmem>> -> memref<128x64xf32, #tpu.memory_space<vmem>>
    tpu.enqueue_dma source(%dma_start3A_1441 : memref<128x64xf32, #tpu.memory_space<vmem>>) target(%dma_start3A_1437 : memref<128x64xf32, #tpu.memory_space<hbm>>) target_semaphore(%arg17 : memref<!tpu.dma_semaphore, #tpu.memory_space<semaphore_mem>>)
    %dma_start3A_1442 = arith.constant 1 : i32
    %dma_start3A_1443 = arith.constant 0 : i32
    %dma_start3A_1444 = arith.constant 0 : i32
    %dma_start3A_1445 = tpu.memref_slice %arg9[%dma_start3A_1442, %dma_start3A_1443, %dma_start3A_1444] : memref<3x128x64xf32, #tpu.memory_space<vmem>> -> memref<1x128x64xf32, #tpu.memory_space<vmem>>
    %dma_start3A_1446 = tpu.memref_squeeze %dma_start3A_1445 : memref<1x128x64xf32, #tpu.memory_space<vmem>> -> memref<128x64xf32, #tpu.memory_space<vmem>>
    %dma_start3A_1447 = arith.constant 64 : i32
    %dma_start3A_1448 = tpu.memref_slice %arg5[%add3A_1428, %dma_start3A_1447] : memref<102400x128xf32, #tpu.memory_space<hbm>> -> memref<128x64xf32, #tpu.memory_space<hbm>>
    %dma_start3A_1449 = arith.constant 64 : i32
    %dma_start3A_1450 = tpu.memref_slice %arg5[%add3A_1428, %dma_start3A_1449] : memref<102400x128xf32, #tpu.memory_space<hbm>> -> memref<128x64xf32, #tpu.memory_space<hbm>>
    %dma_start3A_1451 = arith.constant 0 : i32
    %dma_start3A_1452 = arith.constant 0 : i32
    %dma_start3A_1453 = tpu.memref_slice %arg9[%dma_start3A_1442, %dma_start3A_1451, %dma_start3A_1452] : memref<3x128x64xf32, #tpu.memory_space<vmem>> -> memref<1x128x64xf32, #tpu.memory_space<vmem>>
    %dma_start3A_1454 = tpu.memref_squeeze %dma_start3A_1453 : memref<1x128x64xf32, #tpu.memory_space<vmem>> -> memref<128x64xf32, #tpu.memory_space<vmem>>
    tpu.enqueue_dma source(%dma_start3A_1454 : memref<128x64xf32, #tpu.memory_space<vmem>>) target(%dma_start3A_1450 : memref<128x64xf32, #tpu.memory_space<hbm>>) target_semaphore(%arg20 : memref<!tpu.dma_semaphore, #tpu.memory_space<semaphore_mem>>)
    %dma_wait3A_1455 = arith.constant 1 : i32
    %dma_wait3A_1456 = arith.constant 0 : i32
    %dma_wait3A_1457 = arith.constant 0 : i32
    %dma_wait3A_1458 = tpu.memref_slice %arg8[%dma_wait3A_1455, %dma_wait3A_1456, %dma_wait3A_1457] : memref<3x128x64xf32, #tpu.memory_space<vmem>> -> memref<1x128x64xf32, #tpu.memory_space<vmem>>
    %dma_wait3A_1459 = tpu.memref_squeeze %dma_wait3A_1458 : memref<1x128x64xf32, #tpu.memory_space<vmem>> -> memref<128x64xf32, #tpu.memory_space<vmem>>
    %dma_wait3A_1460 = arith.constant 0 : i32
    %dma_wait3A_1461 = tpu.memref_slice %arg5[%add3A_1428, %dma_wait3A_1460] : memref<102400x128xf32, #tpu.memory_space<hbm>> -> memref<128x64xf32, #tpu.memory_space<hbm>>
    %dma_wait3A_1462 = arith.constant 0 : i32
    %dma_wait3A_1463 = tpu.memref_slice %arg5[%add3A_1428, %dma_wait3A_1462] : memref<102400x128xf32, #tpu.memory_space<hbm>> -> memref<128x64xf32, #tpu.memory_space<hbm>>
    %dma_wait3A_1464 = arith.constant 0 : i32
    %dma_wait3A_1465 = arith.constant 0 : i32
    %dma_wait3A_1466 = tpu.memref_slice %arg8[%dma_wait3A_1455, %dma_wait3A_1464, %dma_wait3A_1465] : memref<3x128x64xf32, #tpu.memory_space<vmem>> -> memref<1x128x64xf32, #tpu.memory_space<vmem>>
    %dma_wait3A_1467 = tpu.memref_squeeze %dma_wait3A_1466 : memref<1x128x64xf32, #tpu.memory_space<vmem>> -> memref<128x64xf32, #tpu.memory_space<vmem>>
    tpu.wait_dma2 semaphore(%arg17 : memref<!tpu.dma_semaphore, #tpu.memory_space<semaphore_mem>>) src(%dma_wait3A_1467 : memref<128x64xf32, #tpu.memory_space<vmem>>) dst(%dma_wait3A_1463 : memref<128x64xf32, #tpu.memory_space<hbm>>)
    %dma_wait3A_1468 = arith.constant 1 : i32
    %dma_wait3A_1469 = arith.constant 0 : i32
    %dma_wait3A_1470 = arith.constant 0 : i32
    %dma_wait3A_1471 = tpu.memref_slice %arg9[%dma_wait3A_1468, %dma_wait3A_1469, %dma_wait3A_1470] : memref<3x128x64xf32, #tpu.memory_space<vmem>> -> memref<1x128x64xf32, #tpu.memory_space<vmem>>
    %dma_wait3A_1472 = tpu.memref_squeeze %dma_wait3A_1471 : memref<1x128x64xf32, #tpu.memory_space<vmem>> -> memref<128x64xf32, #tpu.memory_space<vmem>>
    %dma_wait3A_1473 = arith.constant 64 : i32
    %dma_wait3A_1474 = tpu.memref_slice %arg5[%add3A_1428, %dma_wait3A_1473] : memref<102400x128xf32, #tpu.memory_space<hbm>> -> memref<128x64xf32, #tpu.memory_space<hbm>>
    %dma_wait3A_1475 = arith.constant 64 : i32
    %dma_wait3A_1476 = tpu.memref_slice %arg5[%add3A_1428, %dma_wait3A_1475] : memref<102400x128xf32, #tpu.memory_space<hbm>> -> memref<128x64xf32, #tpu.memory_space<hbm>>
    %dma_wait3A_1477 = arith.constant 0 : i32
    %dma_wait3A_1478 = arith.constant 0 : i32
    %dma_wait3A_1479 = tpu.memref_slice %arg9[%dma_wait3A_1468, %dma_wait3A_1477, %dma_wait3A_1478] : memref<3x128x64xf32, #tpu.memory_space<vmem>> -> memref<1x128x64xf32, #tpu.memory_space<vmem>>
    %dma_wait3A_1480 = tpu.memref_squeeze %dma_wait3A_1479 : memref<1x128x64xf32, #tpu.memory_space<vmem>> -> memref<128x64xf32, #tpu.memory_space<vmem>>
    tpu.wait_dma2 semaphore(%arg20 : memref<!tpu.dma_semaphore, #tpu.memory_space<semaphore_mem>>) src(%dma_wait3A_1480 : memref<128x64xf32, #tpu.memory_space<vmem>>) dst(%dma_wait3A_1476 : memref<128x64xf32, #tpu.memory_space<hbm>>)
    %dma_start3A_1481 = arith.constant 16 : i32
    %dma_start3A_1482 = arith.constant 1 : i32
    %dma_start3A_1483 = arith.constant 0 : i32
    %dma_start3A_1484 = arith.constant 0 : i32
    %dma_start3A_1485 = tpu.memref_slice %arg8[%dma_start3A_1482, %dma_start3A_1483, %dma_start3A_1484] : memref<3x128x64xf32, #tpu.memory_space<vmem>> -> memref<1x128x64xf32, #tpu.memory_space<vmem>>
    %dma_start3A_1486 = tpu.memref_squeeze %dma_start3A_1485 : memref<1x128x64xf32, #tpu.memory_space<vmem>> -> memref<128x64xf32, #tpu.memory_space<vmem>>
    %dma_start3A_1487 = arith.constant 0 : i32
    %dma_start3A_1488 = tpu.memref_slice %arg6[%dma_start3A_1481, %dma_start3A_1487] : memref<25x128xi32, #tpu.memory_space<vmem>> -> memref<1x128xi32, #tpu.memory_space<vmem>>
    %dma_start3A_1489 = tpu.memref_squeeze %dma_start3A_1488 : memref<1x128xi32, #tpu.memory_space<vmem>> -> memref<128xi32, #tpu.memory_space<vmem>>
    %dma_start3A_1490 = arith.constant 0 : i32
    %dma_start3A_1491 = arith.constant 0 : i32
    %dma_start3A_1492 = tpu.memref_slice %arg2[%dma_start3A_1490, %dma_start3A_1491] : memref<1000000x64xf32, #tpu.memory_space<hbm>> -> memref<1000000x64xf32, #tpu.memory_space<hbm>>
    tpu.enqueue_indirect_dma source(%dma_start3A_1492 : memref<1000000x64xf32, #tpu.memory_space<hbm>>) target(%dma_start3A_1486 : memref<128x64xf32, #tpu.memory_space<vmem>>) offsets(%dma_start3A_1489 : memref<128xi32, #tpu.memory_space<vmem>>) semaphore(%arg11 : memref<!tpu.dma_semaphore, #tpu.memory_space<semaphore_mem>>)
    %dma_start3A_1493 = arith.constant 16 : i32
    %dma_start3A_1494 = arith.constant 1 : i32
    %dma_start3A_1495 = arith.constant 0 : i32
    %dma_start3A_1496 = arith.constant 0 : i32
    %dma_start3A_1497 = tpu.memref_slice %arg9[%dma_start3A_1494, %dma_start3A_1495, %dma_start3A_1496] : memref<3x128x64xf32, #tpu.memory_space<vmem>> -> memref<1x128x64xf32, #tpu.memory_space<vmem>>
    %dma_start3A_1498 = tpu.memref_squeeze %dma_start3A_1497 : memref<1x128x64xf32, #tpu.memory_space<vmem>> -> memref<128x64xf32, #tpu.memory_space<vmem>>
    %dma_start3A_1499 = arith.constant 0 : i32
    %dma_start3A_1500 = tpu.memref_slice %arg7[%dma_start3A_1493, %dma_start3A_1499] : memref<25x128xi32, #tpu.memory_space<vmem>> -> memref<1x128xi32, #tpu.memory_space<vmem>>
    %dma_start3A_1501 = tpu.memref_squeeze %dma_start3A_1500 : memref<1x128xi32, #tpu.memory_space<vmem>> -> memref<128xi32, #tpu.memory_space<vmem>>
    %dma_start3A_1502 = arith.constant 0 : i32
    %dma_start3A_1503 = arith.constant 0 : i32
    %dma_start3A_1504 = tpu.memref_slice %arg2[%dma_start3A_1502, %dma_start3A_1503] : memref<1000000x64xf32, #tpu.memory_space<hbm>> -> memref<1000000x64xf32, #tpu.memory_space<hbm>>
    tpu.enqueue_indirect_dma source(%dma_start3A_1504 : memref<1000000x64xf32, #tpu.memory_space<hbm>>) target(%dma_start3A_1498 : memref<128x64xf32, #tpu.memory_space<vmem>>) offsets(%dma_start3A_1501 : memref<128xi32, #tpu.memory_space<vmem>>) semaphore(%arg14 : memref<!tpu.dma_semaphore, #tpu.memory_space<semaphore_mem>>)
    %dma_wait3A_1505 = arith.constant 14 : i32
    %dma_wait3A_1506 = arith.constant 2 : i32
    %dma_wait3A_1507 = arith.constant 0 : i32
    %dma_wait3A_1508 = arith.constant 0 : i32
    %dma_wait3A_1509 = tpu.memref_slice %arg8[%dma_wait3A_1506, %dma_wait3A_1507, %dma_wait3A_1508] : memref<3x128x64xf32, #tpu.memory_space<vmem>> -> memref<1x128x64xf32, #tpu.memory_space<vmem>>
    %dma_wait3A_1510 = tpu.memref_squeeze %dma_wait3A_1509 : memref<1x128x64xf32, #tpu.memory_space<vmem>> -> memref<128x64xf32, #tpu.memory_space<vmem>>
    %dma_wait3A_1511 = arith.constant 0 : i32
    %dma_wait3A_1512 = tpu.memref_slice %arg6[%dma_wait3A_1505, %dma_wait3A_1511] : memref<25x128xi32, #tpu.memory_space<vmem>> -> memref<1x128xi32, #tpu.memory_space<vmem>>
    %dma_wait3A_1513 = tpu.memref_squeeze %dma_wait3A_1512 : memref<1x128xi32, #tpu.memory_space<vmem>> -> memref<128xi32, #tpu.memory_space<vmem>>
    %dma_wait3A_1514 = arith.constant 0 : i32
    %dma_wait3A_1515 = arith.constant 0 : i32
    %dma_wait3A_1516 = tpu.memref_slice %arg2[%dma_wait3A_1514, %dma_wait3A_1515] : memref<1000000x64xf32, #tpu.memory_space<hbm>> -> memref<1000000x64xf32, #tpu.memory_space<hbm>>
    tpu.wait_indirect_dma semaphore(%arg12 : memref<!tpu.dma_semaphore, #tpu.memory_space<semaphore_mem>>) src(%dma_wait3A_1516 : memref<1000000x64xf32, #tpu.memory_space<hbm>>) dst(%dma_wait3A_1510 : memref<128x64xf32, #tpu.memory_space<vmem>>)
    %dma_wait3A_1517 = arith.constant 14 : i32
    %dma_wait3A_1518 = arith.constant 2 : i32
    %dma_wait3A_1519 = arith.constant 0 : i32
    %dma_wait3A_1520 = arith.constant 0 : i32
    %dma_wait3A_1521 = tpu.memref_slice %arg9[%dma_wait3A_1518, %dma_wait3A_1519, %dma_wait3A_1520] : memref<3x128x64xf32, #tpu.memory_space<vmem>> -> memref<1x128x64xf32, #tpu.memory_space<vmem>>
    %dma_wait3A_1522 = tpu.memref_squeeze %dma_wait3A_1521 : memref<1x128x64xf32, #tpu.memory_space<vmem>> -> memref<128x64xf32, #tpu.memory_space<vmem>>
    %dma_wait3A_1523 = arith.constant 0 : i32
    %dma_wait3A_1524 = tpu.memref_slice %arg7[%dma_wait3A_1517, %dma_wait3A_1523] : memref<25x128xi32, #tpu.memory_space<vmem>> -> memref<1x128xi32, #tpu.memory_space<vmem>>
    %dma_wait3A_1525 = tpu.memref_squeeze %dma_wait3A_1524 : memref<1x128xi32, #tpu.memory_space<vmem>> -> memref<128xi32, #tpu.memory_space<vmem>>
    %dma_wait3A_1526 = arith.constant 0 : i32
    %dma_wait3A_1527 = arith.constant 0 : i32
    %dma_wait3A_1528 = tpu.memref_slice %arg2[%dma_wait3A_1526, %dma_wait3A_1527] : memref<1000000x64xf32, #tpu.memory_space<hbm>> -> memref<1000000x64xf32, #tpu.memory_space<hbm>>
    tpu.wait_indirect_dma semaphore(%arg15 : memref<!tpu.dma_semaphore, #tpu.memory_space<semaphore_mem>>) src(%dma_wait3A_1528 : memref<1000000x64xf32, #tpu.memory_space<hbm>>) dst(%dma_wait3A_1522 : memref<128x64xf32, #tpu.memory_space<vmem>>)
    %add3A_1529 = arith.constant 1792 : i32
    %add3A_1530 = arith.addi %mul3A_2, %add3A_1529 : i32
    %dma_start3A_1531 = arith.constant 2 : i32
    %dma_start3A_1532 = arith.constant 0 : i32
    %dma_start3A_1533 = arith.constant 0 : i32
    %dma_start3A_1534 = tpu.memref_slice %arg8[%dma_start3A_1531, %dma_start3A_1532, %dma_start3A_1533] : memref<3x128x64xf32, #tpu.memory_space<vmem>> -> memref<1x128x64xf32, #tpu.memory_space<vmem>>
    %dma_start3A_1535 = tpu.memref_squeeze %dma_start3A_1534 : memref<1x128x64xf32, #tpu.memory_space<vmem>> -> memref<128x64xf32, #tpu.memory_space<vmem>>
    %dma_start3A_1536 = arith.constant 0 : i32
    %dma_start3A_1537 = tpu.memref_slice %arg5[%add3A_1530, %dma_start3A_1536] : memref<102400x128xf32, #tpu.memory_space<hbm>> -> memref<128x64xf32, #tpu.memory_space<hbm>>
    %dma_start3A_1538 = arith.constant 0 : i32
    %dma_start3A_1539 = tpu.memref_slice %arg5[%add3A_1530, %dma_start3A_1538] : memref<102400x128xf32, #tpu.memory_space<hbm>> -> memref<128x64xf32, #tpu.memory_space<hbm>>
    %dma_start3A_1540 = arith.constant 0 : i32
    %dma_start3A_1541 = arith.constant 0 : i32
    %dma_start3A_1542 = tpu.memref_slice %arg8[%dma_start3A_1531, %dma_start3A_1540, %dma_start3A_1541] : memref<3x128x64xf32, #tpu.memory_space<vmem>> -> memref<1x128x64xf32, #tpu.memory_space<vmem>>
    %dma_start3A_1543 = tpu.memref_squeeze %dma_start3A_1542 : memref<1x128x64xf32, #tpu.memory_space<vmem>> -> memref<128x64xf32, #tpu.memory_space<vmem>>
    tpu.enqueue_dma source(%dma_start3A_1543 : memref<128x64xf32, #tpu.memory_space<vmem>>) target(%dma_start3A_1539 : memref<128x64xf32, #tpu.memory_space<hbm>>) target_semaphore(%arg18 : memref<!tpu.dma_semaphore, #tpu.memory_space<semaphore_mem>>)
    %dma_start3A_1544 = arith.constant 2 : i32
    %dma_start3A_1545 = arith.constant 0 : i32
    %dma_start3A_1546 = arith.constant 0 : i32
    %dma_start3A_1547 = tpu.memref_slice %arg9[%dma_start3A_1544, %dma_start3A_1545, %dma_start3A_1546] : memref<3x128x64xf32, #tpu.memory_space<vmem>> -> memref<1x128x64xf32, #tpu.memory_space<vmem>>
    %dma_start3A_1548 = tpu.memref_squeeze %dma_start3A_1547 : memref<1x128x64xf32, #tpu.memory_space<vmem>> -> memref<128x64xf32, #tpu.memory_space<vmem>>
    %dma_start3A_1549 = arith.constant 64 : i32
    %dma_start3A_1550 = tpu.memref_slice %arg5[%add3A_1530, %dma_start3A_1549] : memref<102400x128xf32, #tpu.memory_space<hbm>> -> memref<128x64xf32, #tpu.memory_space<hbm>>
    %dma_start3A_1551 = arith.constant 64 : i32
    %dma_start3A_1552 = tpu.memref_slice %arg5[%add3A_1530, %dma_start3A_1551] : memref<102400x128xf32, #tpu.memory_space<hbm>> -> memref<128x64xf32, #tpu.memory_space<hbm>>
    %dma_start3A_1553 = arith.constant 0 : i32
    %dma_start3A_1554 = arith.constant 0 : i32
    %dma_start3A_1555 = tpu.memref_slice %arg9[%dma_start3A_1544, %dma_start3A_1553, %dma_start3A_1554] : memref<3x128x64xf32, #tpu.memory_space<vmem>> -> memref<1x128x64xf32, #tpu.memory_space<vmem>>
    %dma_start3A_1556 = tpu.memref_squeeze %dma_start3A_1555 : memref<1x128x64xf32, #tpu.memory_space<vmem>> -> memref<128x64xf32, #tpu.memory_space<vmem>>
    tpu.enqueue_dma source(%dma_start3A_1556 : memref<128x64xf32, #tpu.memory_space<vmem>>) target(%dma_start3A_1552 : memref<128x64xf32, #tpu.memory_space<hbm>>) target_semaphore(%arg21 : memref<!tpu.dma_semaphore, #tpu.memory_space<semaphore_mem>>)
    %dma_wait3A_1557 = arith.constant 2 : i32
    %dma_wait3A_1558 = arith.constant 0 : i32
    %dma_wait3A_1559 = arith.constant 0 : i32
    %dma_wait3A_1560 = tpu.memref_slice %arg8[%dma_wait3A_1557, %dma_wait3A_1558, %dma_wait3A_1559] : memref<3x128x64xf32, #tpu.memory_space<vmem>> -> memref<1x128x64xf32, #tpu.memory_space<vmem>>
    %dma_wait3A_1561 = tpu.memref_squeeze %dma_wait3A_1560 : memref<1x128x64xf32, #tpu.memory_space<vmem>> -> memref<128x64xf32, #tpu.memory_space<vmem>>
    %dma_wait3A_1562 = arith.constant 0 : i32
    %dma_wait3A_1563 = tpu.memref_slice %arg5[%add3A_1530, %dma_wait3A_1562] : memref<102400x128xf32, #tpu.memory_space<hbm>> -> memref<128x64xf32, #tpu.memory_space<hbm>>
    %dma_wait3A_1564 = arith.constant 0 : i32
    %dma_wait3A_1565 = tpu.memref_slice %arg5[%add3A_1530, %dma_wait3A_1564] : memref<102400x128xf32, #tpu.memory_space<hbm>> -> memref<128x64xf32, #tpu.memory_space<hbm>>
    %dma_wait3A_1566 = arith.constant 0 : i32
    %dma_wait3A_1567 = arith.constant 0 : i32
    %dma_wait3A_1568 = tpu.memref_slice %arg8[%dma_wait3A_1557, %dma_wait3A_1566, %dma_wait3A_1567] : memref<3x128x64xf32, #tpu.memory_space<vmem>> -> memref<1x128x64xf32, #tpu.memory_space<vmem>>
    %dma_wait3A_1569 = tpu.memref_squeeze %dma_wait3A_1568 : memref<1x128x64xf32, #tpu.memory_space<vmem>> -> memref<128x64xf32, #tpu.memory_space<vmem>>
    tpu.wait_dma2 semaphore(%arg18 : memref<!tpu.dma_semaphore, #tpu.memory_space<semaphore_mem>>) src(%dma_wait3A_1569 : memref<128x64xf32, #tpu.memory_space<vmem>>) dst(%dma_wait3A_1565 : memref<128x64xf32, #tpu.memory_space<hbm>>)
    %dma_wait3A_1570 = arith.constant 2 : i32
    %dma_wait3A_1571 = arith.constant 0 : i32
    %dma_wait3A_1572 = arith.constant 0 : i32
    %dma_wait3A_1573 = tpu.memref_slice %arg9[%dma_wait3A_1570, %dma_wait3A_1571, %dma_wait3A_1572] : memref<3x128x64xf32, #tpu.memory_space<vmem>> -> memref<1x128x64xf32, #tpu.memory_space<vmem>>
    %dma_wait3A_1574 = tpu.memref_squeeze %dma_wait3A_1573 : memref<1x128x64xf32, #tpu.memory_space<vmem>> -> memref<128x64xf32, #tpu.memory_space<vmem>>
    %dma_wait3A_1575 = arith.constant 64 : i32
    %dma_wait3A_1576 = tpu.memref_slice %arg5[%add3A_1530, %dma_wait3A_1575] : memref<102400x128xf32, #tpu.memory_space<hbm>> -> memref<128x64xf32, #tpu.memory_space<hbm>>
    %dma_wait3A_1577 = arith.constant 64 : i32
    %dma_wait3A_1578 = tpu.memref_slice %arg5[%add3A_1530, %dma_wait3A_1577] : memref<102400x128xf32, #tpu.memory_space<hbm>> -> memref<128x64xf32, #tpu.memory_space<hbm>>
    %dma_wait3A_1579 = arith.constant 0 : i32
    %dma_wait3A_1580 = arith.constant 0 : i32
    %dma_wait3A_1581 = tpu.memref_slice %arg9[%dma_wait3A_1570, %dma_wait3A_1579, %dma_wait3A_1580] : memref<3x128x64xf32, #tpu.memory_space<vmem>> -> memref<1x128x64xf32, #tpu.memory_space<vmem>>
    %dma_wait3A_1582 = tpu.memref_squeeze %dma_wait3A_1581 : memref<1x128x64xf32, #tpu.memory_space<vmem>> -> memref<128x64xf32, #tpu.memory_space<vmem>>
    tpu.wait_dma2 semaphore(%arg21 : memref<!tpu.dma_semaphore, #tpu.memory_space<semaphore_mem>>) src(%dma_wait3A_1582 : memref<128x64xf32, #tpu.memory_space<vmem>>) dst(%dma_wait3A_1578 : memref<128x64xf32, #tpu.memory_space<hbm>>)
    %dma_start3A_1583 = arith.constant 17 : i32
    %dma_start3A_1584 = arith.constant 2 : i32
    %dma_start3A_1585 = arith.constant 0 : i32
    %dma_start3A_1586 = arith.constant 0 : i32
    %dma_start3A_1587 = tpu.memref_slice %arg8[%dma_start3A_1584, %dma_start3A_1585, %dma_start3A_1586] : memref<3x128x64xf32, #tpu.memory_space<vmem>> -> memref<1x128x64xf32, #tpu.memory_space<vmem>>
    %dma_start3A_1588 = tpu.memref_squeeze %dma_start3A_1587 : memref<1x128x64xf32, #tpu.memory_space<vmem>> -> memref<128x64xf32, #tpu.memory_space<vmem>>
    %dma_start3A_1589 = arith.constant 0 : i32
    %dma_start3A_1590 = tpu.memref_slice %arg6[%dma_start3A_1583, %dma_start3A_1589] : memref<25x128xi32, #tpu.memory_space<vmem>> -> memref<1x128xi32, #tpu.memory_space<vmem>>
    %dma_start3A_1591 = tpu.memref_squeeze %dma_start3A_1590 : memref<1x128xi32, #tpu.memory_space<vmem>> -> memref<128xi32, #tpu.memory_space<vmem>>
    %dma_start3A_1592 = arith.constant 0 : i32
    %dma_start3A_1593 = arith.constant 0 : i32
    %dma_start3A_1594 = tpu.memref_slice %arg2[%dma_start3A_1592, %dma_start3A_1593] : memref<1000000x64xf32, #tpu.memory_space<hbm>> -> memref<1000000x64xf32, #tpu.memory_space<hbm>>
    tpu.enqueue_indirect_dma source(%dma_start3A_1594 : memref<1000000x64xf32, #tpu.memory_space<hbm>>) target(%dma_start3A_1588 : memref<128x64xf32, #tpu.memory_space<vmem>>) offsets(%dma_start3A_1591 : memref<128xi32, #tpu.memory_space<vmem>>) semaphore(%arg12 : memref<!tpu.dma_semaphore, #tpu.memory_space<semaphore_mem>>)
    %dma_start3A_1595 = arith.constant 17 : i32
    %dma_start3A_1596 = arith.constant 2 : i32
    %dma_start3A_1597 = arith.constant 0 : i32
    %dma_start3A_1598 = arith.constant 0 : i32
    %dma_start3A_1599 = tpu.memref_slice %arg9[%dma_start3A_1596, %dma_start3A_1597, %dma_start3A_1598] : memref<3x128x64xf32, #tpu.memory_space<vmem>> -> memref<1x128x64xf32, #tpu.memory_space<vmem>>
    %dma_start3A_1600 = tpu.memref_squeeze %dma_start3A_1599 : memref<1x128x64xf32, #tpu.memory_space<vmem>> -> memref<128x64xf32, #tpu.memory_space<vmem>>
    %dma_start3A_1601 = arith.constant 0 : i32
    %dma_start3A_1602 = tpu.memref_slice %arg7[%dma_start3A_1595, %dma_start3A_1601] : memref<25x128xi32, #tpu.memory_space<vmem>> -> memref<1x128xi32, #tpu.memory_space<vmem>>
    %dma_start3A_1603 = tpu.memref_squeeze %dma_start3A_1602 : memref<1x128xi32, #tpu.memory_space<vmem>> -> memref<128xi32, #tpu.memory_space<vmem>>
    %dma_start3A_1604 = arith.constant 0 : i32
    %dma_start3A_1605 = arith.constant 0 : i32
    %dma_start3A_1606 = tpu.memref_slice %arg2[%dma_start3A_1604, %dma_start3A_1605] : memref<1000000x64xf32, #tpu.memory_space<hbm>> -> memref<1000000x64xf32, #tpu.memory_space<hbm>>
    tpu.enqueue_indirect_dma source(%dma_start3A_1606 : memref<1000000x64xf32, #tpu.memory_space<hbm>>) target(%dma_start3A_1600 : memref<128x64xf32, #tpu.memory_space<vmem>>) offsets(%dma_start3A_1603 : memref<128xi32, #tpu.memory_space<vmem>>) semaphore(%arg15 : memref<!tpu.dma_semaphore, #tpu.memory_space<semaphore_mem>>)
    %dma_wait3A_1607 = arith.constant 15 : i32
    %dma_wait3A_1608 = arith.constant 0 : i32
    %dma_wait3A_1609 = arith.constant 0 : i32
    %dma_wait3A_1610 = arith.constant 0 : i32
    %dma_wait3A_1611 = tpu.memref_slice %arg8[%dma_wait3A_1608, %dma_wait3A_1609, %dma_wait3A_1610] : memref<3x128x64xf32, #tpu.memory_space<vmem>> -> memref<1x128x64xf32, #tpu.memory_space<vmem>>
    %dma_wait3A_1612 = tpu.memref_squeeze %dma_wait3A_1611 : memref<1x128x64xf32, #tpu.memory_space<vmem>> -> memref<128x64xf32, #tpu.memory_space<vmem>>
    %dma_wait3A_1613 = arith.constant 0 : i32
    %dma_wait3A_1614 = tpu.memref_slice %arg6[%dma_wait3A_1607, %dma_wait3A_1613] : memref<25x128xi32, #tpu.memory_space<vmem>> -> memref<1x128xi32, #tpu.memory_space<vmem>>
    %dma_wait3A_1615 = tpu.memref_squeeze %dma_wait3A_1614 : memref<1x128xi32, #tpu.memory_space<vmem>> -> memref<128xi32, #tpu.memory_space<vmem>>
    %dma_wait3A_1616 = arith.constant 0 : i32
    %dma_wait3A_1617 = arith.constant 0 : i32
    %dma_wait3A_1618 = tpu.memref_slice %arg2[%dma_wait3A_1616, %dma_wait3A_1617] : memref<1000000x64xf32, #tpu.memory_space<hbm>> -> memref<1000000x64xf32, #tpu.memory_space<hbm>>
    tpu.wait_indirect_dma semaphore(%arg10 : memref<!tpu.dma_semaphore, #tpu.memory_space<semaphore_mem>>) src(%dma_wait3A_1618 : memref<1000000x64xf32, #tpu.memory_space<hbm>>) dst(%dma_wait3A_1612 : memref<128x64xf32, #tpu.memory_space<vmem>>)
    %dma_wait3A_1619 = arith.constant 15 : i32
    %dma_wait3A_1620 = arith.constant 0 : i32
    %dma_wait3A_1621 = arith.constant 0 : i32
    %dma_wait3A_1622 = arith.constant 0 : i32
    %dma_wait3A_1623 = tpu.memref_slice %arg9[%dma_wait3A_1620, %dma_wait3A_1621, %dma_wait3A_1622] : memref<3x128x64xf32, #tpu.memory_space<vmem>> -> memref<1x128x64xf32, #tpu.memory_space<vmem>>
    %dma_wait3A_1624 = tpu.memref_squeeze %dma_wait3A_1623 : memref<1x128x64xf32, #tpu.memory_space<vmem>> -> memref<128x64xf32, #tpu.memory_space<vmem>>
    %dma_wait3A_1625 = arith.constant 0 : i32
    %dma_wait3A_1626 = tpu.memref_slice %arg7[%dma_wait3A_1619, %dma_wait3A_1625] : memref<25x128xi32, #tpu.memory_space<vmem>> -> memref<1x128xi32, #tpu.memory_space<vmem>>
    %dma_wait3A_1627 = tpu.memref_squeeze %dma_wait3A_1626 : memref<1x128xi32, #tpu.memory_space<vmem>> -> memref<128xi32, #tpu.memory_space<vmem>>
    %dma_wait3A_1628 = arith.constant 0 : i32
    %dma_wait3A_1629 = arith.constant 0 : i32
    %dma_wait3A_1630 = tpu.memref_slice %arg2[%dma_wait3A_1628, %dma_wait3A_1629] : memref<1000000x64xf32, #tpu.memory_space<hbm>> -> memref<1000000x64xf32, #tpu.memory_space<hbm>>
    tpu.wait_indirect_dma semaphore(%arg13 : memref<!tpu.dma_semaphore, #tpu.memory_space<semaphore_mem>>) src(%dma_wait3A_1630 : memref<1000000x64xf32, #tpu.memory_space<hbm>>) dst(%dma_wait3A_1624 : memref<128x64xf32, #tpu.memory_space<vmem>>)
    %add3A_1631 = arith.constant 1920 : i32
    %add3A_1632 = arith.addi %mul3A_2, %add3A_1631 : i32
    %dma_start3A_1633 = arith.constant 0 : i32
    %dma_start3A_1634 = arith.constant 0 : i32
    %dma_start3A_1635 = arith.constant 0 : i32
    %dma_start3A_1636 = tpu.memref_slice %arg8[%dma_start3A_1633, %dma_start3A_1634, %dma_start3A_1635] : memref<3x128x64xf32, #tpu.memory_space<vmem>> -> memref<1x128x64xf32, #tpu.memory_space<vmem>>
    %dma_start3A_1637 = tpu.memref_squeeze %dma_start3A_1636 : memref<1x128x64xf32, #tpu.memory_space<vmem>> -> memref<128x64xf32, #tpu.memory_space<vmem>>
    %dma_start3A_1638 = arith.constant 0 : i32
    %dma_start3A_1639 = tpu.memref_slice %arg5[%add3A_1632, %dma_start3A_1638] : memref<102400x128xf32, #tpu.memory_space<hbm>> -> memref<128x64xf32, #tpu.memory_space<hbm>>
    %dma_start3A_1640 = arith.constant 0 : i32
    %dma_start3A_1641 = tpu.memref_slice %arg5[%add3A_1632, %dma_start3A_1640] : memref<102400x128xf32, #tpu.memory_space<hbm>> -> memref<128x64xf32, #tpu.memory_space<hbm>>
    %dma_start3A_1642 = arith.constant 0 : i32
    %dma_start3A_1643 = arith.constant 0 : i32
    %dma_start3A_1644 = tpu.memref_slice %arg8[%dma_start3A_1633, %dma_start3A_1642, %dma_start3A_1643] : memref<3x128x64xf32, #tpu.memory_space<vmem>> -> memref<1x128x64xf32, #tpu.memory_space<vmem>>
    %dma_start3A_1645 = tpu.memref_squeeze %dma_start3A_1644 : memref<1x128x64xf32, #tpu.memory_space<vmem>> -> memref<128x64xf32, #tpu.memory_space<vmem>>
    tpu.enqueue_dma source(%dma_start3A_1645 : memref<128x64xf32, #tpu.memory_space<vmem>>) target(%dma_start3A_1641 : memref<128x64xf32, #tpu.memory_space<hbm>>) target_semaphore(%arg16 : memref<!tpu.dma_semaphore, #tpu.memory_space<semaphore_mem>>)
    %dma_start3A_1646 = arith.constant 0 : i32
    %dma_start3A_1647 = arith.constant 0 : i32
    %dma_start3A_1648 = arith.constant 0 : i32
    %dma_start3A_1649 = tpu.memref_slice %arg9[%dma_start3A_1646, %dma_start3A_1647, %dma_start3A_1648] : memref<3x128x64xf32, #tpu.memory_space<vmem>> -> memref<1x128x64xf32, #tpu.memory_space<vmem>>
    %dma_start3A_1650 = tpu.memref_squeeze %dma_start3A_1649 : memref<1x128x64xf32, #tpu.memory_space<vmem>> -> memref<128x64xf32, #tpu.memory_space<vmem>>
    %dma_start3A_1651 = arith.constant 64 : i32
    %dma_start3A_1652 = tpu.memref_slice %arg5[%add3A_1632, %dma_start3A_1651] : memref<102400x128xf32, #tpu.memory_space<hbm>> -> memref<128x64xf32, #tpu.memory_space<hbm>>
    %dma_start3A_1653 = arith.constant 64 : i32
    %dma_start3A_1654 = tpu.memref_slice %arg5[%add3A_1632, %dma_start3A_1653] : memref<102400x128xf32, #tpu.memory_space<hbm>> -> memref<128x64xf32, #tpu.memory_space<hbm>>
    %dma_start3A_1655 = arith.constant 0 : i32
    %dma_start3A_1656 = arith.constant 0 : i32
    %dma_start3A_1657 = tpu.memref_slice %arg9[%dma_start3A_1646, %dma_start3A_1655, %dma_start3A_1656] : memref<3x128x64xf32, #tpu.memory_space<vmem>> -> memref<1x128x64xf32, #tpu.memory_space<vmem>>
    %dma_start3A_1658 = tpu.memref_squeeze %dma_start3A_1657 : memref<1x128x64xf32, #tpu.memory_space<vmem>> -> memref<128x64xf32, #tpu.memory_space<vmem>>
    tpu.enqueue_dma source(%dma_start3A_1658 : memref<128x64xf32, #tpu.memory_space<vmem>>) target(%dma_start3A_1654 : memref<128x64xf32, #tpu.memory_space<hbm>>) target_semaphore(%arg19 : memref<!tpu.dma_semaphore, #tpu.memory_space<semaphore_mem>>)
    %dma_wait3A_1659 = arith.constant 0 : i32
    %dma_wait3A_1660 = arith.constant 0 : i32
    %dma_wait3A_1661 = arith.constant 0 : i32
    %dma_wait3A_1662 = tpu.memref_slice %arg8[%dma_wait3A_1659, %dma_wait3A_1660, %dma_wait3A_1661] : memref<3x128x64xf32, #tpu.memory_space<vmem>> -> memref<1x128x64xf32, #tpu.memory_space<vmem>>
    %dma_wait3A_1663 = tpu.memref_squeeze %dma_wait3A_1662 : memref<1x128x64xf32, #tpu.memory_space<vmem>> -> memref<128x64xf32, #tpu.memory_space<vmem>>
    %dma_wait3A_1664 = arith.constant 0 : i32
    %dma_wait3A_1665 = tpu.memref_slice %arg5[%add3A_1632, %dma_wait3A_1664] : memref<102400x128xf32, #tpu.memory_space<hbm>> -> memref<128x64xf32, #tpu.memory_space<hbm>>
    %dma_wait3A_1666 = arith.constant 0 : i32
    %dma_wait3A_1667 = tpu.memref_slice %arg5[%add3A_1632, %dma_wait3A_1666] : memref<102400x128xf32, #tpu.memory_space<hbm>> -> memref<128x64xf32, #tpu.memory_space<hbm>>
    %dma_wait3A_1668 = arith.constant 0 : i32
    %dma_wait3A_1669 = arith.constant 0 : i32
    %dma_wait3A_1670 = tpu.memref_slice %arg8[%dma_wait3A_1659, %dma_wait3A_1668, %dma_wait3A_1669] : memref<3x128x64xf32, #tpu.memory_space<vmem>> -> memref<1x128x64xf32, #tpu.memory_space<vmem>>
    %dma_wait3A_1671 = tpu.memref_squeeze %dma_wait3A_1670 : memref<1x128x64xf32, #tpu.memory_space<vmem>> -> memref<128x64xf32, #tpu.memory_space<vmem>>
    tpu.wait_dma2 semaphore(%arg16 : memref<!tpu.dma_semaphore, #tpu.memory_space<semaphore_mem>>) src(%dma_wait3A_1671 : memref<128x64xf32, #tpu.memory_space<vmem>>) dst(%dma_wait3A_1667 : memref<128x64xf32, #tpu.memory_space<hbm>>)
    %dma_wait3A_1672 = arith.constant 0 : i32
    %dma_wait3A_1673 = arith.constant 0 : i32
    %dma_wait3A_1674 = arith.constant 0 : i32
    %dma_wait3A_1675 = tpu.memref_slice %arg9[%dma_wait3A_1672, %dma_wait3A_1673, %dma_wait3A_1674] : memref<3x128x64xf32, #tpu.memory_space<vmem>> -> memref<1x128x64xf32, #tpu.memory_space<vmem>>
    %dma_wait3A_1676 = tpu.memref_squeeze %dma_wait3A_1675 : memref<1x128x64xf32, #tpu.memory_space<vmem>> -> memref<128x64xf32, #tpu.memory_space<vmem>>
    %dma_wait3A_1677 = arith.constant 64 : i32
    %dma_wait3A_1678 = tpu.memref_slice %arg5[%add3A_1632, %dma_wait3A_1677] : memref<102400x128xf32, #tpu.memory_space<hbm>> -> memref<128x64xf32, #tpu.memory_space<hbm>>
    %dma_wait3A_1679 = arith.constant 64 : i32
    %dma_wait3A_1680 = tpu.memref_slice %arg5[%add3A_1632, %dma_wait3A_1679] : memref<102400x128xf32, #tpu.memory_space<hbm>> -> memref<128x64xf32, #tpu.memory_space<hbm>>
    %dma_wait3A_1681 = arith.constant 0 : i32
    %dma_wait3A_1682 = arith.constant 0 : i32
    %dma_wait3A_1683 = tpu.memref_slice %arg9[%dma_wait3A_1672, %dma_wait3A_1681, %dma_wait3A_1682] : memref<3x128x64xf32, #tpu.memory_space<vmem>> -> memref<1x128x64xf32, #tpu.memory_space<vmem>>
    %dma_wait3A_1684 = tpu.memref_squeeze %dma_wait3A_1683 : memref<1x128x64xf32, #tpu.memory_space<vmem>> -> memref<128x64xf32, #tpu.memory_space<vmem>>
    tpu.wait_dma2 semaphore(%arg19 : memref<!tpu.dma_semaphore, #tpu.memory_space<semaphore_mem>>) src(%dma_wait3A_1684 : memref<128x64xf32, #tpu.memory_space<vmem>>) dst(%dma_wait3A_1680 : memref<128x64xf32, #tpu.memory_space<hbm>>)
    %dma_start3A_1685 = arith.constant 18 : i32
    %dma_start3A_1686 = arith.constant 0 : i32
    %dma_start3A_1687 = arith.constant 0 : i32
    %dma_start3A_1688 = arith.constant 0 : i32
    %dma_start3A_1689 = tpu.memref_slice %arg8[%dma_start3A_1686, %dma_start3A_1687, %dma_start3A_1688] : memref<3x128x64xf32, #tpu.memory_space<vmem>> -> memref<1x128x64xf32, #tpu.memory_space<vmem>>
    %dma_start3A_1690 = tpu.memref_squeeze %dma_start3A_1689 : memref<1x128x64xf32, #tpu.memory_space<vmem>> -> memref<128x64xf32, #tpu.memory_space<vmem>>
    %dma_start3A_1691 = arith.constant 0 : i32
    %dma_start3A_1692 = tpu.memref_slice %arg6[%dma_start3A_1685, %dma_start3A_1691] : memref<25x128xi32, #tpu.memory_space<vmem>> -> memref<1x128xi32, #tpu.memory_space<vmem>>
    %dma_start3A_1693 = tpu.memref_squeeze %dma_start3A_1692 : memref<1x128xi32, #tpu.memory_space<vmem>> -> memref<128xi32, #tpu.memory_space<vmem>>
    %dma_start3A_1694 = arith.constant 0 : i32
    %dma_start3A_1695 = arith.constant 0 : i32
    %dma_start3A_1696 = tpu.memref_slice %arg2[%dma_start3A_1694, %dma_start3A_1695] : memref<1000000x64xf32, #tpu.memory_space<hbm>> -> memref<1000000x64xf32, #tpu.memory_space<hbm>>
    tpu.enqueue_indirect_dma source(%dma_start3A_1696 : memref<1000000x64xf32, #tpu.memory_space<hbm>>) target(%dma_start3A_1690 : memref<128x64xf32, #tpu.memory_space<vmem>>) offsets(%dma_start3A_1693 : memref<128xi32, #tpu.memory_space<vmem>>) semaphore(%arg10 : memref<!tpu.dma_semaphore, #tpu.memory_space<semaphore_mem>>)
    %dma_start3A_1697 = arith.constant 18 : i32
    %dma_start3A_1698 = arith.constant 0 : i32
    %dma_start3A_1699 = arith.constant 0 : i32
    %dma_start3A_1700 = arith.constant 0 : i32
    %dma_start3A_1701 = tpu.memref_slice %arg9[%dma_start3A_1698, %dma_start3A_1699, %dma_start3A_1700] : memref<3x128x64xf32, #tpu.memory_space<vmem>> -> memref<1x128x64xf32, #tpu.memory_space<vmem>>
    %dma_start3A_1702 = tpu.memref_squeeze %dma_start3A_1701 : memref<1x128x64xf32, #tpu.memory_space<vmem>> -> memref<128x64xf32, #tpu.memory_space<vmem>>
    %dma_start3A_1703 = arith.constant 0 : i32
    %dma_start3A_1704 = tpu.memref_slice %arg7[%dma_start3A_1697, %dma_start3A_1703] : memref<25x128xi32, #tpu.memory_space<vmem>> -> memref<1x128xi32, #tpu.memory_space<vmem>>
    %dma_start3A_1705 = tpu.memref_squeeze %dma_start3A_1704 : memref<1x128xi32, #tpu.memory_space<vmem>> -> memref<128xi32, #tpu.memory_space<vmem>>
    %dma_start3A_1706 = arith.constant 0 : i32
    %dma_start3A_1707 = arith.constant 0 : i32
    %dma_start3A_1708 = tpu.memref_slice %arg2[%dma_start3A_1706, %dma_start3A_1707] : memref<1000000x64xf32, #tpu.memory_space<hbm>> -> memref<1000000x64xf32, #tpu.memory_space<hbm>>
    tpu.enqueue_indirect_dma source(%dma_start3A_1708 : memref<1000000x64xf32, #tpu.memory_space<hbm>>) target(%dma_start3A_1702 : memref<128x64xf32, #tpu.memory_space<vmem>>) offsets(%dma_start3A_1705 : memref<128xi32, #tpu.memory_space<vmem>>) semaphore(%arg13 : memref<!tpu.dma_semaphore, #tpu.memory_space<semaphore_mem>>)
    %dma_wait3A_1709 = arith.constant 16 : i32
    %dma_wait3A_1710 = arith.constant 1 : i32
    %dma_wait3A_1711 = arith.constant 0 : i32
    %dma_wait3A_1712 = arith.constant 0 : i32
    %dma_wait3A_1713 = tpu.memref_slice %arg8[%dma_wait3A_1710, %dma_wait3A_1711, %dma_wait3A_1712] : memref<3x128x64xf32, #tpu.memory_space<vmem>> -> memref<1x128x64xf32, #tpu.memory_space<vmem>>
    %dma_wait3A_1714 = tpu.memref_squeeze %dma_wait3A_1713 : memref<1x128x64xf32, #tpu.memory_space<vmem>> -> memref<128x64xf32, #tpu.memory_space<vmem>>
    %dma_wait3A_1715 = arith.constant 0 : i32
    %dma_wait3A_1716 = tpu.memref_slice %arg6[%dma_wait3A_1709, %dma_wait3A_1715] : memref<25x128xi32, #tpu.memory_space<vmem>> -> memref<1x128xi32, #tpu.memory_space<vmem>>
    %dma_wait3A_1717 = tpu.memref_squeeze %dma_wait3A_1716 : memref<1x128xi32, #tpu.memory_space<vmem>> -> memref<128xi32, #tpu.memory_space<vmem>>
    %dma_wait3A_1718 = arith.constant 0 : i32
    %dma_wait3A_1719 = arith.constant 0 : i32
    %dma_wait3A_1720 = tpu.memref_slice %arg2[%dma_wait3A_1718, %dma_wait3A_1719] : memref<1000000x64xf32, #tpu.memory_space<hbm>> -> memref<1000000x64xf32, #tpu.memory_space<hbm>>
    tpu.wait_indirect_dma semaphore(%arg11 : memref<!tpu.dma_semaphore, #tpu.memory_space<semaphore_mem>>) src(%dma_wait3A_1720 : memref<1000000x64xf32, #tpu.memory_space<hbm>>) dst(%dma_wait3A_1714 : memref<128x64xf32, #tpu.memory_space<vmem>>)
    %dma_wait3A_1721 = arith.constant 16 : i32
    %dma_wait3A_1722 = arith.constant 1 : i32
    %dma_wait3A_1723 = arith.constant 0 : i32
    %dma_wait3A_1724 = arith.constant 0 : i32
    %dma_wait3A_1725 = tpu.memref_slice %arg9[%dma_wait3A_1722, %dma_wait3A_1723, %dma_wait3A_1724] : memref<3x128x64xf32, #tpu.memory_space<vmem>> -> memref<1x128x64xf32, #tpu.memory_space<vmem>>
    %dma_wait3A_1726 = tpu.memref_squeeze %dma_wait3A_1725 : memref<1x128x64xf32, #tpu.memory_space<vmem>> -> memref<128x64xf32, #tpu.memory_space<vmem>>
    %dma_wait3A_1727 = arith.constant 0 : i32
    %dma_wait3A_1728 = tpu.memref_slice %arg7[%dma_wait3A_1721, %dma_wait3A_1727] : memref<25x128xi32, #tpu.memory_space<vmem>> -> memref<1x128xi32, #tpu.memory_space<vmem>>
    %dma_wait3A_1729 = tpu.memref_squeeze %dma_wait3A_1728 : memref<1x128xi32, #tpu.memory_space<vmem>> -> memref<128xi32, #tpu.memory_space<vmem>>
    %dma_wait3A_1730 = arith.constant 0 : i32
    %dma_wait3A_1731 = arith.constant 0 : i32
    %dma_wait3A_1732 = tpu.memref_slice %arg2[%dma_wait3A_1730, %dma_wait3A_1731] : memref<1000000x64xf32, #tpu.memory_space<hbm>> -> memref<1000000x64xf32, #tpu.memory_space<hbm>>
    tpu.wait_indirect_dma semaphore(%arg14 : memref<!tpu.dma_semaphore, #tpu.memory_space<semaphore_mem>>) src(%dma_wait3A_1732 : memref<1000000x64xf32, #tpu.memory_space<hbm>>) dst(%dma_wait3A_1726 : memref<128x64xf32, #tpu.memory_space<vmem>>)
    %add3A_1733 = arith.constant 2048 : i32
    %add3A_1734 = arith.addi %mul3A_2, %add3A_1733 : i32
    %dma_start3A_1735 = arith.constant 1 : i32
    %dma_start3A_1736 = arith.constant 0 : i32
    %dma_start3A_1737 = arith.constant 0 : i32
    %dma_start3A_1738 = tpu.memref_slice %arg8[%dma_start3A_1735, %dma_start3A_1736, %dma_start3A_1737] : memref<3x128x64xf32, #tpu.memory_space<vmem>> -> memref<1x128x64xf32, #tpu.memory_space<vmem>>
    %dma_start3A_1739 = tpu.memref_squeeze %dma_start3A_1738 : memref<1x128x64xf32, #tpu.memory_space<vmem>> -> memref<128x64xf32, #tpu.memory_space<vmem>>
    %dma_start3A_1740 = arith.constant 0 : i32
    %dma_start3A_1741 = tpu.memref_slice %arg5[%add3A_1734, %dma_start3A_1740] : memref<102400x128xf32, #tpu.memory_space<hbm>> -> memref<128x64xf32, #tpu.memory_space<hbm>>
    %dma_start3A_1742 = arith.constant 0 : i32
    %dma_start3A_1743 = tpu.memref_slice %arg5[%add3A_1734, %dma_start3A_1742] : memref<102400x128xf32, #tpu.memory_space<hbm>> -> memref<128x64xf32, #tpu.memory_space<hbm>>
    %dma_start3A_1744 = arith.constant 0 : i32
    %dma_start3A_1745 = arith.constant 0 : i32
    %dma_start3A_1746 = tpu.memref_slice %arg8[%dma_start3A_1735, %dma_start3A_1744, %dma_start3A_1745] : memref<3x128x64xf32, #tpu.memory_space<vmem>> -> memref<1x128x64xf32, #tpu.memory_space<vmem>>
    %dma_start3A_1747 = tpu.memref_squeeze %dma_start3A_1746 : memref<1x128x64xf32, #tpu.memory_space<vmem>> -> memref<128x64xf32, #tpu.memory_space<vmem>>
    tpu.enqueue_dma source(%dma_start3A_1747 : memref<128x64xf32, #tpu.memory_space<vmem>>) target(%dma_start3A_1743 : memref<128x64xf32, #tpu.memory_space<hbm>>) target_semaphore(%arg17 : memref<!tpu.dma_semaphore, #tpu.memory_space<semaphore_mem>>)
    %dma_start3A_1748 = arith.constant 1 : i32
    %dma_start3A_1749 = arith.constant 0 : i32
    %dma_start3A_1750 = arith.constant 0 : i32
    %dma_start3A_1751 = tpu.memref_slice %arg9[%dma_start3A_1748, %dma_start3A_1749, %dma_start3A_1750] : memref<3x128x64xf32, #tpu.memory_space<vmem>> -> memref<1x128x64xf32, #tpu.memory_space<vmem>>
    %dma_start3A_1752 = tpu.memref_squeeze %dma_start3A_1751 : memref<1x128x64xf32, #tpu.memory_space<vmem>> -> memref<128x64xf32, #tpu.memory_space<vmem>>
    %dma_start3A_1753 = arith.constant 64 : i32
    %dma_start3A_1754 = tpu.memref_slice %arg5[%add3A_1734, %dma_start3A_1753] : memref<102400x128xf32, #tpu.memory_space<hbm>> -> memref<128x64xf32, #tpu.memory_space<hbm>>
    %dma_start3A_1755 = arith.constant 64 : i32
    %dma_start3A_1756 = tpu.memref_slice %arg5[%add3A_1734, %dma_start3A_1755] : memref<102400x128xf32, #tpu.memory_space<hbm>> -> memref<128x64xf32, #tpu.memory_space<hbm>>
    %dma_start3A_1757 = arith.constant 0 : i32
    %dma_start3A_1758 = arith.constant 0 : i32
    %dma_start3A_1759 = tpu.memref_slice %arg9[%dma_start3A_1748, %dma_start3A_1757, %dma_start3A_1758] : memref<3x128x64xf32, #tpu.memory_space<vmem>> -> memref<1x128x64xf32, #tpu.memory_space<vmem>>
    %dma_start3A_1760 = tpu.memref_squeeze %dma_start3A_1759 : memref<1x128x64xf32, #tpu.memory_space<vmem>> -> memref<128x64xf32, #tpu.memory_space<vmem>>
    tpu.enqueue_dma source(%dma_start3A_1760 : memref<128x64xf32, #tpu.memory_space<vmem>>) target(%dma_start3A_1756 : memref<128x64xf32, #tpu.memory_space<hbm>>) target_semaphore(%arg20 : memref<!tpu.dma_semaphore, #tpu.memory_space<semaphore_mem>>)
    %dma_wait3A_1761 = arith.constant 1 : i32
    %dma_wait3A_1762 = arith.constant 0 : i32
    %dma_wait3A_1763 = arith.constant 0 : i32
    %dma_wait3A_1764 = tpu.memref_slice %arg8[%dma_wait3A_1761, %dma_wait3A_1762, %dma_wait3A_1763] : memref<3x128x64xf32, #tpu.memory_space<vmem>> -> memref<1x128x64xf32, #tpu.memory_space<vmem>>
    %dma_wait3A_1765 = tpu.memref_squeeze %dma_wait3A_1764 : memref<1x128x64xf32, #tpu.memory_space<vmem>> -> memref<128x64xf32, #tpu.memory_space<vmem>>
    %dma_wait3A_1766 = arith.constant 0 : i32
    %dma_wait3A_1767 = tpu.memref_slice %arg5[%add3A_1734, %dma_wait3A_1766] : memref<102400x128xf32, #tpu.memory_space<hbm>> -> memref<128x64xf32, #tpu.memory_space<hbm>>
    %dma_wait3A_1768 = arith.constant 0 : i32
    %dma_wait3A_1769 = tpu.memref_slice %arg5[%add3A_1734, %dma_wait3A_1768] : memref<102400x128xf32, #tpu.memory_space<hbm>> -> memref<128x64xf32, #tpu.memory_space<hbm>>
    %dma_wait3A_1770 = arith.constant 0 : i32
    %dma_wait3A_1771 = arith.constant 0 : i32
    %dma_wait3A_1772 = tpu.memref_slice %arg8[%dma_wait3A_1761, %dma_wait3A_1770, %dma_wait3A_1771] : memref<3x128x64xf32, #tpu.memory_space<vmem>> -> memref<1x128x64xf32, #tpu.memory_space<vmem>>
    %dma_wait3A_1773 = tpu.memref_squeeze %dma_wait3A_1772 : memref<1x128x64xf32, #tpu.memory_space<vmem>> -> memref<128x64xf32, #tpu.memory_space<vmem>>
    tpu.wait_dma2 semaphore(%arg17 : memref<!tpu.dma_semaphore, #tpu.memory_space<semaphore_mem>>) src(%dma_wait3A_1773 : memref<128x64xf32, #tpu.memory_space<vmem>>) dst(%dma_wait3A_1769 : memref<128x64xf32, #tpu.memory_space<hbm>>)
    %dma_wait3A_1774 = arith.constant 1 : i32
    %dma_wait3A_1775 = arith.constant 0 : i32
    %dma_wait3A_1776 = arith.constant 0 : i32
    %dma_wait3A_1777 = tpu.memref_slice %arg9[%dma_wait3A_1774, %dma_wait3A_1775, %dma_wait3A_1776] : memref<3x128x64xf32, #tpu.memory_space<vmem>> -> memref<1x128x64xf32, #tpu.memory_space<vmem>>
    %dma_wait3A_1778 = tpu.memref_squeeze %dma_wait3A_1777 : memref<1x128x64xf32, #tpu.memory_space<vmem>> -> memref<128x64xf32, #tpu.memory_space<vmem>>
    %dma_wait3A_1779 = arith.constant 64 : i32
    %dma_wait3A_1780 = tpu.memref_slice %arg5[%add3A_1734, %dma_wait3A_1779] : memref<102400x128xf32, #tpu.memory_space<hbm>> -> memref<128x64xf32, #tpu.memory_space<hbm>>
    %dma_wait3A_1781 = arith.constant 64 : i32
    %dma_wait3A_1782 = tpu.memref_slice %arg5[%add3A_1734, %dma_wait3A_1781] : memref<102400x128xf32, #tpu.memory_space<hbm>> -> memref<128x64xf32, #tpu.memory_space<hbm>>
    %dma_wait3A_1783 = arith.constant 0 : i32
    %dma_wait3A_1784 = arith.constant 0 : i32
    %dma_wait3A_1785 = tpu.memref_slice %arg9[%dma_wait3A_1774, %dma_wait3A_1783, %dma_wait3A_1784] : memref<3x128x64xf32, #tpu.memory_space<vmem>> -> memref<1x128x64xf32, #tpu.memory_space<vmem>>
    %dma_wait3A_1786 = tpu.memref_squeeze %dma_wait3A_1785 : memref<1x128x64xf32, #tpu.memory_space<vmem>> -> memref<128x64xf32, #tpu.memory_space<vmem>>
    tpu.wait_dma2 semaphore(%arg20 : memref<!tpu.dma_semaphore, #tpu.memory_space<semaphore_mem>>) src(%dma_wait3A_1786 : memref<128x64xf32, #tpu.memory_space<vmem>>) dst(%dma_wait3A_1782 : memref<128x64xf32, #tpu.memory_space<hbm>>)
    %dma_start3A_1787 = arith.constant 19 : i32
    %dma_start3A_1788 = arith.constant 1 : i32
    %dma_start3A_1789 = arith.constant 0 : i32
    %dma_start3A_1790 = arith.constant 0 : i32
    %dma_start3A_1791 = tpu.memref_slice %arg8[%dma_start3A_1788, %dma_start3A_1789, %dma_start3A_1790] : memref<3x128x64xf32, #tpu.memory_space<vmem>> -> memref<1x128x64xf32, #tpu.memory_space<vmem>>
    %dma_start3A_1792 = tpu.memref_squeeze %dma_start3A_1791 : memref<1x128x64xf32, #tpu.memory_space<vmem>> -> memref<128x64xf32, #tpu.memory_space<vmem>>
    %dma_start3A_1793 = arith.constant 0 : i32
    %dma_start3A_1794 = tpu.memref_slice %arg6[%dma_start3A_1787, %dma_start3A_1793] : memref<25x128xi32, #tpu.memory_space<vmem>> -> memref<1x128xi32, #tpu.memory_space<vmem>>
    %dma_start3A_1795 = tpu.memref_squeeze %dma_start3A_1794 : memref<1x128xi32, #tpu.memory_space<vmem>> -> memref<128xi32, #tpu.memory_space<vmem>>
    %dma_start3A_1796 = arith.constant 0 : i32
    %dma_start3A_1797 = arith.constant 0 : i32
    %dma_start3A_1798 = tpu.memref_slice %arg2[%dma_start3A_1796, %dma_start3A_1797] : memref<1000000x64xf32, #tpu.memory_space<hbm>> -> memref<1000000x64xf32, #tpu.memory_space<hbm>>
    tpu.enqueue_indirect_dma source(%dma_start3A_1798 : memref<1000000x64xf32, #tpu.memory_space<hbm>>) target(%dma_start3A_1792 : memref<128x64xf32, #tpu.memory_space<vmem>>) offsets(%dma_start3A_1795 : memref<128xi32, #tpu.memory_space<vmem>>) semaphore(%arg11 : memref<!tpu.dma_semaphore, #tpu.memory_space<semaphore_mem>>)
    %dma_start3A_1799 = arith.constant 19 : i32
    %dma_start3A_1800 = arith.constant 1 : i32
    %dma_start3A_1801 = arith.constant 0 : i32
    %dma_start3A_1802 = arith.constant 0 : i32
    %dma_start3A_1803 = tpu.memref_slice %arg9[%dma_start3A_1800, %dma_start3A_1801, %dma_start3A_1802] : memref<3x128x64xf32, #tpu.memory_space<vmem>> -> memref<1x128x64xf32, #tpu.memory_space<vmem>>
    %dma_start3A_1804 = tpu.memref_squeeze %dma_start3A_1803 : memref<1x128x64xf32, #tpu.memory_space<vmem>> -> memref<128x64xf32, #tpu.memory_space<vmem>>
    %dma_start3A_1805 = arith.constant 0 : i32
    %dma_start3A_1806 = tpu.memref_slice %arg7[%dma_start3A_1799, %dma_start3A_1805] : memref<25x128xi32, #tpu.memory_space<vmem>> -> memref<1x128xi32, #tpu.memory_space<vmem>>
    %dma_start3A_1807 = tpu.memref_squeeze %dma_start3A_1806 : memref<1x128xi32, #tpu.memory_space<vmem>> -> memref<128xi32, #tpu.memory_space<vmem>>
    %dma_start3A_1808 = arith.constant 0 : i32
    %dma_start3A_1809 = arith.constant 0 : i32
    %dma_start3A_1810 = tpu.memref_slice %arg2[%dma_start3A_1808, %dma_start3A_1809] : memref<1000000x64xf32, #tpu.memory_space<hbm>> -> memref<1000000x64xf32, #tpu.memory_space<hbm>>
    tpu.enqueue_indirect_dma source(%dma_start3A_1810 : memref<1000000x64xf32, #tpu.memory_space<hbm>>) target(%dma_start3A_1804 : memref<128x64xf32, #tpu.memory_space<vmem>>) offsets(%dma_start3A_1807 : memref<128xi32, #tpu.memory_space<vmem>>) semaphore(%arg14 : memref<!tpu.dma_semaphore, #tpu.memory_space<semaphore_mem>>)
    %dma_wait3A_1811 = arith.constant 17 : i32
    %dma_wait3A_1812 = arith.constant 2 : i32
    %dma_wait3A_1813 = arith.constant 0 : i32
    %dma_wait3A_1814 = arith.constant 0 : i32
    %dma_wait3A_1815 = tpu.memref_slice %arg8[%dma_wait3A_1812, %dma_wait3A_1813, %dma_wait3A_1814] : memref<3x128x64xf32, #tpu.memory_space<vmem>> -> memref<1x128x64xf32, #tpu.memory_space<vmem>>
    %dma_wait3A_1816 = tpu.memref_squeeze %dma_wait3A_1815 : memref<1x128x64xf32, #tpu.memory_space<vmem>> -> memref<128x64xf32, #tpu.memory_space<vmem>>
    %dma_wait3A_1817 = arith.constant 0 : i32
    %dma_wait3A_1818 = tpu.memref_slice %arg6[%dma_wait3A_1811, %dma_wait3A_1817] : memref<25x128xi32, #tpu.memory_space<vmem>> -> memref<1x128xi32, #tpu.memory_space<vmem>>
    %dma_wait3A_1819 = tpu.memref_squeeze %dma_wait3A_1818 : memref<1x128xi32, #tpu.memory_space<vmem>> -> memref<128xi32, #tpu.memory_space<vmem>>
    %dma_wait3A_1820 = arith.constant 0 : i32
    %dma_wait3A_1821 = arith.constant 0 : i32
    %dma_wait3A_1822 = tpu.memref_slice %arg2[%dma_wait3A_1820, %dma_wait3A_1821] : memref<1000000x64xf32, #tpu.memory_space<hbm>> -> memref<1000000x64xf32, #tpu.memory_space<hbm>>
    tpu.wait_indirect_dma semaphore(%arg12 : memref<!tpu.dma_semaphore, #tpu.memory_space<semaphore_mem>>) src(%dma_wait3A_1822 : memref<1000000x64xf32, #tpu.memory_space<hbm>>) dst(%dma_wait3A_1816 : memref<128x64xf32, #tpu.memory_space<vmem>>)
    %dma_wait3A_1823 = arith.constant 17 : i32
    %dma_wait3A_1824 = arith.constant 2 : i32
    %dma_wait3A_1825 = arith.constant 0 : i32
    %dma_wait3A_1826 = arith.constant 0 : i32
    %dma_wait3A_1827 = tpu.memref_slice %arg9[%dma_wait3A_1824, %dma_wait3A_1825, %dma_wait3A_1826] : memref<3x128x64xf32, #tpu.memory_space<vmem>> -> memref<1x128x64xf32, #tpu.memory_space<vmem>>
    %dma_wait3A_1828 = tpu.memref_squeeze %dma_wait3A_1827 : memref<1x128x64xf32, #tpu.memory_space<vmem>> -> memref<128x64xf32, #tpu.memory_space<vmem>>
    %dma_wait3A_1829 = arith.constant 0 : i32
    %dma_wait3A_1830 = tpu.memref_slice %arg7[%dma_wait3A_1823, %dma_wait3A_1829] : memref<25x128xi32, #tpu.memory_space<vmem>> -> memref<1x128xi32, #tpu.memory_space<vmem>>
    %dma_wait3A_1831 = tpu.memref_squeeze %dma_wait3A_1830 : memref<1x128xi32, #tpu.memory_space<vmem>> -> memref<128xi32, #tpu.memory_space<vmem>>
    %dma_wait3A_1832 = arith.constant 0 : i32
    %dma_wait3A_1833 = arith.constant 0 : i32
    %dma_wait3A_1834 = tpu.memref_slice %arg2[%dma_wait3A_1832, %dma_wait3A_1833] : memref<1000000x64xf32, #tpu.memory_space<hbm>> -> memref<1000000x64xf32, #tpu.memory_space<hbm>>
    tpu.wait_indirect_dma semaphore(%arg15 : memref<!tpu.dma_semaphore, #tpu.memory_space<semaphore_mem>>) src(%dma_wait3A_1834 : memref<1000000x64xf32, #tpu.memory_space<hbm>>) dst(%dma_wait3A_1828 : memref<128x64xf32, #tpu.memory_space<vmem>>)
    %add3A_1835 = arith.constant 2176 : i32
    %add3A_1836 = arith.addi %mul3A_2, %add3A_1835 : i32
    %dma_start3A_1837 = arith.constant 2 : i32
    %dma_start3A_1838 = arith.constant 0 : i32
    %dma_start3A_1839 = arith.constant 0 : i32
    %dma_start3A_1840 = tpu.memref_slice %arg8[%dma_start3A_1837, %dma_start3A_1838, %dma_start3A_1839] : memref<3x128x64xf32, #tpu.memory_space<vmem>> -> memref<1x128x64xf32, #tpu.memory_space<vmem>>
    %dma_start3A_1841 = tpu.memref_squeeze %dma_start3A_1840 : memref<1x128x64xf32, #tpu.memory_space<vmem>> -> memref<128x64xf32, #tpu.memory_space<vmem>>
    %dma_start3A_1842 = arith.constant 0 : i32
    %dma_start3A_1843 = tpu.memref_slice %arg5[%add3A_1836, %dma_start3A_1842] : memref<102400x128xf32, #tpu.memory_space<hbm>> -> memref<128x64xf32, #tpu.memory_space<hbm>>
    %dma_start3A_1844 = arith.constant 0 : i32
    %dma_start3A_1845 = tpu.memref_slice %arg5[%add3A_1836, %dma_start3A_1844] : memref<102400x128xf32, #tpu.memory_space<hbm>> -> memref<128x64xf32, #tpu.memory_space<hbm>>
    %dma_start3A_1846 = arith.constant 0 : i32
    %dma_start3A_1847 = arith.constant 0 : i32
    %dma_start3A_1848 = tpu.memref_slice %arg8[%dma_start3A_1837, %dma_start3A_1846, %dma_start3A_1847] : memref<3x128x64xf32, #tpu.memory_space<vmem>> -> memref<1x128x64xf32, #tpu.memory_space<vmem>>
    %dma_start3A_1849 = tpu.memref_squeeze %dma_start3A_1848 : memref<1x128x64xf32, #tpu.memory_space<vmem>> -> memref<128x64xf32, #tpu.memory_space<vmem>>
    tpu.enqueue_dma source(%dma_start3A_1849 : memref<128x64xf32, #tpu.memory_space<vmem>>) target(%dma_start3A_1845 : memref<128x64xf32, #tpu.memory_space<hbm>>) target_semaphore(%arg18 : memref<!tpu.dma_semaphore, #tpu.memory_space<semaphore_mem>>)
    %dma_start3A_1850 = arith.constant 2 : i32
    %dma_start3A_1851 = arith.constant 0 : i32
    %dma_start3A_1852 = arith.constant 0 : i32
    %dma_start3A_1853 = tpu.memref_slice %arg9[%dma_start3A_1850, %dma_start3A_1851, %dma_start3A_1852] : memref<3x128x64xf32, #tpu.memory_space<vmem>> -> memref<1x128x64xf32, #tpu.memory_space<vmem>>
    %dma_start3A_1854 = tpu.memref_squeeze %dma_start3A_1853 : memref<1x128x64xf32, #tpu.memory_space<vmem>> -> memref<128x64xf32, #tpu.memory_space<vmem>>
    %dma_start3A_1855 = arith.constant 64 : i32
    %dma_start3A_1856 = tpu.memref_slice %arg5[%add3A_1836, %dma_start3A_1855] : memref<102400x128xf32, #tpu.memory_space<hbm>> -> memref<128x64xf32, #tpu.memory_space<hbm>>
    %dma_start3A_1857 = arith.constant 64 : i32
    %dma_start3A_1858 = tpu.memref_slice %arg5[%add3A_1836, %dma_start3A_1857] : memref<102400x128xf32, #tpu.memory_space<hbm>> -> memref<128x64xf32, #tpu.memory_space<hbm>>
    %dma_start3A_1859 = arith.constant 0 : i32
    %dma_start3A_1860 = arith.constant 0 : i32
    %dma_start3A_1861 = tpu.memref_slice %arg9[%dma_start3A_1850, %dma_start3A_1859, %dma_start3A_1860] : memref<3x128x64xf32, #tpu.memory_space<vmem>> -> memref<1x128x64xf32, #tpu.memory_space<vmem>>
    %dma_start3A_1862 = tpu.memref_squeeze %dma_start3A_1861 : memref<1x128x64xf32, #tpu.memory_space<vmem>> -> memref<128x64xf32, #tpu.memory_space<vmem>>
    tpu.enqueue_dma source(%dma_start3A_1862 : memref<128x64xf32, #tpu.memory_space<vmem>>) target(%dma_start3A_1858 : memref<128x64xf32, #tpu.memory_space<hbm>>) target_semaphore(%arg21 : memref<!tpu.dma_semaphore, #tpu.memory_space<semaphore_mem>>)
    %dma_wait3A_1863 = arith.constant 2 : i32
    %dma_wait3A_1864 = arith.constant 0 : i32
    %dma_wait3A_1865 = arith.constant 0 : i32
    %dma_wait3A_1866 = tpu.memref_slice %arg8[%dma_wait3A_1863, %dma_wait3A_1864, %dma_wait3A_1865] : memref<3x128x64xf32, #tpu.memory_space<vmem>> -> memref<1x128x64xf32, #tpu.memory_space<vmem>>
    %dma_wait3A_1867 = tpu.memref_squeeze %dma_wait3A_1866 : memref<1x128x64xf32, #tpu.memory_space<vmem>> -> memref<128x64xf32, #tpu.memory_space<vmem>>
    %dma_wait3A_1868 = arith.constant 0 : i32
    %dma_wait3A_1869 = tpu.memref_slice %arg5[%add3A_1836, %dma_wait3A_1868] : memref<102400x128xf32, #tpu.memory_space<hbm>> -> memref<128x64xf32, #tpu.memory_space<hbm>>
    %dma_wait3A_1870 = arith.constant 0 : i32
    %dma_wait3A_1871 = tpu.memref_slice %arg5[%add3A_1836, %dma_wait3A_1870] : memref<102400x128xf32, #tpu.memory_space<hbm>> -> memref<128x64xf32, #tpu.memory_space<hbm>>
    %dma_wait3A_1872 = arith.constant 0 : i32
    %dma_wait3A_1873 = arith.constant 0 : i32
    %dma_wait3A_1874 = tpu.memref_slice %arg8[%dma_wait3A_1863, %dma_wait3A_1872, %dma_wait3A_1873] : memref<3x128x64xf32, #tpu.memory_space<vmem>> -> memref<1x128x64xf32, #tpu.memory_space<vmem>>
    %dma_wait3A_1875 = tpu.memref_squeeze %dma_wait3A_1874 : memref<1x128x64xf32, #tpu.memory_space<vmem>> -> memref<128x64xf32, #tpu.memory_space<vmem>>
    tpu.wait_dma2 semaphore(%arg18 : memref<!tpu.dma_semaphore, #tpu.memory_space<semaphore_mem>>) src(%dma_wait3A_1875 : memref<128x64xf32, #tpu.memory_space<vmem>>) dst(%dma_wait3A_1871 : memref<128x64xf32, #tpu.memory_space<hbm>>)
    %dma_wait3A_1876 = arith.constant 2 : i32
    %dma_wait3A_1877 = arith.constant 0 : i32
    %dma_wait3A_1878 = arith.constant 0 : i32
    %dma_wait3A_1879 = tpu.memref_slice %arg9[%dma_wait3A_1876, %dma_wait3A_1877, %dma_wait3A_1878] : memref<3x128x64xf32, #tpu.memory_space<vmem>> -> memref<1x128x64xf32, #tpu.memory_space<vmem>>
    %dma_wait3A_1880 = tpu.memref_squeeze %dma_wait3A_1879 : memref<1x128x64xf32, #tpu.memory_space<vmem>> -> memref<128x64xf32, #tpu.memory_space<vmem>>
    %dma_wait3A_1881 = arith.constant 64 : i32
    %dma_wait3A_1882 = tpu.memref_slice %arg5[%add3A_1836, %dma_wait3A_1881] : memref<102400x128xf32, #tpu.memory_space<hbm>> -> memref<128x64xf32, #tpu.memory_space<hbm>>
    %dma_wait3A_1883 = arith.constant 64 : i32
    %dma_wait3A_1884 = tpu.memref_slice %arg5[%add3A_1836, %dma_wait3A_1883] : memref<102400x128xf32, #tpu.memory_space<hbm>> -> memref<128x64xf32, #tpu.memory_space<hbm>>
    %dma_wait3A_1885 = arith.constant 0 : i32
    %dma_wait3A_1886 = arith.constant 0 : i32
    %dma_wait3A_1887 = tpu.memref_slice %arg9[%dma_wait3A_1876, %dma_wait3A_1885, %dma_wait3A_1886] : memref<3x128x64xf32, #tpu.memory_space<vmem>> -> memref<1x128x64xf32, #tpu.memory_space<vmem>>
    %dma_wait3A_1888 = tpu.memref_squeeze %dma_wait3A_1887 : memref<1x128x64xf32, #tpu.memory_space<vmem>> -> memref<128x64xf32, #tpu.memory_space<vmem>>
    tpu.wait_dma2 semaphore(%arg21 : memref<!tpu.dma_semaphore, #tpu.memory_space<semaphore_mem>>) src(%dma_wait3A_1888 : memref<128x64xf32, #tpu.memory_space<vmem>>) dst(%dma_wait3A_1884 : memref<128x64xf32, #tpu.memory_space<hbm>>)
    %dma_start3A_1889 = arith.constant 20 : i32
    %dma_start3A_1890 = arith.constant 2 : i32
    %dma_start3A_1891 = arith.constant 0 : i32
    %dma_start3A_1892 = arith.constant 0 : i32
    %dma_start3A_1893 = tpu.memref_slice %arg8[%dma_start3A_1890, %dma_start3A_1891, %dma_start3A_1892] : memref<3x128x64xf32, #tpu.memory_space<vmem>> -> memref<1x128x64xf32, #tpu.memory_space<vmem>>
    %dma_start3A_1894 = tpu.memref_squeeze %dma_start3A_1893 : memref<1x128x64xf32, #tpu.memory_space<vmem>> -> memref<128x64xf32, #tpu.memory_space<vmem>>
    %dma_start3A_1895 = arith.constant 0 : i32
    %dma_start3A_1896 = tpu.memref_slice %arg6[%dma_start3A_1889, %dma_start3A_1895] : memref<25x128xi32, #tpu.memory_space<vmem>> -> memref<1x128xi32, #tpu.memory_space<vmem>>
    %dma_start3A_1897 = tpu.memref_squeeze %dma_start3A_1896 : memref<1x128xi32, #tpu.memory_space<vmem>> -> memref<128xi32, #tpu.memory_space<vmem>>
    %dma_start3A_1898 = arith.constant 0 : i32
    %dma_start3A_1899 = arith.constant 0 : i32
    %dma_start3A_1900 = tpu.memref_slice %arg2[%dma_start3A_1898, %dma_start3A_1899] : memref<1000000x64xf32, #tpu.memory_space<hbm>> -> memref<1000000x64xf32, #tpu.memory_space<hbm>>
    tpu.enqueue_indirect_dma source(%dma_start3A_1900 : memref<1000000x64xf32, #tpu.memory_space<hbm>>) target(%dma_start3A_1894 : memref<128x64xf32, #tpu.memory_space<vmem>>) offsets(%dma_start3A_1897 : memref<128xi32, #tpu.memory_space<vmem>>) semaphore(%arg12 : memref<!tpu.dma_semaphore, #tpu.memory_space<semaphore_mem>>)
    %dma_start3A_1901 = arith.constant 20 : i32
    %dma_start3A_1902 = arith.constant 2 : i32
    %dma_start3A_1903 = arith.constant 0 : i32
    %dma_start3A_1904 = arith.constant 0 : i32
    %dma_start3A_1905 = tpu.memref_slice %arg9[%dma_start3A_1902, %dma_start3A_1903, %dma_start3A_1904] : memref<3x128x64xf32, #tpu.memory_space<vmem>> -> memref<1x128x64xf32, #tpu.memory_space<vmem>>
    %dma_start3A_1906 = tpu.memref_squeeze %dma_start3A_1905 : memref<1x128x64xf32, #tpu.memory_space<vmem>> -> memref<128x64xf32, #tpu.memory_space<vmem>>
    %dma_start3A_1907 = arith.constant 0 : i32
    %dma_start3A_1908 = tpu.memref_slice %arg7[%dma_start3A_1901, %dma_start3A_1907] : memref<25x128xi32, #tpu.memory_space<vmem>> -> memref<1x128xi32, #tpu.memory_space<vmem>>
    %dma_start3A_1909 = tpu.memref_squeeze %dma_start3A_1908 : memref<1x128xi32, #tpu.memory_space<vmem>> -> memref<128xi32, #tpu.memory_space<vmem>>
    %dma_start3A_1910 = arith.constant 0 : i32
    %dma_start3A_1911 = arith.constant 0 : i32
    %dma_start3A_1912 = tpu.memref_slice %arg2[%dma_start3A_1910, %dma_start3A_1911] : memref<1000000x64xf32, #tpu.memory_space<hbm>> -> memref<1000000x64xf32, #tpu.memory_space<hbm>>
    tpu.enqueue_indirect_dma source(%dma_start3A_1912 : memref<1000000x64xf32, #tpu.memory_space<hbm>>) target(%dma_start3A_1906 : memref<128x64xf32, #tpu.memory_space<vmem>>) offsets(%dma_start3A_1909 : memref<128xi32, #tpu.memory_space<vmem>>) semaphore(%arg15 : memref<!tpu.dma_semaphore, #tpu.memory_space<semaphore_mem>>)
    %dma_wait3A_1913 = arith.constant 18 : i32
    %dma_wait3A_1914 = arith.constant 0 : i32
    %dma_wait3A_1915 = arith.constant 0 : i32
    %dma_wait3A_1916 = arith.constant 0 : i32
    %dma_wait3A_1917 = tpu.memref_slice %arg8[%dma_wait3A_1914, %dma_wait3A_1915, %dma_wait3A_1916] : memref<3x128x64xf32, #tpu.memory_space<vmem>> -> memref<1x128x64xf32, #tpu.memory_space<vmem>>
    %dma_wait3A_1918 = tpu.memref_squeeze %dma_wait3A_1917 : memref<1x128x64xf32, #tpu.memory_space<vmem>> -> memref<128x64xf32, #tpu.memory_space<vmem>>
    %dma_wait3A_1919 = arith.constant 0 : i32
    %dma_wait3A_1920 = tpu.memref_slice %arg6[%dma_wait3A_1913, %dma_wait3A_1919] : memref<25x128xi32, #tpu.memory_space<vmem>> -> memref<1x128xi32, #tpu.memory_space<vmem>>
    %dma_wait3A_1921 = tpu.memref_squeeze %dma_wait3A_1920 : memref<1x128xi32, #tpu.memory_space<vmem>> -> memref<128xi32, #tpu.memory_space<vmem>>
    %dma_wait3A_1922 = arith.constant 0 : i32
    %dma_wait3A_1923 = arith.constant 0 : i32
    %dma_wait3A_1924 = tpu.memref_slice %arg2[%dma_wait3A_1922, %dma_wait3A_1923] : memref<1000000x64xf32, #tpu.memory_space<hbm>> -> memref<1000000x64xf32, #tpu.memory_space<hbm>>
    tpu.wait_indirect_dma semaphore(%arg10 : memref<!tpu.dma_semaphore, #tpu.memory_space<semaphore_mem>>) src(%dma_wait3A_1924 : memref<1000000x64xf32, #tpu.memory_space<hbm>>) dst(%dma_wait3A_1918 : memref<128x64xf32, #tpu.memory_space<vmem>>)
    %dma_wait3A_1925 = arith.constant 18 : i32
    %dma_wait3A_1926 = arith.constant 0 : i32
    %dma_wait3A_1927 = arith.constant 0 : i32
    %dma_wait3A_1928 = arith.constant 0 : i32
    %dma_wait3A_1929 = tpu.memref_slice %arg9[%dma_wait3A_1926, %dma_wait3A_1927, %dma_wait3A_1928] : memref<3x128x64xf32, #tpu.memory_space<vmem>> -> memref<1x128x64xf32, #tpu.memory_space<vmem>>
    %dma_wait3A_1930 = tpu.memref_squeeze %dma_wait3A_1929 : memref<1x128x64xf32, #tpu.memory_space<vmem>> -> memref<128x64xf32, #tpu.memory_space<vmem>>
    %dma_wait3A_1931 = arith.constant 0 : i32
    %dma_wait3A_1932 = tpu.memref_slice %arg7[%dma_wait3A_1925, %dma_wait3A_1931] : memref<25x128xi32, #tpu.memory_space<vmem>> -> memref<1x128xi32, #tpu.memory_space<vmem>>
    %dma_wait3A_1933 = tpu.memref_squeeze %dma_wait3A_1932 : memref<1x128xi32, #tpu.memory_space<vmem>> -> memref<128xi32, #tpu.memory_space<vmem>>
    %dma_wait3A_1934 = arith.constant 0 : i32
    %dma_wait3A_1935 = arith.constant 0 : i32
    %dma_wait3A_1936 = tpu.memref_slice %arg2[%dma_wait3A_1934, %dma_wait3A_1935] : memref<1000000x64xf32, #tpu.memory_space<hbm>> -> memref<1000000x64xf32, #tpu.memory_space<hbm>>
    tpu.wait_indirect_dma semaphore(%arg13 : memref<!tpu.dma_semaphore, #tpu.memory_space<semaphore_mem>>) src(%dma_wait3A_1936 : memref<1000000x64xf32, #tpu.memory_space<hbm>>) dst(%dma_wait3A_1930 : memref<128x64xf32, #tpu.memory_space<vmem>>)
    %add3A_1937 = arith.constant 2304 : i32
    %add3A_1938 = arith.addi %mul3A_2, %add3A_1937 : i32
    %dma_start3A_1939 = arith.constant 0 : i32
    %dma_start3A_1940 = arith.constant 0 : i32
    %dma_start3A_1941 = arith.constant 0 : i32
    %dma_start3A_1942 = tpu.memref_slice %arg8[%dma_start3A_1939, %dma_start3A_1940, %dma_start3A_1941] : memref<3x128x64xf32, #tpu.memory_space<vmem>> -> memref<1x128x64xf32, #tpu.memory_space<vmem>>
    %dma_start3A_1943 = tpu.memref_squeeze %dma_start3A_1942 : memref<1x128x64xf32, #tpu.memory_space<vmem>> -> memref<128x64xf32, #tpu.memory_space<vmem>>
    %dma_start3A_1944 = arith.constant 0 : i32
    %dma_start3A_1945 = tpu.memref_slice %arg5[%add3A_1938, %dma_start3A_1944] : memref<102400x128xf32, #tpu.memory_space<hbm>> -> memref<128x64xf32, #tpu.memory_space<hbm>>
    %dma_start3A_1946 = arith.constant 0 : i32
    %dma_start3A_1947 = tpu.memref_slice %arg5[%add3A_1938, %dma_start3A_1946] : memref<102400x128xf32, #tpu.memory_space<hbm>> -> memref<128x64xf32, #tpu.memory_space<hbm>>
    %dma_start3A_1948 = arith.constant 0 : i32
    %dma_start3A_1949 = arith.constant 0 : i32
    %dma_start3A_1950 = tpu.memref_slice %arg8[%dma_start3A_1939, %dma_start3A_1948, %dma_start3A_1949] : memref<3x128x64xf32, #tpu.memory_space<vmem>> -> memref<1x128x64xf32, #tpu.memory_space<vmem>>
    %dma_start3A_1951 = tpu.memref_squeeze %dma_start3A_1950 : memref<1x128x64xf32, #tpu.memory_space<vmem>> -> memref<128x64xf32, #tpu.memory_space<vmem>>
    tpu.enqueue_dma source(%dma_start3A_1951 : memref<128x64xf32, #tpu.memory_space<vmem>>) target(%dma_start3A_1947 : memref<128x64xf32, #tpu.memory_space<hbm>>) target_semaphore(%arg16 : memref<!tpu.dma_semaphore, #tpu.memory_space<semaphore_mem>>)
    %dma_start3A_1952 = arith.constant 0 : i32
    %dma_start3A_1953 = arith.constant 0 : i32
    %dma_start3A_1954 = arith.constant 0 : i32
    %dma_start3A_1955 = tpu.memref_slice %arg9[%dma_start3A_1952, %dma_start3A_1953, %dma_start3A_1954] : memref<3x128x64xf32, #tpu.memory_space<vmem>> -> memref<1x128x64xf32, #tpu.memory_space<vmem>>
    %dma_start3A_1956 = tpu.memref_squeeze %dma_start3A_1955 : memref<1x128x64xf32, #tpu.memory_space<vmem>> -> memref<128x64xf32, #tpu.memory_space<vmem>>
    %dma_start3A_1957 = arith.constant 64 : i32
    %dma_start3A_1958 = tpu.memref_slice %arg5[%add3A_1938, %dma_start3A_1957] : memref<102400x128xf32, #tpu.memory_space<hbm>> -> memref<128x64xf32, #tpu.memory_space<hbm>>
    %dma_start3A_1959 = arith.constant 64 : i32
    %dma_start3A_1960 = tpu.memref_slice %arg5[%add3A_1938, %dma_start3A_1959] : memref<102400x128xf32, #tpu.memory_space<hbm>> -> memref<128x64xf32, #tpu.memory_space<hbm>>
    %dma_start3A_1961 = arith.constant 0 : i32
    %dma_start3A_1962 = arith.constant 0 : i32
    %dma_start3A_1963 = tpu.memref_slice %arg9[%dma_start3A_1952, %dma_start3A_1961, %dma_start3A_1962] : memref<3x128x64xf32, #tpu.memory_space<vmem>> -> memref<1x128x64xf32, #tpu.memory_space<vmem>>
    %dma_start3A_1964 = tpu.memref_squeeze %dma_start3A_1963 : memref<1x128x64xf32, #tpu.memory_space<vmem>> -> memref<128x64xf32, #tpu.memory_space<vmem>>
    tpu.enqueue_dma source(%dma_start3A_1964 : memref<128x64xf32, #tpu.memory_space<vmem>>) target(%dma_start3A_1960 : memref<128x64xf32, #tpu.memory_space<hbm>>) target_semaphore(%arg19 : memref<!tpu.dma_semaphore, #tpu.memory_space<semaphore_mem>>)
    %dma_wait3A_1965 = arith.constant 0 : i32
    %dma_wait3A_1966 = arith.constant 0 : i32
    %dma_wait3A_1967 = arith.constant 0 : i32
    %dma_wait3A_1968 = tpu.memref_slice %arg8[%dma_wait3A_1965, %dma_wait3A_1966, %dma_wait3A_1967] : memref<3x128x64xf32, #tpu.memory_space<vmem>> -> memref<1x128x64xf32, #tpu.memory_space<vmem>>
    %dma_wait3A_1969 = tpu.memref_squeeze %dma_wait3A_1968 : memref<1x128x64xf32, #tpu.memory_space<vmem>> -> memref<128x64xf32, #tpu.memory_space<vmem>>
    %dma_wait3A_1970 = arith.constant 0 : i32
    %dma_wait3A_1971 = tpu.memref_slice %arg5[%add3A_1938, %dma_wait3A_1970] : memref<102400x128xf32, #tpu.memory_space<hbm>> -> memref<128x64xf32, #tpu.memory_space<hbm>>
    %dma_wait3A_1972 = arith.constant 0 : i32
    %dma_wait3A_1973 = tpu.memref_slice %arg5[%add3A_1938, %dma_wait3A_1972] : memref<102400x128xf32, #tpu.memory_space<hbm>> -> memref<128x64xf32, #tpu.memory_space<hbm>>
    %dma_wait3A_1974 = arith.constant 0 : i32
    %dma_wait3A_1975 = arith.constant 0 : i32
    %dma_wait3A_1976 = tpu.memref_slice %arg8[%dma_wait3A_1965, %dma_wait3A_1974, %dma_wait3A_1975] : memref<3x128x64xf32, #tpu.memory_space<vmem>> -> memref<1x128x64xf32, #tpu.memory_space<vmem>>
    %dma_wait3A_1977 = tpu.memref_squeeze %dma_wait3A_1976 : memref<1x128x64xf32, #tpu.memory_space<vmem>> -> memref<128x64xf32, #tpu.memory_space<vmem>>
    tpu.wait_dma2 semaphore(%arg16 : memref<!tpu.dma_semaphore, #tpu.memory_space<semaphore_mem>>) src(%dma_wait3A_1977 : memref<128x64xf32, #tpu.memory_space<vmem>>) dst(%dma_wait3A_1973 : memref<128x64xf32, #tpu.memory_space<hbm>>)
    %dma_wait3A_1978 = arith.constant 0 : i32
    %dma_wait3A_1979 = arith.constant 0 : i32
    %dma_wait3A_1980 = arith.constant 0 : i32
    %dma_wait3A_1981 = tpu.memref_slice %arg9[%dma_wait3A_1978, %dma_wait3A_1979, %dma_wait3A_1980] : memref<3x128x64xf32, #tpu.memory_space<vmem>> -> memref<1x128x64xf32, #tpu.memory_space<vmem>>
    %dma_wait3A_1982 = tpu.memref_squeeze %dma_wait3A_1981 : memref<1x128x64xf32, #tpu.memory_space<vmem>> -> memref<128x64xf32, #tpu.memory_space<vmem>>
    %dma_wait3A_1983 = arith.constant 64 : i32
    %dma_wait3A_1984 = tpu.memref_slice %arg5[%add3A_1938, %dma_wait3A_1983] : memref<102400x128xf32, #tpu.memory_space<hbm>> -> memref<128x64xf32, #tpu.memory_space<hbm>>
    %dma_wait3A_1985 = arith.constant 64 : i32
    %dma_wait3A_1986 = tpu.memref_slice %arg5[%add3A_1938, %dma_wait3A_1985] : memref<102400x128xf32, #tpu.memory_space<hbm>> -> memref<128x64xf32, #tpu.memory_space<hbm>>
    %dma_wait3A_1987 = arith.constant 0 : i32
    %dma_wait3A_1988 = arith.constant 0 : i32
    %dma_wait3A_1989 = tpu.memref_slice %arg9[%dma_wait3A_1978, %dma_wait3A_1987, %dma_wait3A_1988] : memref<3x128x64xf32, #tpu.memory_space<vmem>> -> memref<1x128x64xf32, #tpu.memory_space<vmem>>
    %dma_wait3A_1990 = tpu.memref_squeeze %dma_wait3A_1989 : memref<1x128x64xf32, #tpu.memory_space<vmem>> -> memref<128x64xf32, #tpu.memory_space<vmem>>
    tpu.wait_dma2 semaphore(%arg19 : memref<!tpu.dma_semaphore, #tpu.memory_space<semaphore_mem>>) src(%dma_wait3A_1990 : memref<128x64xf32, #tpu.memory_space<vmem>>) dst(%dma_wait3A_1986 : memref<128x64xf32, #tpu.memory_space<hbm>>)
    %dma_start3A_1991 = arith.constant 21 : i32
    %dma_start3A_1992 = arith.constant 0 : i32
    %dma_start3A_1993 = arith.constant 0 : i32
    %dma_start3A_1994 = arith.constant 0 : i32
    %dma_start3A_1995 = tpu.memref_slice %arg8[%dma_start3A_1992, %dma_start3A_1993, %dma_start3A_1994] : memref<3x128x64xf32, #tpu.memory_space<vmem>> -> memref<1x128x64xf32, #tpu.memory_space<vmem>>
    %dma_start3A_1996 = tpu.memref_squeeze %dma_start3A_1995 : memref<1x128x64xf32, #tpu.memory_space<vmem>> -> memref<128x64xf32, #tpu.memory_space<vmem>>
    %dma_start3A_1997 = arith.constant 0 : i32
    %dma_start3A_1998 = tpu.memref_slice %arg6[%dma_start3A_1991, %dma_start3A_1997] : memref<25x128xi32, #tpu.memory_space<vmem>> -> memref<1x128xi32, #tpu.memory_space<vmem>>
    %dma_start3A_1999 = tpu.memref_squeeze %dma_start3A_1998 : memref<1x128xi32, #tpu.memory_space<vmem>> -> memref<128xi32, #tpu.memory_space<vmem>>
    %dma_start3A_2000 = arith.constant 0 : i32
    %dma_start3A_2001 = arith.constant 0 : i32
    %dma_start3A_2002 = tpu.memref_slice %arg2[%dma_start3A_2000, %dma_start3A_2001] : memref<1000000x64xf32, #tpu.memory_space<hbm>> -> memref<1000000x64xf32, #tpu.memory_space<hbm>>
    tpu.enqueue_indirect_dma source(%dma_start3A_2002 : memref<1000000x64xf32, #tpu.memory_space<hbm>>) target(%dma_start3A_1996 : memref<128x64xf32, #tpu.memory_space<vmem>>) offsets(%dma_start3A_1999 : memref<128xi32, #tpu.memory_space<vmem>>) semaphore(%arg10 : memref<!tpu.dma_semaphore, #tpu.memory_space<semaphore_mem>>)
    %dma_start3A_2003 = arith.constant 21 : i32
    %dma_start3A_2004 = arith.constant 0 : i32
    %dma_start3A_2005 = arith.constant 0 : i32
    %dma_start3A_2006 = arith.constant 0 : i32
    %dma_start3A_2007 = tpu.memref_slice %arg9[%dma_start3A_2004, %dma_start3A_2005, %dma_start3A_2006] : memref<3x128x64xf32, #tpu.memory_space<vmem>> -> memref<1x128x64xf32, #tpu.memory_space<vmem>>
    %dma_start3A_2008 = tpu.memref_squeeze %dma_start3A_2007 : memref<1x128x64xf32, #tpu.memory_space<vmem>> -> memref<128x64xf32, #tpu.memory_space<vmem>>
    %dma_start3A_2009 = arith.constant 0 : i32
    %dma_start3A_2010 = tpu.memref_slice %arg7[%dma_start3A_2003, %dma_start3A_2009] : memref<25x128xi32, #tpu.memory_space<vmem>> -> memref<1x128xi32, #tpu.memory_space<vmem>>
    %dma_start3A_2011 = tpu.memref_squeeze %dma_start3A_2010 : memref<1x128xi32, #tpu.memory_space<vmem>> -> memref<128xi32, #tpu.memory_space<vmem>>
    %dma_start3A_2012 = arith.constant 0 : i32
    %dma_start3A_2013 = arith.constant 0 : i32
    %dma_start3A_2014 = tpu.memref_slice %arg2[%dma_start3A_2012, %dma_start3A_2013] : memref<1000000x64xf32, #tpu.memory_space<hbm>> -> memref<1000000x64xf32, #tpu.memory_space<hbm>>
    tpu.enqueue_indirect_dma source(%dma_start3A_2014 : memref<1000000x64xf32, #tpu.memory_space<hbm>>) target(%dma_start3A_2008 : memref<128x64xf32, #tpu.memory_space<vmem>>) offsets(%dma_start3A_2011 : memref<128xi32, #tpu.memory_space<vmem>>) semaphore(%arg13 : memref<!tpu.dma_semaphore, #tpu.memory_space<semaphore_mem>>)
    %dma_wait3A_2015 = arith.constant 19 : i32
    %dma_wait3A_2016 = arith.constant 1 : i32
    %dma_wait3A_2017 = arith.constant 0 : i32
    %dma_wait3A_2018 = arith.constant 0 : i32
    %dma_wait3A_2019 = tpu.memref_slice %arg8[%dma_wait3A_2016, %dma_wait3A_2017, %dma_wait3A_2018] : memref<3x128x64xf32, #tpu.memory_space<vmem>> -> memref<1x128x64xf32, #tpu.memory_space<vmem>>
    %dma_wait3A_2020 = tpu.memref_squeeze %dma_wait3A_2019 : memref<1x128x64xf32, #tpu.memory_space<vmem>> -> memref<128x64xf32, #tpu.memory_space<vmem>>
    %dma_wait3A_2021 = arith.constant 0 : i32
    %dma_wait3A_2022 = tpu.memref_slice %arg6[%dma_wait3A_2015, %dma_wait3A_2021] : memref<25x128xi32, #tpu.memory_space<vmem>> -> memref<1x128xi32, #tpu.memory_space<vmem>>
    %dma_wait3A_2023 = tpu.memref_squeeze %dma_wait3A_2022 : memref<1x128xi32, #tpu.memory_space<vmem>> -> memref<128xi32, #tpu.memory_space<vmem>>
    %dma_wait3A_2024 = arith.constant 0 : i32
    %dma_wait3A_2025 = arith.constant 0 : i32
    %dma_wait3A_2026 = tpu.memref_slice %arg2[%dma_wait3A_2024, %dma_wait3A_2025] : memref<1000000x64xf32, #tpu.memory_space<hbm>> -> memref<1000000x64xf32, #tpu.memory_space<hbm>>
    tpu.wait_indirect_dma semaphore(%arg11 : memref<!tpu.dma_semaphore, #tpu.memory_space<semaphore_mem>>) src(%dma_wait3A_2026 : memref<1000000x64xf32, #tpu.memory_space<hbm>>) dst(%dma_wait3A_2020 : memref<128x64xf32, #tpu.memory_space<vmem>>)
    %dma_wait3A_2027 = arith.constant 19 : i32
    %dma_wait3A_2028 = arith.constant 1 : i32
    %dma_wait3A_2029 = arith.constant 0 : i32
    %dma_wait3A_2030 = arith.constant 0 : i32
    %dma_wait3A_2031 = tpu.memref_slice %arg9[%dma_wait3A_2028, %dma_wait3A_2029, %dma_wait3A_2030] : memref<3x128x64xf32, #tpu.memory_space<vmem>> -> memref<1x128x64xf32, #tpu.memory_space<vmem>>
    %dma_wait3A_2032 = tpu.memref_squeeze %dma_wait3A_2031 : memref<1x128x64xf32, #tpu.memory_space<vmem>> -> memref<128x64xf32, #tpu.memory_space<vmem>>
    %dma_wait3A_2033 = arith.constant 0 : i32
    %dma_wait3A_2034 = tpu.memref_slice %arg7[%dma_wait3A_2027, %dma_wait3A_2033] : memref<25x128xi32, #tpu.memory_space<vmem>> -> memref<1x128xi32, #tpu.memory_space<vmem>>
    %dma_wait3A_2035 = tpu.memref_squeeze %dma_wait3A_2034 : memref<1x128xi32, #tpu.memory_space<vmem>> -> memref<128xi32, #tpu.memory_space<vmem>>
    %dma_wait3A_2036 = arith.constant 0 : i32
    %dma_wait3A_2037 = arith.constant 0 : i32
    %dma_wait3A_2038 = tpu.memref_slice %arg2[%dma_wait3A_2036, %dma_wait3A_2037] : memref<1000000x64xf32, #tpu.memory_space<hbm>> -> memref<1000000x64xf32, #tpu.memory_space<hbm>>
    tpu.wait_indirect_dma semaphore(%arg14 : memref<!tpu.dma_semaphore, #tpu.memory_space<semaphore_mem>>) src(%dma_wait3A_2038 : memref<1000000x64xf32, #tpu.memory_space<hbm>>) dst(%dma_wait3A_2032 : memref<128x64xf32, #tpu.memory_space<vmem>>)
    %add3A_2039 = arith.constant 2432 : i32
    %add3A_2040 = arith.addi %mul3A_2, %add3A_2039 : i32
    %dma_start3A_2041 = arith.constant 1 : i32
    %dma_start3A_2042 = arith.constant 0 : i32
    %dma_start3A_2043 = arith.constant 0 : i32
    %dma_start3A_2044 = tpu.memref_slice %arg8[%dma_start3A_2041, %dma_start3A_2042, %dma_start3A_2043] : memref<3x128x64xf32, #tpu.memory_space<vmem>> -> memref<1x128x64xf32, #tpu.memory_space<vmem>>
    %dma_start3A_2045 = tpu.memref_squeeze %dma_start3A_2044 : memref<1x128x64xf32, #tpu.memory_space<vmem>> -> memref<128x64xf32, #tpu.memory_space<vmem>>
    %dma_start3A_2046 = arith.constant 0 : i32
    %dma_start3A_2047 = tpu.memref_slice %arg5[%add3A_2040, %dma_start3A_2046] : memref<102400x128xf32, #tpu.memory_space<hbm>> -> memref<128x64xf32, #tpu.memory_space<hbm>>
    %dma_start3A_2048 = arith.constant 0 : i32
    %dma_start3A_2049 = tpu.memref_slice %arg5[%add3A_2040, %dma_start3A_2048] : memref<102400x128xf32, #tpu.memory_space<hbm>> -> memref<128x64xf32, #tpu.memory_space<hbm>>
    %dma_start3A_2050 = arith.constant 0 : i32
    %dma_start3A_2051 = arith.constant 0 : i32
    %dma_start3A_2052 = tpu.memref_slice %arg8[%dma_start3A_2041, %dma_start3A_2050, %dma_start3A_2051] : memref<3x128x64xf32, #tpu.memory_space<vmem>> -> memref<1x128x64xf32, #tpu.memory_space<vmem>>
    %dma_start3A_2053 = tpu.memref_squeeze %dma_start3A_2052 : memref<1x128x64xf32, #tpu.memory_space<vmem>> -> memref<128x64xf32, #tpu.memory_space<vmem>>
    tpu.enqueue_dma source(%dma_start3A_2053 : memref<128x64xf32, #tpu.memory_space<vmem>>) target(%dma_start3A_2049 : memref<128x64xf32, #tpu.memory_space<hbm>>) target_semaphore(%arg17 : memref<!tpu.dma_semaphore, #tpu.memory_space<semaphore_mem>>)
    %dma_start3A_2054 = arith.constant 1 : i32
    %dma_start3A_2055 = arith.constant 0 : i32
    %dma_start3A_2056 = arith.constant 0 : i32
    %dma_start3A_2057 = tpu.memref_slice %arg9[%dma_start3A_2054, %dma_start3A_2055, %dma_start3A_2056] : memref<3x128x64xf32, #tpu.memory_space<vmem>> -> memref<1x128x64xf32, #tpu.memory_space<vmem>>
    %dma_start3A_2058 = tpu.memref_squeeze %dma_start3A_2057 : memref<1x128x64xf32, #tpu.memory_space<vmem>> -> memref<128x64xf32, #tpu.memory_space<vmem>>
    %dma_start3A_2059 = arith.constant 64 : i32
    %dma_start3A_2060 = tpu.memref_slice %arg5[%add3A_2040, %dma_start3A_2059] : memref<102400x128xf32, #tpu.memory_space<hbm>> -> memref<128x64xf32, #tpu.memory_space<hbm>>
    %dma_start3A_2061 = arith.constant 64 : i32
    %dma_start3A_2062 = tpu.memref_slice %arg5[%add3A_2040, %dma_start3A_2061] : memref<102400x128xf32, #tpu.memory_space<hbm>> -> memref<128x64xf32, #tpu.memory_space<hbm>>
    %dma_start3A_2063 = arith.constant 0 : i32
    %dma_start3A_2064 = arith.constant 0 : i32
    %dma_start3A_2065 = tpu.memref_slice %arg9[%dma_start3A_2054, %dma_start3A_2063, %dma_start3A_2064] : memref<3x128x64xf32, #tpu.memory_space<vmem>> -> memref<1x128x64xf32, #tpu.memory_space<vmem>>
    %dma_start3A_2066 = tpu.memref_squeeze %dma_start3A_2065 : memref<1x128x64xf32, #tpu.memory_space<vmem>> -> memref<128x64xf32, #tpu.memory_space<vmem>>
    tpu.enqueue_dma source(%dma_start3A_2066 : memref<128x64xf32, #tpu.memory_space<vmem>>) target(%dma_start3A_2062 : memref<128x64xf32, #tpu.memory_space<hbm>>) target_semaphore(%arg20 : memref<!tpu.dma_semaphore, #tpu.memory_space<semaphore_mem>>)
    %dma_wait3A_2067 = arith.constant 1 : i32
    %dma_wait3A_2068 = arith.constant 0 : i32
    %dma_wait3A_2069 = arith.constant 0 : i32
    %dma_wait3A_2070 = tpu.memref_slice %arg8[%dma_wait3A_2067, %dma_wait3A_2068, %dma_wait3A_2069] : memref<3x128x64xf32, #tpu.memory_space<vmem>> -> memref<1x128x64xf32, #tpu.memory_space<vmem>>
    %dma_wait3A_2071 = tpu.memref_squeeze %dma_wait3A_2070 : memref<1x128x64xf32, #tpu.memory_space<vmem>> -> memref<128x64xf32, #tpu.memory_space<vmem>>
    %dma_wait3A_2072 = arith.constant 0 : i32
    %dma_wait3A_2073 = tpu.memref_slice %arg5[%add3A_2040, %dma_wait3A_2072] : memref<102400x128xf32, #tpu.memory_space<hbm>> -> memref<128x64xf32, #tpu.memory_space<hbm>>
    %dma_wait3A_2074 = arith.constant 0 : i32
    %dma_wait3A_2075 = tpu.memref_slice %arg5[%add3A_2040, %dma_wait3A_2074] : memref<102400x128xf32, #tpu.memory_space<hbm>> -> memref<128x64xf32, #tpu.memory_space<hbm>>
    %dma_wait3A_2076 = arith.constant 0 : i32
    %dma_wait3A_2077 = arith.constant 0 : i32
    %dma_wait3A_2078 = tpu.memref_slice %arg8[%dma_wait3A_2067, %dma_wait3A_2076, %dma_wait3A_2077] : memref<3x128x64xf32, #tpu.memory_space<vmem>> -> memref<1x128x64xf32, #tpu.memory_space<vmem>>
    %dma_wait3A_2079 = tpu.memref_squeeze %dma_wait3A_2078 : memref<1x128x64xf32, #tpu.memory_space<vmem>> -> memref<128x64xf32, #tpu.memory_space<vmem>>
    tpu.wait_dma2 semaphore(%arg17 : memref<!tpu.dma_semaphore, #tpu.memory_space<semaphore_mem>>) src(%dma_wait3A_2079 : memref<128x64xf32, #tpu.memory_space<vmem>>) dst(%dma_wait3A_2075 : memref<128x64xf32, #tpu.memory_space<hbm>>)
    %dma_wait3A_2080 = arith.constant 1 : i32
    %dma_wait3A_2081 = arith.constant 0 : i32
    %dma_wait3A_2082 = arith.constant 0 : i32
    %dma_wait3A_2083 = tpu.memref_slice %arg9[%dma_wait3A_2080, %dma_wait3A_2081, %dma_wait3A_2082] : memref<3x128x64xf32, #tpu.memory_space<vmem>> -> memref<1x128x64xf32, #tpu.memory_space<vmem>>
    %dma_wait3A_2084 = tpu.memref_squeeze %dma_wait3A_2083 : memref<1x128x64xf32, #tpu.memory_space<vmem>> -> memref<128x64xf32, #tpu.memory_space<vmem>>
    %dma_wait3A_2085 = arith.constant 64 : i32
    %dma_wait3A_2086 = tpu.memref_slice %arg5[%add3A_2040, %dma_wait3A_2085] : memref<102400x128xf32, #tpu.memory_space<hbm>> -> memref<128x64xf32, #tpu.memory_space<hbm>>
    %dma_wait3A_2087 = arith.constant 64 : i32
    %dma_wait3A_2088 = tpu.memref_slice %arg5[%add3A_2040, %dma_wait3A_2087] : memref<102400x128xf32, #tpu.memory_space<hbm>> -> memref<128x64xf32, #tpu.memory_space<hbm>>
    %dma_wait3A_2089 = arith.constant 0 : i32
    %dma_wait3A_2090 = arith.constant 0 : i32
    %dma_wait3A_2091 = tpu.memref_slice %arg9[%dma_wait3A_2080, %dma_wait3A_2089, %dma_wait3A_2090] : memref<3x128x64xf32, #tpu.memory_space<vmem>> -> memref<1x128x64xf32, #tpu.memory_space<vmem>>
    %dma_wait3A_2092 = tpu.memref_squeeze %dma_wait3A_2091 : memref<1x128x64xf32, #tpu.memory_space<vmem>> -> memref<128x64xf32, #tpu.memory_space<vmem>>
    tpu.wait_dma2 semaphore(%arg20 : memref<!tpu.dma_semaphore, #tpu.memory_space<semaphore_mem>>) src(%dma_wait3A_2092 : memref<128x64xf32, #tpu.memory_space<vmem>>) dst(%dma_wait3A_2088 : memref<128x64xf32, #tpu.memory_space<hbm>>)
    %dma_start3A_2093 = arith.constant 22 : i32
    %dma_start3A_2094 = arith.constant 1 : i32
    %dma_start3A_2095 = arith.constant 0 : i32
    %dma_start3A_2096 = arith.constant 0 : i32
    %dma_start3A_2097 = tpu.memref_slice %arg8[%dma_start3A_2094, %dma_start3A_2095, %dma_start3A_2096] : memref<3x128x64xf32, #tpu.memory_space<vmem>> -> memref<1x128x64xf32, #tpu.memory_space<vmem>>
    %dma_start3A_2098 = tpu.memref_squeeze %dma_start3A_2097 : memref<1x128x64xf32, #tpu.memory_space<vmem>> -> memref<128x64xf32, #tpu.memory_space<vmem>>
    %dma_start3A_2099 = arith.constant 0 : i32
    %dma_start3A_2100 = tpu.memref_slice %arg6[%dma_start3A_2093, %dma_start3A_2099] : memref<25x128xi32, #tpu.memory_space<vmem>> -> memref<1x128xi32, #tpu.memory_space<vmem>>
    %dma_start3A_2101 = tpu.memref_squeeze %dma_start3A_2100 : memref<1x128xi32, #tpu.memory_space<vmem>> -> memref<128xi32, #tpu.memory_space<vmem>>
    %dma_start3A_2102 = arith.constant 0 : i32
    %dma_start3A_2103 = arith.constant 0 : i32
    %dma_start3A_2104 = tpu.memref_slice %arg2[%dma_start3A_2102, %dma_start3A_2103] : memref<1000000x64xf32, #tpu.memory_space<hbm>> -> memref<1000000x64xf32, #tpu.memory_space<hbm>>
    tpu.enqueue_indirect_dma source(%dma_start3A_2104 : memref<1000000x64xf32, #tpu.memory_space<hbm>>) target(%dma_start3A_2098 : memref<128x64xf32, #tpu.memory_space<vmem>>) offsets(%dma_start3A_2101 : memref<128xi32, #tpu.memory_space<vmem>>) semaphore(%arg11 : memref<!tpu.dma_semaphore, #tpu.memory_space<semaphore_mem>>)
    %dma_start3A_2105 = arith.constant 22 : i32
    %dma_start3A_2106 = arith.constant 1 : i32
    %dma_start3A_2107 = arith.constant 0 : i32
    %dma_start3A_2108 = arith.constant 0 : i32
    %dma_start3A_2109 = tpu.memref_slice %arg9[%dma_start3A_2106, %dma_start3A_2107, %dma_start3A_2108] : memref<3x128x64xf32, #tpu.memory_space<vmem>> -> memref<1x128x64xf32, #tpu.memory_space<vmem>>
    %dma_start3A_2110 = tpu.memref_squeeze %dma_start3A_2109 : memref<1x128x64xf32, #tpu.memory_space<vmem>> -> memref<128x64xf32, #tpu.memory_space<vmem>>
    %dma_start3A_2111 = arith.constant 0 : i32
    %dma_start3A_2112 = tpu.memref_slice %arg7[%dma_start3A_2105, %dma_start3A_2111] : memref<25x128xi32, #tpu.memory_space<vmem>> -> memref<1x128xi32, #tpu.memory_space<vmem>>
    %dma_start3A_2113 = tpu.memref_squeeze %dma_start3A_2112 : memref<1x128xi32, #tpu.memory_space<vmem>> -> memref<128xi32, #tpu.memory_space<vmem>>
    %dma_start3A_2114 = arith.constant 0 : i32
    %dma_start3A_2115 = arith.constant 0 : i32
    %dma_start3A_2116 = tpu.memref_slice %arg2[%dma_start3A_2114, %dma_start3A_2115] : memref<1000000x64xf32, #tpu.memory_space<hbm>> -> memref<1000000x64xf32, #tpu.memory_space<hbm>>
    tpu.enqueue_indirect_dma source(%dma_start3A_2116 : memref<1000000x64xf32, #tpu.memory_space<hbm>>) target(%dma_start3A_2110 : memref<128x64xf32, #tpu.memory_space<vmem>>) offsets(%dma_start3A_2113 : memref<128xi32, #tpu.memory_space<vmem>>) semaphore(%arg14 : memref<!tpu.dma_semaphore, #tpu.memory_space<semaphore_mem>>)
    %dma_wait3A_2117 = arith.constant 20 : i32
    %dma_wait3A_2118 = arith.constant 2 : i32
    %dma_wait3A_2119 = arith.constant 0 : i32
    %dma_wait3A_2120 = arith.constant 0 : i32
    %dma_wait3A_2121 = tpu.memref_slice %arg8[%dma_wait3A_2118, %dma_wait3A_2119, %dma_wait3A_2120] : memref<3x128x64xf32, #tpu.memory_space<vmem>> -> memref<1x128x64xf32, #tpu.memory_space<vmem>>
    %dma_wait3A_2122 = tpu.memref_squeeze %dma_wait3A_2121 : memref<1x128x64xf32, #tpu.memory_space<vmem>> -> memref<128x64xf32, #tpu.memory_space<vmem>>
    %dma_wait3A_2123 = arith.constant 0 : i32
    %dma_wait3A_2124 = tpu.memref_slice %arg6[%dma_wait3A_2117, %dma_wait3A_2123] : memref<25x128xi32, #tpu.memory_space<vmem>> -> memref<1x128xi32, #tpu.memory_space<vmem>>
    %dma_wait3A_2125 = tpu.memref_squeeze %dma_wait3A_2124 : memref<1x128xi32, #tpu.memory_space<vmem>> -> memref<128xi32, #tpu.memory_space<vmem>>
    %dma_wait3A_2126 = arith.constant 0 : i32
    %dma_wait3A_2127 = arith.constant 0 : i32
    %dma_wait3A_2128 = tpu.memref_slice %arg2[%dma_wait3A_2126, %dma_wait3A_2127] : memref<1000000x64xf32, #tpu.memory_space<hbm>> -> memref<1000000x64xf32, #tpu.memory_space<hbm>>
    tpu.wait_indirect_dma semaphore(%arg12 : memref<!tpu.dma_semaphore, #tpu.memory_space<semaphore_mem>>) src(%dma_wait3A_2128 : memref<1000000x64xf32, #tpu.memory_space<hbm>>) dst(%dma_wait3A_2122 : memref<128x64xf32, #tpu.memory_space<vmem>>)
    %dma_wait3A_2129 = arith.constant 20 : i32
    %dma_wait3A_2130 = arith.constant 2 : i32
    %dma_wait3A_2131 = arith.constant 0 : i32
    %dma_wait3A_2132 = arith.constant 0 : i32
    %dma_wait3A_2133 = tpu.memref_slice %arg9[%dma_wait3A_2130, %dma_wait3A_2131, %dma_wait3A_2132] : memref<3x128x64xf32, #tpu.memory_space<vmem>> -> memref<1x128x64xf32, #tpu.memory_space<vmem>>
    %dma_wait3A_2134 = tpu.memref_squeeze %dma_wait3A_2133 : memref<1x128x64xf32, #tpu.memory_space<vmem>> -> memref<128x64xf32, #tpu.memory_space<vmem>>
    %dma_wait3A_2135 = arith.constant 0 : i32
    %dma_wait3A_2136 = tpu.memref_slice %arg7[%dma_wait3A_2129, %dma_wait3A_2135] : memref<25x128xi32, #tpu.memory_space<vmem>> -> memref<1x128xi32, #tpu.memory_space<vmem>>
    %dma_wait3A_2137 = tpu.memref_squeeze %dma_wait3A_2136 : memref<1x128xi32, #tpu.memory_space<vmem>> -> memref<128xi32, #tpu.memory_space<vmem>>
    %dma_wait3A_2138 = arith.constant 0 : i32
    %dma_wait3A_2139 = arith.constant 0 : i32
    %dma_wait3A_2140 = tpu.memref_slice %arg2[%dma_wait3A_2138, %dma_wait3A_2139] : memref<1000000x64xf32, #tpu.memory_space<hbm>> -> memref<1000000x64xf32, #tpu.memory_space<hbm>>
    tpu.wait_indirect_dma semaphore(%arg15 : memref<!tpu.dma_semaphore, #tpu.memory_space<semaphore_mem>>) src(%dma_wait3A_2140 : memref<1000000x64xf32, #tpu.memory_space<hbm>>) dst(%dma_wait3A_2134 : memref<128x64xf32, #tpu.memory_space<vmem>>)
    %add3A_2141 = arith.constant 2560 : i32
    %add3A_2142 = arith.addi %mul3A_2, %add3A_2141 : i32
    %dma_start3A_2143 = arith.constant 2 : i32
    %dma_start3A_2144 = arith.constant 0 : i32
    %dma_start3A_2145 = arith.constant 0 : i32
    %dma_start3A_2146 = tpu.memref_slice %arg8[%dma_start3A_2143, %dma_start3A_2144, %dma_start3A_2145] : memref<3x128x64xf32, #tpu.memory_space<vmem>> -> memref<1x128x64xf32, #tpu.memory_space<vmem>>
    %dma_start3A_2147 = tpu.memref_squeeze %dma_start3A_2146 : memref<1x128x64xf32, #tpu.memory_space<vmem>> -> memref<128x64xf32, #tpu.memory_space<vmem>>
    %dma_start3A_2148 = arith.constant 0 : i32
    %dma_start3A_2149 = tpu.memref_slice %arg5[%add3A_2142, %dma_start3A_2148] : memref<102400x128xf32, #tpu.memory_space<hbm>> -> memref<128x64xf32, #tpu.memory_space<hbm>>
    %dma_start3A_2150 = arith.constant 0 : i32
    %dma_start3A_2151 = tpu.memref_slice %arg5[%add3A_2142, %dma_start3A_2150] : memref<102400x128xf32, #tpu.memory_space<hbm>> -> memref<128x64xf32, #tpu.memory_space<hbm>>
    %dma_start3A_2152 = arith.constant 0 : i32
    %dma_start3A_2153 = arith.constant 0 : i32
    %dma_start3A_2154 = tpu.memref_slice %arg8[%dma_start3A_2143, %dma_start3A_2152, %dma_start3A_2153] : memref<3x128x64xf32, #tpu.memory_space<vmem>> -> memref<1x128x64xf32, #tpu.memory_space<vmem>>
    %dma_start3A_2155 = tpu.memref_squeeze %dma_start3A_2154 : memref<1x128x64xf32, #tpu.memory_space<vmem>> -> memref<128x64xf32, #tpu.memory_space<vmem>>
    tpu.enqueue_dma source(%dma_start3A_2155 : memref<128x64xf32, #tpu.memory_space<vmem>>) target(%dma_start3A_2151 : memref<128x64xf32, #tpu.memory_space<hbm>>) target_semaphore(%arg18 : memref<!tpu.dma_semaphore, #tpu.memory_space<semaphore_mem>>)
    %dma_start3A_2156 = arith.constant 2 : i32
    %dma_start3A_2157 = arith.constant 0 : i32
    %dma_start3A_2158 = arith.constant 0 : i32
    %dma_start3A_2159 = tpu.memref_slice %arg9[%dma_start3A_2156, %dma_start3A_2157, %dma_start3A_2158] : memref<3x128x64xf32, #tpu.memory_space<vmem>> -> memref<1x128x64xf32, #tpu.memory_space<vmem>>
    %dma_start3A_2160 = tpu.memref_squeeze %dma_start3A_2159 : memref<1x128x64xf32, #tpu.memory_space<vmem>> -> memref<128x64xf32, #tpu.memory_space<vmem>>
    %dma_start3A_2161 = arith.constant 64 : i32
    %dma_start3A_2162 = tpu.memref_slice %arg5[%add3A_2142, %dma_start3A_2161] : memref<102400x128xf32, #tpu.memory_space<hbm>> -> memref<128x64xf32, #tpu.memory_space<hbm>>
    %dma_start3A_2163 = arith.constant 64 : i32
    %dma_start3A_2164 = tpu.memref_slice %arg5[%add3A_2142, %dma_start3A_2163] : memref<102400x128xf32, #tpu.memory_space<hbm>> -> memref<128x64xf32, #tpu.memory_space<hbm>>
    %dma_start3A_2165 = arith.constant 0 : i32
    %dma_start3A_2166 = arith.constant 0 : i32
    %dma_start3A_2167 = tpu.memref_slice %arg9[%dma_start3A_2156, %dma_start3A_2165, %dma_start3A_2166] : memref<3x128x64xf32, #tpu.memory_space<vmem>> -> memref<1x128x64xf32, #tpu.memory_space<vmem>>
    %dma_start3A_2168 = tpu.memref_squeeze %dma_start3A_2167 : memref<1x128x64xf32, #tpu.memory_space<vmem>> -> memref<128x64xf32, #tpu.memory_space<vmem>>
    tpu.enqueue_dma source(%dma_start3A_2168 : memref<128x64xf32, #tpu.memory_space<vmem>>) target(%dma_start3A_2164 : memref<128x64xf32, #tpu.memory_space<hbm>>) target_semaphore(%arg21 : memref<!tpu.dma_semaphore, #tpu.memory_space<semaphore_mem>>)
    %dma_wait3A_2169 = arith.constant 2 : i32
    %dma_wait3A_2170 = arith.constant 0 : i32
    %dma_wait3A_2171 = arith.constant 0 : i32
    %dma_wait3A_2172 = tpu.memref_slice %arg8[%dma_wait3A_2169, %dma_wait3A_2170, %dma_wait3A_2171] : memref<3x128x64xf32, #tpu.memory_space<vmem>> -> memref<1x128x64xf32, #tpu.memory_space<vmem>>
    %dma_wait3A_2173 = tpu.memref_squeeze %dma_wait3A_2172 : memref<1x128x64xf32, #tpu.memory_space<vmem>> -> memref<128x64xf32, #tpu.memory_space<vmem>>
    %dma_wait3A_2174 = arith.constant 0 : i32
    %dma_wait3A_2175 = tpu.memref_slice %arg5[%add3A_2142, %dma_wait3A_2174] : memref<102400x128xf32, #tpu.memory_space<hbm>> -> memref<128x64xf32, #tpu.memory_space<hbm>>
    %dma_wait3A_2176 = arith.constant 0 : i32
    %dma_wait3A_2177 = tpu.memref_slice %arg5[%add3A_2142, %dma_wait3A_2176] : memref<102400x128xf32, #tpu.memory_space<hbm>> -> memref<128x64xf32, #tpu.memory_space<hbm>>
    %dma_wait3A_2178 = arith.constant 0 : i32
    %dma_wait3A_2179 = arith.constant 0 : i32
    %dma_wait3A_2180 = tpu.memref_slice %arg8[%dma_wait3A_2169, %dma_wait3A_2178, %dma_wait3A_2179] : memref<3x128x64xf32, #tpu.memory_space<vmem>> -> memref<1x128x64xf32, #tpu.memory_space<vmem>>
    %dma_wait3A_2181 = tpu.memref_squeeze %dma_wait3A_2180 : memref<1x128x64xf32, #tpu.memory_space<vmem>> -> memref<128x64xf32, #tpu.memory_space<vmem>>
    tpu.wait_dma2 semaphore(%arg18 : memref<!tpu.dma_semaphore, #tpu.memory_space<semaphore_mem>>) src(%dma_wait3A_2181 : memref<128x64xf32, #tpu.memory_space<vmem>>) dst(%dma_wait3A_2177 : memref<128x64xf32, #tpu.memory_space<hbm>>)
    %dma_wait3A_2182 = arith.constant 2 : i32
    %dma_wait3A_2183 = arith.constant 0 : i32
    %dma_wait3A_2184 = arith.constant 0 : i32
    %dma_wait3A_2185 = tpu.memref_slice %arg9[%dma_wait3A_2182, %dma_wait3A_2183, %dma_wait3A_2184] : memref<3x128x64xf32, #tpu.memory_space<vmem>> -> memref<1x128x64xf32, #tpu.memory_space<vmem>>
    %dma_wait3A_2186 = tpu.memref_squeeze %dma_wait3A_2185 : memref<1x128x64xf32, #tpu.memory_space<vmem>> -> memref<128x64xf32, #tpu.memory_space<vmem>>
    %dma_wait3A_2187 = arith.constant 64 : i32
    %dma_wait3A_2188 = tpu.memref_slice %arg5[%add3A_2142, %dma_wait3A_2187] : memref<102400x128xf32, #tpu.memory_space<hbm>> -> memref<128x64xf32, #tpu.memory_space<hbm>>
    %dma_wait3A_2189 = arith.constant 64 : i32
    %dma_wait3A_2190 = tpu.memref_slice %arg5[%add3A_2142, %dma_wait3A_2189] : memref<102400x128xf32, #tpu.memory_space<hbm>> -> memref<128x64xf32, #tpu.memory_space<hbm>>
    %dma_wait3A_2191 = arith.constant 0 : i32
    %dma_wait3A_2192 = arith.constant 0 : i32
    %dma_wait3A_2193 = tpu.memref_slice %arg9[%dma_wait3A_2182, %dma_wait3A_2191, %dma_wait3A_2192] : memref<3x128x64xf32, #tpu.memory_space<vmem>> -> memref<1x128x64xf32, #tpu.memory_space<vmem>>
    %dma_wait3A_2194 = tpu.memref_squeeze %dma_wait3A_2193 : memref<1x128x64xf32, #tpu.memory_space<vmem>> -> memref<128x64xf32, #tpu.memory_space<vmem>>
    tpu.wait_dma2 semaphore(%arg21 : memref<!tpu.dma_semaphore, #tpu.memory_space<semaphore_mem>>) src(%dma_wait3A_2194 : memref<128x64xf32, #tpu.memory_space<vmem>>) dst(%dma_wait3A_2190 : memref<128x64xf32, #tpu.memory_space<hbm>>)
    %dma_start3A_2195 = arith.constant 23 : i32
    %dma_start3A_2196 = arith.constant 2 : i32
    %dma_start3A_2197 = arith.constant 0 : i32
    %dma_start3A_2198 = arith.constant 0 : i32
    %dma_start3A_2199 = tpu.memref_slice %arg8[%dma_start3A_2196, %dma_start3A_2197, %dma_start3A_2198] : memref<3x128x64xf32, #tpu.memory_space<vmem>> -> memref<1x128x64xf32, #tpu.memory_space<vmem>>
    %dma_start3A_2200 = tpu.memref_squeeze %dma_start3A_2199 : memref<1x128x64xf32, #tpu.memory_space<vmem>> -> memref<128x64xf32, #tpu.memory_space<vmem>>
    %dma_start3A_2201 = arith.constant 0 : i32
    %dma_start3A_2202 = tpu.memref_slice %arg6[%dma_start3A_2195, %dma_start3A_2201] : memref<25x128xi32, #tpu.memory_space<vmem>> -> memref<1x128xi32, #tpu.memory_space<vmem>>
    %dma_start3A_2203 = tpu.memref_squeeze %dma_start3A_2202 : memref<1x128xi32, #tpu.memory_space<vmem>> -> memref<128xi32, #tpu.memory_space<vmem>>
    %dma_start3A_2204 = arith.constant 0 : i32
    %dma_start3A_2205 = arith.constant 0 : i32
    %dma_start3A_2206 = tpu.memref_slice %arg2[%dma_start3A_2204, %dma_start3A_2205] : memref<1000000x64xf32, #tpu.memory_space<hbm>> -> memref<1000000x64xf32, #tpu.memory_space<hbm>>
    tpu.enqueue_indirect_dma source(%dma_start3A_2206 : memref<1000000x64xf32, #tpu.memory_space<hbm>>) target(%dma_start3A_2200 : memref<128x64xf32, #tpu.memory_space<vmem>>) offsets(%dma_start3A_2203 : memref<128xi32, #tpu.memory_space<vmem>>) semaphore(%arg12 : memref<!tpu.dma_semaphore, #tpu.memory_space<semaphore_mem>>)
    %dma_start3A_2207 = arith.constant 23 : i32
    %dma_start3A_2208 = arith.constant 2 : i32
    %dma_start3A_2209 = arith.constant 0 : i32
    %dma_start3A_2210 = arith.constant 0 : i32
    %dma_start3A_2211 = tpu.memref_slice %arg9[%dma_start3A_2208, %dma_start3A_2209, %dma_start3A_2210] : memref<3x128x64xf32, #tpu.memory_space<vmem>> -> memref<1x128x64xf32, #tpu.memory_space<vmem>>
    %dma_start3A_2212 = tpu.memref_squeeze %dma_start3A_2211 : memref<1x128x64xf32, #tpu.memory_space<vmem>> -> memref<128x64xf32, #tpu.memory_space<vmem>>
    %dma_start3A_2213 = arith.constant 0 : i32
    %dma_start3A_2214 = tpu.memref_slice %arg7[%dma_start3A_2207, %dma_start3A_2213] : memref<25x128xi32, #tpu.memory_space<vmem>> -> memref<1x128xi32, #tpu.memory_space<vmem>>
    %dma_start3A_2215 = tpu.memref_squeeze %dma_start3A_2214 : memref<1x128xi32, #tpu.memory_space<vmem>> -> memref<128xi32, #tpu.memory_space<vmem>>
    %dma_start3A_2216 = arith.constant 0 : i32
    %dma_start3A_2217 = arith.constant 0 : i32
    %dma_start3A_2218 = tpu.memref_slice %arg2[%dma_start3A_2216, %dma_start3A_2217] : memref<1000000x64xf32, #tpu.memory_space<hbm>> -> memref<1000000x64xf32, #tpu.memory_space<hbm>>
    tpu.enqueue_indirect_dma source(%dma_start3A_2218 : memref<1000000x64xf32, #tpu.memory_space<hbm>>) target(%dma_start3A_2212 : memref<128x64xf32, #tpu.memory_space<vmem>>) offsets(%dma_start3A_2215 : memref<128xi32, #tpu.memory_space<vmem>>) semaphore(%arg15 : memref<!tpu.dma_semaphore, #tpu.memory_space<semaphore_mem>>)
    %dma_wait3A_2219 = arith.constant 21 : i32
    %dma_wait3A_2220 = arith.constant 0 : i32
    %dma_wait3A_2221 = arith.constant 0 : i32
    %dma_wait3A_2222 = arith.constant 0 : i32
    %dma_wait3A_2223 = tpu.memref_slice %arg8[%dma_wait3A_2220, %dma_wait3A_2221, %dma_wait3A_2222] : memref<3x128x64xf32, #tpu.memory_space<vmem>> -> memref<1x128x64xf32, #tpu.memory_space<vmem>>
    %dma_wait3A_2224 = tpu.memref_squeeze %dma_wait3A_2223 : memref<1x128x64xf32, #tpu.memory_space<vmem>> -> memref<128x64xf32, #tpu.memory_space<vmem>>
    %dma_wait3A_2225 = arith.constant 0 : i32
    %dma_wait3A_2226 = tpu.memref_slice %arg6[%dma_wait3A_2219, %dma_wait3A_2225] : memref<25x128xi32, #tpu.memory_space<vmem>> -> memref<1x128xi32, #tpu.memory_space<vmem>>
    %dma_wait3A_2227 = tpu.memref_squeeze %dma_wait3A_2226 : memref<1x128xi32, #tpu.memory_space<vmem>> -> memref<128xi32, #tpu.memory_space<vmem>>
    %dma_wait3A_2228 = arith.constant 0 : i32
    %dma_wait3A_2229 = arith.constant 0 : i32
    %dma_wait3A_2230 = tpu.memref_slice %arg2[%dma_wait3A_2228, %dma_wait3A_2229] : memref<1000000x64xf32, #tpu.memory_space<hbm>> -> memref<1000000x64xf32, #tpu.memory_space<hbm>>
    tpu.wait_indirect_dma semaphore(%arg10 : memref<!tpu.dma_semaphore, #tpu.memory_space<semaphore_mem>>) src(%dma_wait3A_2230 : memref<1000000x64xf32, #tpu.memory_space<hbm>>) dst(%dma_wait3A_2224 : memref<128x64xf32, #tpu.memory_space<vmem>>)
    %dma_wait3A_2231 = arith.constant 21 : i32
    %dma_wait3A_2232 = arith.constant 0 : i32
    %dma_wait3A_2233 = arith.constant 0 : i32
    %dma_wait3A_2234 = arith.constant 0 : i32
    %dma_wait3A_2235 = tpu.memref_slice %arg9[%dma_wait3A_2232, %dma_wait3A_2233, %dma_wait3A_2234] : memref<3x128x64xf32, #tpu.memory_space<vmem>> -> memref<1x128x64xf32, #tpu.memory_space<vmem>>
    %dma_wait3A_2236 = tpu.memref_squeeze %dma_wait3A_2235 : memref<1x128x64xf32, #tpu.memory_space<vmem>> -> memref<128x64xf32, #tpu.memory_space<vmem>>
    %dma_wait3A_2237 = arith.constant 0 : i32
    %dma_wait3A_2238 = tpu.memref_slice %arg7[%dma_wait3A_2231, %dma_wait3A_2237] : memref<25x128xi32, #tpu.memory_space<vmem>> -> memref<1x128xi32, #tpu.memory_space<vmem>>
    %dma_wait3A_2239 = tpu.memref_squeeze %dma_wait3A_2238 : memref<1x128xi32, #tpu.memory_space<vmem>> -> memref<128xi32, #tpu.memory_space<vmem>>
    %dma_wait3A_2240 = arith.constant 0 : i32
    %dma_wait3A_2241 = arith.constant 0 : i32
    %dma_wait3A_2242 = tpu.memref_slice %arg2[%dma_wait3A_2240, %dma_wait3A_2241] : memref<1000000x64xf32, #tpu.memory_space<hbm>> -> memref<1000000x64xf32, #tpu.memory_space<hbm>>
    tpu.wait_indirect_dma semaphore(%arg13 : memref<!tpu.dma_semaphore, #tpu.memory_space<semaphore_mem>>) src(%dma_wait3A_2242 : memref<1000000x64xf32, #tpu.memory_space<hbm>>) dst(%dma_wait3A_2236 : memref<128x64xf32, #tpu.memory_space<vmem>>)
    %add3A_2243 = arith.constant 2688 : i32
    %add3A_2244 = arith.addi %mul3A_2, %add3A_2243 : i32
    %dma_start3A_2245 = arith.constant 0 : i32
    %dma_start3A_2246 = arith.constant 0 : i32
    %dma_start3A_2247 = arith.constant 0 : i32
    %dma_start3A_2248 = tpu.memref_slice %arg8[%dma_start3A_2245, %dma_start3A_2246, %dma_start3A_2247] : memref<3x128x64xf32, #tpu.memory_space<vmem>> -> memref<1x128x64xf32, #tpu.memory_space<vmem>>
    %dma_start3A_2249 = tpu.memref_squeeze %dma_start3A_2248 : memref<1x128x64xf32, #tpu.memory_space<vmem>> -> memref<128x64xf32, #tpu.memory_space<vmem>>
    %dma_start3A_2250 = arith.constant 0 : i32
    %dma_start3A_2251 = tpu.memref_slice %arg5[%add3A_2244, %dma_start3A_2250] : memref<102400x128xf32, #tpu.memory_space<hbm>> -> memref<128x64xf32, #tpu.memory_space<hbm>>
    %dma_start3A_2252 = arith.constant 0 : i32
    %dma_start3A_2253 = tpu.memref_slice %arg5[%add3A_2244, %dma_start3A_2252] : memref<102400x128xf32, #tpu.memory_space<hbm>> -> memref<128x64xf32, #tpu.memory_space<hbm>>
    %dma_start3A_2254 = arith.constant 0 : i32
    %dma_start3A_2255 = arith.constant 0 : i32
    %dma_start3A_2256 = tpu.memref_slice %arg8[%dma_start3A_2245, %dma_start3A_2254, %dma_start3A_2255] : memref<3x128x64xf32, #tpu.memory_space<vmem>> -> memref<1x128x64xf32, #tpu.memory_space<vmem>>
    %dma_start3A_2257 = tpu.memref_squeeze %dma_start3A_2256 : memref<1x128x64xf32, #tpu.memory_space<vmem>> -> memref<128x64xf32, #tpu.memory_space<vmem>>
    tpu.enqueue_dma source(%dma_start3A_2257 : memref<128x64xf32, #tpu.memory_space<vmem>>) target(%dma_start3A_2253 : memref<128x64xf32, #tpu.memory_space<hbm>>) target_semaphore(%arg16 : memref<!tpu.dma_semaphore, #tpu.memory_space<semaphore_mem>>)
    %dma_start3A_2258 = arith.constant 0 : i32
    %dma_start3A_2259 = arith.constant 0 : i32
    %dma_start3A_2260 = arith.constant 0 : i32
    %dma_start3A_2261 = tpu.memref_slice %arg9[%dma_start3A_2258, %dma_start3A_2259, %dma_start3A_2260] : memref<3x128x64xf32, #tpu.memory_space<vmem>> -> memref<1x128x64xf32, #tpu.memory_space<vmem>>
    %dma_start3A_2262 = tpu.memref_squeeze %dma_start3A_2261 : memref<1x128x64xf32, #tpu.memory_space<vmem>> -> memref<128x64xf32, #tpu.memory_space<vmem>>
    %dma_start3A_2263 = arith.constant 64 : i32
    %dma_start3A_2264 = tpu.memref_slice %arg5[%add3A_2244, %dma_start3A_2263] : memref<102400x128xf32, #tpu.memory_space<hbm>> -> memref<128x64xf32, #tpu.memory_space<hbm>>
    %dma_start3A_2265 = arith.constant 64 : i32
    %dma_start3A_2266 = tpu.memref_slice %arg5[%add3A_2244, %dma_start3A_2265] : memref<102400x128xf32, #tpu.memory_space<hbm>> -> memref<128x64xf32, #tpu.memory_space<hbm>>
    %dma_start3A_2267 = arith.constant 0 : i32
    %dma_start3A_2268 = arith.constant 0 : i32
    %dma_start3A_2269 = tpu.memref_slice %arg9[%dma_start3A_2258, %dma_start3A_2267, %dma_start3A_2268] : memref<3x128x64xf32, #tpu.memory_space<vmem>> -> memref<1x128x64xf32, #tpu.memory_space<vmem>>
    %dma_start3A_2270 = tpu.memref_squeeze %dma_start3A_2269 : memref<1x128x64xf32, #tpu.memory_space<vmem>> -> memref<128x64xf32, #tpu.memory_space<vmem>>
    tpu.enqueue_dma source(%dma_start3A_2270 : memref<128x64xf32, #tpu.memory_space<vmem>>) target(%dma_start3A_2266 : memref<128x64xf32, #tpu.memory_space<hbm>>) target_semaphore(%arg19 : memref<!tpu.dma_semaphore, #tpu.memory_space<semaphore_mem>>)
    %dma_wait3A_2271 = arith.constant 0 : i32
    %dma_wait3A_2272 = arith.constant 0 : i32
    %dma_wait3A_2273 = arith.constant 0 : i32
    %dma_wait3A_2274 = tpu.memref_slice %arg8[%dma_wait3A_2271, %dma_wait3A_2272, %dma_wait3A_2273] : memref<3x128x64xf32, #tpu.memory_space<vmem>> -> memref<1x128x64xf32, #tpu.memory_space<vmem>>
    %dma_wait3A_2275 = tpu.memref_squeeze %dma_wait3A_2274 : memref<1x128x64xf32, #tpu.memory_space<vmem>> -> memref<128x64xf32, #tpu.memory_space<vmem>>
    %dma_wait3A_2276 = arith.constant 0 : i32
    %dma_wait3A_2277 = tpu.memref_slice %arg5[%add3A_2244, %dma_wait3A_2276] : memref<102400x128xf32, #tpu.memory_space<hbm>> -> memref<128x64xf32, #tpu.memory_space<hbm>>
    %dma_wait3A_2278 = arith.constant 0 : i32
    %dma_wait3A_2279 = tpu.memref_slice %arg5[%add3A_2244, %dma_wait3A_2278] : memref<102400x128xf32, #tpu.memory_space<hbm>> -> memref<128x64xf32, #tpu.memory_space<hbm>>
    %dma_wait3A_2280 = arith.constant 0 : i32
    %dma_wait3A_2281 = arith.constant 0 : i32
    %dma_wait3A_2282 = tpu.memref_slice %arg8[%dma_wait3A_2271, %dma_wait3A_2280, %dma_wait3A_2281] : memref<3x128x64xf32, #tpu.memory_space<vmem>> -> memref<1x128x64xf32, #tpu.memory_space<vmem>>
    %dma_wait3A_2283 = tpu.memref_squeeze %dma_wait3A_2282 : memref<1x128x64xf32, #tpu.memory_space<vmem>> -> memref<128x64xf32, #tpu.memory_space<vmem>>
    tpu.wait_dma2 semaphore(%arg16 : memref<!tpu.dma_semaphore, #tpu.memory_space<semaphore_mem>>) src(%dma_wait3A_2283 : memref<128x64xf32, #tpu.memory_space<vmem>>) dst(%dma_wait3A_2279 : memref<128x64xf32, #tpu.memory_space<hbm>>)
    %dma_wait3A_2284 = arith.constant 0 : i32
    %dma_wait3A_2285 = arith.constant 0 : i32
    %dma_wait3A_2286 = arith.constant 0 : i32
    %dma_wait3A_2287 = tpu.memref_slice %arg9[%dma_wait3A_2284, %dma_wait3A_2285, %dma_wait3A_2286] : memref<3x128x64xf32, #tpu.memory_space<vmem>> -> memref<1x128x64xf32, #tpu.memory_space<vmem>>
    %dma_wait3A_2288 = tpu.memref_squeeze %dma_wait3A_2287 : memref<1x128x64xf32, #tpu.memory_space<vmem>> -> memref<128x64xf32, #tpu.memory_space<vmem>>
    %dma_wait3A_2289 = arith.constant 64 : i32
    %dma_wait3A_2290 = tpu.memref_slice %arg5[%add3A_2244, %dma_wait3A_2289] : memref<102400x128xf32, #tpu.memory_space<hbm>> -> memref<128x64xf32, #tpu.memory_space<hbm>>
    %dma_wait3A_2291 = arith.constant 64 : i32
    %dma_wait3A_2292 = tpu.memref_slice %arg5[%add3A_2244, %dma_wait3A_2291] : memref<102400x128xf32, #tpu.memory_space<hbm>> -> memref<128x64xf32, #tpu.memory_space<hbm>>
    %dma_wait3A_2293 = arith.constant 0 : i32
    %dma_wait3A_2294 = arith.constant 0 : i32
    %dma_wait3A_2295 = tpu.memref_slice %arg9[%dma_wait3A_2284, %dma_wait3A_2293, %dma_wait3A_2294] : memref<3x128x64xf32, #tpu.memory_space<vmem>> -> memref<1x128x64xf32, #tpu.memory_space<vmem>>
    %dma_wait3A_2296 = tpu.memref_squeeze %dma_wait3A_2295 : memref<1x128x64xf32, #tpu.memory_space<vmem>> -> memref<128x64xf32, #tpu.memory_space<vmem>>
    tpu.wait_dma2 semaphore(%arg19 : memref<!tpu.dma_semaphore, #tpu.memory_space<semaphore_mem>>) src(%dma_wait3A_2296 : memref<128x64xf32, #tpu.memory_space<vmem>>) dst(%dma_wait3A_2292 : memref<128x64xf32, #tpu.memory_space<hbm>>)
    %dma_start3A_2297 = arith.constant 24 : i32
    %dma_start3A_2298 = arith.constant 0 : i32
    %dma_start3A_2299 = arith.constant 0 : i32
    %dma_start3A_2300 = arith.constant 0 : i32
    %dma_start3A_2301 = tpu.memref_slice %arg8[%dma_start3A_2298, %dma_start3A_2299, %dma_start3A_2300] : memref<3x128x64xf32, #tpu.memory_space<vmem>> -> memref<1x128x64xf32, #tpu.memory_space<vmem>>
    %dma_start3A_2302 = tpu.memref_squeeze %dma_start3A_2301 : memref<1x128x64xf32, #tpu.memory_space<vmem>> -> memref<128x64xf32, #tpu.memory_space<vmem>>
    %dma_start3A_2303 = arith.constant 0 : i32
    %dma_start3A_2304 = tpu.memref_slice %arg6[%dma_start3A_2297, %dma_start3A_2303] : memref<25x128xi32, #tpu.memory_space<vmem>> -> memref<1x128xi32, #tpu.memory_space<vmem>>
    %dma_start3A_2305 = tpu.memref_squeeze %dma_start3A_2304 : memref<1x128xi32, #tpu.memory_space<vmem>> -> memref<128xi32, #tpu.memory_space<vmem>>
    %dma_start3A_2306 = arith.constant 0 : i32
    %dma_start3A_2307 = arith.constant 0 : i32
    %dma_start3A_2308 = tpu.memref_slice %arg2[%dma_start3A_2306, %dma_start3A_2307] : memref<1000000x64xf32, #tpu.memory_space<hbm>> -> memref<1000000x64xf32, #tpu.memory_space<hbm>>
    tpu.enqueue_indirect_dma source(%dma_start3A_2308 : memref<1000000x64xf32, #tpu.memory_space<hbm>>) target(%dma_start3A_2302 : memref<128x64xf32, #tpu.memory_space<vmem>>) offsets(%dma_start3A_2305 : memref<128xi32, #tpu.memory_space<vmem>>) semaphore(%arg10 : memref<!tpu.dma_semaphore, #tpu.memory_space<semaphore_mem>>)
    %dma_start3A_2309 = arith.constant 24 : i32
    %dma_start3A_2310 = arith.constant 0 : i32
    %dma_start3A_2311 = arith.constant 0 : i32
    %dma_start3A_2312 = arith.constant 0 : i32
    %dma_start3A_2313 = tpu.memref_slice %arg9[%dma_start3A_2310, %dma_start3A_2311, %dma_start3A_2312] : memref<3x128x64xf32, #tpu.memory_space<vmem>> -> memref<1x128x64xf32, #tpu.memory_space<vmem>>
    %dma_start3A_2314 = tpu.memref_squeeze %dma_start3A_2313 : memref<1x128x64xf32, #tpu.memory_space<vmem>> -> memref<128x64xf32, #tpu.memory_space<vmem>>
    %dma_start3A_2315 = arith.constant 0 : i32
    %dma_start3A_2316 = tpu.memref_slice %arg7[%dma_start3A_2309, %dma_start3A_2315] : memref<25x128xi32, #tpu.memory_space<vmem>> -> memref<1x128xi32, #tpu.memory_space<vmem>>
    %dma_start3A_2317 = tpu.memref_squeeze %dma_start3A_2316 : memref<1x128xi32, #tpu.memory_space<vmem>> -> memref<128xi32, #tpu.memory_space<vmem>>
    %dma_start3A_2318 = arith.constant 0 : i32
    %dma_start3A_2319 = arith.constant 0 : i32
    %dma_start3A_2320 = tpu.memref_slice %arg2[%dma_start3A_2318, %dma_start3A_2319] : memref<1000000x64xf32, #tpu.memory_space<hbm>> -> memref<1000000x64xf32, #tpu.memory_space<hbm>>
    tpu.enqueue_indirect_dma source(%dma_start3A_2320 : memref<1000000x64xf32, #tpu.memory_space<hbm>>) target(%dma_start3A_2314 : memref<128x64xf32, #tpu.memory_space<vmem>>) offsets(%dma_start3A_2317 : memref<128xi32, #tpu.memory_space<vmem>>) semaphore(%arg13 : memref<!tpu.dma_semaphore, #tpu.memory_space<semaphore_mem>>)
    %dma_wait3A_2321 = arith.constant 22 : i32
    %dma_wait3A_2322 = arith.constant 1 : i32
    %dma_wait3A_2323 = arith.constant 0 : i32
    %dma_wait3A_2324 = arith.constant 0 : i32
    %dma_wait3A_2325 = tpu.memref_slice %arg8[%dma_wait3A_2322, %dma_wait3A_2323, %dma_wait3A_2324] : memref<3x128x64xf32, #tpu.memory_space<vmem>> -> memref<1x128x64xf32, #tpu.memory_space<vmem>>
    %dma_wait3A_2326 = tpu.memref_squeeze %dma_wait3A_2325 : memref<1x128x64xf32, #tpu.memory_space<vmem>> -> memref<128x64xf32, #tpu.memory_space<vmem>>
    %dma_wait3A_2327 = arith.constant 0 : i32
    %dma_wait3A_2328 = tpu.memref_slice %arg6[%dma_wait3A_2321, %dma_wait3A_2327] : memref<25x128xi32, #tpu.memory_space<vmem>> -> memref<1x128xi32, #tpu.memory_space<vmem>>
    %dma_wait3A_2329 = tpu.memref_squeeze %dma_wait3A_2328 : memref<1x128xi32, #tpu.memory_space<vmem>> -> memref<128xi32, #tpu.memory_space<vmem>>
    %dma_wait3A_2330 = arith.constant 0 : i32
    %dma_wait3A_2331 = arith.constant 0 : i32
    %dma_wait3A_2332 = tpu.memref_slice %arg2[%dma_wait3A_2330, %dma_wait3A_2331] : memref<1000000x64xf32, #tpu.memory_space<hbm>> -> memref<1000000x64xf32, #tpu.memory_space<hbm>>
    tpu.wait_indirect_dma semaphore(%arg11 : memref<!tpu.dma_semaphore, #tpu.memory_space<semaphore_mem>>) src(%dma_wait3A_2332 : memref<1000000x64xf32, #tpu.memory_space<hbm>>) dst(%dma_wait3A_2326 : memref<128x64xf32, #tpu.memory_space<vmem>>)
    %dma_wait3A_2333 = arith.constant 22 : i32
    %dma_wait3A_2334 = arith.constant 1 : i32
    %dma_wait3A_2335 = arith.constant 0 : i32
    %dma_wait3A_2336 = arith.constant 0 : i32
    %dma_wait3A_2337 = tpu.memref_slice %arg9[%dma_wait3A_2334, %dma_wait3A_2335, %dma_wait3A_2336] : memref<3x128x64xf32, #tpu.memory_space<vmem>> -> memref<1x128x64xf32, #tpu.memory_space<vmem>>
    %dma_wait3A_2338 = tpu.memref_squeeze %dma_wait3A_2337 : memref<1x128x64xf32, #tpu.memory_space<vmem>> -> memref<128x64xf32, #tpu.memory_space<vmem>>
    %dma_wait3A_2339 = arith.constant 0 : i32
    %dma_wait3A_2340 = tpu.memref_slice %arg7[%dma_wait3A_2333, %dma_wait3A_2339] : memref<25x128xi32, #tpu.memory_space<vmem>> -> memref<1x128xi32, #tpu.memory_space<vmem>>
    %dma_wait3A_2341 = tpu.memref_squeeze %dma_wait3A_2340 : memref<1x128xi32, #tpu.memory_space<vmem>> -> memref<128xi32, #tpu.memory_space<vmem>>
    %dma_wait3A_2342 = arith.constant 0 : i32
    %dma_wait3A_2343 = arith.constant 0 : i32
    %dma_wait3A_2344 = tpu.memref_slice %arg2[%dma_wait3A_2342, %dma_wait3A_2343] : memref<1000000x64xf32, #tpu.memory_space<hbm>> -> memref<1000000x64xf32, #tpu.memory_space<hbm>>
    tpu.wait_indirect_dma semaphore(%arg14 : memref<!tpu.dma_semaphore, #tpu.memory_space<semaphore_mem>>) src(%dma_wait3A_2344 : memref<1000000x64xf32, #tpu.memory_space<hbm>>) dst(%dma_wait3A_2338 : memref<128x64xf32, #tpu.memory_space<vmem>>)
    %add3A_2345 = arith.constant 2816 : i32
    %add3A_2346 = arith.addi %mul3A_2, %add3A_2345 : i32
    %dma_start3A_2347 = arith.constant 1 : i32
    %dma_start3A_2348 = arith.constant 0 : i32
    %dma_start3A_2349 = arith.constant 0 : i32
    %dma_start3A_2350 = tpu.memref_slice %arg8[%dma_start3A_2347, %dma_start3A_2348, %dma_start3A_2349] : memref<3x128x64xf32, #tpu.memory_space<vmem>> -> memref<1x128x64xf32, #tpu.memory_space<vmem>>
    %dma_start3A_2351 = tpu.memref_squeeze %dma_start3A_2350 : memref<1x128x64xf32, #tpu.memory_space<vmem>> -> memref<128x64xf32, #tpu.memory_space<vmem>>
    %dma_start3A_2352 = arith.constant 0 : i32
    %dma_start3A_2353 = tpu.memref_slice %arg5[%add3A_2346, %dma_start3A_2352] : memref<102400x128xf32, #tpu.memory_space<hbm>> -> memref<128x64xf32, #tpu.memory_space<hbm>>
    %dma_start3A_2354 = arith.constant 0 : i32
    %dma_start3A_2355 = tpu.memref_slice %arg5[%add3A_2346, %dma_start3A_2354] : memref<102400x128xf32, #tpu.memory_space<hbm>> -> memref<128x64xf32, #tpu.memory_space<hbm>>
    %dma_start3A_2356 = arith.constant 0 : i32
    %dma_start3A_2357 = arith.constant 0 : i32
    %dma_start3A_2358 = tpu.memref_slice %arg8[%dma_start3A_2347, %dma_start3A_2356, %dma_start3A_2357] : memref<3x128x64xf32, #tpu.memory_space<vmem>> -> memref<1x128x64xf32, #tpu.memory_space<vmem>>
    %dma_start3A_2359 = tpu.memref_squeeze %dma_start3A_2358 : memref<1x128x64xf32, #tpu.memory_space<vmem>> -> memref<128x64xf32, #tpu.memory_space<vmem>>
    tpu.enqueue_dma source(%dma_start3A_2359 : memref<128x64xf32, #tpu.memory_space<vmem>>) target(%dma_start3A_2355 : memref<128x64xf32, #tpu.memory_space<hbm>>) target_semaphore(%arg17 : memref<!tpu.dma_semaphore, #tpu.memory_space<semaphore_mem>>)
    %dma_start3A_2360 = arith.constant 1 : i32
    %dma_start3A_2361 = arith.constant 0 : i32
    %dma_start3A_2362 = arith.constant 0 : i32
    %dma_start3A_2363 = tpu.memref_slice %arg9[%dma_start3A_2360, %dma_start3A_2361, %dma_start3A_2362] : memref<3x128x64xf32, #tpu.memory_space<vmem>> -> memref<1x128x64xf32, #tpu.memory_space<vmem>>
    %dma_start3A_2364 = tpu.memref_squeeze %dma_start3A_2363 : memref<1x128x64xf32, #tpu.memory_space<vmem>> -> memref<128x64xf32, #tpu.memory_space<vmem>>
    %dma_start3A_2365 = arith.constant 64 : i32
    %dma_start3A_2366 = tpu.memref_slice %arg5[%add3A_2346, %dma_start3A_2365] : memref<102400x128xf32, #tpu.memory_space<hbm>> -> memref<128x64xf32, #tpu.memory_space<hbm>>
    %dma_start3A_2367 = arith.constant 64 : i32
    %dma_start3A_2368 = tpu.memref_slice %arg5[%add3A_2346, %dma_start3A_2367] : memref<102400x128xf32, #tpu.memory_space<hbm>> -> memref<128x64xf32, #tpu.memory_space<hbm>>
    %dma_start3A_2369 = arith.constant 0 : i32
    %dma_start3A_2370 = arith.constant 0 : i32
    %dma_start3A_2371 = tpu.memref_slice %arg9[%dma_start3A_2360, %dma_start3A_2369, %dma_start3A_2370] : memref<3x128x64xf32, #tpu.memory_space<vmem>> -> memref<1x128x64xf32, #tpu.memory_space<vmem>>
    %dma_start3A_2372 = tpu.memref_squeeze %dma_start3A_2371 : memref<1x128x64xf32, #tpu.memory_space<vmem>> -> memref<128x64xf32, #tpu.memory_space<vmem>>
    tpu.enqueue_dma source(%dma_start3A_2372 : memref<128x64xf32, #tpu.memory_space<vmem>>) target(%dma_start3A_2368 : memref<128x64xf32, #tpu.memory_space<hbm>>) target_semaphore(%arg20 : memref<!tpu.dma_semaphore, #tpu.memory_space<semaphore_mem>>)
    %dma_wait3A_2373 = arith.constant 1 : i32
    %dma_wait3A_2374 = arith.constant 0 : i32
    %dma_wait3A_2375 = arith.constant 0 : i32
    %dma_wait3A_2376 = tpu.memref_slice %arg8[%dma_wait3A_2373, %dma_wait3A_2374, %dma_wait3A_2375] : memref<3x128x64xf32, #tpu.memory_space<vmem>> -> memref<1x128x64xf32, #tpu.memory_space<vmem>>
    %dma_wait3A_2377 = tpu.memref_squeeze %dma_wait3A_2376 : memref<1x128x64xf32, #tpu.memory_space<vmem>> -> memref<128x64xf32, #tpu.memory_space<vmem>>
    %dma_wait3A_2378 = arith.constant 0 : i32
    %dma_wait3A_2379 = tpu.memref_slice %arg5[%add3A_2346, %dma_wait3A_2378] : memref<102400x128xf32, #tpu.memory_space<hbm>> -> memref<128x64xf32, #tpu.memory_space<hbm>>
    %dma_wait3A_2380 = arith.constant 0 : i32
    %dma_wait3A_2381 = tpu.memref_slice %arg5[%add3A_2346, %dma_wait3A_2380] : memref<102400x128xf32, #tpu.memory_space<hbm>> -> memref<128x64xf32, #tpu.memory_space<hbm>>
    %dma_wait3A_2382 = arith.constant 0 : i32
    %dma_wait3A_2383 = arith.constant 0 : i32
    %dma_wait3A_2384 = tpu.memref_slice %arg8[%dma_wait3A_2373, %dma_wait3A_2382, %dma_wait3A_2383] : memref<3x128x64xf32, #tpu.memory_space<vmem>> -> memref<1x128x64xf32, #tpu.memory_space<vmem>>
    %dma_wait3A_2385 = tpu.memref_squeeze %dma_wait3A_2384 : memref<1x128x64xf32, #tpu.memory_space<vmem>> -> memref<128x64xf32, #tpu.memory_space<vmem>>
    tpu.wait_dma2 semaphore(%arg17 : memref<!tpu.dma_semaphore, #tpu.memory_space<semaphore_mem>>) src(%dma_wait3A_2385 : memref<128x64xf32, #tpu.memory_space<vmem>>) dst(%dma_wait3A_2381 : memref<128x64xf32, #tpu.memory_space<hbm>>)
    %dma_wait3A_2386 = arith.constant 1 : i32
    %dma_wait3A_2387 = arith.constant 0 : i32
    %dma_wait3A_2388 = arith.constant 0 : i32
    %dma_wait3A_2389 = tpu.memref_slice %arg9[%dma_wait3A_2386, %dma_wait3A_2387, %dma_wait3A_2388] : memref<3x128x64xf32, #tpu.memory_space<vmem>> -> memref<1x128x64xf32, #tpu.memory_space<vmem>>
    %dma_wait3A_2390 = tpu.memref_squeeze %dma_wait3A_2389 : memref<1x128x64xf32, #tpu.memory_space<vmem>> -> memref<128x64xf32, #tpu.memory_space<vmem>>
    %dma_wait3A_2391 = arith.constant 64 : i32
    %dma_wait3A_2392 = tpu.memref_slice %arg5[%add3A_2346, %dma_wait3A_2391] : memref<102400x128xf32, #tpu.memory_space<hbm>> -> memref<128x64xf32, #tpu.memory_space<hbm>>
    %dma_wait3A_2393 = arith.constant 64 : i32
    %dma_wait3A_2394 = tpu.memref_slice %arg5[%add3A_2346, %dma_wait3A_2393] : memref<102400x128xf32, #tpu.memory_space<hbm>> -> memref<128x64xf32, #tpu.memory_space<hbm>>
    %dma_wait3A_2395 = arith.constant 0 : i32
    %dma_wait3A_2396 = arith.constant 0 : i32
    %dma_wait3A_2397 = tpu.memref_slice %arg9[%dma_wait3A_2386, %dma_wait3A_2395, %dma_wait3A_2396] : memref<3x128x64xf32, #tpu.memory_space<vmem>> -> memref<1x128x64xf32, #tpu.memory_space<vmem>>
    %dma_wait3A_2398 = tpu.memref_squeeze %dma_wait3A_2397 : memref<1x128x64xf32, #tpu.memory_space<vmem>> -> memref<128x64xf32, #tpu.memory_space<vmem>>
    tpu.wait_dma2 semaphore(%arg20 : memref<!tpu.dma_semaphore, #tpu.memory_space<semaphore_mem>>) src(%dma_wait3A_2398 : memref<128x64xf32, #tpu.memory_space<vmem>>) dst(%dma_wait3A_2394 : memref<128x64xf32, #tpu.memory_space<hbm>>)
    %dma_wait3A_2399 = arith.constant 23 : i32
    %dma_wait3A_2400 = arith.constant 2 : i32
    %dma_wait3A_2401 = arith.constant 0 : i32
    %dma_wait3A_2402 = arith.constant 0 : i32
    %dma_wait3A_2403 = tpu.memref_slice %arg8[%dma_wait3A_2400, %dma_wait3A_2401, %dma_wait3A_2402] : memref<3x128x64xf32, #tpu.memory_space<vmem>> -> memref<1x128x64xf32, #tpu.memory_space<vmem>>
    %dma_wait3A_2404 = tpu.memref_squeeze %dma_wait3A_2403 : memref<1x128x64xf32, #tpu.memory_space<vmem>> -> memref<128x64xf32, #tpu.memory_space<vmem>>
    %dma_wait3A_2405 = arith.constant 0 : i32
    %dma_wait3A_2406 = tpu.memref_slice %arg6[%dma_wait3A_2399, %dma_wait3A_2405] : memref<25x128xi32, #tpu.memory_space<vmem>> -> memref<1x128xi32, #tpu.memory_space<vmem>>
    %dma_wait3A_2407 = tpu.memref_squeeze %dma_wait3A_2406 : memref<1x128xi32, #tpu.memory_space<vmem>> -> memref<128xi32, #tpu.memory_space<vmem>>
    %dma_wait3A_2408 = arith.constant 0 : i32
    %dma_wait3A_2409 = arith.constant 0 : i32
    %dma_wait3A_2410 = tpu.memref_slice %arg2[%dma_wait3A_2408, %dma_wait3A_2409] : memref<1000000x64xf32, #tpu.memory_space<hbm>> -> memref<1000000x64xf32, #tpu.memory_space<hbm>>
    tpu.wait_indirect_dma semaphore(%arg12 : memref<!tpu.dma_semaphore, #tpu.memory_space<semaphore_mem>>) src(%dma_wait3A_2410 : memref<1000000x64xf32, #tpu.memory_space<hbm>>) dst(%dma_wait3A_2404 : memref<128x64xf32, #tpu.memory_space<vmem>>)
    %dma_wait3A_2411 = arith.constant 23 : i32
    %dma_wait3A_2412 = arith.constant 2 : i32
    %dma_wait3A_2413 = arith.constant 0 : i32
    %dma_wait3A_2414 = arith.constant 0 : i32
    %dma_wait3A_2415 = tpu.memref_slice %arg9[%dma_wait3A_2412, %dma_wait3A_2413, %dma_wait3A_2414] : memref<3x128x64xf32, #tpu.memory_space<vmem>> -> memref<1x128x64xf32, #tpu.memory_space<vmem>>
    %dma_wait3A_2416 = tpu.memref_squeeze %dma_wait3A_2415 : memref<1x128x64xf32, #tpu.memory_space<vmem>> -> memref<128x64xf32, #tpu.memory_space<vmem>>
    %dma_wait3A_2417 = arith.constant 0 : i32
    %dma_wait3A_2418 = tpu.memref_slice %arg7[%dma_wait3A_2411, %dma_wait3A_2417] : memref<25x128xi32, #tpu.memory_space<vmem>> -> memref<1x128xi32, #tpu.memory_space<vmem>>
    %dma_wait3A_2419 = tpu.memref_squeeze %dma_wait3A_2418 : memref<1x128xi32, #tpu.memory_space<vmem>> -> memref<128xi32, #tpu.memory_space<vmem>>
    %dma_wait3A_2420 = arith.constant 0 : i32
    %dma_wait3A_2421 = arith.constant 0 : i32
    %dma_wait3A_2422 = tpu.memref_slice %arg2[%dma_wait3A_2420, %dma_wait3A_2421] : memref<1000000x64xf32, #tpu.memory_space<hbm>> -> memref<1000000x64xf32, #tpu.memory_space<hbm>>
    tpu.wait_indirect_dma semaphore(%arg15 : memref<!tpu.dma_semaphore, #tpu.memory_space<semaphore_mem>>) src(%dma_wait3A_2422 : memref<1000000x64xf32, #tpu.memory_space<hbm>>) dst(%dma_wait3A_2416 : memref<128x64xf32, #tpu.memory_space<vmem>>)
    %add3A_2423 = arith.constant 2944 : i32
    %add3A_2424 = arith.addi %mul3A_2, %add3A_2423 : i32
    %dma_start3A_2425 = arith.constant 2 : i32
    %dma_start3A_2426 = arith.constant 0 : i32
    %dma_start3A_2427 = arith.constant 0 : i32
    %dma_start3A_2428 = tpu.memref_slice %arg8[%dma_start3A_2425, %dma_start3A_2426, %dma_start3A_2427] : memref<3x128x64xf32, #tpu.memory_space<vmem>> -> memref<1x128x64xf32, #tpu.memory_space<vmem>>
    %dma_start3A_2429 = tpu.memref_squeeze %dma_start3A_2428 : memref<1x128x64xf32, #tpu.memory_space<vmem>> -> memref<128x64xf32, #tpu.memory_space<vmem>>
    %dma_start3A_2430 = arith.constant 0 : i32
    %dma_start3A_2431 = tpu.memref_slice %arg5[%add3A_2424, %dma_start3A_2430] : memref<102400x128xf32, #tpu.memory_space<hbm>> -> memref<128x64xf32, #tpu.memory_space<hbm>>
    %dma_start3A_2432 = arith.constant 0 : i32
    %dma_start3A_2433 = tpu.memref_slice %arg5[%add3A_2424, %dma_start3A_2432] : memref<102400x128xf32, #tpu.memory_space<hbm>> -> memref<128x64xf32, #tpu.memory_space<hbm>>
    %dma_start3A_2434 = arith.constant 0 : i32
    %dma_start3A_2435 = arith.constant 0 : i32
    %dma_start3A_2436 = tpu.memref_slice %arg8[%dma_start3A_2425, %dma_start3A_2434, %dma_start3A_2435] : memref<3x128x64xf32, #tpu.memory_space<vmem>> -> memref<1x128x64xf32, #tpu.memory_space<vmem>>
    %dma_start3A_2437 = tpu.memref_squeeze %dma_start3A_2436 : memref<1x128x64xf32, #tpu.memory_space<vmem>> -> memref<128x64xf32, #tpu.memory_space<vmem>>
    tpu.enqueue_dma source(%dma_start3A_2437 : memref<128x64xf32, #tpu.memory_space<vmem>>) target(%dma_start3A_2433 : memref<128x64xf32, #tpu.memory_space<hbm>>) target_semaphore(%arg18 : memref<!tpu.dma_semaphore, #tpu.memory_space<semaphore_mem>>)
    %dma_start3A_2438 = arith.constant 2 : i32
    %dma_start3A_2439 = arith.constant 0 : i32
    %dma_start3A_2440 = arith.constant 0 : i32
    %dma_start3A_2441 = tpu.memref_slice %arg9[%dma_start3A_2438, %dma_start3A_2439, %dma_start3A_2440] : memref<3x128x64xf32, #tpu.memory_space<vmem>> -> memref<1x128x64xf32, #tpu.memory_space<vmem>>
    %dma_start3A_2442 = tpu.memref_squeeze %dma_start3A_2441 : memref<1x128x64xf32, #tpu.memory_space<vmem>> -> memref<128x64xf32, #tpu.memory_space<vmem>>
    %dma_start3A_2443 = arith.constant 64 : i32
    %dma_start3A_2444 = tpu.memref_slice %arg5[%add3A_2424, %dma_start3A_2443] : memref<102400x128xf32, #tpu.memory_space<hbm>> -> memref<128x64xf32, #tpu.memory_space<hbm>>
    %dma_start3A_2445 = arith.constant 64 : i32
    %dma_start3A_2446 = tpu.memref_slice %arg5[%add3A_2424, %dma_start3A_2445] : memref<102400x128xf32, #tpu.memory_space<hbm>> -> memref<128x64xf32, #tpu.memory_space<hbm>>
    %dma_start3A_2447 = arith.constant 0 : i32
    %dma_start3A_2448 = arith.constant 0 : i32
    %dma_start3A_2449 = tpu.memref_slice %arg9[%dma_start3A_2438, %dma_start3A_2447, %dma_start3A_2448] : memref<3x128x64xf32, #tpu.memory_space<vmem>> -> memref<1x128x64xf32, #tpu.memory_space<vmem>>
    %dma_start3A_2450 = tpu.memref_squeeze %dma_start3A_2449 : memref<1x128x64xf32, #tpu.memory_space<vmem>> -> memref<128x64xf32, #tpu.memory_space<vmem>>
    tpu.enqueue_dma source(%dma_start3A_2450 : memref<128x64xf32, #tpu.memory_space<vmem>>) target(%dma_start3A_2446 : memref<128x64xf32, #tpu.memory_space<hbm>>) target_semaphore(%arg21 : memref<!tpu.dma_semaphore, #tpu.memory_space<semaphore_mem>>)
    %dma_wait3A_2451 = arith.constant 2 : i32
    %dma_wait3A_2452 = arith.constant 0 : i32
    %dma_wait3A_2453 = arith.constant 0 : i32
    %dma_wait3A_2454 = tpu.memref_slice %arg8[%dma_wait3A_2451, %dma_wait3A_2452, %dma_wait3A_2453] : memref<3x128x64xf32, #tpu.memory_space<vmem>> -> memref<1x128x64xf32, #tpu.memory_space<vmem>>
    %dma_wait3A_2455 = tpu.memref_squeeze %dma_wait3A_2454 : memref<1x128x64xf32, #tpu.memory_space<vmem>> -> memref<128x64xf32, #tpu.memory_space<vmem>>
    %dma_wait3A_2456 = arith.constant 0 : i32
    %dma_wait3A_2457 = tpu.memref_slice %arg5[%add3A_2424, %dma_wait3A_2456] : memref<102400x128xf32, #tpu.memory_space<hbm>> -> memref<128x64xf32, #tpu.memory_space<hbm>>
    %dma_wait3A_2458 = arith.constant 0 : i32
    %dma_wait3A_2459 = tpu.memref_slice %arg5[%add3A_2424, %dma_wait3A_2458] : memref<102400x128xf32, #tpu.memory_space<hbm>> -> memref<128x64xf32, #tpu.memory_space<hbm>>
    %dma_wait3A_2460 = arith.constant 0 : i32
    %dma_wait3A_2461 = arith.constant 0 : i32
    %dma_wait3A_2462 = tpu.memref_slice %arg8[%dma_wait3A_2451, %dma_wait3A_2460, %dma_wait3A_2461] : memref<3x128x64xf32, #tpu.memory_space<vmem>> -> memref<1x128x64xf32, #tpu.memory_space<vmem>>
    %dma_wait3A_2463 = tpu.memref_squeeze %dma_wait3A_2462 : memref<1x128x64xf32, #tpu.memory_space<vmem>> -> memref<128x64xf32, #tpu.memory_space<vmem>>
    tpu.wait_dma2 semaphore(%arg18 : memref<!tpu.dma_semaphore, #tpu.memory_space<semaphore_mem>>) src(%dma_wait3A_2463 : memref<128x64xf32, #tpu.memory_space<vmem>>) dst(%dma_wait3A_2459 : memref<128x64xf32, #tpu.memory_space<hbm>>)
    %dma_wait3A_2464 = arith.constant 2 : i32
    %dma_wait3A_2465 = arith.constant 0 : i32
    %dma_wait3A_2466 = arith.constant 0 : i32
    %dma_wait3A_2467 = tpu.memref_slice %arg9[%dma_wait3A_2464, %dma_wait3A_2465, %dma_wait3A_2466] : memref<3x128x64xf32, #tpu.memory_space<vmem>> -> memref<1x128x64xf32, #tpu.memory_space<vmem>>
    %dma_wait3A_2468 = tpu.memref_squeeze %dma_wait3A_2467 : memref<1x128x64xf32, #tpu.memory_space<vmem>> -> memref<128x64xf32, #tpu.memory_space<vmem>>
    %dma_wait3A_2469 = arith.constant 64 : i32
    %dma_wait3A_2470 = tpu.memref_slice %arg5[%add3A_2424, %dma_wait3A_2469] : memref<102400x128xf32, #tpu.memory_space<hbm>> -> memref<128x64xf32, #tpu.memory_space<hbm>>
    %dma_wait3A_2471 = arith.constant 64 : i32
    %dma_wait3A_2472 = tpu.memref_slice %arg5[%add3A_2424, %dma_wait3A_2471] : memref<102400x128xf32, #tpu.memory_space<hbm>> -> memref<128x64xf32, #tpu.memory_space<hbm>>
    %dma_wait3A_2473 = arith.constant 0 : i32
    %dma_wait3A_2474 = arith.constant 0 : i32
    %dma_wait3A_2475 = tpu.memref_slice %arg9[%dma_wait3A_2464, %dma_wait3A_2473, %dma_wait3A_2474] : memref<3x128x64xf32, #tpu.memory_space<vmem>> -> memref<1x128x64xf32, #tpu.memory_space<vmem>>
    %dma_wait3A_2476 = tpu.memref_squeeze %dma_wait3A_2475 : memref<1x128x64xf32, #tpu.memory_space<vmem>> -> memref<128x64xf32, #tpu.memory_space<vmem>>
    tpu.wait_dma2 semaphore(%arg21 : memref<!tpu.dma_semaphore, #tpu.memory_space<semaphore_mem>>) src(%dma_wait3A_2476 : memref<128x64xf32, #tpu.memory_space<vmem>>) dst(%dma_wait3A_2472 : memref<128x64xf32, #tpu.memory_space<hbm>>)
    %dma_wait3A_2477 = arith.constant 24 : i32
    %dma_wait3A_2478 = arith.constant 0 : i32
    %dma_wait3A_2479 = arith.constant 0 : i32
    %dma_wait3A_2480 = arith.constant 0 : i32
    %dma_wait3A_2481 = tpu.memref_slice %arg8[%dma_wait3A_2478, %dma_wait3A_2479, %dma_wait3A_2480] : memref<3x128x64xf32, #tpu.memory_space<vmem>> -> memref<1x128x64xf32, #tpu.memory_space<vmem>>
    %dma_wait3A_2482 = tpu.memref_squeeze %dma_wait3A_2481 : memref<1x128x64xf32, #tpu.memory_space<vmem>> -> memref<128x64xf32, #tpu.memory_space<vmem>>
    %dma_wait3A_2483 = arith.constant 0 : i32
    %dma_wait3A_2484 = tpu.memref_slice %arg6[%dma_wait3A_2477, %dma_wait3A_2483] : memref<25x128xi32, #tpu.memory_space<vmem>> -> memref<1x128xi32, #tpu.memory_space<vmem>>
    %dma_wait3A_2485 = tpu.memref_squeeze %dma_wait3A_2484 : memref<1x128xi32, #tpu.memory_space<vmem>> -> memref<128xi32, #tpu.memory_space<vmem>>
    %dma_wait3A_2486 = arith.constant 0 : i32
    %dma_wait3A_2487 = arith.constant 0 : i32
    %dma_wait3A_2488 = tpu.memref_slice %arg2[%dma_wait3A_2486, %dma_wait3A_2487] : memref<1000000x64xf32, #tpu.memory_space<hbm>> -> memref<1000000x64xf32, #tpu.memory_space<hbm>>
    tpu.wait_indirect_dma semaphore(%arg10 : memref<!tpu.dma_semaphore, #tpu.memory_space<semaphore_mem>>) src(%dma_wait3A_2488 : memref<1000000x64xf32, #tpu.memory_space<hbm>>) dst(%dma_wait3A_2482 : memref<128x64xf32, #tpu.memory_space<vmem>>)
    %dma_wait3A_2489 = arith.constant 24 : i32
    %dma_wait3A_2490 = arith.constant 0 : i32
    %dma_wait3A_2491 = arith.constant 0 : i32
    %dma_wait3A_2492 = arith.constant 0 : i32
    %dma_wait3A_2493 = tpu.memref_slice %arg9[%dma_wait3A_2490, %dma_wait3A_2491, %dma_wait3A_2492] : memref<3x128x64xf32, #tpu.memory_space<vmem>> -> memref<1x128x64xf32, #tpu.memory_space<vmem>>
    %dma_wait3A_2494 = tpu.memref_squeeze %dma_wait3A_2493 : memref<1x128x64xf32, #tpu.memory_space<vmem>> -> memref<128x64xf32, #tpu.memory_space<vmem>>
    %dma_wait3A_2495 = arith.constant 0 : i32
    %dma_wait3A_2496 = tpu.memref_slice %arg7[%dma_wait3A_2489, %dma_wait3A_2495] : memref<25x128xi32, #tpu.memory_space<vmem>> -> memref<1x128xi32, #tpu.memory_space<vmem>>
    %dma_wait3A_2497 = tpu.memref_squeeze %dma_wait3A_2496 : memref<1x128xi32, #tpu.memory_space<vmem>> -> memref<128xi32, #tpu.memory_space<vmem>>
    %dma_wait3A_2498 = arith.constant 0 : i32
    %dma_wait3A_2499 = arith.constant 0 : i32
    %dma_wait3A_2500 = tpu.memref_slice %arg2[%dma_wait3A_2498, %dma_wait3A_2499] : memref<1000000x64xf32, #tpu.memory_space<hbm>> -> memref<1000000x64xf32, #tpu.memory_space<hbm>>
    tpu.wait_indirect_dma semaphore(%arg13 : memref<!tpu.dma_semaphore, #tpu.memory_space<semaphore_mem>>) src(%dma_wait3A_2500 : memref<1000000x64xf32, #tpu.memory_space<hbm>>) dst(%dma_wait3A_2494 : memref<128x64xf32, #tpu.memory_space<vmem>>)
    %add3A_2501 = arith.constant 3072 : i32
    %add3A_2502 = arith.addi %mul3A_2, %add3A_2501 : i32
    %dma_start3A_2503 = arith.constant 0 : i32
    %dma_start3A_2504 = arith.constant 0 : i32
    %dma_start3A_2505 = arith.constant 0 : i32
    %dma_start3A_2506 = tpu.memref_slice %arg8[%dma_start3A_2503, %dma_start3A_2504, %dma_start3A_2505] : memref<3x128x64xf32, #tpu.memory_space<vmem>> -> memref<1x128x64xf32, #tpu.memory_space<vmem>>
    %dma_start3A_2507 = tpu.memref_squeeze %dma_start3A_2506 : memref<1x128x64xf32, #tpu.memory_space<vmem>> -> memref<128x64xf32, #tpu.memory_space<vmem>>
    %dma_start3A_2508 = arith.constant 0 : i32
    %dma_start3A_2509 = tpu.memref_slice %arg5[%add3A_2502, %dma_start3A_2508] : memref<102400x128xf32, #tpu.memory_space<hbm>> -> memref<128x64xf32, #tpu.memory_space<hbm>>
    %dma_start3A_2510 = arith.constant 0 : i32
    %dma_start3A_2511 = tpu.memref_slice %arg5[%add3A_2502, %dma_start3A_2510] : memref<102400x128xf32, #tpu.memory_space<hbm>> -> memref<128x64xf32, #tpu.memory_space<hbm>>
    %dma_start3A_2512 = arith.constant 0 : i32
    %dma_start3A_2513 = arith.constant 0 : i32
    %dma_start3A_2514 = tpu.memref_slice %arg8[%dma_start3A_2503, %dma_start3A_2512, %dma_start3A_2513] : memref<3x128x64xf32, #tpu.memory_space<vmem>> -> memref<1x128x64xf32, #tpu.memory_space<vmem>>
    %dma_start3A_2515 = tpu.memref_squeeze %dma_start3A_2514 : memref<1x128x64xf32, #tpu.memory_space<vmem>> -> memref<128x64xf32, #tpu.memory_space<vmem>>
    tpu.enqueue_dma source(%dma_start3A_2515 : memref<128x64xf32, #tpu.memory_space<vmem>>) target(%dma_start3A_2511 : memref<128x64xf32, #tpu.memory_space<hbm>>) target_semaphore(%arg16 : memref<!tpu.dma_semaphore, #tpu.memory_space<semaphore_mem>>)
    %dma_start3A_2516 = arith.constant 0 : i32
    %dma_start3A_2517 = arith.constant 0 : i32
    %dma_start3A_2518 = arith.constant 0 : i32
    %dma_start3A_2519 = tpu.memref_slice %arg9[%dma_start3A_2516, %dma_start3A_2517, %dma_start3A_2518] : memref<3x128x64xf32, #tpu.memory_space<vmem>> -> memref<1x128x64xf32, #tpu.memory_space<vmem>>
    %dma_start3A_2520 = tpu.memref_squeeze %dma_start3A_2519 : memref<1x128x64xf32, #tpu.memory_space<vmem>> -> memref<128x64xf32, #tpu.memory_space<vmem>>
    %dma_start3A_2521 = arith.constant 64 : i32
    %dma_start3A_2522 = tpu.memref_slice %arg5[%add3A_2502, %dma_start3A_2521] : memref<102400x128xf32, #tpu.memory_space<hbm>> -> memref<128x64xf32, #tpu.memory_space<hbm>>
    %dma_start3A_2523 = arith.constant 64 : i32
    %dma_start3A_2524 = tpu.memref_slice %arg5[%add3A_2502, %dma_start3A_2523] : memref<102400x128xf32, #tpu.memory_space<hbm>> -> memref<128x64xf32, #tpu.memory_space<hbm>>
    %dma_start3A_2525 = arith.constant 0 : i32
    %dma_start3A_2526 = arith.constant 0 : i32
    %dma_start3A_2527 = tpu.memref_slice %arg9[%dma_start3A_2516, %dma_start3A_2525, %dma_start3A_2526] : memref<3x128x64xf32, #tpu.memory_space<vmem>> -> memref<1x128x64xf32, #tpu.memory_space<vmem>>
    %dma_start3A_2528 = tpu.memref_squeeze %dma_start3A_2527 : memref<1x128x64xf32, #tpu.memory_space<vmem>> -> memref<128x64xf32, #tpu.memory_space<vmem>>
    tpu.enqueue_dma source(%dma_start3A_2528 : memref<128x64xf32, #tpu.memory_space<vmem>>) target(%dma_start3A_2524 : memref<128x64xf32, #tpu.memory_space<hbm>>) target_semaphore(%arg19 : memref<!tpu.dma_semaphore, #tpu.memory_space<semaphore_mem>>)
    %dma_wait3A_2529 = arith.constant 0 : i32
    %dma_wait3A_2530 = arith.constant 0 : i32
    %dma_wait3A_2531 = arith.constant 0 : i32
    %dma_wait3A_2532 = tpu.memref_slice %arg8[%dma_wait3A_2529, %dma_wait3A_2530, %dma_wait3A_2531] : memref<3x128x64xf32, #tpu.memory_space<vmem>> -> memref<1x128x64xf32, #tpu.memory_space<vmem>>
    %dma_wait3A_2533 = tpu.memref_squeeze %dma_wait3A_2532 : memref<1x128x64xf32, #tpu.memory_space<vmem>> -> memref<128x64xf32, #tpu.memory_space<vmem>>
    %dma_wait3A_2534 = arith.constant 0 : i32
    %dma_wait3A_2535 = tpu.memref_slice %arg5[%add3A_2502, %dma_wait3A_2534] : memref<102400x128xf32, #tpu.memory_space<hbm>> -> memref<128x64xf32, #tpu.memory_space<hbm>>
    %dma_wait3A_2536 = arith.constant 0 : i32
    %dma_wait3A_2537 = tpu.memref_slice %arg5[%add3A_2502, %dma_wait3A_2536] : memref<102400x128xf32, #tpu.memory_space<hbm>> -> memref<128x64xf32, #tpu.memory_space<hbm>>
    %dma_wait3A_2538 = arith.constant 0 : i32
    %dma_wait3A_2539 = arith.constant 0 : i32
    %dma_wait3A_2540 = tpu.memref_slice %arg8[%dma_wait3A_2529, %dma_wait3A_2538, %dma_wait3A_2539] : memref<3x128x64xf32, #tpu.memory_space<vmem>> -> memref<1x128x64xf32, #tpu.memory_space<vmem>>
    %dma_wait3A_2541 = tpu.memref_squeeze %dma_wait3A_2540 : memref<1x128x64xf32, #tpu.memory_space<vmem>> -> memref<128x64xf32, #tpu.memory_space<vmem>>
    tpu.wait_dma2 semaphore(%arg16 : memref<!tpu.dma_semaphore, #tpu.memory_space<semaphore_mem>>) src(%dma_wait3A_2541 : memref<128x64xf32, #tpu.memory_space<vmem>>) dst(%dma_wait3A_2537 : memref<128x64xf32, #tpu.memory_space<hbm>>)
    %dma_wait3A_2542 = arith.constant 0 : i32
    %dma_wait3A_2543 = arith.constant 0 : i32
    %dma_wait3A_2544 = arith.constant 0 : i32
    %dma_wait3A_2545 = tpu.memref_slice %arg9[%dma_wait3A_2542, %dma_wait3A_2543, %dma_wait3A_2544] : memref<3x128x64xf32, #tpu.memory_space<vmem>> -> memref<1x128x64xf32, #tpu.memory_space<vmem>>
    %dma_wait3A_2546 = tpu.memref_squeeze %dma_wait3A_2545 : memref<1x128x64xf32, #tpu.memory_space<vmem>> -> memref<128x64xf32, #tpu.memory_space<vmem>>
    %dma_wait3A_2547 = arith.constant 64 : i32
    %dma_wait3A_2548 = tpu.memref_slice %arg5[%add3A_2502, %dma_wait3A_2547] : memref<102400x128xf32, #tpu.memory_space<hbm>> -> memref<128x64xf32, #tpu.memory_space<hbm>>
    %dma_wait3A_2549 = arith.constant 64 : i32
    %dma_wait3A_2550 = tpu.memref_slice %arg5[%add3A_2502, %dma_wait3A_2549] : memref<102400x128xf32, #tpu.memory_space<hbm>> -> memref<128x64xf32, #tpu.memory_space<hbm>>
    %dma_wait3A_2551 = arith.constant 0 : i32
    %dma_wait3A_2552 = arith.constant 0 : i32
    %dma_wait3A_2553 = tpu.memref_slice %arg9[%dma_wait3A_2542, %dma_wait3A_2551, %dma_wait3A_2552] : memref<3x128x64xf32, #tpu.memory_space<vmem>> -> memref<1x128x64xf32, #tpu.memory_space<vmem>>
    %dma_wait3A_2554 = tpu.memref_squeeze %dma_wait3A_2553 : memref<1x128x64xf32, #tpu.memory_space<vmem>> -> memref<128x64xf32, #tpu.memory_space<vmem>>
    tpu.wait_dma2 semaphore(%arg19 : memref<!tpu.dma_semaphore, #tpu.memory_space<semaphore_mem>>) src(%dma_wait3A_2554 : memref<128x64xf32, #tpu.memory_space<vmem>>) dst(%dma_wait3A_2550 : memref<128x64xf32, #tpu.memory_space<hbm>>)
    return
  }
}

</mosaic_0001>

<sc_bundles>
// kernel: kernel.3.cloned.1.call-start
scs
__scs_entry_jumppad:
0x0: {  	(pc) =	sbr.rel $0x88, $3  }
0x1: {  	(tag) =	ssettag $0x0;
	lr =	simm.s32 $0x1  }
0x2: {  	[smem:$0x3F9F] =	sst lr;
	_ =	strace $0xD0000000  }
0x3: {  	_ = 	snop  }
0x4: {  	_ = 	snop  }
0x5: {  	_ = 	snop  }
0x6: {  	_ = 	snop  }
0x7: {  	_ = 	snop  }
__scs_overlays_trampoline_lowered:
0x8: {  	[smem:$0x3FAE] =	sst s0  }
0x9: {  	[smem:$0x3FAF] =	sst s1  }
0xa: {  	[smem:$0x3FB0] =	sst s2  }
0xb: {  	[smem:$0x3FB1] =	sst s3  }
0xc: {  	[smem:$0x3FB2] =	sst s4  }
0xd: {  	[smem:$0x3FB3] =	sst s5  }
0xe: {  	[smem:$0x3FB4] =	sst s6  }
0xf: {  	[smem:$0x3FB5] =	sst s7  }
0x10: {  	[smem:$0x3FB6] =	sst s8  }
0x11: {  	[smem:$0x3FB7] =	sst s9;
	s0 =	simm.s32 @!p0 $0x0  }
0x12: {  	s1 =	sld [smem:$0x3F9D];
	s0 =	simm.s32 @p0 $0x1  }
0x13: {  	[smem:$0x3FB8] =	sst s0;
	s0 =	simm.s32 @!p1 $0x0  }
0x14: {  	s2 =	sld [smem:$0x3F9C];
	s0 =	simm.s32 @p1 $0x1  }
0x15: {  	[smem:$0x3FB9] =	sst s0;
	s0 =	simm.s32 @!p2 $0x0  }
0x16: {  	s3 =	sld [smem:$0x3FDB];
	s0 =	simm.s32 @p2 $0x1  }
0x17: {  	s4 =	simm.s32 $0x1BF5;
	[smem:$0x3FBB] =	sst s0  }
0x18: {  	s0 =	sld [smem:$0x3F9E];
	_ =	swait.ge [sflag:s4], $0x0  }
0x19: {  	s7 =	sld [smem:$0x3F9F]  }
0x1a: {  	s8 =	sadd.s32 $0xFFFFE003, lr  }
0x1b: {  	s9 =	sadd.s32 $0xFFFFFEF7, lr;
	s5 =	simm.s32 $0xFFFFFFFF;
	p2 =	slt.u32 s8, $0xFFFFF086  }
0x1c: {  	p1 =	slt.u32 s9, $0xF7A;
	s5 =	simm.s32 @!p2 $0x0  }
0x1d: {  	s5 =	simm.s32 @p1 $0x1;
	p0 =	seq.s32 s7, s2  }
0x1e: {  	s7 =	smul.u32 @!p0 $0xF7A, s2;
	p2 =	seq.s32 @!p0 s5, $0x0  }
0x1f: {  	s9 =	smul.u32 $0xF7A, s1;
	s8 =	simm.s32 @!p0 $0x1BF5;
	p2 =	por !p2, p0  }
0x20: {  	[sflag:s8] =	ssyncset.s32 @!p0 $0xFFFFF086;
	s6 =	sadd.s32 @!p0 s3, s7;
	s7 =	simm.s32 @!p0 $0x108  }
0x21: {  	s3 =	sadd.s32 s3, s9;
	s6 =	sadd.s32 @!p0 $0x88, s6;
	s7 =	simm.s32 @p2 $0x1082  }
0x22: {  	[simem:s7], [sflag:s8] =	dma.local @!p0 [hbm:s6], $0xF7A  }
0x23: {  	s9 =	sor.u32 $0xD0000000, s2;
	s6 =	simm.s32 $0x108;
	_ =	swait.ge @!p0 [sflag:s8], $0x0  }
0x24: {  	s3 =	sadd.s32 $0x88, s3;
	s6 =	simm.s32 @!p1 $0x1082;
	[sflag:s4] =	ssyncset.s32 $0xFFFFF086  }
0x25: {  	[simem:s6], [sflag:s4] =	dma.local [hbm:s3], $0xF7A  }
0x26: {  	[smem:$0x3F9F] =	sst s1;
	(tag) =	ssettag s2;
	_ =	strace s9  }
0x27: {  	s1 =	sld [smem:$0x3FAF]  }
0x28: {  	s2 =	sld [smem:$0x3FB0]  }
0x29: {  	s4 =	sld [smem:$0x3FB2]  }
0x2a: {  	p0 =	seq.s32 s5, $0x0;
	s5 =	sld [smem:$0x3FB3]  }
0x2b: {  	s6 =	sld [smem:$0x3FB4]  }
0x2c: {  	s7 =	sld [smem:$0x3FB5]  }
0x2d: {  	s3 =	simm.s32 $0x108;
	s8 =	sld [smem:$0x3FB6]  }
0x2e: {  	s3 =	simm.s32 @!p0 $0x1082;
	s9 =	sld [smem:$0x3FB7]  }
0x2f: {  	lr =	sadd.s32 s0, s3;
	s0 =	sld [smem:$0x3FAE]  }
0x30: {  	s3 =	sld [smem:$0x3FB1]  }
0x31: {  	[smem:$0x3FBA] =	sst s10  }
0x32: {  	s10 =	sld [smem:$0x3FB8];
	_ =	sdelay $0x3  }
0x33: {  	p0 =	seq.s32 s10, $0x1;
	s10 =	sld [smem:$0x3FBA];
	_ =	sdelay $0x3  }
0x34: {  	[smem:$0x3FBA] =	sst s10  }
0x35: {  	s10 =	sld [smem:$0x3FB9];
	_ =	sdelay $0x3  }
0x36: {  	p1 =	seq.s32 s10, $0x1;
	s10 =	sld [smem:$0x3FBA];
	_ =	sdelay $0x3  }
0x37: {  	[smem:$0x3FBA] =	sst s10  }
0x38: {  	s10 =	sld [smem:$0x3FBB]  }
0x39: {  	_ = 	snop;
	(pc) =	sbr.ind lr, $3  }
0x3a: {  	_ = 	snop  }
0x3b: {  	_ = 	snop  }
0x3c: {  	p2 =	seq.s32 s10, $0x1;
	s10 =	sld [smem:$0x3FBA]  }
0x3d: {  	_ =	shalt  }
0x3e: {  	_ =	shalt  }
0x3f: {  	_ =	shalt  }
0x40: {  	_ =	shalt  }
0x41: {  	_ =	shalt  }
0x42: {  	_ =	shalt  }
0x43: {  	_ =	shalt  }
0x44: {  	_ =	shalt  }
0x45: {  	_ =	shalt  }
0x46: {  	_ =	shalt  }
0x47: {  	_ =	shalt  }
0x48: {  	_ =	shalt  }
0x49: {  	_ =	shalt  }
0x4a: {  	_ =	shalt  }
0x4b: {  	_ =	shalt  }
0x4c: {  	_ =	shalt  }
0x4d: {  	_ =	shalt  }
0x4e: {  	_ =	shalt  }
0x4f: {  	_ =	shalt  }
0x50: {  	_ =	shalt  }
0x51: {  	_ =	shalt  }
0x52: {  	_ =	shalt  }
0x53: {  	_ =	shalt  }
0x54: {  	_ =	shalt  }
0x55: {  	_ =	shalt  }
0x56: {  	_ =	shalt  }
0x57: {  	_ =	shalt  }
0x58: {  	_ =	shalt  }
0x59: {  	_ =	shalt  }
0x5a: {  	_ =	shalt  }
0x5b: {  	_ =	shalt  }
0x5c: {  	_ =	shalt  }
0x5d: {  	_ =	shalt  }
0x5e: {  	_ =	shalt  }
0x5f: {  	_ =	shalt  }
0x60: {  	_ =	shalt  }
0x61: {  	_ =	shalt  }
0x62: {  	_ =	shalt  }
0x63: {  	_ =	shalt  }
0x64: {  	_ =	shalt  }
0x65: {  	_ =	shalt  }
0x66: {  	_ =	shalt  }
0x67: {  	_ =	shalt  }
0x68: {  	_ =	shalt  }
0x69: {  	_ =	shalt  }
0x6a: {  	_ =	shalt  }
0x6b: {  	_ =	shalt  }
0x6c: {  	_ =	shalt  }
0x6d: {  	_ =	shalt  }
0x6e: {  	_ =	shalt  }
0x6f: {  	_ =	shalt  }
0x70: {  	_ =	shalt  }
0x71: {  	_ =	shalt  }
0x72: {  	_ =	shalt  }
0x73: {  	_ =	shalt  }
0x74: {  	_ =	shalt  }
0x75: {  	_ =	shalt  }
0x76: {  	_ =	shalt  }
0x77: {  	_ =	shalt  }
0x78: {  	_ =	shalt  }
0x79: {  	_ =	shalt  }
0x7a: {  	_ =	shalt  }
0x7b: {  	_ =	shalt  }
0x7c: {  	_ =	shalt  }
0x7d: {  	_ =	shalt  }
0x7e: {  	_ =	shalt  }
0x7f: {  	_ =	shalt  }
0x80: {  	_ =	shalt  }
0x81: {  	_ =	shalt  }
0x82: {  	_ =	shalt  }
0x83: {  	_ =	shalt  }
0x84: {  	_ =	shalt  }
0x85: {  	_ =	shalt  }
0x86: {  	_ =	shalt  }
0x87: {  	_ =	shalt  }
.Lfunc_end0:
.L_simem_size_0:
called_computation.1_lowered:
.L_overlay_start_0:
0x88: {  	s2 =	sld [smem:$0x3FD9]  }
0x89: {  	s3 =	sld [smem:$0x3FFE];
	_ =	sdelay $0x1  }
0x8a: {  	s1 =	srdreg.scid  }
0x8b: {  	s0 =	sand.u32 $0x1, s1  }
0x8c: {  	s17 =	sshll.u32 s0, $0xA;
	s2 =	sadd.s32 s3, s2  }
0x8d: {  	s2 =	sadd.s32 s2, s17  }
0x8e: {  	[smem:$0x3FC6] =	sst s2  }
0x8f: {  	_ = 	snop  }
0x90: {  	s2 =	sld [smem:$0x3FD0];
	(tm) =	ssettm $0x1  }
0x91: {  	s18 =	sld [smem:$0x3FFB];
	_ =	sdelay $0x3  }
0x92: {  	_ =	strace s18  }
0x93: {  	s3 =	sld [smem:$0x3FFC];
	_ =	sdelay $0x3  }
0x94: {  	_ =	strace s3  }
0x95: {  	s3 =	sld [smem:$0x3FFD];
	_ =	sdelay $0x3  }
0x96: {  	_ =	strace s3  }
0x97: {  	_ =	strace $0x8FFFFFFF  }
0x98: {  	s19 =	sld [smem:$0x3FDB];
	_ =	sdelay $0x1  }
0x99: {  	s4 =	simm.s32 $_scs_section_size  }
0x9a: {  	s5 =	simm.s32 $_size__tile_overlayer_lowered;
	s6 =	simm.s32 $_tile_overlayer_lowered  }
0x9b: {  	s22 =	simm.s32 $0x1BFF;
	s21 =	sshll.u32 s6, $0x1;
	s3 =	sadd.s32 s4, s19  }
0x9c: {  	s7 =	simm.s32 $0x0;
	s20 =	sshll.u32 s5, $0x1;
	s5 =	sadd.s32 s21, s3  }
0x9d: {  	[timem:s7], [sflag:s22] =	dma.local [hbm:s5], s20  }
0x9e: {  	_ =	swait.ge [sflag:s22], s20  }
0x9f: {  	s4 =	ssub.s32 $0x0, s20;
	[sflag:s22] =	ssyncset.done $0x0  }
0xa0: {  	[sflag:s22] =	ssyncadd.s32 s4;
	_ =	sdelay $0x1  }
0xa1: {  	s23 =	simm.s32 $0x1B8B  }
0xa2: {  	_ =	swait.ge [sflag:s23], $0x1  }
0xa3: {  	[sflag:s23] =	ssyncset.done $0x0  }
0xa4: {  	s25 =	simm.s32 $0x1B8E;
	s24 =	sld [smem:$0x3FFE];
	[sflag:s23] =	ssyncadd.s32 $0xFFFFFFFF  }
0xa5: {  	s26 =	simm.s32 $execute0_lowered;
	[smem:$0x3FD2] =	sst s25  }
0xa6: {  	s5 =	sshll.u32 s26, $0x1;
	_ =	strace $0x80000046;
	[dreg:$0x1] =	wrdreg $0xFFFFFFFF  }
0xa7: {  	s28 =	simm.s32 $_size_execute0_lowered;
	s3 =	sadd.s32 s3, s5;
	[dreg:$0x0] =	wrdreg $0x0  }
0xa8: {  	s5 =	sshll.u32 s28, $0x1;
	[dreg:$0x2] =	wrdreg s3  }
0xa9: {  	[dreg:$0x3] =	wrdreg s5  }
0xaa: {  	[dreg:$0x4] =	wrdreg $0xC0  }
0xab: {  	_ =	task [dreg:s7], $0x5FFFF  }
0xac: {  	[dreg:$0x1] =	wrdreg $0xFFFFFFFF  }
0xad: {  	[dreg:$0x0] =	wrdreg $0x60  }
0xae: {  	[dreg:$0x2] =	wrdreg s24  }
0xaf: {  	[dreg:$0x3] =	wrdreg s2  }
0xb0: {  	[dreg:$0x4] =	wrdreg $0x9  }
0xb1: {  	_ =	task.clear_ibuf [dreg:s7], $0x5FFFF;
	_ =	strace $0x90000046  }
0xb2: {  	s29 =	simm.s32 $0x9;
	_ =	strace $0x80000048  }
0xb3: {  	_ =	swait.ge [sflag:s29], $0x1  }
0xb4: {  	[sflag:s29] =	ssyncadd.s32 $0xFFFFFFFF  }
0xb5: {  	_ =	strace $0x90000048  }
0xb6: {  	_ =	sfence  }
0xb7: {  	s30 =	sld [smem:$0x0];
	_ =	sdelay $0x2  }
0xb8: {  	s31 =	sshll.u32 s1, $0xD;
	s1 =	sshrl.u32 s1, $0x2  }
0xb9: {  	s3 =	sand.u32 $0x4000, s31;
	s1 =	sadd.s32 s1, s30  }
0xba: {  	s0 =	sor.u32 s3, s0;
	s1 =	sshll.u32 s1, $0x11  }
0xbb: {  	s0 =	sor.u32 s1, s0  }
0xbc: {  	s0 =	sadd.s32 $0x8F2B, s0  }
0xbd: {  	[sflag:s0] =	ssyncadd.remote.s32 $0x1  }
0xbe: {  	_ =	sfence.sel $0xFFFF  }
0xbf: {  	[dreg:$0x0] =	wrdreg $0xFFFFFFFF;
	(pc) =	sbr.abs _section_cstart, $3  }
0xc0: {  	[dreg:$0x1] =	wrdreg $0xFFFFFFFF  }
0xc1: {  	_ =	task.clear_ibuf [dreg:s7], $0x2FFFF;
	_ =	strace $0x9FFFFFFF  }
0xc2: {  	(tm) =	ssettm $0x7FFFFFFF  }
0xc3: {  	_ =	shalt  }
tec
execute0_lowered:
.L_overlay_start_1:
0x0: {  	(tag) =	ssettag $0x1  }
0x1: {  	s0 =	srdreg.scid;
	s23 =	stileid.u32  }
0x2: {  	s1 =	sand.u32 $0x1, s0;
	s15 =	sshll.u32 s23, $0x1  }
0x3: {  	s0 =	sor.u32 s1, s15  }
0x4: {  	s2 =	rddreg [dreg:$0x0];
	s4 =	smul.u32 $0x190, s0  }
0x5: {  	s3 =	rddreg [dreg:$0x1];
	s29 =	simm.s32 $0x0;
	s0 =	smul.u32 $0x64000, s0  }
0x6: {  	[smem:$0x7FF] =	sst s29;
	s4 =	sadd.s32 s4, s2  }
0x7: {  	_ =	strace $0x80000047;
	s0 =	sshrl.u32 s0, $0x3;
	s5 =	sadd.s32 $0x800, s4  }
0x8: {  	s4 =	sadd.s32 $0x3A00, s4;
	s28 =	sadd.s32 s3, s0;
	[dreg:$0x3] =	wrdreg s5  }
0x9: {  	[dreg:$0x4] =	wrdreg s4;
	s0 =	sadd.s32 $0x8, s28  }
0xa: {  	s16 =	sadd.s32 $0x800, s28;
	[dreg:$0x5] =	wrdreg s0  }
0xb: {  	s17 =	sadd.s32 $0x808, s28;
	[dreg:$0x6] =	wrdreg s16  }
0xc: {  	s18 =	sadd.s32 $0x1000, s28;
	[dreg:$0x7] =	wrdreg s17  }
0xd: {  	s19 =	sadd.s32 $0x1008, s28;
	[dreg:$0x8] =	wrdreg s18  }
0xe: {  	s20 =	sadd.s32 $0x1800, s28;
	[dreg:$0x9] =	wrdreg s19  }
0xf: {  	s21 =	sadd.s32 $0x1808, s28;
	[dreg:$0xa] =	wrdreg s20  }
0x10: {  	s22 =	sadd.s32 $0x2000, s28;
	[dreg:$0xb] =	wrdreg s21  }
0x11: {  	s24 =	sadd.s32 $0x2008, s28;
	[dreg:$0xc] =	wrdreg s22  }
0x12: {  	s25 =	sadd.s32 $0x2800, s28;
	[dreg:$0xd] =	wrdreg s24  }
0x13: {  	s26 =	sadd.s32 $0x2808, s28;
	[dreg:$0xe] =	wrdreg s25  }
0x14: {  	s3 =	sadd.s32 $0x3000, s28;
	[dreg:$0xf] =	wrdreg s26  }
0x15: {  	s4 =	sadd.s32 $0x3008, s28;
	[dreg:$0x10] =	wrdreg s3  }
0x16: {  	s5 =	sadd.s32 $0x3800, s28;
	[dreg:$0x11] =	wrdreg s4  }
0x17: {  	s6 =	sadd.s32 $0x3808, s28;
	[dreg:$0x12] =	wrdreg s5  }
0x18: {  	s7 =	sadd.s32 $0x4000, s28;
	[dreg:$0x13] =	wrdreg s6  }
0x19: {  	s8 =	sadd.s32 $0x4008, s28;
	[dreg:$0x14] =	wrdreg s7  }
0x1a: {  	s9 =	sadd.s32 $0x4800, s28;
	[dreg:$0x15] =	wrdreg s8  }
0x1b: {  	s10 =	sadd.s32 $0x4808, s28;
	[dreg:$0x16] =	wrdreg s9  }
0x1c: {  	s11 =	sadd.s32 $0x5000, s28;
	[dreg:$0x17] =	wrdreg s10  }
0x1d: {  	s12 =	sadd.s32 $0x5008, s28;
	[dreg:$0x18] =	wrdreg s11  }
0x1e: {  	s13 =	sadd.s32 $0x5800, s28;
	[dreg:$0x19] =	wrdreg s12  }
0x1f: {  	s14 =	sadd.s32 $0x5808, s28;
	[dreg:$0x1a] =	wrdreg s13  }
0x20: {  	s15 =	sadd.s32 $0x6000, s28;
	[dreg:$0x1b] =	wrdreg s14  }
0x21: {  	[dreg:$0x1c] =	wrdreg s15  }
0x22: {  	s16 =	sadd.s32 $0x6008, s28;
	s0 =	rddreg [dreg:$0x3]  }
0x23: {  	s17 =	sadd.s32 $0x6800, s28;
	[dreg:$0x1d] =	wrdreg s16  }
0x24: {  	s18 =	sadd.s32 $0x6808, s28;
	[dreg:$0x1e] =	wrdreg s17  }
0x25: {  	s19 =	sadd.s32 $0x7000, s28;
	[dreg:$0x1f] =	wrdreg s18  }
0x26: {  	s20 =	sadd.s32 $0x7008, s28;
	[smem:$0x7BD] =	sst s19  }
0x27: {  	s21 =	sadd.s32 $0x7800, s28;
	[smem:$0x7BE] =	sst s20  }
0x28: {  	s22 =	sadd.s32 $0x7808, s28;
	[smem:$0x7BF] =	sst s21  }
0x29: {  	s24 =	sadd.s32 $0x8000, s28;
	[smem:$0x7C0] =	sst s22  }
0x2a: {  	s25 =	sadd.s32 $0x8008, s28;
	[smem:$0x7C1] =	sst s24  }
0x2b: {  	s26 =	sadd.s32 $0x8800, s28;
	[smem:$0x7C2] =	sst s25  }
0x2c: {  	s3 =	sadd.s32 $0x8808, s28;
	[smem:$0x7C3] =	sst s26  }
0x2d: {  	s4 =	sadd.s32 $0x9000, s28;
	[smem:$0x7C4] =	sst s3  }
0x2e: {  	s5 =	sadd.s32 $0x9008, s28;
	[smem:$0x7C5] =	sst s4  }
0x2f: {  	s6 =	sadd.s32 $0x9800, s28;
	[smem:$0x7C6] =	sst s5  }
0x30: {  	s7 =	sadd.s32 $0x9808, s28;
	[smem:$0x7C7] =	sst s6  }
0x31: {  	s8 =	sadd.s32 $0xA000, s28;
	[smem:$0x7C8] =	sst s7  }
0x32: {  	s9 =	sadd.s32 $0xA008, s28;
	[smem:$0x7C9] =	sst s8  }
0x33: {  	s10 =	sadd.s32 $0xA800, s28;
	[smem:$0x7CA] =	sst s9  }
0x34: {  	s11 =	sadd.s32 $0xA808, s28;
	[smem:$0x7CB] =	sst s10  }
0x35: {  	s12 =	sadd.s32 $0xB000, s28;
	[smem:$0x7CC] =	sst s11  }
0x36: {  	s13 =	sadd.s32 $0xB008, s28;
	[smem:$0x7CD] =	sst s12  }
0x37: {  	s14 =	sadd.s32 $0xB800, s28;
	[smem:$0x7CE] =	sst s13  }
0x38: {  	s15 =	sadd.s32 $0xB808, s28;
	[smem:$0x7CF] =	sst s14  }
0x39: {  	[smem:$0x7D0] =	sst s15;
	s16 =	sadd.s32 $0xC000, s28  }
0x3a: {  	s17 =	sadd.s32 $0xC008, s28;
	[smem:$0x7D1] =	sst s16  }
0x3b: {  	s18 =	simm.s32 $0xD00;
	[smem:$0x7D2] =	sst s17  }
0x3c: {  	s19 =	simm.s32 $0x100;
	[smem:$0x7D3] =	sst s18  }
0x3d: {  	s20 =	simm.s32 $0xD80;
	[smem:$0x7D4] =	sst s19  }
0x3e: {  	s21 =	simm.s32 $0x180;
	[smem:$0x7D5] =	sst s20  }
0x3f: {  	s22 =	simm.s32 $0xE00;
	[smem:$0x7D6] =	sst s21  }
0x40: {  	s24 =	simm.s32 $0x200;
	[smem:$0x7D7] =	sst s22  }
0x41: {  	s25 =	simm.s32 $0xE80;
	[smem:$0x7D8] =	sst s24  }
0x42: {  	s26 =	simm.s32 $0x280;
	[smem:$0x7D9] =	sst s25  }
0x43: {  	s3 =	simm.s32 $0xF00;
	[smem:$0x7DA] =	sst s26  }
0x44: {  	s4 =	simm.s32 $0x300;
	[smem:$0x7DB] =	sst s3  }
0x45: {  	s5 =	simm.s32 $0xF80;
	[smem:$0x7DC] =	sst s4  }
0x46: {  	s6 =	simm.s32 $0x380;
	[smem:$0x7DD] =	sst s5  }
0x47: {  	s7 =	simm.s32 $0x1000;
	[smem:$0x7DE] =	sst s6  }
0x48: {  	s8 =	simm.s32 $0x400;
	[smem:$0x7DF] =	sst s7  }
0x49: {  	s9 =	simm.s32 $0x1080;
	[smem:$0x7E0] =	sst s8  }
0x4a: {  	s10 =	simm.s32 $0x480;
	[smem:$0x7E1] =	sst s9  }
0x4b: {  	s11 =	simm.s32 $0x1100;
	[smem:$0x7E2] =	sst s10  }
0x4c: {  	s12 =	simm.s32 $0x500;
	[smem:$0x7E3] =	sst s11  }
0x4d: {  	s13 =	simm.s32 $0x1180;
	[smem:$0x7E4] =	sst s12  }
0x4e: {  	s14 =	simm.s32 $0x580;
	[smem:$0x7E5] =	sst s13  }
0x4f: {  	s30 =	simm.s32 $0xD;
	s15 =	simm.s32 $0x1200;
	[smem:$0x7E6] =	sst s14  }
0x50: {  	s31 =	simm.s32 $0xC80;
	[smem:$0x7E7] =	sst s15;
	s17 =	simm.s32 $0x600  }
0x51: {  	p0 =	por $0x0, $0x0;
	s18 =	simm.s32 $0x1280;
	[smem:$0x7E8] =	sst s17  }
0x52: {  	s1 =	ssub.s32 $0x2, s1;
	s19 =	simm.s32 $0x680;
	[smem:$0x7E9] =	sst s18  }
0x53: {  	s5 =	sadd.s32 $0xF49000, s2;
	s20 =	simm.s32 $0x1300;
	[smem:$0x7EA] =	sst s19  }
0x54: {  	s16 =	sshrl.u32 s1, $0x1;
	s21 =	simm.s32 $0x700;
	[smem:$0x7EB] =	sst s20  }
0x55: {  	s2 =	simm.s32 $0x80;
	s22 =	simm.s32 $0x1380;
	[smem:$0x7EC] =	sst s21  }
0x56: {  	s3 =	simm.s32 $0x1900;
	s24 =	simm.s32 $0x780;
	[smem:$0x7ED] =	sst s22  }
0x57: {  	s4 =	simm.s32 $0x7900;
	s25 =	simm.s32 $0x1400;
	[smem:$0x7EE] =	sst s24  }
0x58: {  	s13 =	simm.s32 $0x3900;
	s26 =	simm.s32 $0x800;
	[smem:$0x7EF] =	sst s25  }
0x59: {  	s14 =	simm.s32 $0x9900;
	s6 =	simm.s32 $0x1480;
	[smem:$0x7F0] =	sst s26  }
0x5a: {  	s11 =	simm.s32 $0x5900;
	s7 =	simm.s32 $0x880;
	[smem:$0x7F1] =	sst s6  }
0x5b: {  	s12 =	simm.s32 $0xB900;
	s8 =	simm.s32 $0x1500;
	[smem:$0x7F2] =	sst s7  }
0x5c: {  	s10 =	simm.s32 $0x1;
	s9 =	simm.s32 $0x900;
	[smem:$0x7F3] =	sst s8  }
0x5d: {  	s15 =	simm.s32 $0x1580;
	s1 =	ssub.s32 s1, s16;
	[smem:$0x7F4] =	sst s9  }
0x5e: {  	s6 =	simm.s32 $0x4;
	s7 =	simm.s32 $0x40;
	[smem:$0x7F5] =	sst s15  }
0x5f: {  	s16 =	simm.s32 $0x980;
	s8 =	simm.s32 $0x7;
	s17 =	simm.s32 $0x1600  }
0x60: {  	s9 =	simm.s32 $0xA;
	s18 =	simm.s32 $0xA00;
	[smem:$0x7F6] =	sst s16  }
0x61: {  	s22 =	simm.s32 $0x2;
	s19 =	simm.s32 $0x1680;
	[smem:$0x7F7] =	sst s17  }
0x62: {  	s21 =	simm.s32 $0x5;
	s20 =	simm.s32 $0xA80;
	[smem:$0x7F8] =	sst s18  }
0x63: {  	s24 =	simm.s32 $0x1700;
	s1 =	smax.u32 s1, $0x1;
	[smem:$0x7F9] =	sst s19  }
0x64: {  	s25 =	simm.s32 $0xB00;
	[smem:$0x7FA] =	sst s20;
	p1 =	sne.s32 s1, $0x1  }
.Ltmp0:
0x65: {  	s26 =	simm.s32 $0x1780;
	[smem:$0x7FB] =	sst s24;
	(pc) =	sbr.rel @!p1 .LBB2_1-.Ltmp0, $4  }
0x66: {  	s15 =	simm.s32 $0xC;
	s17 =	simm.s32 $0x8;
	[smem:$0x7FC] =	sst s25  }
0x67: {  	s18 =	simm.s32 $0xB;
	s19 =	simm.s32 $0x3;
	[smem:$0x7FD] =	sst s26  }
0x68: {  	s20 =	simm.s32 $0x6;
	s16 =	simm.s32 $0x9;
	s26 =	simm.s32 $0x1800  }
0x69: {  	s24 =	simm.s32 $0xC00;
	s25 =	simm.s32 $0x1880;
	s1 =	sadd.s32 $0xFFFFFFFF, s1  }
0x6a: {  	[tilespmem:s29], [sflag:$0xD] =	stream.linear.gather [hbm4b:s0+s29], $0xC80, $0x38;
	[tilespmem:$0xD900] =	vst v63  }
0x6b: {  	_ =	swait.ge [sflag:s30], $0xC80  }
0x6c: {  	[sflag:s30] =	ssyncset.done $0x0  }
0x6d: {  	s23 =	rddreg [dreg:$0x4];
	[sflag:s30] =	ssyncadd.s32 $0xFFFFF380  }
0x6e: {  	[tilespmem:s31], [sflag:$0xD] =	stream.linear.gather [hbm4b:s23+s29], $0xC80, $0x38;
	[tilespmem:$0xD900] =	vst v63  }
0x6f: {  	_ =	swait.ge [sflag:s30], $0xC80  }
0x70: {  	[sflag:s30] =	ssyncset.done $0x0  }
0x71: {  	[sflag:s30] =	ssyncadd.s32 $0xFFFFF380  }
0x72: {  	[tilespmem:s3], [sflag:$0x1] =	stream.indirect.gather [hbm4b:s5+s2], $0x40, s29, s2, $0xb8;
	[tilespmem:$0xD900] =	vst v63  }
0x73: {  	_ = 	snop  }
0x74: {  	[tilespmem:s4], [sflag:$0x4] =	stream.indirect.gather [hbm4b:s5+s2], $0x40, s31, s2, $0xb8;
	[tilespmem:$0xD900] =	vst v63  }
0x75: {  	s0 =	sld [smem:$0x7D3]  }
0x76: {  	[tilespmem:s13], [sflag:$0x2] =	stream.indirect.gather [hbm4b:s5+s2], $0x40, s2, s2, $0xb8;
	[tilespmem:$0xD900] =	vst v63  }
0x77: {  	s23 =	smov.u32 s1;
	s1 =	sld [smem:$0x7D4]  }
0x78: {  	[tilespmem:s14], [sflag:$0x5] =	stream.indirect.gather [hbm4b:s5+s2], $0x40, s0, s2, $0xb8;
	[tilespmem:$0xD900] =	vst v63  }
0x79: {  	s0 =	sld [smem:$0x7D5]  }
0x7a: {  	[tilespmem:s11], [sflag:$0x3] =	stream.indirect.gather [hbm4b:s5+s2], $0x40, s1, s2, $0xb8;
	[tilespmem:$0xD900] =	vst v63  }
0x7b: {  	_ = 	snop  }
0x7c: {  	[tilespmem:s12], [sflag:$0x6] =	stream.indirect.gather [hbm4b:s5+s2], $0x40, s0, s2, $0xb8;
	[tilespmem:$0xD900] =	vst v63  }
0x7d: {  	_ =	swait.ge [sflag:s10], $0x2000  }
0x7e: {  	[sflag:s10] =	ssyncset.done $0x0  }
0x7f: {  	[sflag:s10] =	ssyncadd.s32 $0xFFFFE000  }
0x80: {  	_ =	swait.ge [sflag:s6], $0x2000  }
0x81: {  	[sflag:s6] =	ssyncset.done $0x0  }
0x82: {  	[sflag:s6] =	ssyncadd.s32 $0xFFFFE000  }
0x83: {  	[hbm4b:s28+s7] =	stream.strided.scatter [tilespmem:s3], [sflag:$0x7], $0x2000, s2, s7, $0x38;
	[tilespmem:$0xD900] =	vst v63  }
0x84: {  	s1 =	rddreg [dreg:$0x5]  }
0x85: {  	[hbm4b:s1+s7] =	stream.strided.scatter [tilespmem:s4], [sflag:$0xA], $0x2000, s2, s7, $0x38;
	[tilespmem:$0xD900] =	vst v63  }
0x86: {  	_ =	swait.ge [sflag:s8], $0x2000  }
0x87: {  	[sflag:s8] =	ssyncset.done $0x0  }
0x88: {  	[sflag:s8] =	ssyncadd.s32 $0xFFFFE000  }
0x89: {  	_ =	swait.ge [sflag:s9], $0x2000  }
0x8a: {  	s0 =	sld [smem:$0x7D6]  }
0x8b: {  	[sflag:s9] =	ssyncset.done $0x0  }
0x8c: {  	s1 =	sld [smem:$0x7D7];
	[sflag:s9] =	ssyncadd.s32 $0xFFFFE000  }
0x8d: {  	[tilespmem:s3], [sflag:$0x1] =	stream.indirect.gather [hbm4b:s5+s2], $0x40, s0, s2, $0xb8;
	[tilespmem:$0xD900] =	vst v63  }
0x8e: {  	_ = 	snop  }
0x8f: {  	[tilespmem:s4], [sflag:$0x4] =	stream.indirect.gather [hbm4b:s5+s2], $0x40, s1, s2, $0xb8;
	[tilespmem:$0xD900] =	vst v63  }
0x90: {  	_ =	swait.ge [sflag:s22], $0x2000  }
0x91: {  	[sflag:s22] =	ssyncset.done $0x0  }
0x92: {  	[sflag:s22] =	ssyncadd.s32 $0xFFFFE000  }
0x93: {  	_ =	swait.ge [sflag:s21], $0x2000  }
0x94: {  	[sflag:s21] =	ssyncset.done $0x0  }
0x95: {  	s0 =	rddreg [dreg:$0x6];
	[sflag:s21] =	ssyncadd.s32 $0xFFFFE000  }
0x96: {  	[hbm4b:s0+s7] =	stream.strided.scatter [tilespmem:s13], [sflag:$0x8], $0x2000, s2, s7, $0x38;
	[tilespmem:$0xD900] =	vst v63  }
0x97: {  	s1 =	rddreg [dreg:$0x7]  }
0x98: {  	[hbm4b:s1+s7] =	stream.strided.scatter [tilespmem:s14], [sflag:$0xB], $0x2000, s2, s7, $0x38;
	[tilespmem:$0xD900] =	vst v63  }
0x99: {  	_ =	swait.ge [sflag:s17], $0x2000  }
0x9a: {  	[sflag:s17] =	ssyncset.done $0x0  }
0x9b: {  	[sflag:s17] =	ssyncadd.s32 $0xFFFFE000  }
0x9c: {  	_ =	swait.ge [sflag:s18], $0x2000  }
0x9d: {  	s0 =	sld [smem:$0x7D8]  }
0x9e: {  	[sflag:s18] =	ssyncset.done $0x0  }
0x9f: {  	s1 =	sld [smem:$0x7D9];
	[sflag:s18] =	ssyncadd.s32 $0xFFFFE000  }
0xa0: {  	[tilespmem:s13], [sflag:$0x2] =	stream.indirect.gather [hbm4b:s5+s2], $0x40, s0, s2, $0xb8;
	[tilespmem:$0xD900] =	vst v63  }
0xa1: {  	_ = 	snop  }
0xa2: {  	[tilespmem:s14], [sflag:$0x5] =	stream.indirect.gather [hbm4b:s5+s2], $0x40, s1, s2, $0xb8;
	[tilespmem:$0xD900] =	vst v63  }
0xa3: {  	_ =	swait.ge [sflag:s19], $0x2000  }
0xa4: {  	[sflag:s19] =	ssyncset.done $0x0  }
0xa5: {  	[sflag:s19] =	ssyncadd.s32 $0xFFFFE000  }
0xa6: {  	_ =	swait.ge [sflag:s20], $0x2000  }
0xa7: {  	[sflag:s20] =	ssyncset.done $0x0  }
0xa8: {  	s0 =	rddreg [dreg:$0x8];
	[sflag:s20] =	ssyncadd.s32 $0xFFFFE000  }
0xa9: {  	[hbm4b:s0+s7] =	stream.strided.scatter [tilespmem:s11], [sflag:$0x9], $0x2000, s2, s7, $0x38;
	[tilespmem:$0xD900] =	vst v63  }
0xaa: {  	s1 =	rddreg [dreg:$0x9]  }
0xab: {  	[hbm4b:s1+s7] =	stream.strided.scatter [tilespmem:s12], [sflag:$0xC], $0x2000, s2, s7, $0x38;
	[tilespmem:$0xD900] =	vst v63  }
0xac: {  	_ =	swait.ge [sflag:s16], $0x2000  }
0xad: {  	[sflag:s16] =	ssyncset.done $0x0  }
0xae: {  	[sflag:s16] =	ssyncadd.s32 $0xFFFFE000  }
0xaf: {  	_ =	swait.ge [sflag:s15], $0x2000  }
0xb0: {  	s0 =	sld [smem:$0x7DA]  }
0xb1: {  	[sflag:s15] =	ssyncset.done $0x0  }
0xb2: {  	s1 =	sld [smem:$0x7DB];
	[sflag:s15] =	ssyncadd.s32 $0xFFFFE000  }
0xb3: {  	[tilespmem:s11], [sflag:$0x3] =	stream.indirect.gather [hbm4b:s5+s2], $0x40, s0, s2, $0xb8;
	[tilespmem:$0xD900] =	vst v63  }
0xb4: {  	_ = 	snop  }
0xb5: {  	[tilespmem:s12], [sflag:$0x6] =	stream.indirect.gather [hbm4b:s5+s2], $0x40, s1, s2, $0xb8;
	[tilespmem:$0xD900] =	vst v63  }
0xb6: {  	_ =	swait.ge [sflag:s10], $0x2000  }
0xb7: {  	[sflag:s10] =	ssyncset.done $0x0  }
0xb8: {  	[sflag:s10] =	ssyncadd.s32 $0xFFFFE000  }
0xb9: {  	_ =	swait.ge [sflag:s6], $0x2000  }
0xba: {  	[sflag:s6] =	ssyncset.done $0x0  }
0xbb: {  	s0 =	rddreg [dreg:$0xa];
	[sflag:s6] =	ssyncadd.s32 $0xFFFFE000  }
0xbc: {  	[hbm4b:s0+s7] =	stream.strided.scatter [tilespmem:s3], [sflag:$0x7], $0x2000, s2, s7, $0x38;
	[tilespmem:$0xD900] =	vst v63  }
0xbd: {  	s1 =	rddreg [dreg:$0xb]  }
0xbe: {  	[hbm4b:s1+s7] =	stream.strided.scatter [tilespmem:s4], [sflag:$0xA], $0x2000, s2, s7, $0x38;
	[tilespmem:$0xD900] =	vst v63  }
0xbf: {  	_ =	swait.ge [sflag:s8], $0x2000  }
0xc0: {  	[sflag:s8] =	ssyncset.done $0x0  }
0xc1: {  	[sflag:s8] =	ssyncadd.s32 $0xFFFFE000  }
0xc2: {  	_ =	swait.ge [sflag:s9], $0x2000  }
0xc3: {  	s0 =	sld [smem:$0x7DC]  }
0xc4: {  	[sflag:s9] =	ssyncset.done $0x0  }
0xc5: {  	s1 =	sld [smem:$0x7DD];
	[sflag:s9] =	ssyncadd.s32 $0xFFFFE000  }
0xc6: {  	[tilespmem:s3], [sflag:$0x1] =	stream.indirect.gather [hbm4b:s5+s2], $0x40, s0, s2, $0xb8;
	[tilespmem:$0xD900] =	vst v63  }
0xc7: {  	_ = 	snop  }
0xc8: {  	[tilespmem:s4], [sflag:$0x4] =	stream.indirect.gather [hbm4b:s5+s2], $0x40, s1, s2, $0xb8;
	[tilespmem:$0xD900] =	vst v63  }
0xc9: {  	_ =	swait.ge [sflag:s22], $0x2000  }
0xca: {  	[sflag:s22] =	ssyncset.done $0x0  }
0xcb: {  	[sflag:s22] =	ssyncadd.s32 $0xFFFFE000  }
0xcc: {  	_ =	swait.ge [sflag:s21], $0x2000  }
0xcd: {  	[sflag:s21] =	ssyncset.done $0x0  }
0xce: {  	s0 =	rddreg [dreg:$0xc];
	[sflag:s21] =	ssyncadd.s32 $0xFFFFE000  }
0xcf: {  	[hbm4b:s0+s7] =	stream.strided.scatter [tilespmem:s13], [sflag:$0x8], $0x2000, s2, s7, $0x38;
	[tilespmem:$0xD900] =	vst v63  }
0xd0: {  	s1 =	rddreg [dreg:$0xd]  }
0xd1: {  	[hbm4b:s1+s7] =	stream.strided.scatter [tilespmem:s14], [sflag:$0xB], $0x2000, s2, s7, $0x38;
	[tilespmem:$0xD900] =	vst v63  }
0xd2: {  	_ =	swait.ge [sflag:s17], $0x2000  }
0xd3: {  	[sflag:s17] =	ssyncset.done $0x0  }
0xd4: {  	[sflag:s17] =	ssyncadd.s32 $0xFFFFE000  }
0xd5: {  	_ =	swait.ge [sflag:s18], $0x2000  }
0xd6: {  	s0 =	sld [smem:$0x7DE]  }
0xd7: {  	[sflag:s18] =	ssyncset.done $0x0  }
0xd8: {  	s1 =	sld [smem:$0x7DF];
	[sflag:s18] =	ssyncadd.s32 $0xFFFFE000  }
0xd9: {  	[tilespmem:s13], [sflag:$0x2] =	stream.indirect.gather [hbm4b:s5+s2], $0x40, s0, s2, $0xb8;
	[tilespmem:$0xD900] =	vst v63  }
0xda: {  	_ = 	snop  }
0xdb: {  	[tilespmem:s14], [sflag:$0x5] =	stream.indirect.gather [hbm4b:s5+s2], $0x40, s1, s2, $0xb8;
	[tilespmem:$0xD900] =	vst v63  }
0xdc: {  	_ =	swait.ge [sflag:s19], $0x2000  }
0xdd: {  	[sflag:s19] =	ssyncset.done $0x0  }
0xde: {  	[sflag:s19] =	ssyncadd.s32 $0xFFFFE000  }
0xdf: {  	_ =	swait.ge [sflag:s20], $0x2000  }
0xe0: {  	[sflag:s20] =	ssyncset.done $0x0  }
0xe1: {  	s0 =	rddreg [dreg:$0xe];
	[sflag:s20] =	ssyncadd.s32 $0xFFFFE000  }
0xe2: {  	[hbm4b:s0+s7] =	stream.strided.scatter [tilespmem:s11], [sflag:$0x9], $0x2000, s2, s7, $0x38;
	[tilespmem:$0xD900] =	vst v63  }
0xe3: {  	s1 =	rddreg [dreg:$0xf]  }
0xe4: {  	[hbm4b:s1+s7] =	stream.strided.scatter [tilespmem:s12], [sflag:$0xC], $0x2000, s2, s7, $0x38;
	[tilespmem:$0xD900] =	vst v63  }
0xe5: {  	_ =	swait.ge [sflag:s16], $0x2000  }
0xe6: {  	[sflag:s16] =	ssyncset.done $0x0  }
0xe7: {  	[sflag:s16] =	ssyncadd.s32 $0xFFFFE000  }
0xe8: {  	_ =	swait.ge [sflag:s15], $0x2000  }
0xe9: {  	s0 =	sld [smem:$0x7E0]  }
0xea: {  	[sflag:s15] =	ssyncset.done $0x0  }
0xeb: {  	s1 =	sld [smem:$0x7E1];
	[sflag:s15] =	ssyncadd.s32 $0xFFFFE000  }
0xec: {  	[tilespmem:s11], [sflag:$0x3] =	stream.indirect.gather [hbm4b:s5+s2], $0x40, s0, s2, $0xb8;
	[tilespmem:$0xD900] =	vst v63  }
0xed: {  	_ = 	snop  }
0xee: {  	[tilespmem:s12], [sflag:$0x6] =	stream.indirect.gather [hbm4b:s5+s2], $0x40, s1, s2, $0xb8;
	[tilespmem:$0xD900] =	vst v63  }
0xef: {  	_ =	swait.ge [sflag:s10], $0x2000  }
0xf0: {  	[sflag:s10] =	ssyncset.done $0x0  }
0xf1: {  	[sflag:s10] =	ssyncadd.s32 $0xFFFFE000  }
0xf2: {  	_ =	swait.ge [sflag:s6], $0x2000  }
0xf3: {  	[sflag:s6] =	ssyncset.done $0x0  }
0xf4: {  	s0 =	rddreg [dreg:$0x10];
	[sflag:s6] =	ssyncadd.s32 $0xFFFFE000  }
0xf5: {  	[hbm4b:s0+s7] =	stream.strided.scatter [tilespmem:s3], [sflag:$0x7], $0x2000, s2, s7, $0x38;
	[tilespmem:$0xD900] =	vst v63  }
0xf6: {  	s1 =	rddreg [dreg:$0x11]  }
0xf7: {  	[hbm4b:s1+s7] =	stream.strided.scatter [tilespmem:s4], [sflag:$0xA], $0x2000, s2, s7, $0x38;
	[tilespmem:$0xD900] =	vst v63  }
0xf8: {  	_ =	swait.ge [sflag:s8], $0x2000  }
0xf9: {  	[sflag:s8] =	ssyncset.done $0x0  }
0xfa: {  	[sflag:s8] =	ssyncadd.s32 $0xFFFFE000  }
0xfb: {  	_ =	swait.ge [sflag:s9], $0x2000  }
0xfc: {  	s0 =	sld [smem:$0x7E2]  }
0xfd: {  	[sflag:s9] =	ssyncset.done $0x0  }
0xfe: {  	s1 =	sld [smem:$0x7E3];
	[sflag:s9] =	ssyncadd.s32 $0xFFFFE000  }
0xff: {  	[tilespmem:s3], [sflag:$0x1] =	stream.indirect.gather [hbm4b:s5+s2], $0x40, s0, s2, $0xb8;
	[tilespmem:$0xD900] =	vst v63  }
0x100: {  	_ = 	snop  }
0x101: {  	[tilespmem:s4], [sflag:$0x4] =	stream.indirect.gather [hbm4b:s5+s2], $0x40, s1, s2, $0xb8;
	[tilespmem:$0xD900] =	vst v63  }
0x102: {  	_ =	swait.ge [sflag:s22], $0x2000  }
0x103: {  	[sflag:s22] =	ssyncset.done $0x0  }
0x104: {  	[sflag:s22] =	ssyncadd.s32 $0xFFFFE000  }
0x105: {  	_ =	swait.ge [sflag:s21], $0x2000  }
0x106: {  	[sflag:s21] =	ssyncset.done $0x0  }
0x107: {  	s0 =	rddreg [dreg:$0x12];
	[sflag:s21] =	ssyncadd.s32 $0xFFFFE000  }
0x108: {  	[hbm4b:s0+s7] =	stream.strided.scatter [tilespmem:s13], [sflag:$0x8], $0x2000, s2, s7, $0x38;
	[tilespmem:$0xD900] =	vst v63  }
0x109: {  	s1 =	rddreg [dreg:$0x13]  }
0x10a: {  	[hbm4b:s1+s7] =	stream.strided.scatter [tilespmem:s14], [sflag:$0xB], $0x2000, s2, s7, $0x38;
	[tilespmem:$0xD900] =	vst v63  }
0x10b: {  	_ =	swait.ge [sflag:s17], $0x2000  }
0x10c: {  	[sflag:s17] =	ssyncset.done $0x0  }
0x10d: {  	[sflag:s17] =	ssyncadd.s32 $0xFFFFE000  }
0x10e: {  	_ =	swait.ge [sflag:s18], $0x2000  }
0x10f: {  	s0 =	sld [smem:$0x7E4]  }
0x110: {  	[sflag:s18] =	ssyncset.done $0x0  }
0x111: {  	s1 =	sld [smem:$0x7E5];
	[sflag:s18] =	ssyncadd.s32 $0xFFFFE000  }
0x112: {  	[tilespmem:s13], [sflag:$0x2] =	stream.indirect.gather [hbm4b:s5+s2], $0x40, s0, s2, $0xb8;
	[tilespmem:$0xD900] =	vst v63  }
0x113: {  	_ = 	snop  }
0x114: {  	[tilespmem:s14], [sflag:$0x5] =	stream.indirect.gather [hbm4b:s5+s2], $0x40, s1, s2, $0xb8;
	[tilespmem:$0xD900] =	vst v63  }
0x115: {  	_ =	swait.ge [sflag:s19], $0x2000  }
0x116: {  	[sflag:s19] =	ssyncset.done $0x0  }
0x117: {  	[sflag:s19] =	ssyncadd.s32 $0xFFFFE000  }
0x118: {  	_ =	swait.ge [sflag:s20], $0x2000  }
0x119: {  	[sflag:s20] =	ssyncset.done $0x0  }
0x11a: {  	s0 =	rddreg [dreg:$0x14];
	[sflag:s20] =	ssyncadd.s32 $0xFFFFE000  }
0x11b: {  	[hbm4b:s0+s7] =	stream.strided.scatter [tilespmem:s11], [sflag:$0x9], $0x2000, s2, s7, $0x38;
	[tilespmem:$0xD900] =	vst v63  }
0x11c: {  	s1 =	rddreg [dreg:$0x15]  }
0x11d: {  	[hbm4b:s1+s7] =	stream.strided.scatter [tilespmem:s12], [sflag:$0xC], $0x2000, s2, s7, $0x38;
	[tilespmem:$0xD900] =	vst v63  }
0x11e: {  	_ =	swait.ge [sflag:s16], $0x2000  }
0x11f: {  	[sflag:s16] =	ssyncset.done $0x0  }
0x120: {  	[sflag:s16] =	ssyncadd.s32 $0xFFFFE000  }
0x121: {  	_ =	swait.ge [sflag:s15], $0x2000  }
0x122: {  	s0 =	sld [smem:$0x7E6]  }
0x123: {  	[sflag:s15] =	ssyncset.done $0x0  }
0x124: {  	s1 =	sld [smem:$0x7E7];
	[sflag:s15] =	ssyncadd.s32 $0xFFFFE000  }
0x125: {  	[tilespmem:s11], [sflag:$0x3] =	stream.indirect.gather [hbm4b:s5+s2], $0x40, s0, s2, $0xb8;
	[tilespmem:$0xD900] =	vst v63  }
0x126: {  	_ = 	snop  }
0x127: {  	[tilespmem:s12], [sflag:$0x6] =	stream.indirect.gather [hbm4b:s5+s2], $0x40, s1, s2, $0xb8;
	[tilespmem:$0xD900] =	vst v63  }
0x128: {  	_ =	swait.ge [sflag:s10], $0x2000  }
0x129: {  	[sflag:s10] =	ssyncset.done $0x0  }
0x12a: {  	[sflag:s10] =	ssyncadd.s32 $0xFFFFE000  }
0x12b: {  	_ =	swait.ge [sflag:s6], $0x2000  }
0x12c: {  	[sflag:s6] =	ssyncset.done $0x0  }
0x12d: {  	s0 =	rddreg [dreg:$0x16];
	[sflag:s6] =	ssyncadd.s32 $0xFFFFE000  }
0x12e: {  	[hbm4b:s0+s7] =	stream.strided.scatter [tilespmem:s3], [sflag:$0x7], $0x2000, s2, s7, $0x38;
	[tilespmem:$0xD900] =	vst v63  }
0x12f: {  	s1 =	rddreg [dreg:$0x17]  }
0x130: {  	[hbm4b:s1+s7] =	stream.strided.scatter [tilespmem:s4], [sflag:$0xA], $0x2000, s2, s7, $0x38;
	[tilespmem:$0xD900] =	vst v63  }
0x131: {  	_ =	swait.ge [sflag:s8], $0x2000  }
0x132: {  	[sflag:s8] =	ssyncset.done $0x0  }
0x133: {  	[sflag:s8] =	ssyncadd.s32 $0xFFFFE000  }
0x134: {  	_ =	swait.ge [sflag:s9], $0x2000  }
0x135: {  	s0 =	sld [smem:$0x7E8]  }
0x136: {  	[sflag:s9] =	ssyncset.done $0x0  }
0x137: {  	s1 =	sld [smem:$0x7E9];
	[sflag:s9] =	ssyncadd.s32 $0xFFFFE000  }
0x138: {  	[tilespmem:s3], [sflag:$0x1] =	stream.indirect.gather [hbm4b:s5+s2], $0x40, s0, s2, $0xb8;
	[tilespmem:$0xD900] =	vst v63  }
0x139: {  	_ = 	snop  }
0x13a: {  	[tilespmem:s4], [sflag:$0x4] =	stream.indirect.gather [hbm4b:s5+s2], $0x40, s1, s2, $0xb8;
	[tilespmem:$0xD900] =	vst v63  }
0x13b: {  	_ =	swait.ge [sflag:s22], $0x2000  }
0x13c: {  	[sflag:s22] =	ssyncset.done $0x0  }
0x13d: {  	[sflag:s22] =	ssyncadd.s32 $0xFFFFE000  }
0x13e: {  	_ =	swait.ge [sflag:s21], $0x2000  }
0x13f: {  	[sflag:s21] =	ssyncset.done $0x0  }
0x140: {  	s0 =	rddreg [dreg:$0x18];
	[sflag:s21] =	ssyncadd.s32 $0xFFFFE000  }
0x141: {  	[hbm4b:s0+s7] =	stream.strided.scatter [tilespmem:s13], [sflag:$0x8], $0x2000, s2, s7, $0x38;
	[tilespmem:$0xD900] =	vst v63  }
0x142: {  	s1 =	rddreg [dreg:$0x19]  }
0x143: {  	[hbm4b:s1+s7] =	stream.strided.scatter [tilespmem:s14], [sflag:$0xB], $0x2000, s2, s7, $0x38;
	[tilespmem:$0xD900] =	vst v63  }
0x144: {  	_ =	swait.ge [sflag:s17], $0x2000  }
0x145: {  	[sflag:s17] =	ssyncset.done $0x0  }
0x146: {  	[sflag:s17] =	ssyncadd.s32 $0xFFFFE000  }
0x147: {  	_ =	swait.ge [sflag:s18], $0x2000  }
0x148: {  	s0 =	sld [smem:$0x7EA]  }
0x149: {  	[sflag:s18] =	ssyncset.done $0x0  }
0x14a: {  	s1 =	sld [smem:$0x7EB];
	[sflag:s18] =	ssyncadd.s32 $0xFFFFE000  }
0x14b: {  	[tilespmem:s13], [sflag:$0x2] =	stream.indirect.gather [hbm4b:s5+s2], $0x40, s0, s2, $0xb8;
	[tilespmem:$0xD900] =	vst v63  }
0x14c: {  	_ = 	snop  }
0x14d: {  	[tilespmem:s14], [sflag:$0x5] =	stream.indirect.gather [hbm4b:s5+s2], $0x40, s1, s2, $0xb8;
	[tilespmem:$0xD900] =	vst v63  }
0x14e: {  	_ =	swait.ge [sflag:s19], $0x2000  }
0x14f: {  	[sflag:s19] =	ssyncset.done $0x0  }
0x150: {  	[sflag:s19] =	ssyncadd.s32 $0xFFFFE000  }
0x151: {  	_ =	swait.ge [sflag:s20], $0x2000  }
0x152: {  	[sflag:s20] =	ssyncset.done $0x0  }
0x153: {  	s0 =	rddreg [dreg:$0x1a];
	[sflag:s20] =	ssyncadd.s32 $0xFFFFE000  }
0x154: {  	[hbm4b:s0+s7] =	stream.strided.scatter [tilespmem:s11], [sflag:$0x9], $0x2000, s2, s7, $0x38;
	[tilespmem:$0xD900] =	vst v63  }
0x155: {  	s1 =	rddreg [dreg:$0x1b]  }
0x156: {  	[hbm4b:s1+s7] =	stream.strided.scatter [tilespmem:s12], [sflag:$0xC], $0x2000, s2, s7, $0x38;
	[tilespmem:$0xD900] =	vst v63  }
0x157: {  	_ =	swait.ge [sflag:s16], $0x2000  }
0x158: {  	[sflag:s16] =	ssyncset.done $0x0  }
0x159: {  	[sflag:s16] =	ssyncadd.s32 $0xFFFFE000  }
0x15a: {  	_ =	swait.ge [sflag:s15], $0x2000  }
0x15b: {  	s0 =	sld [smem:$0x7EC]  }
0x15c: {  	[sflag:s15] =	ssyncset.done $0x0  }
0x15d: {  	s1 =	sld [smem:$0x7ED];
	[sflag:s15] =	ssyncadd.s32 $0xFFFFE000  }
0x15e: {  	[tilespmem:s11], [sflag:$0x3] =	stream.indirect.gather [hbm4b:s5+s2], $0x40, s0, s2, $0xb8;
	[tilespmem:$0xD900] =	vst v63  }
0x15f: {  	_ = 	snop  }
0x160: {  	[tilespmem:s12], [sflag:$0x6] =	stream.indirect.gather [hbm4b:s5+s2], $0x40, s1, s2, $0xb8;
	[tilespmem:$0xD900] =	vst v63  }
0x161: {  	_ =	swait.ge [sflag:s10], $0x2000  }
0x162: {  	[sflag:s10] =	ssyncset.done $0x0  }
0x163: {  	[sflag:s10] =	ssyncadd.s32 $0xFFFFE000  }
0x164: {  	_ =	swait.ge [sflag:s6], $0x2000  }
0x165: {  	[sflag:s6] =	ssyncset.done $0x0  }
0x166: {  	s0 =	rddreg [dreg:$0x1c];
	[sflag:s6] =	ssyncadd.s32 $0xFFFFE000  }
0x167: {  	[hbm4b:s0+s7] =	stream.strided.scatter [tilespmem:s3], [sflag:$0x7], $0x2000, s2, s7, $0x38;
	[tilespmem:$0xD900] =	vst v63  }
0x168: {  	s1 =	rddreg [dreg:$0x1d]  }
0x169: {  	[hbm4b:s1+s7] =	stream.strided.scatter [tilespmem:s4], [sflag:$0xA], $0x2000, s2, s7, $0x38;
	[tilespmem:$0xD900] =	vst v63  }
0x16a: {  	_ =	swait.ge [sflag:s8], $0x2000  }
0x16b: {  	[sflag:s8] =	ssyncset.done $0x0  }
0x16c: {  	[sflag:s8] =	ssyncadd.s32 $0xFFFFE000  }
0x16d: {  	_ =	swait.ge [sflag:s9], $0x2000  }
0x16e: {  	s0 =	sld [smem:$0x7EE]  }
0x16f: {  	[sflag:s9] =	ssyncset.done $0x0  }
0x170: {  	s1 =	sld [smem:$0x7EF];
	[sflag:s9] =	ssyncadd.s32 $0xFFFFE000  }
0x171: {  	[tilespmem:s3], [sflag:$0x1] =	stream.indirect.gather [hbm4b:s5+s2], $0x40, s0, s2, $0xb8;
	[tilespmem:$0xD900] =	vst v63  }
0x172: {  	_ = 	snop  }
0x173: {  	[tilespmem:s4], [sflag:$0x4] =	stream.indirect.gather [hbm4b:s5+s2], $0x40, s1, s2, $0xb8;
	[tilespmem:$0xD900] =	vst v63  }
0x174: {  	_ =	swait.ge [sflag:s22], $0x2000  }
0x175: {  	[sflag:s22] =	ssyncset.done $0x0  }
0x176: {  	[sflag:s22] =	ssyncadd.s32 $0xFFFFE000  }
0x177: {  	_ =	swait.ge [sflag:s21], $0x2000  }
0x178: {  	[sflag:s21] =	ssyncset.done $0x0  }
0x179: {  	s0 =	rddreg [dreg:$0x1e];
	[sflag:s21] =	ssyncadd.s32 $0xFFFFE000  }
0x17a: {  	[hbm4b:s0+s7] =	stream.strided.scatter [tilespmem:s13], [sflag:$0x8], $0x2000, s2, s7, $0x38;
	[tilespmem:$0xD900] =	vst v63  }
0x17b: {  	s1 =	rddreg [dreg:$0x1f]  }
0x17c: {  	[hbm4b:s1+s7] =	stream.strided.scatter [tilespmem:s14], [sflag:$0xB], $0x2000, s2, s7, $0x38;
	[tilespmem:$0xD900] =	vst v63  }
0x17d: {  	_ =	swait.ge [sflag:s17], $0x2000  }
0x17e: {  	[sflag:s17] =	ssyncset.done $0x0  }
0x17f: {  	[sflag:s17] =	ssyncadd.s32 $0xFFFFE000  }
0x180: {  	_ =	swait.ge [sflag:s18], $0x2000  }
0x181: {  	s0 =	sld [smem:$0x7F0]  }
0x182: {  	[sflag:s18] =	ssyncset.done $0x0  }
0x183: {  	s1 =	sld [smem:$0x7F1];
	[sflag:s18] =	ssyncadd.s32 $0xFFFFE000  }
0x184: {  	[tilespmem:s13], [sflag:$0x2] =	stream.indirect.gather [hbm4b:s5+s2], $0x40, s0, s2, $0xb8;
	[tilespmem:$0xD900] =	vst v63  }
0x185: {  	_ = 	snop  }
0x186: {  	[tilespmem:s14], [sflag:$0x5] =	stream.indirect.gather [hbm4b:s5+s2], $0x40, s1, s2, $0xb8;
	[tilespmem:$0xD900] =	vst v63  }
0x187: {  	_ =	swait.ge [sflag:s19], $0x2000  }
0x188: {  	[sflag:s19] =	ssyncset.done $0x0  }
0x189: {  	[sflag:s19] =	ssyncadd.s32 $0xFFFFE000  }
0x18a: {  	_ =	swait.ge [sflag:s20], $0x2000  }
0x18b: {  	s0 =	sld [smem:$0x7BD]  }
0x18c: {  	[sflag:s20] =	ssyncset.done $0x0  }
0x18d: {  	s1 =	sld [smem:$0x7BE];
	[sflag:s20] =	ssyncadd.s32 $0xFFFFE000  }
0x18e: {  	[hbm4b:s0+s7] =	stream.strided.scatter [tilespmem:s11], [sflag:$0x9], $0x2000, s2, s7, $0x38;
	[tilespmem:$0xD900] =	vst v63  }
0x18f: {  	_ = 	snop  }
0x190: {  	[hbm4b:s1+s7] =	stream.strided.scatter [tilespmem:s12], [sflag:$0xC], $0x2000, s2, s7, $0x38;
	[tilespmem:$0xD900] =	vst v63  }
0x191: {  	_ =	swait.ge [sflag:s16], $0x2000  }
0x192: {  	[sflag:s16] =	ssyncset.done $0x0  }
0x193: {  	[sflag:s16] =	ssyncadd.s32 $0xFFFFE000  }
0x194: {  	_ =	swait.ge [sflag:s15], $0x2000  }
0x195: {  	s0 =	sld [smem:$0x7F2]  }
0x196: {  	[sflag:s15] =	ssyncset.done $0x0  }
0x197: {  	s1 =	sld [smem:$0x7F3];
	[sflag:s15] =	ssyncadd.s32 $0xFFFFE000  }
0x198: {  	[tilespmem:s11], [sflag:$0x3] =	stream.indirect.gather [hbm4b:s5+s2], $0x40, s0, s2, $0xb8;
	[tilespmem:$0xD900] =	vst v63  }
0x199: {  	_ = 	snop  }
0x19a: {  	[tilespmem:s12], [sflag:$0x6] =	stream.indirect.gather [hbm4b:s5+s2], $0x40, s1, s2, $0xb8;
	[tilespmem:$0xD900] =	vst v63  }
0x19b: {  	_ =	swait.ge [sflag:s10], $0x2000  }
0x19c: {  	[sflag:s10] =	ssyncset.done $0x0  }
0x19d: {  	[sflag:s10] =	ssyncadd.s32 $0xFFFFE000  }
0x19e: {  	_ =	swait.ge [sflag:s6], $0x2000  }
0x19f: {  	s0 =	sld [smem:$0x7BF]  }
0x1a0: {  	[sflag:s6] =	ssyncset.done $0x0  }
0x1a1: {  	s1 =	sld [smem:$0x7C0];
	[sflag:s6] =	ssyncadd.s32 $0xFFFFE000  }
0x1a2: {  	[hbm4b:s0+s7] =	stream.strided.scatter [tilespmem:s3], [sflag:$0x7], $0x2000, s2, s7, $0x38;
	[tilespmem:$0xD900] =	vst v63  }
0x1a3: {  	_ = 	snop  }
0x1a4: {  	[hbm4b:s1+s7] =	stream.strided.scatter [tilespmem:s4], [sflag:$0xA], $0x2000, s2, s7, $0x38;
	[tilespmem:$0xD900] =	vst v63  }
0x1a5: {  	_ =	swait.ge [sflag:s8], $0x2000  }
0x1a6: {  	[sflag:s8] =	ssyncset.done $0x0  }
0x1a7: {  	[sflag:s8] =	ssyncadd.s32 $0xFFFFE000  }
0x1a8: {  	_ =	swait.ge [sflag:s9], $0x2000  }
0x1a9: {  	s0 =	sld [smem:$0x7F4]  }
0x1aa: {  	[sflag:s9] =	ssyncset.done $0x0  }
0x1ab: {  	s1 =	sld [smem:$0x7F5];
	[sflag:s9] =	ssyncadd.s32 $0xFFFFE000  }
0x1ac: {  	[tilespmem:s3], [sflag:$0x1] =	stream.indirect.gather [hbm4b:s5+s2], $0x40, s0, s2, $0xb8;
	[tilespmem:$0xD900] =	vst v63  }
0x1ad: {  	_ = 	snop  }
0x1ae: {  	[tilespmem:s4], [sflag:$0x4] =	stream.indirect.gather [hbm4b:s5+s2], $0x40, s1, s2, $0xb8;
	[tilespmem:$0xD900] =	vst v63  }
0x1af: {  	_ =	swait.ge [sflag:s22], $0x2000  }
0x1b0: {  	[sflag:s22] =	ssyncset.done $0x0  }
0x1b1: {  	[sflag:s22] =	ssyncadd.s32 $0xFFFFE000  }
0x1b2: {  	_ =	swait.ge [sflag:s21], $0x2000  }
0x1b3: {  	s0 =	sld [smem:$0x7C1]  }
0x1b4: {  	[sflag:s21] =	ssyncset.done $0x0  }
0x1b5: {  	s1 =	sld [smem:$0x7C2];
	[sflag:s21] =	ssyncadd.s32 $0xFFFFE000  }
0x1b6: {  	[hbm4b:s0+s7] =	stream.strided.scatter [tilespmem:s13], [sflag:$0x8], $0x2000, s2, s7, $0x38;
	[tilespmem:$0xD900] =	vst v63  }
0x1b7: {  	_ = 	snop  }
0x1b8: {  	[hbm4b:s1+s7] =	stream.strided.scatter [tilespmem:s14], [sflag:$0xB], $0x2000, s2, s7, $0x38;
	[tilespmem:$0xD900] =	vst v63  }
0x1b9: {  	_ =	swait.ge [sflag:s17], $0x2000  }
0x1ba: {  	[sflag:s17] =	ssyncset.done $0x0  }
0x1bb: {  	[sflag:s17] =	ssyncadd.s32 $0xFFFFE000  }
0x1bc: {  	_ =	swait.ge [sflag:s18], $0x2000  }
0x1bd: {  	s0 =	sld [smem:$0x7F6]  }
0x1be: {  	[sflag:s18] =	ssyncset.done $0x0  }
0x1bf: {  	s1 =	sld [smem:$0x7F7];
	[sflag:s18] =	ssyncadd.s32 $0xFFFFE000  }
0x1c0: {  	[tilespmem:s13], [sflag:$0x2] =	stream.indirect.gather [hbm4b:s5+s2], $0x40, s0, s2, $0xb8;
	[tilespmem:$0xD900] =	vst v63  }
0x1c1: {  	_ = 	snop  }
0x1c2: {  	[tilespmem:s14], [sflag:$0x5] =	stream.indirect.gather [hbm4b:s5+s2], $0x40, s1, s2, $0xb8;
	[tilespmem:$0xD900] =	vst v63  }
0x1c3: {  	_ =	swait.ge [sflag:s19], $0x2000  }
0x1c4: {  	[sflag:s19] =	ssyncset.done $0x0  }
0x1c5: {  	[sflag:s19] =	ssyncadd.s32 $0xFFFFE000  }
0x1c6: {  	_ =	swait.ge [sflag:s20], $0x2000  }
0x1c7: {  	s0 =	sld [smem:$0x7C3]  }
0x1c8: {  	[sflag:s20] =	ssyncset.done $0x0  }
0x1c9: {  	s1 =	sld [smem:$0x7C4];
	[sflag:s20] =	ssyncadd.s32 $0xFFFFE000  }
0x1ca: {  	[hbm4b:s0+s7] =	stream.strided.scatter [tilespmem:s11], [sflag:$0x9], $0x2000, s2, s7, $0x38;
	[tilespmem:$0xD900] =	vst v63  }
0x1cb: {  	_ = 	snop  }
0x1cc: {  	[hbm4b:s1+s7] =	stream.strided.scatter [tilespmem:s12], [sflag:$0xC], $0x2000, s2, s7, $0x38;
	[tilespmem:$0xD900] =	vst v63  }
0x1cd: {  	_ =	swait.ge [sflag:s16], $0x2000  }
0x1ce: {  	[sflag:s16] =	ssyncset.done $0x0  }
0x1cf: {  	[sflag:s16] =	ssyncadd.s32 $0xFFFFE000  }
0x1d0: {  	_ =	swait.ge [sflag:s15], $0x2000  }
0x1d1: {  	s0 =	sld [smem:$0x7F8]  }
0x1d2: {  	[sflag:s15] =	ssyncset.done $0x0  }
0x1d3: {  	s1 =	sld [smem:$0x7F9];
	[sflag:s15] =	ssyncadd.s32 $0xFFFFE000  }
0x1d4: {  	[tilespmem:s11], [sflag:$0x3] =	stream.indirect.gather [hbm4b:s5+s2], $0x40, s0, s2, $0xb8;
	[tilespmem:$0xD900] =	vst v63  }
0x1d5: {  	_ = 	snop  }
0x1d6: {  	[tilespmem:s12], [sflag:$0x6] =	stream.indirect.gather [hbm4b:s5+s2], $0x40, s1, s2, $0xb8;
	[tilespmem:$0xD900] =	vst v63  }
0x1d7: {  	_ =	swait.ge [sflag:s10], $0x2000  }
0x1d8: {  	[sflag:s10] =	ssyncset.done $0x0  }
0x1d9: {  	[sflag:s10] =	ssyncadd.s32 $0xFFFFE000  }
0x1da: {  	_ =	swait.ge [sflag:s6], $0x2000  }
0x1db: {  	s0 =	sld [smem:$0x7C5]  }
0x1dc: {  	[sflag:s6] =	ssyncset.done $0x0  }
0x1dd: {  	s1 =	sld [smem:$0x7C6];
	[sflag:s6] =	ssyncadd.s32 $0xFFFFE000  }
0x1de: {  	[hbm4b:s0+s7] =	stream.strided.scatter [tilespmem:s3], [sflag:$0x7], $0x2000, s2, s7, $0x38;
	[tilespmem:$0xD900] =	vst v63  }
0x1df: {  	_ = 	snop  }
0x1e0: {  	[hbm4b:s1+s7] =	stream.strided.scatter [tilespmem:s4], [sflag:$0xA], $0x2000, s2, s7, $0x38;
	[tilespmem:$0xD900] =	vst v63  }
0x1e1: {  	_ =	swait.ge [sflag:s8], $0x2000  }
0x1e2: {  	[sflag:s8] =	ssyncset.done $0x0  }
0x1e3: {  	[sflag:s8] =	ssyncadd.s32 $0xFFFFE000  }
0x1e4: {  	_ =	swait.ge [sflag:s9], $0x2000  }
0x1e5: {  	s0 =	sld [smem:$0x7FA]  }
0x1e6: {  	[sflag:s9] =	ssyncset.done $0x0  }
0x1e7: {  	s1 =	sld [smem:$0x7FB];
	[sflag:s9] =	ssyncadd.s32 $0xFFFFE000  }
0x1e8: {  	[tilespmem:s3], [sflag:$0x1] =	stream.indirect.gather [hbm4b:s5+s2], $0x40, s0, s2, $0xb8;
	[tilespmem:$0xD900] =	vst v63  }
0x1e9: {  	_ = 	snop  }
0x1ea: {  	[tilespmem:s4], [sflag:$0x4] =	stream.indirect.gather [hbm4b:s5+s2], $0x40, s1, s2, $0xb8;
	[tilespmem:$0xD900] =	vst v63  }
0x1eb: {  	_ =	swait.ge [sflag:s22], $0x2000  }
0x1ec: {  	[sflag:s22] =	ssyncset.done $0x0  }
0x1ed: {  	[sflag:s22] =	ssyncadd.s32 $0xFFFFE000  }
0x1ee: {  	_ =	swait.ge [sflag:s21], $0x2000  }
0x1ef: {  	s0 =	sld [smem:$0x7C7]  }
0x1f0: {  	[sflag:s21] =	ssyncset.done $0x0  }
0x1f1: {  	s1 =	sld [smem:$0x7C8];
	[sflag:s21] =	ssyncadd.s32 $0xFFFFE000  }
0x1f2: {  	[hbm4b:s0+s7] =	stream.strided.scatter [tilespmem:s13], [sflag:$0x8], $0x2000, s2, s7, $0x38;
	[tilespmem:$0xD900] =	vst v63  }
0x1f3: {  	_ = 	snop  }
0x1f4: {  	[hbm4b:s1+s7] =	stream.strided.scatter [tilespmem:s14], [sflag:$0xB], $0x2000, s2, s7, $0x38;
	[tilespmem:$0xD900] =	vst v63  }
0x1f5: {  	_ =	swait.ge [sflag:s17], $0x2000  }
0x1f6: {  	[sflag:s17] =	ssyncset.done $0x0  }
0x1f7: {  	[sflag:s17] =	ssyncadd.s32 $0xFFFFE000  }
0x1f8: {  	_ =	swait.ge [sflag:s18], $0x2000  }
0x1f9: {  	s0 =	sld [smem:$0x7FC]  }
0x1fa: {  	[sflag:s18] =	ssyncset.done $0x0  }
0x1fb: {  	s1 =	sld [smem:$0x7FD];
	[sflag:s18] =	ssyncadd.s32 $0xFFFFE000  }
0x1fc: {  	[tilespmem:s13], [sflag:$0x2] =	stream.indirect.gather [hbm4b:s5+s2], $0x40, s0, s2, $0xb8;
	[tilespmem:$0xD900] =	vst v63  }
0x1fd: {  	_ = 	snop  }
0x1fe: {  	[tilespmem:s14], [sflag:$0x5] =	stream.indirect.gather [hbm4b:s5+s2], $0x40, s1, s2, $0xb8;
	[tilespmem:$0xD900] =	vst v63  }
0x1ff: {  	_ =	swait.ge [sflag:s19], $0x2000  }
0x200: {  	[sflag:s19] =	ssyncset.done $0x0  }
0x201: {  	[sflag:s19] =	ssyncadd.s32 $0xFFFFE000  }
0x202: {  	_ =	swait.ge [sflag:s20], $0x2000  }
0x203: {  	s0 =	sld [smem:$0x7C9]  }
0x204: {  	[sflag:s20] =	ssyncset.done $0x0  }
0x205: {  	s1 =	sld [smem:$0x7CA];
	[sflag:s20] =	ssyncadd.s32 $0xFFFFE000  }
0x206: {  	[hbm4b:s0+s7] =	stream.strided.scatter [tilespmem:s11], [sflag:$0x9], $0x2000, s2, s7, $0x38;
	[tilespmem:$0xD900] =	vst v63  }
0x207: {  	_ = 	snop  }
0x208: {  	[hbm4b:s1+s7] =	stream.strided.scatter [tilespmem:s12], [sflag:$0xC], $0x2000, s2, s7, $0x38;
	[tilespmem:$0xD900] =	vst v63  }
0x209: {  	_ =	swait.ge [sflag:s16], $0x2000  }
0x20a: {  	[sflag:s16] =	ssyncset.done $0x0  }
0x20b: {  	[sflag:s16] =	ssyncadd.s32 $0xFFFFE000  }
0x20c: {  	_ =	swait.ge [sflag:s15], $0x2000  }
0x20d: {  	[sflag:s15] =	ssyncset.done $0x0  }
0x20e: {  	s1 =	simm.s32 $0xB80;
	[sflag:s15] =	ssyncadd.s32 $0xFFFFE000  }
0x20f: {  	[tilespmem:s11], [sflag:$0x3] =	stream.indirect.gather [hbm4b:s5+s2], $0x40, s1, s2, $0xb8;
	[tilespmem:$0xD900] =	vst v63  }
0x210: {  	_ = 	snop  }
0x211: {  	[tilespmem:s12], [sflag:$0x6] =	stream.indirect.gather [hbm4b:s5+s2], $0x40, s26, s2, $0xb8;
	[tilespmem:$0xD900] =	vst v63  }
0x212: {  	_ =	swait.ge [sflag:s10], $0x2000  }
0x213: {  	[sflag:s10] =	ssyncset.done $0x0  }
0x214: {  	[sflag:s10] =	ssyncadd.s32 $0xFFFFE000  }
0x215: {  	_ =	swait.ge [sflag:s6], $0x2000  }
0x216: {  	s0 =	sld [smem:$0x7CB]  }
0x217: {  	[sflag:s6] =	ssyncset.done $0x0  }
0x218: {  	s1 =	sld [smem:$0x7CC];
	[sflag:s6] =	ssyncadd.s32 $0xFFFFE000  }
0x219: {  	[hbm4b:s0+s7] =	stream.strided.scatter [tilespmem:s3], [sflag:$0x7], $0x2000, s2, s7, $0x38;
	[tilespmem:$0xD900] =	vst v63  }
0x21a: {  	_ = 	snop  }
0x21b: {  	[hbm4b:s1+s7] =	stream.strided.scatter [tilespmem:s4], [sflag:$0xA], $0x2000, s2, s7, $0x38;
	[tilespmem:$0xD900] =	vst v63  }
0x21c: {  	_ =	swait.ge [sflag:s8], $0x2000  }
0x21d: {  	[sflag:s8] =	ssyncset.done $0x0  }
0x21e: {  	[sflag:s8] =	ssyncadd.s32 $0xFFFFE000  }
0x21f: {  	_ =	swait.ge [sflag:s9], $0x2000  }
0x220: {  	[sflag:s9] =	ssyncset.done $0x0  }
0x221: {  	[sflag:s9] =	ssyncadd.s32 $0xFFFFE000  }
0x222: {  	[tilespmem:s3], [sflag:$0x1] =	stream.indirect.gather [hbm4b:s5+s2], $0x40, s24, s2, $0xb8;
	[tilespmem:$0xD900] =	vst v63  }
0x223: {  	_ = 	snop  }
0x224: {  	[tilespmem:s4], [sflag:$0x4] =	stream.indirect.gather [hbm4b:s5+s2], $0x40, s25, s2, $0xb8;
	[tilespmem:$0xD900] =	vst v63  }
0x225: {  	_ =	swait.ge [sflag:s22], $0x2000  }
0x226: {  	[sflag:s22] =	ssyncset.done $0x0  }
0x227: {  	[sflag:s22] =	ssyncadd.s32 $0xFFFFE000  }
0x228: {  	_ =	swait.ge [sflag:s21], $0x2000  }
0x229: {  	s0 =	sld [smem:$0x7CD]  }
0x22a: {  	[sflag:s21] =	ssyncset.done $0x0  }
0x22b: {  	s1 =	sld [smem:$0x7CE];
	[sflag:s21] =	ssyncadd.s32 $0xFFFFE000  }
0x22c: {  	[hbm4b:s0+s7] =	stream.strided.scatter [tilespmem:s13], [sflag:$0x8], $0x2000, s2, s7, $0x38;
	[tilespmem:$0xD900] =	vst v63  }
0x22d: {  	_ = 	snop  }
0x22e: {  	[hbm4b:s1+s7] =	stream.strided.scatter [tilespmem:s14], [sflag:$0xB], $0x2000, s2, s7, $0x38;
	[tilespmem:$0xD900] =	vst v63  }
0x22f: {  	_ =	swait.ge [sflag:s17], $0x2000  }
0x230: {  	[sflag:s17] =	ssyncset.done $0x0  }
0x231: {  	[sflag:s17] =	ssyncadd.s32 $0xFFFFE000  }
0x232: {  	_ =	swait.ge [sflag:s18], $0x2000  }
0x233: {  	[sflag:s18] =	ssyncset.done $0x0  }
0x234: {  	[sflag:s18] =	ssyncadd.s32 $0xFFFFE000  }
0x235: {  	_ =	swait.ge [sflag:s19], $0x2000  }
0x236: {  	[sflag:s19] =	ssyncset.done $0x0  }
0x237: {  	[sflag:s19] =	ssyncadd.s32 $0xFFFFE000  }
0x238: {  	_ =	swait.ge [sflag:s20], $0x2000  }
0x239: {  	s0 =	sld [smem:$0x7CF]  }
0x23a: {  	[sflag:s20] =	ssyncset.done $0x0  }
0x23b: {  	s1 =	sld [smem:$0x7D0];
	[sflag:s20] =	ssyncadd.s32 $0xFFFFE000  }
0x23c: {  	[hbm4b:s0+s7] =	stream.strided.scatter [tilespmem:s11], [sflag:$0x9], $0x2000, s2, s7, $0x38;
	[tilespmem:$0xD900] =	vst v63  }
0x23d: {  	_ = 	snop  }
0x23e: {  	[hbm4b:s1+s7] =	stream.strided.scatter [tilespmem:s12], [sflag:$0xC], $0x2000, s2, s7, $0x38;
	[tilespmem:$0xD900] =	vst v63  }
0x23f: {  	_ =	swait.ge [sflag:s16], $0x2000  }
0x240: {  	[sflag:s16] =	ssyncset.done $0x0  }
0x241: {  	[sflag:s16] =	ssyncadd.s32 $0xFFFFE000  }
0x242: {  	_ =	swait.ge [sflag:s15], $0x2000  }
0x243: {  	[sflag:s15] =	ssyncset.done $0x0  }
0x244: {  	[sflag:s15] =	ssyncadd.s32 $0xFFFFE000  }
0x245: {  	_ =	swait.ge [sflag:s10], $0x2000  }
0x246: {  	[sflag:s10] =	ssyncset.done $0x0  }
0x247: {  	[sflag:s10] =	ssyncadd.s32 $0xFFFFE000  }
0x248: {  	_ =	swait.ge [sflag:s6], $0x2000  }
0x249: {  	s0 =	sld [smem:$0x7D1]  }
0x24a: {  	[sflag:s6] =	ssyncset.done $0x0  }
0x24b: {  	s1 =	sld [smem:$0x7D2];
	[sflag:s6] =	ssyncadd.s32 $0xFFFFE000  }
0x24c: {  	[hbm4b:s0+s7] =	stream.strided.scatter [tilespmem:s3], [sflag:$0x7], $0x2000, s2, s7, $0x38;
	[tilespmem:$0xD900] =	vst v63  }
0x24d: {  	p1 =	sne.s32 s23, $0x1  }
0x24e: {  	[hbm4b:s1+s7] =	stream.strided.scatter [tilespmem:s4], [sflag:$0xA], $0x2000, s2, s7, $0x38;
	[tilespmem:$0xD900] =	vst v63  }
.Ltmp1:
0x24f: {  	_ =	swait.ge [sflag:s8], $0x2000;
	(pc) =	sbr.rel @!p1 .LBB2_3-.Ltmp1, $4  }
0x250: {  	[sflag:s8] =	ssyncset.done $0x0  }
0x251: {  	[sflag:s8] =	ssyncadd.s32 $0xFFFFE000  }
0x252: {  	p0 =	por $0x1, $0x1;
	_ =	swait.ge [sflag:s9], $0x2000  }
0x253: {  	s1 =	sadd.s32 $0xFFFFFFFF, s23;
	s0 =	rddreg [dreg:$0x3];
	[sflag:s9] =	ssyncset.done $0x0  }
.LBB2_4:
0x254: {  	[sflag:s9] =	ssyncadd.s32 $0xFFFFE000  }
0x255: {  	[tilespmem:s29], [sflag:$0xD] =	stream.linear.gather [hbm4b:s0+s29], $0xC80, $0x38;
	[tilespmem:$0xD900] =	vst v63  }
0x256: {  	_ =	swait.ge [sflag:s30], $0xC80  }
0x257: {  	[sflag:s30] =	ssyncset.done $0x0  }
0x258: {  	s23 =	rddreg [dreg:$0x4];
	[sflag:s30] =	ssyncadd.s32 $0xFFFFF380  }
0x259: {  	[tilespmem:s31], [sflag:$0xD] =	stream.linear.gather [hbm4b:s23+s29], $0xC80, $0x38;
	[tilespmem:$0xD900] =	vst v63  }
0x25a: {  	_ =	swait.ge [sflag:s30], $0xC80  }
0x25b: {  	[sflag:s30] =	ssyncset.done $0x0  }
0x25c: {  	[sflag:s30] =	ssyncadd.s32 $0xFFFFF380  }
0x25d: {  	[tilespmem:s3], [sflag:$0x1] =	stream.indirect.gather [hbm4b:s5+s2], $0x40, s29, s2, $0xb8;
	[tilespmem:$0xD900] =	vst v63  }
0x25e: {  	_ = 	snop  }
0x25f: {  	[tilespmem:s4], [sflag:$0x4] =	stream.indirect.gather [hbm4b:s5+s2], $0x40, s31, s2, $0xb8;
	[tilespmem:$0xD900] =	vst v63  }
0x260: {  	s0 =	sld [smem:$0x7D3]  }
0x261: {  	[tilespmem:s13], [sflag:$0x2] =	stream.indirect.gather [hbm4b:s5+s2], $0x40, s2, s2, $0xb8;
	[tilespmem:$0xD900] =	vst v63  }
0x262: {  	s23 =	sld [smem:$0x7D4]  }
0x263: {  	[tilespmem:s14], [sflag:$0x5] =	stream.indirect.gather [hbm4b:s5+s2], $0x40, s0, s2, $0xb8;
	[tilespmem:$0xD900] =	vst v63  }
0x264: {  	s0 =	sld [smem:$0x7D5]  }
0x265: {  	[tilespmem:s11], [sflag:$0x3] =	stream.indirect.gather [hbm4b:s5+s2], $0x40, s23, s2, $0xb8;
	[tilespmem:$0xD900] =	vst v63  }
0x266: {  	_ = 	snop  }
0x267: {  	[tilespmem:s12], [sflag:$0x6] =	stream.indirect.gather [hbm4b:s5+s2], $0x40, s0, s2, $0xb8;
	[tilespmem:$0xD900] =	vst v63  }
0x268: {  	_ =	swait.ge [sflag:s10], $0x2000  }
0x269: {  	[sflag:s10] =	ssyncset.done $0x0  }
0x26a: {  	[sflag:s10] =	ssyncadd.s32 $0xFFFFE000  }
0x26b: {  	_ =	swait.ge [sflag:s6], $0x2000  }
0x26c: {  	[sflag:s6] =	ssyncset.done $0x0  }
0x26d: {  	[sflag:s6] =	ssyncadd.s32 $0xFFFFE000  }
0x26e: {  	[hbm4b:s28+s7] =	stream.strided.scatter [tilespmem:s3], [sflag:$0x7], $0x2000, s2, s7, $0x38;
	[tilespmem:$0xD900] =	vst v63  }
0x26f: {  	s23 =	rddreg [dreg:$0x5]  }
0x270: {  	[hbm4b:s23+s7] =	stream.strided.scatter [tilespmem:s4], [sflag:$0xA], $0x2000, s2, s7, $0x38;
	[tilespmem:$0xD900] =	vst v63  }
0x271: {  	_ =	swait.ge [sflag:s8], $0x2000  }
0x272: {  	[sflag:s8] =	ssyncset.done $0x0  }
0x273: {  	[sflag:s8] =	ssyncadd.s32 $0xFFFFE000  }
0x274: {  	_ =	swait.ge [sflag:s9], $0x2000  }
0x275: {  	s0 =	sld [smem:$0x7D6]  }
0x276: {  	[sflag:s9] =	ssyncset.done $0x0  }
0x277: {  	s23 =	sld [smem:$0x7D7];
	[sflag:s9] =	ssyncadd.s32 $0xFFFFE000  }
0x278: {  	[tilespmem:s3], [sflag:$0x1] =	stream.indirect.gather [hbm4b:s5+s2], $0x40, s0, s2, $0xb8;
	[tilespmem:$0xD900] =	vst v63  }
0x279: {  	_ = 	snop  }
0x27a: {  	[tilespmem:s4], [sflag:$0x4] =	stream.indirect.gather [hbm4b:s5+s2], $0x40, s23, s2, $0xb8;
	[tilespmem:$0xD900] =	vst v63  }
0x27b: {  	_ =	swait.ge [sflag:s22], $0x2000  }
0x27c: {  	[sflag:s22] =	ssyncset.done $0x0  }
0x27d: {  	[sflag:s22] =	ssyncadd.s32 $0xFFFFE000  }
0x27e: {  	_ =	swait.ge [sflag:s21], $0x2000  }
0x27f: {  	[sflag:s21] =	ssyncset.done $0x0  }
0x280: {  	s0 =	rddreg [dreg:$0x6];
	[sflag:s21] =	ssyncadd.s32 $0xFFFFE000  }
0x281: {  	[hbm4b:s0+s7] =	stream.strided.scatter [tilespmem:s13], [sflag:$0x8], $0x2000, s2, s7, $0x38;
	[tilespmem:$0xD900] =	vst v63  }
0x282: {  	s23 =	rddreg [dreg:$0x7]  }
0x283: {  	[hbm4b:s23+s7] =	stream.strided.scatter [tilespmem:s14], [sflag:$0xB], $0x2000, s2, s7, $0x38;
	[tilespmem:$0xD900] =	vst v63  }
0x284: {  	_ =	swait.ge [sflag:s17], $0x2000  }
0x285: {  	[sflag:s17] =	ssyncset.done $0x0  }
0x286: {  	[sflag:s17] =	ssyncadd.s32 $0xFFFFE000  }
0x287: {  	_ =	swait.ge [sflag:s18], $0x2000  }
0x288: {  	s0 =	sld [smem:$0x7D8]  }
0x289: {  	[sflag:s18] =	ssyncset.done $0x0  }
0x28a: {  	s23 =	sld [smem:$0x7D9];
	[sflag:s18] =	ssyncadd.s32 $0xFFFFE000  }
0x28b: {  	[tilespmem:s13], [sflag:$0x2] =	stream.indirect.gather [hbm4b:s5+s2], $0x40, s0, s2, $0xb8;
	[tilespmem:$0xD900] =	vst v63  }
0x28c: {  	_ = 	snop  }
0x28d: {  	[tilespmem:s14], [sflag:$0x5] =	stream.indirect.gather [hbm4b:s5+s2], $0x40, s23, s2, $0xb8;
	[tilespmem:$0xD900] =	vst v63  }
0x28e: {  	_ =	swait.ge [sflag:s19], $0x2000  }
0x28f: {  	[sflag:s19] =	ssyncset.done $0x0  }
0x290: {  	[sflag:s19] =	ssyncadd.s32 $0xFFFFE000  }
0x291: {  	_ =	swait.ge [sflag:s20], $0x2000  }
0x292: {  	[sflag:s20] =	ssyncset.done $0x0  }
0x293: {  	s0 =	rddreg [dreg:$0x8];
	[sflag:s20] =	ssyncadd.s32 $0xFFFFE000  }
0x294: {  	[hbm4b:s0+s7] =	stream.strided.scatter [tilespmem:s11], [sflag:$0x9], $0x2000, s2, s7, $0x38;
	[tilespmem:$0xD900] =	vst v63  }
0x295: {  	s23 =	rddreg [dreg:$0x9]  }
0x296: {  	[hbm4b:s23+s7] =	stream.strided.scatter [tilespmem:s12], [sflag:$0xC], $0x2000, s2, s7, $0x38;
	[tilespmem:$0xD900] =	vst v63  }
0x297: {  	_ =	swait.ge [sflag:s16], $0x2000  }
0x298: {  	[sflag:s16] =	ssyncset.done $0x0  }
0x299: {  	[sflag:s16] =	ssyncadd.s32 $0xFFFFE000  }
0x29a: {  	_ =	swait.ge [sflag:s15], $0x2000  }
0x29b: {  	s0 =	sld [smem:$0x7DA]  }
0x29c: {  	[sflag:s15] =	ssyncset.done $0x0  }
0x29d: {  	s23 =	sld [smem:$0x7DB];
	[sflag:s15] =	ssyncadd.s32 $0xFFFFE000  }
0x29e: {  	[tilespmem:s11], [sflag:$0x3] =	stream.indirect.gather [hbm4b:s5+s2], $0x40, s0, s2, $0xb8;
	[tilespmem:$0xD900] =	vst v63  }
0x29f: {  	_ = 	snop  }
0x2a0: {  	[tilespmem:s12], [sflag:$0x6] =	stream.indirect.gather [hbm4b:s5+s2], $0x40, s23, s2, $0xb8;
	[tilespmem:$0xD900] =	vst v63  }
0x2a1: {  	_ =	swait.ge [sflag:s10], $0x2000  }
0x2a2: {  	[sflag:s10] =	ssyncset.done $0x0  }
0x2a3: {  	[sflag:s10] =	ssyncadd.s32 $0xFFFFE000  }
0x2a4: {  	_ =	swait.ge [sflag:s6], $0x2000  }
0x2a5: {  	[sflag:s6] =	ssyncset.done $0x0  }
0x2a6: {  	s0 =	rddreg [dreg:$0xa];
	[sflag:s6] =	ssyncadd.s32 $0xFFFFE000  }
0x2a7: {  	[hbm4b:s0+s7] =	stream.strided.scatter [tilespmem:s3], [sflag:$0x7], $0x2000, s2, s7, $0x38;
	[tilespmem:$0xD900] =	vst v63  }
0x2a8: {  	s23 =	rddreg [dreg:$0xb]  }
0x2a9: {  	[hbm4b:s23+s7] =	stream.strided.scatter [tilespmem:s4], [sflag:$0xA], $0x2000, s2, s7, $0x38;
	[tilespmem:$0xD900] =	vst v63  }
0x2aa: {  	_ =	swait.ge [sflag:s8], $0x2000  }
0x2ab: {  	[sflag:s8] =	ssyncset.done $0x0  }
0x2ac: {  	[sflag:s8] =	ssyncadd.s32 $0xFFFFE000  }
0x2ad: {  	_ =	swait.ge [sflag:s9], $0x2000  }
0x2ae: {  	s0 =	sld [smem:$0x7DC]  }
0x2af: {  	[sflag:s9] =	ssyncset.done $0x0  }
0x2b0: {  	s23 =	sld [smem:$0x7DD];
	[sflag:s9] =	ssyncadd.s32 $0xFFFFE000  }
0x2b1: {  	[tilespmem:s3], [sflag:$0x1] =	stream.indirect.gather [hbm4b:s5+s2], $0x40, s0, s2, $0xb8;
	[tilespmem:$0xD900] =	vst v63  }
0x2b2: {  	_ = 	snop  }
0x2b3: {  	[tilespmem:s4], [sflag:$0x4] =	stream.indirect.gather [hbm4b:s5+s2], $0x40, s23, s2, $0xb8;
	[tilespmem:$0xD900] =	vst v63  }
0x2b4: {  	_ =	swait.ge [sflag:s22], $0x2000  }
0x2b5: {  	[sflag:s22] =	ssyncset.done $0x0  }
0x2b6: {  	[sflag:s22] =	ssyncadd.s32 $0xFFFFE000  }
0x2b7: {  	_ =	swait.ge [sflag:s21], $0x2000  }
0x2b8: {  	[sflag:s21] =	ssyncset.done $0x0  }
0x2b9: {  	s0 =	rddreg [dreg:$0xc];
	[sflag:s21] =	ssyncadd.s32 $0xFFFFE000  }
0x2ba: {  	[hbm4b:s0+s7] =	stream.strided.scatter [tilespmem:s13], [sflag:$0x8], $0x2000, s2, s7, $0x38;
	[tilespmem:$0xD900] =	vst v63  }
0x2bb: {  	s23 =	rddreg [dreg:$0xd]  }
0x2bc: {  	[hbm4b:s23+s7] =	stream.strided.scatter [tilespmem:s14], [sflag:$0xB], $0x2000, s2, s7, $0x38;
	[tilespmem:$0xD900] =	vst v63  }
0x2bd: {  	_ =	swait.ge [sflag:s17], $0x2000  }
0x2be: {  	[sflag:s17] =	ssyncset.done $0x0  }
0x2bf: {  	[sflag:s17] =	ssyncadd.s32 $0xFFFFE000  }
0x2c0: {  	_ =	swait.ge [sflag:s18], $0x2000  }
0x2c1: {  	s0 =	sld [smem:$0x7DE]  }
0x2c2: {  	[sflag:s18] =	ssyncset.done $0x0  }
0x2c3: {  	s23 =	sld [smem:$0x7DF];
	[sflag:s18] =	ssyncadd.s32 $0xFFFFE000  }
0x2c4: {  	[tilespmem:s13], [sflag:$0x2] =	stream.indirect.gather [hbm4b:s5+s2], $0x40, s0, s2, $0xb8;
	[tilespmem:$0xD900] =	vst v63  }
0x2c5: {  	_ = 	snop  }
0x2c6: {  	[tilespmem:s14], [sflag:$0x5] =	stream.indirect.gather [hbm4b:s5+s2], $0x40, s23, s2, $0xb8;
	[tilespmem:$0xD900] =	vst v63  }
0x2c7: {  	_ =	swait.ge [sflag:s19], $0x2000  }
0x2c8: {  	[sflag:s19] =	ssyncset.done $0x0  }
0x2c9: {  	[sflag:s19] =	ssyncadd.s32 $0xFFFFE000  }
0x2ca: {  	_ =	swait.ge [sflag:s20], $0x2000  }
0x2cb: {  	[sflag:s20] =	ssyncset.done $0x0  }
0x2cc: {  	s0 =	rddreg [dreg:$0xe];
	[sflag:s20] =	ssyncadd.s32 $0xFFFFE000  }
0x2cd: {  	[hbm4b:s0+s7] =	stream.strided.scatter [tilespmem:s11], [sflag:$0x9], $0x2000, s2, s7, $0x38;
	[tilespmem:$0xD900] =	vst v63  }
0x2ce: {  	s23 =	rddreg [dreg:$0xf]  }
0x2cf: {  	[hbm4b:s23+s7] =	stream.strided.scatter [tilespmem:s12], [sflag:$0xC], $0x2000, s2, s7, $0x38;
	[tilespmem:$0xD900] =	vst v63  }
0x2d0: {  	_ =	swait.ge [sflag:s16], $0x2000  }
0x2d1: {  	[sflag:s16] =	ssyncset.done $0x0  }
0x2d2: {  	[sflag:s16] =	ssyncadd.s32 $0xFFFFE000  }
0x2d3: {  	_ =	swait.ge [sflag:s15], $0x2000  }
0x2d4: {  	s0 =	sld [smem:$0x7E0]  }
0x2d5: {  	[sflag:s15] =	ssyncset.done $0x0  }
0x2d6: {  	s23 =	sld [smem:$0x7E1];
	[sflag:s15] =	ssyncadd.s32 $0xFFFFE000  }
0x2d7: {  	[tilespmem:s11], [sflag:$0x3] =	stream.indirect.gather [hbm4b:s5+s2], $0x40, s0, s2, $0xb8;
	[tilespmem:$0xD900] =	vst v63  }
0x2d8: {  	_ = 	snop  }
0x2d9: {  	[tilespmem:s12], [sflag:$0x6] =	stream.indirect.gather [hbm4b:s5+s2], $0x40, s23, s2, $0xb8;
	[tilespmem:$0xD900] =	vst v63  }
0x2da: {  	_ =	swait.ge [sflag:s10], $0x2000  }
0x2db: {  	[sflag:s10] =	ssyncset.done $0x0  }
0x2dc: {  	[sflag:s10] =	ssyncadd.s32 $0xFFFFE000  }
0x2dd: {  	_ =	swait.ge [sflag:s6], $0x2000  }
0x2de: {  	[sflag:s6] =	ssyncset.done $0x0  }
0x2df: {  	s0 =	rddreg [dreg:$0x10];
	[sflag:s6] =	ssyncadd.s32 $0xFFFFE000  }
0x2e0: {  	[hbm4b:s0+s7] =	stream.strided.scatter [tilespmem:s3], [sflag:$0x7], $0x2000, s2, s7, $0x38;
	[tilespmem:$0xD900] =	vst v63  }
0x2e1: {  	s23 =	rddreg [dreg:$0x11]  }
0x2e2: {  	[hbm4b:s23+s7] =	stream.strided.scatter [tilespmem:s4], [sflag:$0xA], $0x2000, s2, s7, $0x38;
	[tilespmem:$0xD900] =	vst v63  }
0x2e3: {  	_ =	swait.ge [sflag:s8], $0x2000  }
0x2e4: {  	[sflag:s8] =	ssyncset.done $0x0  }
0x2e5: {  	[sflag:s8] =	ssyncadd.s32 $0xFFFFE000  }
0x2e6: {  	_ =	swait.ge [sflag:s9], $0x2000  }
0x2e7: {  	s0 =	sld [smem:$0x7E2]  }
0x2e8: {  	[sflag:s9] =	ssyncset.done $0x0  }
0x2e9: {  	s23 =	sld [smem:$0x7E3];
	[sflag:s9] =	ssyncadd.s32 $0xFFFFE000  }
0x2ea: {  	[tilespmem:s3], [sflag:$0x1] =	stream.indirect.gather [hbm4b:s5+s2], $0x40, s0, s2, $0xb8;
	[tilespmem:$0xD900] =	vst v63  }
0x2eb: {  	_ = 	snop  }
0x2ec: {  	[tilespmem:s4], [sflag:$0x4] =	stream.indirect.gather [hbm4b:s5+s2], $0x40, s23, s2, $0xb8;
	[tilespmem:$0xD900] =	vst v63  }
0x2ed: {  	_ =	swait.ge [sflag:s22], $0x2000  }
0x2ee: {  	[sflag:s22] =	ssyncset.done $0x0  }
0x2ef: {  	[sflag:s22] =	ssyncadd.s32 $0xFFFFE000  }
0x2f0: {  	_ =	swait.ge [sflag:s21], $0x2000  }
0x2f1: {  	[sflag:s21] =	ssyncset.done $0x0  }
0x2f2: {  	s0 =	rddreg [dreg:$0x12];
	[sflag:s21] =	ssyncadd.s32 $0xFFFFE000  }
0x2f3: {  	[hbm4b:s0+s7] =	stream.strided.scatter [tilespmem:s13], [sflag:$0x8], $0x2000, s2, s7, $0x38;
	[tilespmem:$0xD900] =	vst v63  }
0x2f4: {  	s23 =	rddreg [dreg:$0x13]  }
0x2f5: {  	[hbm4b:s23+s7] =	stream.strided.scatter [tilespmem:s14], [sflag:$0xB], $0x2000, s2, s7, $0x38;
	[tilespmem:$0xD900] =	vst v63  }
0x2f6: {  	_ =	swait.ge [sflag:s17], $0x2000  }
0x2f7: {  	[sflag:s17] =	ssyncset.done $0x0  }
0x2f8: {  	[sflag:s17] =	ssyncadd.s32 $0xFFFFE000  }
0x2f9: {  	_ =	swait.ge [sflag:s18], $0x2000  }
0x2fa: {  	s0 =	sld [smem:$0x7E4]  }
0x2fb: {  	[sflag:s18] =	ssyncset.done $0x0  }
0x2fc: {  	s23 =	sld [smem:$0x7E5];
	[sflag:s18] =	ssyncadd.s32 $0xFFFFE000  }
0x2fd: {  	[tilespmem:s13], [sflag:$0x2] =	stream.indirect.gather [hbm4b:s5+s2], $0x40, s0, s2, $0xb8;
	[tilespmem:$0xD900] =	vst v63  }
0x2fe: {  	_ = 	snop  }
0x2ff: {  	[tilespmem:s14], [sflag:$0x5] =	stream.indirect.gather [hbm4b:s5+s2], $0x40, s23, s2, $0xb8;
	[tilespmem:$0xD900] =	vst v63  }
0x300: {  	_ =	swait.ge [sflag:s19], $0x2000  }
0x301: {  	[sflag:s19] =	ssyncset.done $0x0  }
0x302: {  	[sflag:s19] =	ssyncadd.s32 $0xFFFFE000  }
0x303: {  	_ =	swait.ge [sflag:s20], $0x2000  }
0x304: {  	[sflag:s20] =	ssyncset.done $0x0  }
0x305: {  	s0 =	rddreg [dreg:$0x14];
	[sflag:s20] =	ssyncadd.s32 $0xFFFFE000  }
0x306: {  	[hbm4b:s0+s7] =	stream.strided.scatter [tilespmem:s11], [sflag:$0x9], $0x2000, s2, s7, $0x38;
	[tilespmem:$0xD900] =	vst v63  }
0x307: {  	s23 =	rddreg [dreg:$0x15]  }
0x308: {  	[hbm4b:s23+s7] =	stream.strided.scatter [tilespmem:s12], [sflag:$0xC], $0x2000, s2, s7, $0x38;
	[tilespmem:$0xD900] =	vst v63  }
0x309: {  	_ =	swait.ge [sflag:s16], $0x2000  }
0x30a: {  	[sflag:s16] =	ssyncset.done $0x0  }
0x30b: {  	[sflag:s16] =	ssyncadd.s32 $0xFFFFE000  }
0x30c: {  	_ =	swait.ge [sflag:s15], $0x2000  }
0x30d: {  	s0 =	sld [smem:$0x7E6]  }
0x30e: {  	[sflag:s15] =	ssyncset.done $0x0  }
0x30f: {  	s23 =	sld [smem:$0x7E7];
	[sflag:s15] =	ssyncadd.s32 $0xFFFFE000  }
0x310: {  	[tilespmem:s11], [sflag:$0x3] =	stream.indirect.gather [hbm4b:s5+s2], $0x40, s0, s2, $0xb8;
	[tilespmem:$0xD900] =	vst v63  }
0x311: {  	_ = 	snop  }
0x312: {  	[tilespmem:s12], [sflag:$0x6] =	stream.indirect.gather [hbm4b:s5+s2], $0x40, s23, s2, $0xb8;
	[tilespmem:$0xD900] =	vst v63  }
0x313: {  	_ =	swait.ge [sflag:s10], $0x2000  }
0x314: {  	[sflag:s10] =	ssyncset.done $0x0  }
0x315: {  	[sflag:s10] =	ssyncadd.s32 $0xFFFFE000  }
0x316: {  	_ =	swait.ge [sflag:s6], $0x2000  }
0x317: {  	[sflag:s6] =	ssyncset.done $0x0  }
0x318: {  	s0 =	rddreg [dreg:$0x16];
	[sflag:s6] =	ssyncadd.s32 $0xFFFFE000  }
0x319: {  	[hbm4b:s0+s7] =	stream.strided.scatter [tilespmem:s3], [sflag:$0x7], $0x2000, s2, s7, $0x38;
	[tilespmem:$0xD900] =	vst v63  }
0x31a: {  	s23 =	rddreg [dreg:$0x17]  }
0x31b: {  	[hbm4b:s23+s7] =	stream.strided.scatter [tilespmem:s4], [sflag:$0xA], $0x2000, s2, s7, $0x38;
	[tilespmem:$0xD900] =	vst v63  }
0x31c: {  	_ =	swait.ge [sflag:s8], $0x2000  }
0x31d: {  	[sflag:s8] =	ssyncset.done $0x0  }
0x31e: {  	[sflag:s8] =	ssyncadd.s32 $0xFFFFE000  }
0x31f: {  	_ =	swait.ge [sflag:s9], $0x2000  }
0x320: {  	s0 =	sld [smem:$0x7E8]  }
0x321: {  	[sflag:s9] =	ssyncset.done $0x0  }
0x322: {  	s23 =	sld [smem:$0x7E9];
	[sflag:s9] =	ssyncadd.s32 $0xFFFFE000  }
0x323: {  	[tilespmem:s3], [sflag:$0x1] =	stream.indirect.gather [hbm4b:s5+s2], $0x40, s0, s2, $0xb8;
	[tilespmem:$0xD900] =	vst v63  }
0x324: {  	_ = 	snop  }
0x325: {  	[tilespmem:s4], [sflag:$0x4] =	stream.indirect.gather [hbm4b:s5+s2], $0x40, s23, s2, $0xb8;
	[tilespmem:$0xD900] =	vst v63  }
0x326: {  	_ =	swait.ge [sflag:s22], $0x2000  }
0x327: {  	[sflag:s22] =	ssyncset.done $0x0  }
0x328: {  	[sflag:s22] =	ssyncadd.s32 $0xFFFFE000  }
0x329: {  	_ =	swait.ge [sflag:s21], $0x2000  }
0x32a: {  	[sflag:s21] =	ssyncset.done $0x0  }
0x32b: {  	s0 =	rddreg [dreg:$0x18];
	[sflag:s21] =	ssyncadd.s32 $0xFFFFE000  }
0x32c: {  	[hbm4b:s0+s7] =	stream.strided.scatter [tilespmem:s13], [sflag:$0x8], $0x2000, s2, s7, $0x38;
	[tilespmem:$0xD900] =	vst v63  }
0x32d: {  	s23 =	rddreg [dreg:$0x19]  }
0x32e: {  	[hbm4b:s23+s7] =	stream.strided.scatter [tilespmem:s14], [sflag:$0xB], $0x2000, s2, s7, $0x38;
	[tilespmem:$0xD900] =	vst v63  }
0x32f: {  	_ =	swait.ge [sflag:s17], $0x2000  }
0x330: {  	[sflag:s17] =	ssyncset.done $0x0  }
0x331: {  	[sflag:s17] =	ssyncadd.s32 $0xFFFFE000  }
0x332: {  	_ =	swait.ge [sflag:s18], $0x2000  }
0x333: {  	s0 =	sld [smem:$0x7EA]  }
0x334: {  	[sflag:s18] =	ssyncset.done $0x0  }
0x335: {  	s23 =	sld [smem:$0x7EB];
	[sflag:s18] =	ssyncadd.s32 $0xFFFFE000  }
0x336: {  	[tilespmem:s13], [sflag:$0x2] =	stream.indirect.gather [hbm4b:s5+s2], $0x40, s0, s2, $0xb8;
	[tilespmem:$0xD900] =	vst v63  }
0x337: {  	_ = 	snop  }
0x338: {  	[tilespmem:s14], [sflag:$0x5] =	stream.indirect.gather [hbm4b:s5+s2], $0x40, s23, s2, $0xb8;
	[tilespmem:$0xD900] =	vst v63  }
0x339: {  	_ =	swait.ge [sflag:s19], $0x2000  }
0x33a: {  	[sflag:s19] =	ssyncset.done $0x0  }
0x33b: {  	[sflag:s19] =	ssyncadd.s32 $0xFFFFE000  }
0x33c: {  	_ =	swait.ge [sflag:s20], $0x2000  }
0x33d: {  	[sflag:s20] =	ssyncset.done $0x0  }
0x33e: {  	s0 =	rddreg [dreg:$0x1a];
	[sflag:s20] =	ssyncadd.s32 $0xFFFFE000  }
0x33f: {  	[hbm4b:s0+s7] =	stream.strided.scatter [tilespmem:s11], [sflag:$0x9], $0x2000, s2, s7, $0x38;
	[tilespmem:$0xD900] =	vst v63  }
0x340: {  	s23 =	rddreg [dreg:$0x1b]  }
0x341: {  	[hbm4b:s23+s7] =	stream.strided.scatter [tilespmem:s12], [sflag:$0xC], $0x2000, s2, s7, $0x38;
	[tilespmem:$0xD900] =	vst v63  }
0x342: {  	_ =	swait.ge [sflag:s16], $0x2000  }
0x343: {  	[sflag:s16] =	ssyncset.done $0x0  }
0x344: {  	[sflag:s16] =	ssyncadd.s32 $0xFFFFE000  }
0x345: {  	_ =	swait.ge [sflag:s15], $0x2000  }
0x346: {  	s0 =	sld [smem:$0x7EC]  }
0x347: {  	[sflag:s15] =	ssyncset.done $0x0  }
0x348: {  	s23 =	sld [smem:$0x7ED];
	[sflag:s15] =	ssyncadd.s32 $0xFFFFE000  }
0x349: {  	[tilespmem:s11], [sflag:$0x3] =	stream.indirect.gather [hbm4b:s5+s2], $0x40, s0, s2, $0xb8;
	[tilespmem:$0xD900] =	vst v63  }
0x34a: {  	_ = 	snop  }
0x34b: {  	[tilespmem:s12], [sflag:$0x6] =	stream.indirect.gather [hbm4b:s5+s2], $0x40, s23, s2, $0xb8;
	[tilespmem:$0xD900] =	vst v63  }
0x34c: {  	_ =	swait.ge [sflag:s10], $0x2000  }
0x34d: {  	[sflag:s10] =	ssyncset.done $0x0  }
0x34e: {  	[sflag:s10] =	ssyncadd.s32 $0xFFFFE000  }
0x34f: {  	_ =	swait.ge [sflag:s6], $0x2000  }
0x350: {  	[sflag:s6] =	ssyncset.done $0x0  }
0x351: {  	s0 =	rddreg [dreg:$0x1c];
	[sflag:s6] =	ssyncadd.s32 $0xFFFFE000  }
0x352: {  	[hbm4b:s0+s7] =	stream.strided.scatter [tilespmem:s3], [sflag:$0x7], $0x2000, s2, s7, $0x38;
	[tilespmem:$0xD900] =	vst v63  }
0x353: {  	s23 =	rddreg [dreg:$0x1d]  }
0x354: {  	[hbm4b:s23+s7] =	stream.strided.scatter [tilespmem:s4], [sflag:$0xA], $0x2000, s2, s7, $0x38;
	[tilespmem:$0xD900] =	vst v63  }
0x355: {  	_ =	swait.ge [sflag:s8], $0x2000  }
0x356: {  	[sflag:s8] =	ssyncset.done $0x0  }
0x357: {  	[sflag:s8] =	ssyncadd.s32 $0xFFFFE000  }
0x358: {  	_ =	swait.ge [sflag:s9], $0x2000  }
0x359: {  	s0 =	sld [smem:$0x7EE]  }
0x35a: {  	[sflag:s9] =	ssyncset.done $0x0  }
0x35b: {  	s23 =	sld [smem:$0x7EF];
	[sflag:s9] =	ssyncadd.s32 $0xFFFFE000  }
0x35c: {  	[tilespmem:s3], [sflag:$0x1] =	stream.indirect.gather [hbm4b:s5+s2], $0x40, s0, s2, $0xb8;
	[tilespmem:$0xD900] =	vst v63  }
0x35d: {  	_ = 	snop  }
0x35e: {  	[tilespmem:s4], [sflag:$0x4] =	stream.indirect.gather [hbm4b:s5+s2], $0x40, s23, s2, $0xb8;
	[tilespmem:$0xD900] =	vst v63  }
0x35f: {  	_ =	swait.ge [sflag:s22], $0x2000  }
0x360: {  	[sflag:s22] =	ssyncset.done $0x0  }
0x361: {  	[sflag:s22] =	ssyncadd.s32 $0xFFFFE000  }
0x362: {  	_ =	swait.ge [sflag:s21], $0x2000  }
0x363: {  	[sflag:s21] =	ssyncset.done $0x0  }
0x364: {  	s0 =	rddreg [dreg:$0x1e];
	[sflag:s21] =	ssyncadd.s32 $0xFFFFE000  }
0x365: {  	[hbm4b:s0+s7] =	stream.strided.scatter [tilespmem:s13], [sflag:$0x8], $0x2000, s2, s7, $0x38;
	[tilespmem:$0xD900] =	vst v63  }
0x366: {  	s23 =	rddreg [dreg:$0x1f]  }
0x367: {  	[hbm4b:s23+s7] =	stream.strided.scatter [tilespmem:s14], [sflag:$0xB], $0x2000, s2, s7, $0x38;
	[tilespmem:$0xD900] =	vst v63  }
0x368: {  	_ =	swait.ge [sflag:s17], $0x2000  }
0x369: {  	[sflag:s17] =	ssyncset.done $0x0  }
0x36a: {  	[sflag:s17] =	ssyncadd.s32 $0xFFFFE000  }
0x36b: {  	_ =	swait.ge [sflag:s18], $0x2000  }
0x36c: {  	s0 =	sld [smem:$0x7F0]  }
0x36d: {  	[sflag:s18] =	ssyncset.done $0x0  }
0x36e: {  	s23 =	sld [smem:$0x7F1];
	[sflag:s18] =	ssyncadd.s32 $0xFFFFE000  }
0x36f: {  	[tilespmem:s13], [sflag:$0x2] =	stream.indirect.gather [hbm4b:s5+s2], $0x40, s0, s2, $0xb8;
	[tilespmem:$0xD900] =	vst v63  }
0x370: {  	_ = 	snop  }
0x371: {  	[tilespmem:s14], [sflag:$0x5] =	stream.indirect.gather [hbm4b:s5+s2], $0x40, s23, s2, $0xb8;
	[tilespmem:$0xD900] =	vst v63  }
0x372: {  	_ =	swait.ge [sflag:s19], $0x2000  }
0x373: {  	[sflag:s19] =	ssyncset.done $0x0  }
0x374: {  	[sflag:s19] =	ssyncadd.s32 $0xFFFFE000  }
0x375: {  	_ =	swait.ge [sflag:s20], $0x2000  }
0x376: {  	s0 =	sld [smem:$0x7BD]  }
0x377: {  	[sflag:s20] =	ssyncset.done $0x0  }
0x378: {  	s23 =	sld [smem:$0x7BE];
	[sflag:s20] =	ssyncadd.s32 $0xFFFFE000  }
0x379: {  	[hbm4b:s0+s7] =	stream.strided.scatter [tilespmem:s11], [sflag:$0x9], $0x2000, s2, s7, $0x38;
	[tilespmem:$0xD900] =	vst v63  }
0x37a: {  	_ = 	snop  }
0x37b: {  	[hbm4b:s23+s7] =	stream.strided.scatter [tilespmem:s12], [sflag:$0xC], $0x2000, s2, s7, $0x38;
	[tilespmem:$0xD900] =	vst v63  }
0x37c: {  	_ =	swait.ge [sflag:s16], $0x2000  }
0x37d: {  	[sflag:s16] =	ssyncset.done $0x0  }
0x37e: {  	[sflag:s16] =	ssyncadd.s32 $0xFFFFE000  }
0x37f: {  	_ =	swait.ge [sflag:s15], $0x2000  }
0x380: {  	s0 =	sld [smem:$0x7F2]  }
0x381: {  	[sflag:s15] =	ssyncset.done $0x0  }
0x382: {  	s23 =	sld [smem:$0x7F3];
	[sflag:s15] =	ssyncadd.s32 $0xFFFFE000  }
0x383: {  	[tilespmem:s11], [sflag:$0x3] =	stream.indirect.gather [hbm4b:s5+s2], $0x40, s0, s2, $0xb8;
	[tilespmem:$0xD900] =	vst v63  }
0x384: {  	_ = 	snop  }
0x385: {  	[tilespmem:s12], [sflag:$0x6] =	stream.indirect.gather [hbm4b:s5+s2], $0x40, s23, s2, $0xb8;
	[tilespmem:$0xD900] =	vst v63  }
0x386: {  	_ =	swait.ge [sflag:s10], $0x2000  }
0x387: {  	[sflag:s10] =	ssyncset.done $0x0  }
0x388: {  	[sflag:s10] =	ssyncadd.s32 $0xFFFFE000  }
0x389: {  	_ =	swait.ge [sflag:s6], $0x2000  }
0x38a: {  	s0 =	sld [smem:$0x7BF]  }
0x38b: {  	[sflag:s6] =	ssyncset.done $0x0  }
0x38c: {  	s23 =	sld [smem:$0x7C0];
	[sflag:s6] =	ssyncadd.s32 $0xFFFFE000  }
0x38d: {  	[hbm4b:s0+s7] =	stream.strided.scatter [tilespmem:s3], [sflag:$0x7], $0x2000, s2, s7, $0x38;
	[tilespmem:$0xD900] =	vst v63  }
0x38e: {  	_ = 	snop  }
0x38f: {  	[hbm4b:s23+s7] =	stream.strided.scatter [tilespmem:s4], [sflag:$0xA], $0x2000, s2, s7, $0x38;
	[tilespmem:$0xD900] =	vst v63  }
0x390: {  	_ =	swait.ge [sflag:s8], $0x2000  }
0x391: {  	[sflag:s8] =	ssyncset.done $0x0  }
0x392: {  	[sflag:s8] =	ssyncadd.s32 $0xFFFFE000  }
0x393: {  	_ =	swait.ge [sflag:s9], $0x2000  }
0x394: {  	s0 =	sld [smem:$0x7F4]  }
0x395: {  	[sflag:s9] =	ssyncset.done $0x0  }
0x396: {  	s23 =	sld [smem:$0x7F5];
	[sflag:s9] =	ssyncadd.s32 $0xFFFFE000  }
0x397: {  	[tilespmem:s3], [sflag:$0x1] =	stream.indirect.gather [hbm4b:s5+s2], $0x40, s0, s2, $0xb8;
	[tilespmem:$0xD900] =	vst v63  }
0x398: {  	_ = 	snop  }
0x399: {  	[tilespmem:s4], [sflag:$0x4] =	stream.indirect.gather [hbm4b:s5+s2], $0x40, s23, s2, $0xb8;
	[tilespmem:$0xD900] =	vst v63  }
0x39a: {  	_ =	swait.ge [sflag:s22], $0x2000  }
0x39b: {  	[sflag:s22] =	ssyncset.done $0x0  }
0x39c: {  	[sflag:s22] =	ssyncadd.s32 $0xFFFFE000  }
0x39d: {  	_ =	swait.ge [sflag:s21], $0x2000  }
0x39e: {  	s0 =	sld [smem:$0x7C1]  }
0x39f: {  	[sflag:s21] =	ssyncset.done $0x0  }
0x3a0: {  	s23 =	sld [smem:$0x7C2];
	[sflag:s21] =	ssyncadd.s32 $0xFFFFE000  }
0x3a1: {  	[hbm4b:s0+s7] =	stream.strided.scatter [tilespmem:s13], [sflag:$0x8], $0x2000, s2, s7, $0x38;
	[tilespmem:$0xD900] =	vst v63  }
0x3a2: {  	_ = 	snop  }
0x3a3: {  	[hbm4b:s23+s7] =	stream.strided.scatter [tilespmem:s14], [sflag:$0xB], $0x2000, s2, s7, $0x38;
	[tilespmem:$0xD900] =	vst v63  }
0x3a4: {  	_ =	swait.ge [sflag:s17], $0x2000  }
0x3a5: {  	[sflag:s17] =	ssyncset.done $0x0  }
0x3a6: {  	[sflag:s17] =	ssyncadd.s32 $0xFFFFE000  }
0x3a7: {  	_ =	swait.ge [sflag:s18], $0x2000  }
0x3a8: {  	s0 =	sld [smem:$0x7F6]  }
0x3a9: {  	[sflag:s18] =	ssyncset.done $0x0  }
0x3aa: {  	s23 =	sld [smem:$0x7F7];
	[sflag:s18] =	ssyncadd.s32 $0xFFFFE000  }
0x3ab: {  	[tilespmem:s13], [sflag:$0x2] =	stream.indirect.gather [hbm4b:s5+s2], $0x40, s0, s2, $0xb8;
	[tilespmem:$0xD900] =	vst v63  }
0x3ac: {  	_ = 	snop  }
0x3ad: {  	[tilespmem:s14], [sflag:$0x5] =	stream.indirect.gather [hbm4b:s5+s2], $0x40, s23, s2, $0xb8;
	[tilespmem:$0xD900] =	vst v63  }
0x3ae: {  	_ =	swait.ge [sflag:s19], $0x2000  }
0x3af: {  	[sflag:s19] =	ssyncset.done $0x0  }
0x3b0: {  	[sflag:s19] =	ssyncadd.s32 $0xFFFFE000  }
0x3b1: {  	_ =	swait.ge [sflag:s20], $0x2000  }
0x3b2: {  	s0 =	sld [smem:$0x7C3]  }
0x3b3: {  	[sflag:s20] =	ssyncset.done $0x0  }
0x3b4: {  	s23 =	sld [smem:$0x7C4];
	[sflag:s20] =	ssyncadd.s32 $0xFFFFE000  }
0x3b5: {  	[hbm4b:s0+s7] =	stream.strided.scatter [tilespmem:s11], [sflag:$0x9], $0x2000, s2, s7, $0x38;
	[tilespmem:$0xD900] =	vst v63  }
0x3b6: {  	_ = 	snop  }
0x3b7: {  	[hbm4b:s23+s7] =	stream.strided.scatter [tilespmem:s12], [sflag:$0xC], $0x2000, s2, s7, $0x38;
	[tilespmem:$0xD900] =	vst v63  }
0x3b8: {  	_ =	swait.ge [sflag:s16], $0x2000  }
0x3b9: {  	[sflag:s16] =	ssyncset.done $0x0  }
0x3ba: {  	[sflag:s16] =	ssyncadd.s32 $0xFFFFE000  }
0x3bb: {  	_ =	swait.ge [sflag:s15], $0x2000  }
0x3bc: {  	s0 =	sld [smem:$0x7F8]  }
0x3bd: {  	[sflag:s15] =	ssyncset.done $0x0  }
0x3be: {  	s23 =	sld [smem:$0x7F9];
	[sflag:s15] =	ssyncadd.s32 $0xFFFFE000  }
0x3bf: {  	[tilespmem:s11], [sflag:$0x3] =	stream.indirect.gather [hbm4b:s5+s2], $0x40, s0, s2, $0xb8;
	[tilespmem:$0xD900] =	vst v63  }
0x3c0: {  	_ = 	snop  }
0x3c1: {  	[tilespmem:s12], [sflag:$0x6] =	stream.indirect.gather [hbm4b:s5+s2], $0x40, s23, s2, $0xb8;
	[tilespmem:$0xD900] =	vst v63  }
0x3c2: {  	_ =	swait.ge [sflag:s10], $0x2000  }
0x3c3: {  	[sflag:s10] =	ssyncset.done $0x0  }
0x3c4: {  	[sflag:s10] =	ssyncadd.s32 $0xFFFFE000  }
0x3c5: {  	_ =	swait.ge [sflag:s6], $0x2000  }
0x3c6: {  	s0 =	sld [smem:$0x7C5]  }
0x3c7: {  	[sflag:s6] =	ssyncset.done $0x0  }
0x3c8: {  	s23 =	sld [smem:$0x7C6];
	[sflag:s6] =	ssyncadd.s32 $0xFFFFE000  }
0x3c9: {  	[hbm4b:s0+s7] =	stream.strided.scatter [tilespmem:s3], [sflag:$0x7], $0x2000, s2, s7, $0x38;
	[tilespmem:$0xD900] =	vst v63  }
0x3ca: {  	_ = 	snop  }
0x3cb: {  	[hbm4b:s23+s7] =	stream.strided.scatter [tilespmem:s4], [sflag:$0xA], $0x2000, s2, s7, $0x38;
	[tilespmem:$0xD900] =	vst v63  }
0x3cc: {  	_ =	swait.ge [sflag:s8], $0x2000  }
0x3cd: {  	[sflag:s8] =	ssyncset.done $0x0  }
0x3ce: {  	[sflag:s8] =	ssyncadd.s32 $0xFFFFE000  }
0x3cf: {  	_ =	swait.ge [sflag:s9], $0x2000  }
0x3d0: {  	s0 =	sld [smem:$0x7FA]  }
0x3d1: {  	[sflag:s9] =	ssyncset.done $0x0  }
0x3d2: {  	s23 =	sld [smem:$0x7FB];
	[sflag:s9] =	ssyncadd.s32 $0xFFFFE000  }
0x3d3: {  	[tilespmem:s3], [sflag:$0x1] =	stream.indirect.gather [hbm4b:s5+s2], $0x40, s0, s2, $0xb8;
	[tilespmem:$0xD900] =	vst v63  }
0x3d4: {  	_ = 	snop  }
0x3d5: {  	[tilespmem:s4], [sflag:$0x4] =	stream.indirect.gather [hbm4b:s5+s2], $0x40, s23, s2, $0xb8;
	[tilespmem:$0xD900] =	vst v63  }
0x3d6: {  	_ =	swait.ge [sflag:s22], $0x2000  }
0x3d7: {  	[sflag:s22] =	ssyncset.done $0x0  }
0x3d8: {  	[sflag:s22] =	ssyncadd.s32 $0xFFFFE000  }
0x3d9: {  	_ =	swait.ge [sflag:s21], $0x2000  }
0x3da: {  	s0 =	sld [smem:$0x7C7]  }
0x3db: {  	[sflag:s21] =	ssyncset.done $0x0  }
0x3dc: {  	s23 =	sld [smem:$0x7C8];
	[sflag:s21] =	ssyncadd.s32 $0xFFFFE000  }
0x3dd: {  	[hbm4b:s0+s7] =	stream.strided.scatter [tilespmem:s13], [sflag:$0x8], $0x2000, s2, s7, $0x38;
	[tilespmem:$0xD900] =	vst v63  }
0x3de: {  	_ = 	snop  }
0x3df: {  	[hbm4b:s23+s7] =	stream.strided.scatter [tilespmem:s14], [sflag:$0xB], $0x2000, s2, s7, $0x38;
	[tilespmem:$0xD900] =	vst v63  }
0x3e0: {  	_ =	swait.ge [sflag:s17], $0x2000  }
0x3e1: {  	[sflag:s17] =	ssyncset.done $0x0  }
0x3e2: {  	[sflag:s17] =	ssyncadd.s32 $0xFFFFE000  }
0x3e3: {  	_ =	swait.ge [sflag:s18], $0x2000  }
0x3e4: {  	s0 =	sld [smem:$0x7FC]  }
0x3e5: {  	[sflag:s18] =	ssyncset.done $0x0  }
0x3e6: {  	s23 =	sld [smem:$0x7FD];
	[sflag:s18] =	ssyncadd.s32 $0xFFFFE000  }
0x3e7: {  	[tilespmem:s13], [sflag:$0x2] =	stream.indirect.gather [hbm4b:s5+s2], $0x40, s0, s2, $0xb8;
	[tilespmem:$0xD900] =	vst v63  }
0x3e8: {  	_ = 	snop  }
0x3e9: {  	[tilespmem:s14], [sflag:$0x5] =	stream.indirect.gather [hbm4b:s5+s2], $0x40, s23, s2, $0xb8;
	[tilespmem:$0xD900] =	vst v63  }
0x3ea: {  	_ =	swait.ge [sflag:s19], $0x2000  }
0x3eb: {  	[sflag:s19] =	ssyncset.done $0x0  }
0x3ec: {  	[sflag:s19] =	ssyncadd.s32 $0xFFFFE000  }
0x3ed: {  	_ =	swait.ge [sflag:s20], $0x2000  }
0x3ee: {  	s0 =	sld [smem:$0x7C9]  }
0x3ef: {  	[sflag:s20] =	ssyncset.done $0x0  }
0x3f0: {  	s23 =	sld [smem:$0x7CA];
	[sflag:s20] =	ssyncadd.s32 $0xFFFFE000  }
0x3f1: {  	[hbm4b:s0+s7] =	stream.strided.scatter [tilespmem:s11], [sflag:$0x9], $0x2000, s2, s7, $0x38;
	[tilespmem:$0xD900] =	vst v63  }
0x3f2: {  	_ = 	snop  }
0x3f3: {  	[hbm4b:s23+s7] =	stream.strided.scatter [tilespmem:s12], [sflag:$0xC], $0x2000, s2, s7, $0x38;
	[tilespmem:$0xD900] =	vst v63  }
0x3f4: {  	_ =	swait.ge [sflag:s16], $0x2000  }
0x3f5: {  	[sflag:s16] =	ssyncset.done $0x0  }
0x3f6: {  	[sflag:s16] =	ssyncadd.s32 $0xFFFFE000  }
0x3f7: {  	_ =	swait.ge [sflag:s15], $0x2000  }
0x3f8: {  	[sflag:s15] =	ssyncset.done $0x0  }
0x3f9: {  	s23 =	simm.s32 $0xB80;
	[sflag:s15] =	ssyncadd.s32 $0xFFFFE000  }
0x3fa: {  	[tilespmem:s11], [sflag:$0x3] =	stream.indirect.gather [hbm4b:s5+s2], $0x40, s23, s2, $0xb8;
	[tilespmem:$0xD900] =	vst v63  }
0x3fb: {  	_ = 	snop  }
0x3fc: {  	[tilespmem:s12], [sflag:$0x6] =	stream.indirect.gather [hbm4b:s5+s2], $0x40, s26, s2, $0xb8;
	[tilespmem:$0xD900] =	vst v63  }
0x3fd: {  	_ =	swait.ge [sflag:s10], $0x2000  }
0x3fe: {  	[sflag:s10] =	ssyncset.done $0x0  }
0x3ff: {  	[sflag:s10] =	ssyncadd.s32 $0xFFFFE000  }
0x400: {  	_ =	swait.ge [sflag:s6], $0x2000  }
0x401: {  	s0 =	sld [smem:$0x7CB]  }
0x402: {  	[sflag:s6] =	ssyncset.done $0x0  }
0x403: {  	s23 =	sld [smem:$0x7CC];
	[sflag:s6] =	ssyncadd.s32 $0xFFFFE000  }
0x404: {  	[hbm4b:s0+s7] =	stream.strided.scatter [tilespmem:s3], [sflag:$0x7], $0x2000, s2, s7, $0x38;
	[tilespmem:$0xD900] =	vst v63  }
0x405: {  	_ = 	snop  }
0x406: {  	[hbm4b:s23+s7] =	stream.strided.scatter [tilespmem:s4], [sflag:$0xA], $0x2000, s2, s7, $0x38;
	[tilespmem:$0xD900] =	vst v63  }
0x407: {  	_ =	swait.ge [sflag:s8], $0x2000  }
0x408: {  	[sflag:s8] =	ssyncset.done $0x0  }
0x409: {  	[sflag:s8] =	ssyncadd.s32 $0xFFFFE000  }
0x40a: {  	_ =	swait.ge [sflag:s9], $0x2000  }
0x40b: {  	[sflag:s9] =	ssyncset.done $0x0  }
0x40c: {  	[sflag:s9] =	ssyncadd.s32 $0xFFFFE000  }
0x40d: {  	[tilespmem:s3], [sflag:$0x1] =	stream.indirect.gather [hbm4b:s5+s2], $0x40, s24, s2, $0xb8;
	[tilespmem:$0xD900] =	vst v63  }
0x40e: {  	_ = 	snop  }
0x40f: {  	[tilespmem:s4], [sflag:$0x4] =	stream.indirect.gather [hbm4b:s5+s2], $0x40, s25, s2, $0xb8;
	[tilespmem:$0xD900] =	vst v63  }
0x410: {  	_ =	swait.ge [sflag:s22], $0x2000  }
0x411: {  	[sflag:s22] =	ssyncset.done $0x0  }
0x412: {  	[sflag:s22] =	ssyncadd.s32 $0xFFFFE000  }
0x413: {  	_ =	swait.ge [sflag:s21], $0x2000  }
0x414: {  	s0 =	sld [smem:$0x7CD]  }
0x415: {  	[sflag:s21] =	ssyncset.done $0x0  }
0x416: {  	s23 =	sld [smem:$0x7CE];
	[sflag:s21] =	ssyncadd.s32 $0xFFFFE000  }
0x417: {  	[hbm4b:s0+s7] =	stream.strided.scatter [tilespmem:s13], [sflag:$0x8], $0x2000, s2, s7, $0x38;
	[tilespmem:$0xD900] =	vst v63  }
0x418: {  	_ = 	snop  }
0x419: {  	[hbm4b:s23+s7] =	stream.strided.scatter [tilespmem:s14], [sflag:$0xB], $0x2000, s2, s7, $0x38;
	[tilespmem:$0xD900] =	vst v63  }
0x41a: {  	_ =	swait.ge [sflag:s17], $0x2000  }
0x41b: {  	[sflag:s17] =	ssyncset.done $0x0  }
0x41c: {  	[sflag:s17] =	ssyncadd.s32 $0xFFFFE000  }
0x41d: {  	_ =	swait.ge [sflag:s18], $0x2000  }
0x41e: {  	[sflag:s18] =	ssyncset.done $0x0  }
0x41f: {  	[sflag:s18] =	ssyncadd.s32 $0xFFFFE000  }
0x420: {  	_ =	swait.ge [sflag:s19], $0x2000  }
0x421: {  	[sflag:s19] =	ssyncset.done $0x0  }
0x422: {  	[sflag:s19] =	ssyncadd.s32 $0xFFFFE000  }
0x423: {  	_ =	swait.ge [sflag:s20], $0x2000  }
0x424: {  	s0 =	sld [smem:$0x7CF]  }
0x425: {  	[sflag:s20] =	ssyncset.done $0x0  }
0x426: {  	s23 =	sld [smem:$0x7D0];
	[sflag:s20] =	ssyncadd.s32 $0xFFFFE000  }
0x427: {  	[hbm4b:s0+s7] =	stream.strided.scatter [tilespmem:s11], [sflag:$0x9], $0x2000, s2, s7, $0x38;
	[tilespmem:$0xD900] =	vst v63  }
0x428: {  	_ = 	snop  }
0x429: {  	[hbm4b:s23+s7] =	stream.strided.scatter [tilespmem:s12], [sflag:$0xC], $0x2000, s2, s7, $0x38;
	[tilespmem:$0xD900] =	vst v63  }
0x42a: {  	_ =	swait.ge [sflag:s16], $0x2000  }
0x42b: {  	[sflag:s16] =	ssyncset.done $0x0  }
0x42c: {  	[sflag:s16] =	ssyncadd.s32 $0xFFFFE000  }
0x42d: {  	_ =	swait.ge [sflag:s15], $0x2000  }
0x42e: {  	[sflag:s15] =	ssyncset.done $0x0  }
0x42f: {  	[sflag:s15] =	ssyncadd.s32 $0xFFFFE000  }
0x430: {  	_ =	swait.ge [sflag:s10], $0x2000  }
0x431: {  	[sflag:s10] =	ssyncset.done $0x0  }
0x432: {  	[sflag:s10] =	ssyncadd.s32 $0xFFFFE000  }
0x433: {  	_ =	swait.ge [sflag:s6], $0x2000  }
0x434: {  	s0 =	sld [smem:$0x7D1]  }
0x435: {  	[sflag:s6] =	ssyncset.done $0x0  }
0x436: {  	s23 =	sld [smem:$0x7D2];
	[sflag:s6] =	ssyncadd.s32 $0xFFFFE000  }
0x437: {  	[hbm4b:s0+s7] =	stream.strided.scatter [tilespmem:s3], [sflag:$0x7], $0x2000, s2, s7, $0x38;
	[tilespmem:$0xD900] =	vst v63  }
0x438: {  	p1 =	sne.s32 s1, $0x1  }
0x439: {  	[hbm4b:s23+s7] =	stream.strided.scatter [tilespmem:s4], [sflag:$0xA], $0x2000, s2, s7, $0x38;
	[tilespmem:$0xD900] =	vst v63  }
.Ltmp2:
0x43a: {  	_ =	swait.ge [sflag:s8], $0x2000;
	(pc) =	sbr.rel @p1 .LBB2_4-.Ltmp2, $4  }
0x43b: {  	[sflag:s8] =	ssyncset.done $0x0  }
0x43c: {  	[sflag:s8] =	ssyncadd.s32 $0xFFFFE000  }
0x43d: {  	_ =	swait.ge [sflag:s9], $0x2000  }
0x43e: {  	s1 =	sadd.s32 $0xFFFFFFFF, s1;
	s0 =	rddreg [dreg:$0x3];
	[sflag:s9] =	ssyncset.done $0x0  }
0x43f: {  	s25 =	simm.s32 $0x1800  }
0x440: {  	s26 =	simm.s32 $0xB80;
	s24 =	simm.s32 $0xC00;
	s23 =	stileid.u32  }
.LBB2_6:
0x441: {  	[sflag:s9] =	ssyncadd.s32 @p0 $0xFFFFE000  }
0x442: {  	[tilespmem:s29], [sflag:$0xD] =	stream.linear.gather [hbm4b:s0+s29], $0xC80, $0x38;
	[tilespmem:$0xD900] =	vst v63  }
0x443: {  	_ =	swait.ge [sflag:s30], $0xC80  }
0x444: {  	[sflag:s30] =	ssyncset.done $0x0  }
0x445: {  	s1 =	rddreg [dreg:$0x4];
	[sflag:s30] =	ssyncadd.s32 $0xFFFFF380  }
0x446: {  	[tilespmem:s31], [sflag:$0xD] =	stream.linear.gather [hbm4b:s1+s29], $0xC80, $0x38;
	[tilespmem:$0xD900] =	vst v63  }
0x447: {  	_ =	swait.ge [sflag:s30], $0xC80  }
0x448: {  	[sflag:s30] =	ssyncset.done $0x0  }
0x449: {  	[sflag:s30] =	ssyncadd.s32 $0xFFFFF380  }
0x44a: {  	[tilespmem:s3], [sflag:$0x1] =	stream.indirect.gather [hbm4b:s5+s2], $0x40, s29, s2, $0xb8;
	[tilespmem:$0xD900] =	vst v63  }
0x44b: {  	_ = 	snop  }
0x44c: {  	[tilespmem:s4], [sflag:$0x4] =	stream.indirect.gather [hbm4b:s5+s2], $0x40, s31, s2, $0xb8;
	[tilespmem:$0xD900] =	vst v63  }
0x44d: {  	s30 =	sld [smem:$0x7D3]  }
0x44e: {  	[tilespmem:s13], [sflag:$0x2] =	stream.indirect.gather [hbm4b:s5+s2], $0x40, s2, s2, $0xb8;
	[tilespmem:$0xD900] =	vst v63  }
0x44f: {  	s1 =	sld [smem:$0x7D4]  }
0x450: {  	[tilespmem:s14], [sflag:$0x5] =	stream.indirect.gather [hbm4b:s5+s2], $0x40, s30, s2, $0xb8;
	[tilespmem:$0xD900] =	vst v63  }
0x451: {  	s31 =	sld [smem:$0x7D5]  }
0x452: {  	[tilespmem:s11], [sflag:$0x3] =	stream.indirect.gather [hbm4b:s5+s2], $0x40, s1, s2, $0xb8;
	[tilespmem:$0xD900] =	vst v63  }
0x453: {  	_ = 	snop  }
0x454: {  	[tilespmem:s12], [sflag:$0x6] =	stream.indirect.gather [hbm4b:s5+s2], $0x40, s31, s2, $0xb8;
	[tilespmem:$0xD900] =	vst v63  }
0x455: {  	_ =	swait.ge [sflag:s10], $0x2000  }
0x456: {  	[sflag:s10] =	ssyncset.done $0x0  }
0x457: {  	[sflag:s10] =	ssyncadd.s32 $0xFFFFE000  }
0x458: {  	_ =	swait.ge [sflag:s6], $0x2000  }
0x459: {  	[sflag:s6] =	ssyncset.done $0x0  }
0x45a: {  	[sflag:s6] =	ssyncadd.s32 $0xFFFFE000  }
0x45b: {  	[hbm4b:s28+s7] =	stream.strided.scatter [tilespmem:s3], [sflag:$0x7], $0x2000, s2, s7, $0x38;
	[tilespmem:$0xD900] =	vst v63  }
0x45c: {  	s29 =	rddreg [dreg:$0x5]  }
0x45d: {  	[hbm4b:s29+s7] =	stream.strided.scatter [tilespmem:s4], [sflag:$0xA], $0x2000, s2, s7, $0x38;
	[tilespmem:$0xD900] =	vst v63  }
0x45e: {  	_ =	swait.ge [sflag:s8], $0x2000  }
0x45f: {  	[sflag:s8] =	ssyncset.done $0x0  }
0x460: {  	[sflag:s8] =	ssyncadd.s32 $0xFFFFE000  }
0x461: {  	_ =	swait.ge [sflag:s9], $0x2000  }
0x462: {  	s30 =	sld [smem:$0x7D6]  }
0x463: {  	[sflag:s9] =	ssyncset.done $0x0  }
0x464: {  	s31 =	sld [smem:$0x7D7];
	[sflag:s9] =	ssyncadd.s32 $0xFFFFE000  }
0x465: {  	[tilespmem:s3], [sflag:$0x1] =	stream.indirect.gather [hbm4b:s5+s2], $0x40, s30, s2, $0xb8;
	[tilespmem:$0xD900] =	vst v63  }
0x466: {  	_ = 	snop  }
0x467: {  	[tilespmem:s4], [sflag:$0x4] =	stream.indirect.gather [hbm4b:s5+s2], $0x40, s31, s2, $0xb8;
	[tilespmem:$0xD900] =	vst v63  }
0x468: {  	_ =	swait.ge [sflag:s22], $0x2000  }
0x469: {  	[sflag:s22] =	ssyncset.done $0x0  }
0x46a: {  	[sflag:s22] =	ssyncadd.s32 $0xFFFFE000  }
0x46b: {  	_ =	swait.ge [sflag:s21], $0x2000  }
0x46c: {  	[sflag:s21] =	ssyncset.done $0x0  }
0x46d: {  	s28 =	rddreg [dreg:$0x6];
	[sflag:s21] =	ssyncadd.s32 $0xFFFFE000  }
0x46e: {  	[hbm4b:s28+s7] =	stream.strided.scatter [tilespmem:s13], [sflag:$0x8], $0x2000, s2, s7, $0x38;
	[tilespmem:$0xD900] =	vst v63  }
0x46f: {  	s29 =	rddreg [dreg:$0x7]  }
0x470: {  	[hbm4b:s29+s7] =	stream.strided.scatter [tilespmem:s14], [sflag:$0xB], $0x2000, s2, s7, $0x38;
	[tilespmem:$0xD900] =	vst v63  }
0x471: {  	_ =	swait.ge [sflag:s17], $0x2000  }
0x472: {  	[sflag:s17] =	ssyncset.done $0x0  }
0x473: {  	[sflag:s17] =	ssyncadd.s32 $0xFFFFE000  }
0x474: {  	_ =	swait.ge [sflag:s18], $0x2000  }
0x475: {  	s30 =	sld [smem:$0x7D8]  }
0x476: {  	[sflag:s18] =	ssyncset.done $0x0  }
0x477: {  	s31 =	sld [smem:$0x7D9];
	[sflag:s18] =	ssyncadd.s32 $0xFFFFE000  }
0x478: {  	[tilespmem:s13], [sflag:$0x2] =	stream.indirect.gather [hbm4b:s5+s2], $0x40, s30, s2, $0xb8;
	[tilespmem:$0xD900] =	vst v63  }
0x479: {  	_ = 	snop  }
0x47a: {  	[tilespmem:s14], [sflag:$0x5] =	stream.indirect.gather [hbm4b:s5+s2], $0x40, s31, s2, $0xb8;
	[tilespmem:$0xD900] =	vst v63  }
0x47b: {  	_ =	swait.ge [sflag:s19], $0x2000  }
0x47c: {  	[sflag:s19] =	ssyncset.done $0x0  }
0x47d: {  	[sflag:s19] =	ssyncadd.s32 $0xFFFFE000  }
0x47e: {  	_ =	swait.ge [sflag:s20], $0x2000  }
0x47f: {  	[sflag:s20] =	ssyncset.done $0x0  }
0x480: {  	s28 =	rddreg [dreg:$0x8];
	[sflag:s20] =	ssyncadd.s32 $0xFFFFE000  }
0x481: {  	[hbm4b:s28+s7] =	stream.strided.scatter [tilespmem:s11], [sflag:$0x9], $0x2000, s2, s7, $0x38;
	[tilespmem:$0xD900] =	vst v63  }
0x482: {  	s29 =	rddreg [dreg:$0x9]  }
0x483: {  	[hbm4b:s29+s7] =	stream.strided.scatter [tilespmem:s12], [sflag:$0xC], $0x2000, s2, s7, $0x38;
	[tilespmem:$0xD900] =	vst v63  }
0x484: {  	_ =	swait.ge [sflag:s16], $0x2000  }
0x485: {  	[sflag:s16] =	ssyncset.done $0x0  }
0x486: {  	[sflag:s16] =	ssyncadd.s32 $0xFFFFE000  }
0x487: {  	_ =	swait.ge [sflag:s15], $0x2000  }
0x488: {  	s30 =	sld [smem:$0x7DA]  }
0x489: {  	[sflag:s15] =	ssyncset.done $0x0  }
0x48a: {  	s31 =	sld [smem:$0x7DB];
	[sflag:s15] =	ssyncadd.s32 $0xFFFFE000  }
0x48b: {  	[tilespmem:s11], [sflag:$0x3] =	stream.indirect.gather [hbm4b:s5+s2], $0x40, s30, s2, $0xb8;
	[tilespmem:$0xD900] =	vst v63  }
0x48c: {  	_ = 	snop  }
0x48d: {  	[tilespmem:s12], [sflag:$0x6] =	stream.indirect.gather [hbm4b:s5+s2], $0x40, s31, s2, $0xb8;
	[tilespmem:$0xD900] =	vst v63  }
0x48e: {  	_ =	swait.ge [sflag:s10], $0x2000  }
0x48f: {  	[sflag:s10] =	ssyncset.done $0x0  }
0x490: {  	[sflag:s10] =	ssyncadd.s32 $0xFFFFE000  }
0x491: {  	_ =	swait.ge [sflag:s6], $0x2000  }
0x492: {  	[sflag:s6] =	ssyncset.done $0x0  }
0x493: {  	s28 =	rddreg [dreg:$0xa];
	[sflag:s6] =	ssyncadd.s32 $0xFFFFE000  }
0x494: {  	[hbm4b:s28+s7] =	stream.strided.scatter [tilespmem:s3], [sflag:$0x7], $0x2000, s2, s7, $0x38;
	[tilespmem:$0xD900] =	vst v63  }
0x495: {  	s29 =	rddreg [dreg:$0xb]  }
0x496: {  	[hbm4b:s29+s7] =	stream.strided.scatter [tilespmem:s4], [sflag:$0xA], $0x2000, s2, s7, $0x38;
	[tilespmem:$0xD900] =	vst v63  }
0x497: {  	_ =	swait.ge [sflag:s8], $0x2000  }
0x498: {  	[sflag:s8] =	ssyncset.done $0x0  }
0x499: {  	[sflag:s8] =	ssyncadd.s32 $0xFFFFE000  }
0x49a: {  	_ =	swait.ge [sflag:s9], $0x2000  }
0x49b: {  	s30 =	sld [smem:$0x7DC]  }
0x49c: {  	[sflag:s9] =	ssyncset.done $0x0  }
0x49d: {  	s31 =	sld [smem:$0x7DD];
	[sflag:s9] =	ssyncadd.s32 $0xFFFFE000  }
0x49e: {  	[tilespmem:s3], [sflag:$0x1] =	stream.indirect.gather [hbm4b:s5+s2], $0x40, s30, s2, $0xb8;
	[tilespmem:$0xD900] =	vst v63  }
0x49f: {  	_ = 	snop  }
0x4a0: {  	[tilespmem:s4], [sflag:$0x4] =	stream.indirect.gather [hbm4b:s5+s2], $0x40, s31, s2, $0xb8;
	[tilespmem:$0xD900] =	vst v63  }
0x4a1: {  	_ =	swait.ge [sflag:s22], $0x2000  }
0x4a2: {  	[sflag:s22] =	ssyncset.done $0x0  }
0x4a3: {  	[sflag:s22] =	ssyncadd.s32 $0xFFFFE000  }
0x4a4: {  	_ =	swait.ge [sflag:s21], $0x2000  }
0x4a5: {  	[sflag:s21] =	ssyncset.done $0x0  }
0x4a6: {  	s28 =	rddreg [dreg:$0xc];
	[sflag:s21] =	ssyncadd.s32 $0xFFFFE000  }
0x4a7: {  	[hbm4b:s28+s7] =	stream.strided.scatter [tilespmem:s13], [sflag:$0x8], $0x2000, s2, s7, $0x38;
	[tilespmem:$0xD900] =	vst v63  }
0x4a8: {  	s29 =	rddreg [dreg:$0xd]  }
0x4a9: {  	[hbm4b:s29+s7] =	stream.strided.scatter [tilespmem:s14], [sflag:$0xB], $0x2000, s2, s7, $0x38;
	[tilespmem:$0xD900] =	vst v63  }
0x4aa: {  	_ =	swait.ge [sflag:s17], $0x2000  }
0x4ab: {  	[sflag:s17] =	ssyncset.done $0x0  }
0x4ac: {  	[sflag:s17] =	ssyncadd.s32 $0xFFFFE000  }
0x4ad: {  	_ =	swait.ge [sflag:s18], $0x2000  }
0x4ae: {  	s30 =	sld [smem:$0x7DE]  }
0x4af: {  	[sflag:s18] =	ssyncset.done $0x0  }
0x4b0: {  	s31 =	sld [smem:$0x7DF];
	[sflag:s18] =	ssyncadd.s32 $0xFFFFE000  }
0x4b1: {  	[tilespmem:s13], [sflag:$0x2] =	stream.indirect.gather [hbm4b:s5+s2], $0x40, s30, s2, $0xb8;
	[tilespmem:$0xD900] =	vst v63  }
0x4b2: {  	_ = 	snop  }
0x4b3: {  	[tilespmem:s14], [sflag:$0x5] =	stream.indirect.gather [hbm4b:s5+s2], $0x40, s31, s2, $0xb8;
	[tilespmem:$0xD900] =	vst v63  }
0x4b4: {  	_ =	swait.ge [sflag:s19], $0x2000  }
0x4b5: {  	[sflag:s19] =	ssyncset.done $0x0  }
0x4b6: {  	[sflag:s19] =	ssyncadd.s32 $0xFFFFE000  }
0x4b7: {  	_ =	swait.ge [sflag:s20], $0x2000  }
0x4b8: {  	[sflag:s20] =	ssyncset.done $0x0  }
0x4b9: {  	s28 =	rddreg [dreg:$0xe];
	[sflag:s20] =	ssyncadd.s32 $0xFFFFE000  }
0x4ba: {  	[hbm4b:s28+s7] =	stream.strided.scatter [tilespmem:s11], [sflag:$0x9], $0x2000, s2, s7, $0x38;
	[tilespmem:$0xD900] =	vst v63  }
0x4bb: {  	s29 =	rddreg [dreg:$0xf]  }
0x4bc: {  	[hbm4b:s29+s7] =	stream.strided.scatter [tilespmem:s12], [sflag:$0xC], $0x2000, s2, s7, $0x38;
	[tilespmem:$0xD900] =	vst v63  }
0x4bd: {  	_ =	swait.ge [sflag:s16], $0x2000  }
0x4be: {  	[sflag:s16] =	ssyncset.done $0x0  }
0x4bf: {  	[sflag:s16] =	ssyncadd.s32 $0xFFFFE000  }
0x4c0: {  	_ =	swait.ge [sflag:s15], $0x2000  }
0x4c1: {  	s30 =	sld [smem:$0x7E0]  }
0x4c2: {  	[sflag:s15] =	ssyncset.done $0x0  }
0x4c3: {  	s31 =	sld [smem:$0x7E1];
	[sflag:s15] =	ssyncadd.s32 $0xFFFFE000  }
0x4c4: {  	[tilespmem:s11], [sflag:$0x3] =	stream.indirect.gather [hbm4b:s5+s2], $0x40, s30, s2, $0xb8;
	[tilespmem:$0xD900] =	vst v63  }
0x4c5: {  	_ = 	snop  }
0x4c6: {  	[tilespmem:s12], [sflag:$0x6] =	stream.indirect.gather [hbm4b:s5+s2], $0x40, s31, s2, $0xb8;
	[tilespmem:$0xD900] =	vst v63  }
0x4c7: {  	_ =	swait.ge [sflag:s10], $0x2000  }
0x4c8: {  	[sflag:s10] =	ssyncset.done $0x0  }
0x4c9: {  	[sflag:s10] =	ssyncadd.s32 $0xFFFFE000  }
0x4ca: {  	_ =	swait.ge [sflag:s6], $0x2000  }
0x4cb: {  	[sflag:s6] =	ssyncset.done $0x0  }
0x4cc: {  	s28 =	rddreg [dreg:$0x10];
	[sflag:s6] =	ssyncadd.s32 $0xFFFFE000  }
0x4cd: {  	[hbm4b:s28+s7] =	stream.strided.scatter [tilespmem:s3], [sflag:$0x7], $0x2000, s2, s7, $0x38;
	[tilespmem:$0xD900] =	vst v63  }
0x4ce: {  	s29 =	rddreg [dreg:$0x11]  }
0x4cf: {  	[hbm4b:s29+s7] =	stream.strided.scatter [tilespmem:s4], [sflag:$0xA], $0x2000, s2, s7, $0x38;
	[tilespmem:$0xD900] =	vst v63  }
0x4d0: {  	_ =	swait.ge [sflag:s8], $0x2000  }
0x4d1: {  	[sflag:s8] =	ssyncset.done $0x0  }
0x4d2: {  	[sflag:s8] =	ssyncadd.s32 $0xFFFFE000  }
0x4d3: {  	_ =	swait.ge [sflag:s9], $0x2000  }
0x4d4: {  	s30 =	sld [smem:$0x7E2]  }
0x4d5: {  	[sflag:s9] =	ssyncset.done $0x0  }
0x4d6: {  	s31 =	sld [smem:$0x7E3];
	[sflag:s9] =	ssyncadd.s32 $0xFFFFE000  }
0x4d7: {  	[tilespmem:s3], [sflag:$0x1] =	stream.indirect.gather [hbm4b:s5+s2], $0x40, s30, s2, $0xb8;
	[tilespmem:$0xD900] =	vst v63  }
0x4d8: {  	_ = 	snop  }
0x4d9: {  	[tilespmem:s4], [sflag:$0x4] =	stream.indirect.gather [hbm4b:s5+s2], $0x40, s31, s2, $0xb8;
	[tilespmem:$0xD900] =	vst v63  }
0x4da: {  	_ =	swait.ge [sflag:s22], $0x2000  }
0x4db: {  	[sflag:s22] =	ssyncset.done $0x0  }
0x4dc: {  	[sflag:s22] =	ssyncadd.s32 $0xFFFFE000  }
0x4dd: {  	_ =	swait.ge [sflag:s21], $0x2000  }
0x4de: {  	[sflag:s21] =	ssyncset.done $0x0  }
0x4df: {  	s28 =	rddreg [dreg:$0x12];
	[sflag:s21] =	ssyncadd.s32 $0xFFFFE000  }
0x4e0: {  	[hbm4b:s28+s7] =	stream.strided.scatter [tilespmem:s13], [sflag:$0x8], $0x2000, s2, s7, $0x38;
	[tilespmem:$0xD900] =	vst v63  }
0x4e1: {  	s29 =	rddreg [dreg:$0x13]  }
0x4e2: {  	[hbm4b:s29+s7] =	stream.strided.scatter [tilespmem:s14], [sflag:$0xB], $0x2000, s2, s7, $0x38;
	[tilespmem:$0xD900] =	vst v63  }
0x4e3: {  	_ =	swait.ge [sflag:s17], $0x2000  }
0x4e4: {  	[sflag:s17] =	ssyncset.done $0x0  }
0x4e5: {  	[sflag:s17] =	ssyncadd.s32 $0xFFFFE000  }
0x4e6: {  	_ =	swait.ge [sflag:s18], $0x2000  }
0x4e7: {  	s30 =	sld [smem:$0x7E4]  }
0x4e8: {  	[sflag:s18] =	ssyncset.done $0x0  }
0x4e9: {  	s31 =	sld [smem:$0x7E5];
	[sflag:s18] =	ssyncadd.s32 $0xFFFFE000  }
0x4ea: {  	[tilespmem:s13], [sflag:$0x2] =	stream.indirect.gather [hbm4b:s5+s2], $0x40, s30, s2, $0xb8;
	[tilespmem:$0xD900] =	vst v63  }
0x4eb: {  	_ = 	snop  }
0x4ec: {  	[tilespmem:s14], [sflag:$0x5] =	stream.indirect.gather [hbm4b:s5+s2], $0x40, s31, s2, $0xb8;
	[tilespmem:$0xD900] =	vst v63  }
0x4ed: {  	_ =	swait.ge [sflag:s19], $0x2000  }
0x4ee: {  	[sflag:s19] =	ssyncset.done $0x0  }
0x4ef: {  	[sflag:s19] =	ssyncadd.s32 $0xFFFFE000  }
0x4f0: {  	_ =	swait.ge [sflag:s20], $0x2000  }
0x4f1: {  	[sflag:s20] =	ssyncset.done $0x0  }
0x4f2: {  	s28 =	rddreg [dreg:$0x14];
	[sflag:s20] =	ssyncadd.s32 $0xFFFFE000  }
0x4f3: {  	[hbm4b:s28+s7] =	stream.strided.scatter [tilespmem:s11], [sflag:$0x9], $0x2000, s2, s7, $0x38;
	[tilespmem:$0xD900] =	vst v63  }
0x4f4: {  	s29 =	rddreg [dreg:$0x15]  }
0x4f5: {  	[hbm4b:s29+s7] =	stream.strided.scatter [tilespmem:s12], [sflag:$0xC], $0x2000, s2, s7, $0x38;
	[tilespmem:$0xD900] =	vst v63  }
0x4f6: {  	_ =	swait.ge [sflag:s16], $0x2000  }
0x4f7: {  	[sflag:s16] =	ssyncset.done $0x0  }
0x4f8: {  	[sflag:s16] =	ssyncadd.s32 $0xFFFFE000  }
0x4f9: {  	_ =	swait.ge [sflag:s15], $0x2000  }
0x4fa: {  	s30 =	sld [smem:$0x7E6]  }
0x4fb: {  	[sflag:s15] =	ssyncset.done $0x0  }
0x4fc: {  	s31 =	sld [smem:$0x7E7];
	[sflag:s15] =	ssyncadd.s32 $0xFFFFE000  }
0x4fd: {  	[tilespmem:s11], [sflag:$0x3] =	stream.indirect.gather [hbm4b:s5+s2], $0x40, s30, s2, $0xb8;
	[tilespmem:$0xD900] =	vst v63  }
0x4fe: {  	_ = 	snop  }
0x4ff: {  	[tilespmem:s12], [sflag:$0x6] =	stream.indirect.gather [hbm4b:s5+s2], $0x40, s31, s2, $0xb8;
	[tilespmem:$0xD900] =	vst v63  }
0x500: {  	_ =	swait.ge [sflag:s10], $0x2000  }
0x501: {  	[sflag:s10] =	ssyncset.done $0x0  }
0x502: {  	[sflag:s10] =	ssyncadd.s32 $0xFFFFE000  }
0x503: {  	_ =	swait.ge [sflag:s6], $0x2000  }
0x504: {  	[sflag:s6] =	ssyncset.done $0x0  }
0x505: {  	s28 =	rddreg [dreg:$0x16];
	[sflag:s6] =	ssyncadd.s32 $0xFFFFE000  }
0x506: {  	[hbm4b:s28+s7] =	stream.strided.scatter [tilespmem:s3], [sflag:$0x7], $0x2000, s2, s7, $0x38;
	[tilespmem:$0xD900] =	vst v63  }
0x507: {  	s29 =	rddreg [dreg:$0x17]  }
0x508: {  	[hbm4b:s29+s7] =	stream.strided.scatter [tilespmem:s4], [sflag:$0xA], $0x2000, s2, s7, $0x38;
	[tilespmem:$0xD900] =	vst v63  }
0x509: {  	_ =	swait.ge [sflag:s8], $0x2000  }
0x50a: {  	[sflag:s8] =	ssyncset.done $0x0  }
0x50b: {  	[sflag:s8] =	ssyncadd.s32 $0xFFFFE000  }
0x50c: {  	_ =	swait.ge [sflag:s9], $0x2000  }
0x50d: {  	s30 =	sld [smem:$0x7E8]  }
0x50e: {  	[sflag:s9] =	ssyncset.done $0x0  }
0x50f: {  	s31 =	sld [smem:$0x7E9];
	[sflag:s9] =	ssyncadd.s32 $0xFFFFE000  }
0x510: {  	[tilespmem:s3], [sflag:$0x1] =	stream.indirect.gather [hbm4b:s5+s2], $0x40, s30, s2, $0xb8;
	[tilespmem:$0xD900] =	vst v63  }
0x511: {  	_ = 	snop  }
0x512: {  	[tilespmem:s4], [sflag:$0x4] =	stream.indirect.gather [hbm4b:s5+s2], $0x40, s31, s2, $0xb8;
	[tilespmem:$0xD900] =	vst v63  }
0x513: {  	_ =	swait.ge [sflag:s22], $0x2000  }
0x514: {  	[sflag:s22] =	ssyncset.done $0x0  }
0x515: {  	[sflag:s22] =	ssyncadd.s32 $0xFFFFE000  }
0x516: {  	_ =	swait.ge [sflag:s21], $0x2000  }
0x517: {  	[sflag:s21] =	ssyncset.done $0x0  }
0x518: {  	s28 =	rddreg [dreg:$0x18];
	[sflag:s21] =	ssyncadd.s32 $0xFFFFE000  }
0x519: {  	[hbm4b:s28+s7] =	stream.strided.scatter [tilespmem:s13], [sflag:$0x8], $0x2000, s2, s7, $0x38;
	[tilespmem:$0xD900] =	vst v63  }
0x51a: {  	s29 =	rddreg [dreg:$0x19]  }
0x51b: {  	[hbm4b:s29+s7] =	stream.strided.scatter [tilespmem:s14], [sflag:$0xB], $0x2000, s2, s7, $0x38;
	[tilespmem:$0xD900] =	vst v63  }
0x51c: {  	_ =	swait.ge [sflag:s17], $0x2000  }
0x51d: {  	[sflag:s17] =	ssyncset.done $0x0  }
0x51e: {  	[sflag:s17] =	ssyncadd.s32 $0xFFFFE000  }
0x51f: {  	_ =	swait.ge [sflag:s18], $0x2000  }
0x520: {  	s30 =	sld [smem:$0x7EA]  }
0x521: {  	[sflag:s18] =	ssyncset.done $0x0  }
0x522: {  	s31 =	sld [smem:$0x7EB];
	[sflag:s18] =	ssyncadd.s32 $0xFFFFE000  }
0x523: {  	[tilespmem:s13], [sflag:$0x2] =	stream.indirect.gather [hbm4b:s5+s2], $0x40, s30, s2, $0xb8;
	[tilespmem:$0xD900] =	vst v63  }
0x524: {  	_ = 	snop  }
0x525: {  	[tilespmem:s14], [sflag:$0x5] =	stream.indirect.gather [hbm4b:s5+s2], $0x40, s31, s2, $0xb8;
	[tilespmem:$0xD900] =	vst v63  }
0x526: {  	_ =	swait.ge [sflag:s19], $0x2000  }
0x527: {  	[sflag:s19] =	ssyncset.done $0x0  }
0x528: {  	[sflag:s19] =	ssyncadd.s32 $0xFFFFE000  }
0x529: {  	_ =	swait.ge [sflag:s20], $0x2000  }
0x52a: {  	[sflag:s20] =	ssyncset.done $0x0  }
0x52b: {  	s28 =	rddreg [dreg:$0x1a];
	[sflag:s20] =	ssyncadd.s32 $0xFFFFE000  }
0x52c: {  	[hbm4b:s28+s7] =	stream.strided.scatter [tilespmem:s11], [sflag:$0x9], $0x2000, s2, s7, $0x38;
	[tilespmem:$0xD900] =	vst v63  }
0x52d: {  	s29 =	rddreg [dreg:$0x1b]  }
0x52e: {  	[hbm4b:s29+s7] =	stream.strided.scatter [tilespmem:s12], [sflag:$0xC], $0x2000, s2, s7, $0x38;
	[tilespmem:$0xD900] =	vst v63  }
0x52f: {  	_ =	swait.ge [sflag:s16], $0x2000  }
0x530: {  	[sflag:s16] =	ssyncset.done $0x0  }
0x531: {  	[sflag:s16] =	ssyncadd.s32 $0xFFFFE000  }
0x532: {  	_ =	swait.ge [sflag:s15], $0x2000  }
0x533: {  	s30 =	sld [smem:$0x7EC]  }
0x534: {  	[sflag:s15] =	ssyncset.done $0x0  }
0x535: {  	s31 =	sld [smem:$0x7ED];
	[sflag:s15] =	ssyncadd.s32 $0xFFFFE000  }
0x536: {  	[tilespmem:s11], [sflag:$0x3] =	stream.indirect.gather [hbm4b:s5+s2], $0x40, s30, s2, $0xb8;
	[tilespmem:$0xD900] =	vst v63  }
0x537: {  	_ = 	snop  }
0x538: {  	[tilespmem:s12], [sflag:$0x6] =	stream.indirect.gather [hbm4b:s5+s2], $0x40, s31, s2, $0xb8;
	[tilespmem:$0xD900] =	vst v63  }
0x539: {  	_ =	swait.ge [sflag:s10], $0x2000  }
0x53a: {  	[sflag:s10] =	ssyncset.done $0x0  }
0x53b: {  	[sflag:s10] =	ssyncadd.s32 $0xFFFFE000  }
0x53c: {  	_ =	swait.ge [sflag:s6], $0x2000  }
0x53d: {  	[sflag:s6] =	ssyncset.done $0x0  }
0x53e: {  	s28 =	rddreg [dreg:$0x1c];
	[sflag:s6] =	ssyncadd.s32 $0xFFFFE000  }
0x53f: {  	[hbm4b:s28+s7] =	stream.strided.scatter [tilespmem:s3], [sflag:$0x7], $0x2000, s2, s7, $0x38;
	[tilespmem:$0xD900] =	vst v63  }
0x540: {  	s29 =	rddreg [dreg:$0x1d]  }
0x541: {  	[hbm4b:s29+s7] =	stream.strided.scatter [tilespmem:s4], [sflag:$0xA], $0x2000, s2, s7, $0x38;
	[tilespmem:$0xD900] =	vst v63  }
0x542: {  	_ =	swait.ge [sflag:s8], $0x2000  }
0x543: {  	[sflag:s8] =	ssyncset.done $0x0  }
0x544: {  	[sflag:s8] =	ssyncadd.s32 $0xFFFFE000  }
0x545: {  	_ =	swait.ge [sflag:s9], $0x2000  }
0x546: {  	s30 =	sld [smem:$0x7EE]  }
0x547: {  	[sflag:s9] =	ssyncset.done $0x0  }
0x548: {  	s31 =	sld [smem:$0x7EF];
	[sflag:s9] =	ssyncadd.s32 $0xFFFFE000  }
0x549: {  	[tilespmem:s3], [sflag:$0x1] =	stream.indirect.gather [hbm4b:s5+s2], $0x40, s30, s2, $0xb8;
	[tilespmem:$0xD900] =	vst v63  }
0x54a: {  	_ = 	snop  }
0x54b: {  	[tilespmem:s4], [sflag:$0x4] =	stream.indirect.gather [hbm4b:s5+s2], $0x40, s31, s2, $0xb8;
	[tilespmem:$0xD900] =	vst v63  }
0x54c: {  	_ =	swait.ge [sflag:s22], $0x2000  }
0x54d: {  	[sflag:s22] =	ssyncset.done $0x0  }
0x54e: {  	[sflag:s22] =	ssyncadd.s32 $0xFFFFE000  }
0x54f: {  	_ =	swait.ge [sflag:s21], $0x2000  }
0x550: {  	[sflag:s21] =	ssyncset.done $0x0  }
0x551: {  	s28 =	rddreg [dreg:$0x1e];
	[sflag:s21] =	ssyncadd.s32 $0xFFFFE000  }
0x552: {  	[hbm4b:s28+s7] =	stream.strided.scatter [tilespmem:s13], [sflag:$0x8], $0x2000, s2, s7, $0x38;
	[tilespmem:$0xD900] =	vst v63  }
0x553: {  	s29 =	rddreg [dreg:$0x1f]  }
0x554: {  	[hbm4b:s29+s7] =	stream.strided.scatter [tilespmem:s14], [sflag:$0xB], $0x2000, s2, s7, $0x38;
	[tilespmem:$0xD900] =	vst v63  }
0x555: {  	_ =	swait.ge [sflag:s17], $0x2000  }
0x556: {  	[sflag:s17] =	ssyncset.done $0x0  }
0x557: {  	[sflag:s17] =	ssyncadd.s32 $0xFFFFE000  }
0x558: {  	_ =	swait.ge [sflag:s18], $0x2000  }
0x559: {  	s30 =	sld [smem:$0x7F0]  }
0x55a: {  	[sflag:s18] =	ssyncset.done $0x0  }
0x55b: {  	s31 =	sld [smem:$0x7F1];
	[sflag:s18] =	ssyncadd.s32 $0xFFFFE000  }
0x55c: {  	[tilespmem:s13], [sflag:$0x2] =	stream.indirect.gather [hbm4b:s5+s2], $0x40, s30, s2, $0xb8;
	[tilespmem:$0xD900] =	vst v63  }
0x55d: {  	_ = 	snop  }
0x55e: {  	[tilespmem:s14], [sflag:$0x5] =	stream.indirect.gather [hbm4b:s5+s2], $0x40, s31, s2, $0xb8;
	[tilespmem:$0xD900] =	vst v63  }
0x55f: {  	_ =	swait.ge [sflag:s19], $0x2000  }
0x560: {  	[sflag:s19] =	ssyncset.done $0x0  }
0x561: {  	[sflag:s19] =	ssyncadd.s32 $0xFFFFE000  }
0x562: {  	_ =	swait.ge [sflag:s20], $0x2000  }
0x563: {  	s28 =	sld [smem:$0x7BD]  }
0x564: {  	[sflag:s20] =	ssyncset.done $0x0  }
0x565: {  	s29 =	sld [smem:$0x7BE];
	[sflag:s20] =	ssyncadd.s32 $0xFFFFE000  }
0x566: {  	[hbm4b:s28+s7] =	stream.strided.scatter [tilespmem:s11], [sflag:$0x9], $0x2000, s2, s7, $0x38;
	[tilespmem:$0xD900] =	vst v63  }
0x567: {  	_ = 	snop  }
0x568: {  	[hbm4b:s29+s7] =	stream.strided.scatter [tilespmem:s12], [sflag:$0xC], $0x2000, s2, s7, $0x38;
	[tilespmem:$0xD900] =	vst v63  }
0x569: {  	_ =	swait.ge [sflag:s16], $0x2000  }
0x56a: {  	[sflag:s16] =	ssyncset.done $0x0  }
0x56b: {  	[sflag:s16] =	ssyncadd.s32 $0xFFFFE000  }
0x56c: {  	_ =	swait.ge [sflag:s15], $0x2000  }
0x56d: {  	s30 =	sld [smem:$0x7F2]  }
0x56e: {  	[sflag:s15] =	ssyncset.done $0x0  }
0x56f: {  	s31 =	sld [smem:$0x7F3];
	[sflag:s15] =	ssyncadd.s32 $0xFFFFE000  }
0x570: {  	[tilespmem:s11], [sflag:$0x3] =	stream.indirect.gather [hbm4b:s5+s2], $0x40, s30, s2, $0xb8;
	[tilespmem:$0xD900] =	vst v63  }
0x571: {  	_ = 	snop  }
0x572: {  	[tilespmem:s12], [sflag:$0x6] =	stream.indirect.gather [hbm4b:s5+s2], $0x40, s31, s2, $0xb8;
	[tilespmem:$0xD900] =	vst v63  }
0x573: {  	_ =	swait.ge [sflag:s10], $0x2000  }
0x574: {  	[sflag:s10] =	ssyncset.done $0x0  }
0x575: {  	[sflag:s10] =	ssyncadd.s32 $0xFFFFE000  }
0x576: {  	_ =	swait.ge [sflag:s6], $0x2000  }
0x577: {  	s28 =	sld [smem:$0x7BF]  }
0x578: {  	[sflag:s6] =	ssyncset.done $0x0  }
0x579: {  	s29 =	sld [smem:$0x7C0];
	[sflag:s6] =	ssyncadd.s32 $0xFFFFE000  }
0x57a: {  	[hbm4b:s28+s7] =	stream.strided.scatter [tilespmem:s3], [sflag:$0x7], $0x2000, s2, s7, $0x38;
	[tilespmem:$0xD900] =	vst v63  }
0x57b: {  	_ = 	snop  }
0x57c: {  	[hbm4b:s29+s7] =	stream.strided.scatter [tilespmem:s4], [sflag:$0xA], $0x2000, s2, s7, $0x38;
	[tilespmem:$0xD900] =	vst v63  }
0x57d: {  	_ =	swait.ge [sflag:s8], $0x2000  }
0x57e: {  	[sflag:s8] =	ssyncset.done $0x0  }
0x57f: {  	[sflag:s8] =	ssyncadd.s32 $0xFFFFE000  }
0x580: {  	_ =	swait.ge [sflag:s9], $0x2000  }
0x581: {  	s30 =	sld [smem:$0x7F4]  }
0x582: {  	[sflag:s9] =	ssyncset.done $0x0  }
0x583: {  	s31 =	sld [smem:$0x7F5];
	[sflag:s9] =	ssyncadd.s32 $0xFFFFE000  }
0x584: {  	[tilespmem:s3], [sflag:$0x1] =	stream.indirect.gather [hbm4b:s5+s2], $0x40, s30, s2, $0xb8;
	[tilespmem:$0xD900] =	vst v63  }
0x585: {  	_ = 	snop  }
0x586: {  	[tilespmem:s4], [sflag:$0x4] =	stream.indirect.gather [hbm4b:s5+s2], $0x40, s31, s2, $0xb8;
	[tilespmem:$0xD900] =	vst v63  }
0x587: {  	_ =	swait.ge [sflag:s22], $0x2000  }
0x588: {  	[sflag:s22] =	ssyncset.done $0x0  }
0x589: {  	[sflag:s22] =	ssyncadd.s32 $0xFFFFE000  }
0x58a: {  	_ =	swait.ge [sflag:s21], $0x2000  }
0x58b: {  	s28 =	sld [smem:$0x7C1]  }
0x58c: {  	[sflag:s21] =	ssyncset.done $0x0  }
0x58d: {  	s29 =	sld [smem:$0x7C2];
	[sflag:s21] =	ssyncadd.s32 $0xFFFFE000  }
0x58e: {  	[hbm4b:s28+s7] =	stream.strided.scatter [tilespmem:s13], [sflag:$0x8], $0x2000, s2, s7, $0x38;
	[tilespmem:$0xD900] =	vst v63  }
0x58f: {  	_ = 	snop  }
0x590: {  	[hbm4b:s29+s7] =	stream.strided.scatter [tilespmem:s14], [sflag:$0xB], $0x2000, s2, s7, $0x38;
	[tilespmem:$0xD900] =	vst v63  }
0x591: {  	_ =	swait.ge [sflag:s17], $0x2000  }
0x592: {  	[sflag:s17] =	ssyncset.done $0x0  }
0x593: {  	[sflag:s17] =	ssyncadd.s32 $0xFFFFE000  }
0x594: {  	_ =	swait.ge [sflag:s18], $0x2000  }
0x595: {  	s30 =	sld [smem:$0x7F6]  }
0x596: {  	[sflag:s18] =	ssyncset.done $0x0  }
0x597: {  	s31 =	sld [smem:$0x7F7];
	[sflag:s18] =	ssyncadd.s32 $0xFFFFE000  }
0x598: {  	[tilespmem:s13], [sflag:$0x2] =	stream.indirect.gather [hbm4b:s5+s2], $0x40, s30, s2, $0xb8;
	[tilespmem:$0xD900] =	vst v63  }
0x599: {  	_ = 	snop  }
0x59a: {  	[tilespmem:s14], [sflag:$0x5] =	stream.indirect.gather [hbm4b:s5+s2], $0x40, s31, s2, $0xb8;
	[tilespmem:$0xD900] =	vst v63  }
0x59b: {  	_ =	swait.ge [sflag:s19], $0x2000  }
0x59c: {  	[sflag:s19] =	ssyncset.done $0x0  }
0x59d: {  	[sflag:s19] =	ssyncadd.s32 $0xFFFFE000  }
0x59e: {  	_ =	swait.ge [sflag:s20], $0x2000  }
0x59f: {  	s28 =	sld [smem:$0x7C3]  }
0x5a0: {  	[sflag:s20] =	ssyncset.done $0x0  }
0x5a1: {  	s29 =	sld [smem:$0x7C4];
	[sflag:s20] =	ssyncadd.s32 $0xFFFFE000  }
0x5a2: {  	[hbm4b:s28+s7] =	stream.strided.scatter [tilespmem:s11], [sflag:$0x9], $0x2000, s2, s7, $0x38;
	[tilespmem:$0xD900] =	vst v63  }
0x5a3: {  	_ = 	snop  }
0x5a4: {  	[hbm4b:s29+s7] =	stream.strided.scatter [tilespmem:s12], [sflag:$0xC], $0x2000, s2, s7, $0x38;
	[tilespmem:$0xD900] =	vst v63  }
0x5a5: {  	_ =	swait.ge [sflag:s16], $0x2000  }
0x5a6: {  	[sflag:s16] =	ssyncset.done $0x0  }
0x5a7: {  	[sflag:s16] =	ssyncadd.s32 $0xFFFFE000  }
0x5a8: {  	_ =	swait.ge [sflag:s15], $0x2000  }
0x5a9: {  	s30 =	sld [smem:$0x7F8]  }
0x5aa: {  	[sflag:s15] =	ssyncset.done $0x0  }
0x5ab: {  	s31 =	sld [smem:$0x7F9];
	[sflag:s15] =	ssyncadd.s32 $0xFFFFE000  }
0x5ac: {  	[tilespmem:s11], [sflag:$0x3] =	stream.indirect.gather [hbm4b:s5+s2], $0x40, s30, s2, $0xb8;
	[tilespmem:$0xD900] =	vst v63  }
0x5ad: {  	_ = 	snop  }
0x5ae: {  	[tilespmem:s12], [sflag:$0x6] =	stream.indirect.gather [hbm4b:s5+s2], $0x40, s31, s2, $0xb8;
	[tilespmem:$0xD900] =	vst v63  }
0x5af: {  	_ =	swait.ge [sflag:s10], $0x2000  }
0x5b0: {  	[sflag:s10] =	ssyncset.done $0x0  }
0x5b1: {  	[sflag:s10] =	ssyncadd.s32 $0xFFFFE000  }
0x5b2: {  	_ =	swait.ge [sflag:s6], $0x2000  }
0x5b3: {  	s28 =	sld [smem:$0x7C5]  }
0x5b4: {  	[sflag:s6] =	ssyncset.done $0x0  }
0x5b5: {  	s29 =	sld [smem:$0x7C6];
	[sflag:s6] =	ssyncadd.s32 $0xFFFFE000  }
0x5b6: {  	[hbm4b:s28+s7] =	stream.strided.scatter [tilespmem:s3], [sflag:$0x7], $0x2000, s2, s7, $0x38;
	[tilespmem:$0xD900] =	vst v63  }
0x5b7: {  	_ = 	snop  }
0x5b8: {  	[hbm4b:s29+s7] =	stream.strided.scatter [tilespmem:s4], [sflag:$0xA], $0x2000, s2, s7, $0x38;
	[tilespmem:$0xD900] =	vst v63  }
0x5b9: {  	_ =	swait.ge [sflag:s8], $0x2000  }
0x5ba: {  	[sflag:s8] =	ssyncset.done $0x0  }
0x5bb: {  	[sflag:s8] =	ssyncadd.s32 $0xFFFFE000  }
0x5bc: {  	_ =	swait.ge [sflag:s9], $0x2000  }
0x5bd: {  	s30 =	sld [smem:$0x7FA]  }
0x5be: {  	[sflag:s9] =	ssyncset.done $0x0  }
0x5bf: {  	s31 =	sld [smem:$0x7FB];
	[sflag:s9] =	ssyncadd.s32 $0xFFFFE000  }
0x5c0: {  	[tilespmem:s3], [sflag:$0x1] =	stream.indirect.gather [hbm4b:s5+s2], $0x40, s30, s2, $0xb8;
	[tilespmem:$0xD900] =	vst v63  }
0x5c1: {  	_ = 	snop  }
0x5c2: {  	[tilespmem:s4], [sflag:$0x4] =	stream.indirect.gather [hbm4b:s5+s2], $0x40, s31, s2, $0xb8;
	[tilespmem:$0xD900] =	vst v63  }
0x5c3: {  	_ =	swait.ge [sflag:s22], $0x2000  }
0x5c4: {  	[sflag:s22] =	ssyncset.done $0x0  }
0x5c5: {  	[sflag:s22] =	ssyncadd.s32 $0xFFFFE000  }
0x5c6: {  	_ =	swait.ge [sflag:s21], $0x2000  }
0x5c7: {  	s28 =	sld [smem:$0x7C7]  }
0x5c8: {  	[sflag:s21] =	ssyncset.done $0x0  }
0x5c9: {  	s29 =	sld [smem:$0x7C8];
	[sflag:s21] =	ssyncadd.s32 $0xFFFFE000  }
0x5ca: {  	[hbm4b:s28+s7] =	stream.strided.scatter [tilespmem:s13], [sflag:$0x8], $0x2000, s2, s7, $0x38;
	[tilespmem:$0xD900] =	vst v63  }
0x5cb: {  	_ = 	snop  }
0x5cc: {  	[hbm4b:s29+s7] =	stream.strided.scatter [tilespmem:s14], [sflag:$0xB], $0x2000, s2, s7, $0x38;
	[tilespmem:$0xD900] =	vst v63  }
0x5cd: {  	_ =	swait.ge [sflag:s17], $0x2000  }
0x5ce: {  	[sflag:s17] =	ssyncset.done $0x0  }
0x5cf: {  	[sflag:s17] =	ssyncadd.s32 $0xFFFFE000  }
0x5d0: {  	_ =	swait.ge [sflag:s18], $0x2000  }
0x5d1: {  	s30 =	sld [smem:$0x7FC]  }
0x5d2: {  	[sflag:s18] =	ssyncset.done $0x0  }
0x5d3: {  	s31 =	sld [smem:$0x7FD];
	[sflag:s18] =	ssyncadd.s32 $0xFFFFE000  }
0x5d4: {  	[tilespmem:s13], [sflag:$0x2] =	stream.indirect.gather [hbm4b:s5+s2], $0x40, s30, s2, $0xb8;
	[tilespmem:$0xD900] =	vst v63  }
0x5d5: {  	_ = 	snop  }
0x5d6: {  	[tilespmem:s14], [sflag:$0x5] =	stream.indirect.gather [hbm4b:s5+s2], $0x40, s31, s2, $0xb8;
	[tilespmem:$0xD900] =	vst v63  }
0x5d7: {  	_ =	swait.ge [sflag:s19], $0x2000  }
0x5d8: {  	[sflag:s19] =	ssyncset.done $0x0  }
0x5d9: {  	[sflag:s19] =	ssyncadd.s32 $0xFFFFE000  }
0x5da: {  	_ =	swait.ge [sflag:s20], $0x2000  }
0x5db: {  	s28 =	sld [smem:$0x7C9]  }
0x5dc: {  	[sflag:s20] =	ssyncset.done $0x0  }
0x5dd: {  	s29 =	sld [smem:$0x7CA];
	[sflag:s20] =	ssyncadd.s32 $0xFFFFE000  }
0x5de: {  	[hbm4b:s28+s7] =	stream.strided.scatter [tilespmem:s11], [sflag:$0x9], $0x2000, s2, s7, $0x38;
	[tilespmem:$0xD900] =	vst v63  }
0x5df: {  	_ = 	snop  }
0x5e0: {  	[hbm4b:s29+s7] =	stream.strided.scatter [tilespmem:s12], [sflag:$0xC], $0x2000, s2, s7, $0x38;
	[tilespmem:$0xD900] =	vst v63  }
0x5e1: {  	_ =	swait.ge [sflag:s16], $0x2000  }
0x5e2: {  	[sflag:s16] =	ssyncset.done $0x0  }
0x5e3: {  	[sflag:s16] =	ssyncadd.s32 $0xFFFFE000  }
0x5e4: {  	_ =	swait.ge [sflag:s15], $0x2000  }
0x5e5: {  	[sflag:s15] =	ssyncset.done $0x0  }
0x5e6: {  	[sflag:s15] =	ssyncadd.s32 $0xFFFFE000  }
0x5e7: {  	[tilespmem:s11], [sflag:$0x3] =	stream.indirect.gather [hbm4b:s5+s2], $0x40, s26, s2, $0xb8;
	[tilespmem:$0xD900] =	vst v63  }
0x5e8: {  	_ = 	snop  }
0x5e9: {  	[tilespmem:s12], [sflag:$0x6] =	stream.indirect.gather [hbm4b:s5+s2], $0x40, s25, s2, $0xb8;
	[tilespmem:$0xD900] =	vst v63  }
0x5ea: {  	_ =	swait.ge [sflag:s10], $0x2000  }
0x5eb: {  	[sflag:s10] =	ssyncset.done $0x0  }
0x5ec: {  	[sflag:s10] =	ssyncadd.s32 $0xFFFFE000  }
0x5ed: {  	_ =	swait.ge [sflag:s6], $0x2000  }
0x5ee: {  	s30 =	sld [smem:$0x7CB]  }
0x5ef: {  	[sflag:s6] =	ssyncset.done $0x0  }
0x5f0: {  	s31 =	sld [smem:$0x7CC];
	[sflag:s6] =	ssyncadd.s32 $0xFFFFE000  }
0x5f1: {  	[hbm4b:s30+s7] =	stream.strided.scatter [tilespmem:s3], [sflag:$0x7], $0x2000, s2, s7, $0x38;
	[tilespmem:$0xD900] =	vst v63  }
0x5f2: {  	_ = 	snop  }
0x5f3: {  	[hbm4b:s31+s7] =	stream.strided.scatter [tilespmem:s4], [sflag:$0xA], $0x2000, s2, s7, $0x38;
	[tilespmem:$0xD900] =	vst v63  }
0x5f4: {  	_ =	swait.ge [sflag:s8], $0x2000  }
0x5f5: {  	[sflag:s8] =	ssyncset.done $0x0  }
0x5f6: {  	[sflag:s8] =	ssyncadd.s32 $0xFFFFE000  }
0x5f7: {  	_ =	swait.ge [sflag:s9], $0x2000  }
0x5f8: {  	[sflag:s9] =	ssyncset.done $0x0  }
0x5f9: {  	[sflag:s9] =	ssyncadd.s32 $0xFFFFE000  }
0x5fa: {  	[tilespmem:s3], [sflag:$0x1] =	stream.indirect.gather [hbm4b:s5+s2], $0x40, s24, s2, $0xb8;
	[tilespmem:$0xD900] =	vst v63  }
0x5fb: {  	s24 =	simm.s32 $0x1880  }
0x5fc: {  	[tilespmem:s4], [sflag:$0x4] =	stream.indirect.gather [hbm4b:s5+s2], $0x40, s24, s2, $0xb8;
	[tilespmem:$0xD900] =	vst v63  }
0x5fd: {  	_ =	swait.ge [sflag:s22], $0x2000  }
0x5fe: {  	[sflag:s22] =	ssyncset.done $0x0  }
0x5ff: {  	[sflag:s22] =	ssyncadd.s32 $0xFFFFE000  }
0x600: {  	_ =	swait.ge [sflag:s21], $0x2000  }
0x601: {  	s25 =	sld [smem:$0x7CD]  }
0x602: {  	[sflag:s21] =	ssyncset.done $0x0  }
0x603: {  	s26 =	sld [smem:$0x7CE];
	[sflag:s21] =	ssyncadd.s32 $0xFFFFE000  }
0x604: {  	[hbm4b:s25+s7] =	stream.strided.scatter [tilespmem:s13], [sflag:$0x8], $0x2000, s2, s7, $0x38;
	[tilespmem:$0xD900] =	vst v63  }
0x605: {  	_ = 	snop  }
0x606: {  	[hbm4b:s26+s7] =	stream.strided.scatter [tilespmem:s14], [sflag:$0xB], $0x2000, s2, s7, $0x38;
	[tilespmem:$0xD900] =	vst v63  }
0x607: {  	_ =	swait.ge [sflag:s17], $0x2000  }
0x608: {  	[sflag:s17] =	ssyncset.done $0x0  }
0x609: {  	[sflag:s17] =	ssyncadd.s32 $0xFFFFE000  }
0x60a: {  	_ =	swait.ge [sflag:s18], $0x2000  }
0x60b: {  	[sflag:s18] =	ssyncset.done $0x0  }
0x60c: {  	[sflag:s18] =	ssyncadd.s32 $0xFFFFE000  }
0x60d: {  	_ =	swait.ge [sflag:s19], $0x2000  }
0x60e: {  	[sflag:s19] =	ssyncset.done $0x0  }
0x60f: {  	[sflag:s19] =	ssyncadd.s32 $0xFFFFE000  }
0x610: {  	_ =	swait.ge [sflag:s20], $0x2000  }
0x611: {  	s28 =	sld [smem:$0x7CF]  }
0x612: {  	[sflag:s20] =	ssyncset.done $0x0  }
0x613: {  	s29 =	sld [smem:$0x7D0];
	[sflag:s20] =	ssyncadd.s32 $0xFFFFE000  }
0x614: {  	[hbm4b:s28+s7] =	stream.strided.scatter [tilespmem:s11], [sflag:$0x9], $0x2000, s2, s7, $0x38;
	[tilespmem:$0xD900] =	vst v63  }
0x615: {  	_ = 	snop  }
0x616: {  	[hbm4b:s29+s7] =	stream.strided.scatter [tilespmem:s12], [sflag:$0xC], $0x2000, s2, s7, $0x38;
	[tilespmem:$0xD900] =	vst v63  }
0x617: {  	_ =	swait.ge [sflag:s16], $0x2000  }
0x618: {  	[sflag:s16] =	ssyncset.done $0x0  }
0x619: {  	[sflag:s16] =	ssyncadd.s32 $0xFFFFE000  }
0x61a: {  	_ =	swait.ge [sflag:s15], $0x2000  }
0x61b: {  	[sflag:s15] =	ssyncset.done $0x0  }
0x61c: {  	[sflag:s15] =	ssyncadd.s32 $0xFFFFE000  }
0x61d: {  	_ =	swait.ge [sflag:s10], $0x2000  }
0x61e: {  	[sflag:s10] =	ssyncset.done $0x0  }
0x61f: {  	[sflag:s10] =	ssyncadd.s32 $0xFFFFE000  }
0x620: {  	_ =	swait.ge [sflag:s6], $0x2000  }
0x621: {  	s30 =	sld [smem:$0x7D1]  }
0x622: {  	[sflag:s6] =	ssyncset.done $0x0  }
0x623: {  	s31 =	sld [smem:$0x7D2];
	[sflag:s6] =	ssyncadd.s32 $0xFFFFE000  }
0x624: {  	[hbm4b:s30+s7] =	stream.strided.scatter [tilespmem:s3], [sflag:$0x7], $0x2000, s2, s7, $0x38;
	[tilespmem:$0xD900] =	vst v63  }
0x625: {  	_ = 	snop  }
0x626: {  	[hbm4b:s31+s7] =	stream.strided.scatter [tilespmem:s4], [sflag:$0xA], $0x2000, s2, s7, $0x38;
	[tilespmem:$0xD900] =	vst v63  }
0x627: {  	_ =	swait.ge [sflag:s8], $0x2000  }
0x628: {  	[sflag:s8] =	ssyncset.done $0x0  }
0x629: {  	[sflag:s8] =	ssyncadd.s32 $0xFFFFE000  }
0x62a: {  	_ =	swait.ge [sflag:s9], $0x2000  }
0x62b: {  	[sflag:s9] =	ssyncset.done $0x0  }
0x62c: {  	[sflag:s9] =	ssyncadd.s32 $0xFFFFE000  }
0x62d: {  	_ =	sfence.sel $0x180000  }
0x62e: {  	[bflag:$0x0] =	sbarrier.arrive $0xFFFF  }
0x62f: {  	_ =	strace $0x90000047  }
0x630: {  	[bflag:$0x2] =	sbarrier.arrive $0xFFFF  }
0x631: {  	p0 =	sne.s32 s23, $0x0;
	s0 =	rddreg [dreg:$0x2]  }
0x632: {  	s0 =	sadd.s32 @!p0 $0x100000, s0  }
0x633: {  	[sflag:s0] =	ssyncadd.tile.s32 @!p0 $0x1;
	_ =	shalt  }
.LBB2_1:
.Ltmp3:
0x634: {  	(pc) =	sbr.rel .LBB2_6-.Ltmp3, $2  }
0x635: {  	_ =	sdelay $0x2  }
0x636: {  	s25 =	simm.s32 $0x1800;
	s26 =	simm.s32 $0xB80;
	s24 =	simm.s32 $0xC00  }
.LBB2_3:
.Ltmp4:
0x637: {  	(pc) =	sbr.rel .LBB2_6-.Ltmp4, $3  }
0x638: {  	_ =	sdelay $0x1  }
0x639: {  	s25 =	simm.s32 $0x1800  }
0x63a: {  	s26 =	simm.s32 $0xB80;
	s24 =	simm.s32 $0xC00;
	s23 =	stileid.u32  }
.Lfunc_end2:
_tile_overlayer_lowered:
.L_overlay_start_2:
0x63b: {  	(tag) =	ssettag $0x2  }
0x63c: {  	s0 =	rddreg [dreg:$0x0];
	s2 =	stileid.u32  }
0x63d: {  	s1 =	rddreg [dreg:$0x1];
	p0 =	sne.s32 s2, $0x0  }
0x63e: {  	s3 =	rddreg [dreg:$0x2];
	[bflag:$0x3] =	sbarrier.arrive $0xFFFF;
	s2 =	simm.s32 @!p0 $0x1C0D  }
0x63f: {  	[timem:s3], [sflag:s2] =	dma.local @!p0 [hbm:s0], s1  }
0x640: {  	s0 =	simm.s32 @!p0 $0xD  }
0x641: {  	_ =	swait.ge @!p0 [sflag:s0], s1  }
0x642: {  	s1 =	ssub.s32 @!p0 $0x0, s1;
	[sflag:s0] =	ssyncset.done @!p0 $0x0  }
0x643: {  	[sflag:s0] =	ssyncadd.s32 @!p0 s1  }
0x644: {  	[bflag:$0x3] =	sbarrier.arrive $0xFFFF  }
0x645: {  	_ =	shalt  }

// kernel: sparse-core-data-format-call.cloned.1.call-start
scs
called_computation_lowered:
.L_overlay_start_0:
0x0: {  	s2 =	sld [smem:$0x3FD9]  }
0x1: {  	s3 =	sld [smem:$0x3FFE];
	_ =	sdelay $0x1  }
0x2: {  	s1 =	srdreg.scid  }
0x3: {  	s0 =	sand.u32 $0x1, s1  }
0x4: {  	s18 =	sshll.u32 s0, $0xA;
	s2 =	sadd.s32 s3, s2  }
0x5: {  	s2 =	sadd.s32 s2, s18  }
0x6: {  	[smem:$0x3FC6] =	sst s2  }
0x7: {  	_ = 	snop  }
0x8: {  	s2 =	sld [smem:$0x3FD0];
	(tm) =	ssettm $0x1  }
0x9: {  	s19 =	sld [smem:$0x3FFB];
	_ =	sdelay $0x3  }
0xa: {  	_ =	strace s19  }
0xb: {  	s3 =	sld [smem:$0x3FFC];
	_ =	sdelay $0x3  }
0xc: {  	_ =	strace s3  }
0xd: {  	s3 =	sld [smem:$0x3FFD];
	_ =	sdelay $0x3  }
0xe: {  	_ =	strace s3  }
0xf: {  	_ =	strace $0x8FFFFFFF  }
0x10: {  	s20 =	sld [smem:$0x3FDB];
	_ =	sdelay $0x1  }
0x11: {  	s4 =	simm.s32 $_scs_section_size  }
0x12: {  	s5 =	simm.s32 $_size__tile_overlayer_lowered;
	s6 =	simm.s32 $_tile_overlayer_lowered  }
0x13: {  	s23 =	simm.s32 $0x1BFF;
	s22 =	sshll.u32 s6, $0x1;
	s3 =	sadd.s32 s4, s20  }
0x14: {  	s7 =	simm.s32 $0x0;
	s21 =	sshll.u32 s5, $0x1;
	s5 =	sadd.s32 s22, s3  }
0x15: {  	[timem:s7], [sflag:s23] =	dma.local [hbm:s5], s21  }
0x16: {  	_ =	swait.ge [sflag:s23], s21  }
0x17: {  	s4 =	ssub.s32 $0x0, s21;
	[sflag:s23] =	ssyncset.done $0x0  }
0x18: {  	[sflag:s23] =	ssyncadd.s32 s4;
	_ =	sdelay $0x1  }
0x19: {  	s24 =	simm.s32 $0x1B8B  }
0x1a: {  	_ =	swait.ge [sflag:s24], $0x1  }
0x1b: {  	[sflag:s24] =	ssyncset.done $0x0  }
0x1c: {  	s26 =	simm.s32 $0x1B8E;
	s25 =	sld [smem:$0x3FFE];
	[sflag:s24] =	ssyncadd.s32 $0xFFFFFFFF  }
0x1d: {  	s27 =	simm.s32 $execute0_lowered;
	[smem:$0x3FD2] =	sst s26  }
0x1e: {  	s5 =	sshll.u32 s27, $0x1;
	_ =	strace $0x80000049;
	[dreg:$0x1] =	wrdreg $0xFFFFFFFF  }
0x1f: {  	s28 =	simm.s32 $_size_execute0_lowered;
	s3 =	sadd.s32 s3, s5;
	[dreg:$0x0] =	wrdreg $0x0  }
0x20: {  	s5 =	sshll.u32 s28, $0x1;
	[dreg:$0x2] =	wrdreg s3  }
0x21: {  	[dreg:$0x3] =	wrdreg s5  }
0x22: {  	[dreg:$0x4] =	wrdreg $0xC0  }
0x23: {  	_ =	task [dreg:s7], $0x5FFFF  }
0x24: {  	[dreg:$0x1] =	wrdreg $0xFFFFFFFF  }
0x25: {  	[dreg:$0x0] =	wrdreg $0x60  }
0x26: {  	[dreg:$0x2] =	wrdreg s25  }
0x27: {  	[dreg:$0x3] =	wrdreg s2  }
0x28: {  	[dreg:$0x4] =	wrdreg $0x9  }
0x29: {  	_ =	task.clear_ibuf [dreg:s7], $0x5FFFF;
	_ =	strace $0x90000049  }
0x2a: {  	s29 =	simm.s32 $0x9;
	_ =	strace $0x8000004B  }
0x2b: {  	_ =	swait.ge [sflag:s29], $0x1  }
0x2c: {  	[sflag:s29] =	ssyncadd.s32 $0xFFFFFFFF  }
0x2d: {  	_ =	strace $0x9000004B  }
0x2e: {  	_ =	sfence  }
0x2f: {  	s30 =	sld [smem:$0x0];
	_ =	sdelay $0x2  }
0x30: {  	s31 =	sshll.u32 s1, $0xD;
	s1 =	sshrl.u32 s1, $0x2  }
0x31: {  	s3 =	sand.u32 $0x4000, s31;
	s1 =	sadd.s32 s1, s30  }
0x32: {  	s0 =	sor.u32 s3, s0;
	s1 =	sshll.u32 s1, $0x11  }
0x33: {  	s0 =	sor.u32 s1, s0  }
0x34: {  	s0 =	sadd.s32 $0x8F2B, s0  }
0x35: {  	[sflag:s0] =	ssyncadd.remote.s32 $0x1  }
0x36: {  	_ =	sfence.sel $0xFFFF  }
0x37: {  	[dreg:$0x0] =	wrdreg $0xFFFFFFFF;
	(pc) =	sbr.abs _section_cstart, $3  }
0x38: {  	[dreg:$0x1] =	wrdreg $0xFFFFFFFF  }
0x39: {  	_ =	task.clear_ibuf [dreg:s7], $0x2FFFF;
	_ =	strace $0x9FFFFFFF  }
0x3a: {  	(tm) =	ssettm $0x7FFFFFFF  }
0x3b: {  	_ =	shalt  }
tec
execute0_lowered:
.L_overlay_start_1:
0x0: {  	(tag) =	ssettag $0x1  }
0x1: {  	s7 =	rddreg [dreg:$0x0]  }
0x2: {  	s2 =	rddreg [dreg:$0x1]  }
0x3: {  	s0 =	stileid.u32;
	s1 =	srdreg.scid;
	s31 =	simm.s32 $0x2  }
0x4: {  	s14 =	simm.s32 $0x0;
	s15 =	simm.s32 $0x0;
	s13 =	simm.s32 $0x0  }
0x5: {  	s3 =	sshll.u32 s0, $0x5;
	s4 =	sshll.u32 s1, $0x9;
	s5 =	sshll.u32 s0, $0x1  }
0x6: {  	s1 =	rddreg [dreg:$0x2];
	s4 =	sor.u32 s3, s4;
	s3 =	sand.u32 $0x6, s5  }
0x7: {  	_ =	strace $0x8000004A;
	s4 =	sand.u32 $0x380, s4;
	s5 =	ssub.s32 $0xC8, s3  }
0x8: {  	s12 =	smov.u32 s3;
	s8 =	sshll.u32 s4, $0x4;
	s6 =	sand.u32 $0x6, s5  }
0x9: {  	s9 =	ssub.s32 $0x400, s4;
	s11 =	sshrl.u32 s5, $0x3;
	s5 =	simm.s32 $0x1  }
0xa: {  	p0 =	sne.s32 s6, $0x0;
	s6 =	simm.s32 $0x1;
	s10 =	sand.u32 $0x380, s9  }
0xb: {  	s6 =	simm.s32 @!p0 $0x0;
	p0 =	sne.s32 s10, $0x0;
	s10 =	simm.s32 $0x1  }
.Ltmp0:
0xc: {  	s9 =	sshrl.u32 s9, $0xA;
	s10 =	simm.s32 @!p0 $0x0;
	(pc) =	sbr.rel .LBB1_1-.Ltmp0, $4  }
0xd: {  	[sflag:s5] =	ssyncpa.u1 $0x0;
	s6 =	sadd.s32 s6, s11;
	s9 =	sadd.s32 s10, s9  }
0xe: {  	s8 =	sadd.s32 s8, s7;
	[sflag:s31] =	ssyncpa.u1 $0x0;
	s6 =	smul.u32 s6, s9  }
0xf: {  	s7 =	sadd.s32 $0x800, s8;
	s8 =	sadd.s32 $0x4800, s8;
	p0 =	por $0x0, $0x0  }
0x10: {  	s11 =	simm.s32 $0x2000;
	s10 =	simm.s32 $0x400;
	s9 =	sadd.s32 $0x1, s6  }
.LBB1_7:
0x11: {  	s16 =	sadd.s32 $0x8, s12  }
0x12: {  	p2 =	sgt.s32 s16, $0xC7  }
0x13: {  	s16 =	smov.u32 @p2 s3;
	p2 =	sne.s32 s13, s9  }
.Ltmp1:
0x14: {  	p1 =	slt.u32 s13, $0x2;
	(pc) =	sbr.rel @!p2 .LBB1_8-.Ltmp1, $4  }
0x15: {  	s14 =	simm.s32 @!p1 $0x2  }
0x16: {  	s17 =	sadd.s32 $0x1, s13;
	s15 =	smov.u32 s12;
	_ =	swait.ge @!p1 [sflag:s14], $0x4000  }
0x17: {  	p0 =	por !p0, !p0;
	s13 =	smov.u32 s17;
	[sflag:s14] =	ssyncset.done @!p1 $0x0  }
0x18: {  	s12 =	smov.u32 s16;
	[sflag:s14] =	ssyncadd.s32 @!p1 $0xFFFFC000;
	s14 =	smov.u32 s4  }
.LBB1_1:
0x19: {  	p1 =	sge.u32 s13, s6  }
0x1a: {  	s16 =	sxor.u32 @!p1 $0xFFFFFFFF, s13  }
0x1b: {  	s17 =	sshll.u32 @!p1 s12, $0xE;
	s19 =	simm.s32 @!p1 $0x40;
	s16 =	sshll.u32 @!p1 s16, $0xE  }
0x1c: {  	s20 =	simm.s32 @!p1 $0x80;
	s18 =	sadd.s32 @!p1 s17, s7;
	s16 =	sand.u32 @!p1 $0x4000, s16  }
0x1d: {  	[tilespmem:s16], [sflag:$0x1] =	stream.strided.gather @!p1 [hbm4b:s18+s19], $0x2000, s20, s19, $0x38;
	[tilespmem:$0x10100] =	vst v63  }
0x1e: {  	s31 =	sadd.s32 $0xFFFFFFFF, s13;
	s17 =	sadd.s32 @!p1 s17, s8;
	s16 =	sor.u32 @!p1 $0x2000, s16  }
0x1f: {  	[tilespmem:s16], [sflag:$0x1] =	stream.strided.gather @!p1 [hbm4b:s17+s19], $0x2000, s20, s19, $0x38;
	[tilespmem:$0x10100] =	vst v63  }
0x20: {  	p1 =	sge.u32 s31, s6  }
.Ltmp2:
0x21: {  	_ = 	snop;
	(pc) =	sbr.rel @p1 .LBB1_7-.Ltmp2, $1  }
0x22: {  	_ =	sdelay $0x3  }
0x23: {  	s16 =	simm.s32 $0x1;
	s18 =	sand.u32 $0x1, s13  }
0x24: {  	_ =	swait.ge [sflag:s5], $0x4000;
	s16 =	simm.s32 @!p0 $0x0;
	s18 =	smul.u32 $0x10200, s18  }
0x25: {  	p2 =	por $0x1, $0x1;
	[sflag:s5] =	ssyncset.done $0x0;
	s17 =	smul.u32 $0x10200, s16  }
0x26: {  	s19 =	sshll.u32 s16, $0x10;
	[sflag:s5] =	ssyncadd.s32 $0xFFFFC000;
	s30 =	sshrl.u32 s18, $0x2  }
0x27: {  	s31 =	sshrl.u32 s19, $0x2;
	s19 =	simm.s32 $0x0;
	s17 =	sshrl.u32 s17, $0x2  }
0x28: {  	s16 =	sor.u32 $0x8000, s30;
	s18 =	sadd.s32 $0x20, s31;
	s17 =	sor.u32 $0x8000, s17  }
.LBB1_3:
0x29: {  	s20 =	sshll.u32 s19, $0xD  }
0x2a: {  	s20 =	sand.u32 $0x3FFFE000, s20  }
0x2b: {  	s22 =	sadd.s32 s20, s18  }
0x2c: {  	s31 =	smul.u32 $0x8100, s19;
	v3 =	vld [tilespmem:s22+$0x10]  }
0x2d: {  	v1 =	vld [tilespmem:s22+$0xFFFFFFF0]  }
0x2e: {  	s19 =	sshra.s32 s31, $0x2;
	v0 =	vld [tilespmem:s22+$0x0]  }
0x2f: {  	s19 =	sadd.s32 s19, s17;
	v2 =	vld [tilespmem:s22+$0xFFFFFFE0]  }
0x30: {  	s20 =	sadd.s32 $0x0, s19  }
0x31: {  	p1 =	por p2, p2;
	s21 =	simm.s32 $0x4;
	s22 =	sadd.s32 $0x40, s22;
	[tilespmem:s20+$0x1830 ss:$0x81] =	vst.msk $0xffff, v3  }
.LBB1_4:
0x32: {  	v3 =	vld [tilespmem:s22+$0x10];
	p2 =	sne.s32 s21, $0x1FC;
	[tilespmem:s20+$0x810 ss:$0x81] =	vst.msk $0xffff, v1;
	s23 =	smov.u32 s21;
	s21 =	sadd.s32 $0x4, s21  }
.Ltmp3:
0x33: {  	v1 =	vld [tilespmem:s22+$0xFFFFFFF0];
	[tilespmem:s20+$0x1020 ss:$0x81] =	vst.msk $0xffff, v0;
	(pc) =	sbr.rel @p2 .LBB1_4-.Ltmp3, $4  }
0x34: {  	v0 =	vld [tilespmem:s22+$0x0];
	[tilespmem:s20+$0x0 ss:$0x81] =	vst.msk $0xffff, v2  }
0x35: {  	s20 =	sshra.s32 s23, $0x2;
	v2 =	vld [tilespmem:s22+$0xFFFFFFE0]  }
0x36: {  	s20 =	sadd.s32 s20, s19  }
0x37: {  	s22 =	sadd.s32 $0x40, s22;
	[tilespmem:s20+$0x1830 ss:$0x81] =	vst.msk $0xffff, v3  }
.Ltmp4:
0x38: {  	(pc) =	sbr.rel @p1 .LBB1_3-.Ltmp4, $4  }
0x39: {  	_ = 	snop  }
0x3a: {  	[tilespmem:s20+$0x810 ss:$0x81] =	vst.msk $0xffff, v1  }
0x3b: {  	[tilespmem:s20+$0x1020 ss:$0x81] =	vst.msk $0xffff, v0  }
0x3c: {  	s19 =	simm.s32 $0x1;
	p2 =	por $0x0, $0x0;
	[tilespmem:s20+$0x0 ss:$0x81] =	vst.msk $0xffff, v2  }
.Ltmp5:
0x3d: {  	(pc) =	sbr.rel .LBB1_7-.Ltmp5, $4  }
0x3e: {  	_ = 	snop  }
0x3f: {  	s15 =	sshll.u32 s15, $0xD;
	s14 =	sadd.s32 s2, s14  }
0x40: {  	s14 =	sadd.s32 s15, s14  }
0x41: {  	[hbm4b:s14+s10] =	stream.strided.scatter [tilespmem:s16], [sflag:$0x2], $0x4000, s11, s10, $0x20;
	[tilespmem:$0x10100] =	vst v63  }
.LBB1_8:
0x42: {  	_ =	sfence.sel $0x180000  }
0x43: {  	s2 =	simm.s32 $0x1;
	[bflag:$0x0] =	sbarrier.arrive $0xFFFF  }
0x44: {  	s31 =	simm.s32 $0x2;
	[sflag:s2] =	ssyncpa.u1 $0x1  }
0x45: {  	[sflag:s31] =	ssyncpa.u1 $0x1  }
0x46: {  	p0 =	sne.s32 s0, $0x0;
	_ =	strace $0x9000004A  }
0x47: {  	s0 =	sadd.s32 @!p0 $0x100000, s1;
	[bflag:$0x2] =	sbarrier.arrive $0xFFFF  }
0x48: {  	[sflag:s0] =	ssyncadd.tile.s32 @!p0 $0x1;
	_ =	shalt  }
.Lfunc_end1:
_tile_overlayer_lowered:
.L_overlay_start_2:
0x49: {  	(tag) =	ssettag $0x2  }
0x4a: {  	s0 =	rddreg [dreg:$0x0];
	s2 =	stileid.u32  }
0x4b: {  	s1 =	rddreg [dreg:$0x1];
	p0 =	sne.s32 s2, $0x0  }
0x4c: {  	s3 =	rddreg [dreg:$0x2];
	[bflag:$0x3] =	sbarrier.arrive $0xFFFF;
	s2 =	simm.s32 @!p0 $0x1C01  }
0x4d: {  	[timem:s3], [sflag:s2] =	dma.local @!p0 [hbm:s0], s1  }
0x4e: {  	s0 =	simm.s32 @!p0 $0x1  }
0x4f: {  	_ =	swait.ge @!p0 [sflag:s0], s1  }
0x50: {  	s1 =	ssub.s32 @!p0 $0x0, s1;
	[sflag:s0] =	ssyncset.done @!p0 $0x0  }
0x51: {  	[sflag:s0] =	ssyncadd.s32 @!p0 s1  }
0x52: {  	[bflag:$0x3] =	sbarrier.arrive $0xFFFF  }
0x53: {  	_ =	shalt  }

</sc_bundles>
